<compile_context>
chip_gen: v7x
topology: tpu7x:2x2x1
jax: 0.10.2.dev20260603
libtpu: 0.0.44.dev20260713+nightly
codegen_flags: <defaults>
</compile_context>

<pallas_src>
import functools

import jax
import jax.numpy as jnp
from jax import lax
from jax.experimental import pallas as pl
from jax.experimental.pallas import tpu as pltpu
from jax.experimental.pallas import tpu_sc as plsc

_NP = 10000
_NC = 40000
_NT = _NP + _NC
_E = 800000
_H = 64
_HH = 32
_CW = 8

_R = 50016
_TG = 392
_BLK = 7
_NBLK = _TG // _BLK
_EP = 16 * _TG * 128
_RPT = _R // 16



def _sc_mesh():
    return plsc.VectorSubcoreMesh(
        core_axis_name="c", subcore_axis_name="s", num_cores=2, num_subcores=16
    )


def _make_sc_segsum():
    out_type = jax.ShapeDtypeStruct((2, _R, _HH), jnp.float32)
    scratch = [
        pltpu.VMEM((_BLK, 128), jnp.int32),
        pltpu.VMEM((_BLK, 128), jnp.int32),
        pltpu.VMEM((_BLK, 128, _HH), jnp.float32),
        pltpu.VMEM_SHARED((_R, _HH), jnp.float32),
        pltpu.SemaphoreType.DMA,
        pltpu.SemaphoreType.DMA,
    ]

    def body(h_ref, srcb_ref, dstb_ref, z32_ref, acc_out,
             src_b, dst_b, rows_b, acc_sp, semg, sems):
        c = lax.axis_index("c")
        s = lax.axis_index("s")
        rb = s * _RPT

        pltpu.sync_copy(z32_ref, acc_sp.at[pl.ds(rb, _RPT)])
        plsc.subcore_barrier()

        gbase = s * _TG

        def blk_body(b, carry):
            g0 = gbase + b * _BLK
            pltpu.sync_copy(srcb_ref.at[pl.ds(g0, _BLK)], src_b)
            pltpu.sync_copy(dstb_ref.at[pl.ds(g0, _BLK)], dst_b)
            for gi in range(_BLK):
                for j in range(8):
                    v = src_b[gi, pl.ds(j * 16, 16)]
                    src_b[gi, pl.ds(j * 16, 16)] = v * 2 + c
            gs = [
                pltpu.async_copy(h_ref.at[src_b.at[gi]], rows_b.at[gi], semg)
                for gi in range(_BLK)
            ]
            for cp in gs:
                cp.wait()
            ss = [
                pltpu.async_copy(
                    rows_b.at[gi], acc_sp.at[dst_b.at[gi]], sems, add=True)
                for gi in range(_BLK)
            ]
            for cp in ss:
                cp.wait()
            return carry

        lax.fori_loop(0, _NBLK, blk_body, 0)
        plsc.subcore_barrier()

        pltpu.sync_copy(acc_sp.at[pl.ds(rb, _RPT)], acc_out.at[c, pl.ds(rb, _RPT)])

    return pl.kernel(
        body, out_type=out_type, mesh=_sc_mesh(), scratch_types=scratch,
        compiler_params=pltpu.CompilerParams(use_tc_tiling_on_sc=False),
    )


def _make_sc_counts():
    blk_e = _BLK * 128
    out_type = jax.ShapeDtypeStruct((2, _R, _CW), jnp.float32)
    scratch = [
        pltpu.VMEM((blk_e,), jnp.int32),
        pltpu.VMEM((blk_e, _CW), jnp.float32),
        pltpu.VMEM_SHARED((_R, _CW), jnp.float32),
    ]
    half_b = _NBLK // 2

    def body(dstb_ref, zc_ref, ones_hbm, cnt_out, dst_b, ones_b, cnt_sp):
        c = lax.axis_index("c")
        s = lax.axis_index("s")
        rb = s * _RPT

        pltpu.sync_copy(zc_ref, cnt_sp.at[pl.ds(rb, _RPT)])
        pltpu.sync_copy(ones_hbm, ones_b)
        plsc.subcore_barrier()

        bbase = s * _NBLK + c * half_b

        def blk_body(b, carry):
            pltpu.sync_copy(dstb_ref.at[bbase + b], dst_b)
            pltpu.sync_copy(ones_b, cnt_sp.at[dst_b], add=True)
            return carry

        lax.fori_loop(0, half_b, blk_body, 0)
        plsc.subcore_barrier()

        pltpu.sync_copy(cnt_sp.at[pl.ds(rb, _RPT)], cnt_out.at[c, pl.ds(rb, _RPT)])

    return pl.kernel(
        body, out_type=out_type, mesh=_sc_mesh(), scratch_types=scratch,
        compiler_params=pltpu.CompilerParams(use_tc_tiling_on_sc=False),
    )


_sc_segsum_plain = _make_sc_segsum()
_sc_counts = _make_sc_counts()



_BP = 1000


_NPB = _NP // _BP


def _proj_body(xp_ref, pidx_ref, xc_ref, sidx_ref, iidx_ref,
               ptab_ref, stab_ref, itab_ref,
               wp_ref, bp_ref, wc_ref, bc_ref, o_ref):
    pid = pl.program_id(0)

    @pl.when(pid < _NPB)
    def _():
        idx = pidx_ref[0, 0, :]
        oh = (idx[:, None] == lax.broadcasted_iota(jnp.int32, (_BP, 50), 1)
              ).astype(jnp.float32)
        emb = jnp.dot(oh, ptab_ref[...], preferred_element_type=jnp.float32)
        feat = jnp.concatenate([xp_ref[...], emb], axis=1)
        h = (jnp.dot(feat, wp_ref[...], preferred_element_type=jnp.float32)
             + bp_ref[...])
        o_ref[...] = jnp.maximum(h, 0.0)

    @pl.when(pid >= _NPB)
    def _():
        sidx = sidx_ref[0, 0, :]
        iidx = iidx_ref[0, 0, :]
        soh = (sidx[:, None] == lax.broadcasted_iota(jnp.int32, (_BP, 12), 1)
               ).astype(jnp.float32)
        ioh = (iidx[:, None] == lax.broadcasted_iota(jnp.int32, (_BP, 150), 1)
               ).astype(jnp.float32)
        semb = jnp.dot(soh, stab_ref[...], preferred_element_type=jnp.float32)
        iemb = jnp.dot(ioh, itab_ref[...], preferred_element_type=jnp.float32)
        feat = jnp.concatenate([xc_ref[...], semb, iemb], axis=1)
        h = (jnp.dot(feat, wc_ref[...], preferred_element_type=jnp.float32)
             + bc_ref[...])
        o_ref[...] = jnp.maximum(h, 0.0)


def _proj(xp, pidx3, xc, sidx3, iidx3, ptab, stab, itab, wp_t, bp2, wc_t, bc2):
    pmap = lambda i: (jnp.minimum(i, _NPB - 1), 0)
    pmap3 = lambda i: (jnp.minimum(i, _NPB - 1), 0, 0)
    cmap = lambda i: (jnp.maximum(i - _NPB, 0), 0)
    cmap3 = lambda i: (jnp.maximum(i - _NPB, 0), 0, 0)
    full = lambda i: (0, 0)
    return pl.pallas_call(
        _proj_body,
        grid=(_NT // _BP,),
        in_specs=[
            pl.BlockSpec((_BP, 56), pmap),
            pl.BlockSpec((1, 1, _BP), pmap3),
            pl.BlockSpec((_BP, 48), cmap),
            pl.BlockSpec((1, 1, _BP), cmap3),
            pl.BlockSpec((1, 1, _BP), cmap3),
            pl.BlockSpec((50, 8), full),
            pl.BlockSpec((12, 8), full),
            pl.BlockSpec((150, 8), full),
            pl.BlockSpec((_H, _H), full),
            pl.BlockSpec((1, _H), full),
            pl.BlockSpec((_H, _H), full),
            pl.BlockSpec((1, _H), full),
        ],
        out_specs=pl.BlockSpec((_BP, _H), lambda i: (i, 0)),
        out_shape=jax.ShapeDtypeStruct((_NT, _H), jnp.float32),
    )(xp, pidx3, xc, sidx3, iidx3, ptab, stab, itab, wp_t, bp2, wc_t, bc2)



def _layer_body(acc_ref, cnt_ref, h_ref, wl_ref, b_ref, wr_ref, o_ref, *,
                relu):
    cnt = cnt_ref[0] + cnt_ref[1]
    inv = 1.0 / jnp.maximum(cnt[:, :1], 1.0)
    mean = jnp.concatenate([acc_ref[0], acc_ref[1]], axis=1) * inv
    y = (jnp.dot(mean, wl_ref[...], preferred_element_type=jnp.float32)
         + b_ref[...]
         + jnp.dot(h_ref[...], wr_ref[...], preferred_element_type=jnp.float32))
    if relu:
        y = jnp.maximum(y, 0.0)
    o_ref[...] = y


def _layer(acc, cnt, h, wl_t, b2, wr_t, relu):
    grid = _NT // _BP
    return pl.pallas_call(
        functools.partial(_layer_body, relu=relu),
        grid=(grid,),
        in_specs=[
            pl.BlockSpec((2, _BP, _HH), lambda i: (0, i, 0)),
            pl.BlockSpec((2, _BP, _CW), lambda i: (0, i, 0)),
            pl.BlockSpec((_BP, _H), lambda i: (i, 0)),
            pl.BlockSpec((_H, _H), lambda i: (0, 0)),
            pl.BlockSpec((1, _H), lambda i: (0, 0)),
            pl.BlockSpec((_H, _H), lambda i: (0, 0)),
        ],
        out_specs=pl.BlockSpec((_BP, _H), lambda i: (i, 0)),
        out_shape=jax.ShapeDtypeStruct((_NT, _H), jnp.float32),
    )(acc, cnt, h, wl_t, b2, wr_t)



def kernel(x_pol_dyn, pol_state_idx, x_comp_dyn, comp_sector_idx, comp_ind_idx,
           edge_index, state_emb_table, sector_emb_table, ind_emb_table,
           W_pol, b_pol, W_comp, b_comp, W1_l, b1, W1_r, W2_l, b2, W2_r):
    f32 = jnp.float32
    i32 = jnp.int32

    pol_idx3 = pol_state_idx.astype(i32).reshape(_NP // _BP, 1, _BP)
    sec_idx3 = comp_sector_idx.astype(i32).reshape(_NC // _BP, 1, _BP)
    ind_idx3 = comp_ind_idx.astype(i32).reshape(_NC // _BP, 1, _BP)

    h = _proj(x_pol_dyn.astype(f32), pol_idx3, x_comp_dyn.astype(f32),
              sec_idx3, ind_idx3, state_emb_table, sector_emb_table,
              ind_emb_table, W_pol.T.astype(f32), b_pol.reshape(1, _H),
              W_comp.T.astype(f32), b_comp.reshape(1, _H))

    src = edge_index[0].astype(i32)
    dst = edge_index[1].astype(i32)
    pad = _EP - _E
    srcp = jnp.concatenate([src, jnp.zeros((pad,), i32)])
    dstp = jnp.concatenate([dst, jnp.full((pad,), _NT, i32)])
    src2 = srcp.reshape(-1, 128)
    dst2 = dstp.reshape(-1, 128)
    dstc = dstp.reshape(-1, _BLK * 128)

    z32 = jnp.zeros((_RPT, _HH), f32)
    zc = jnp.zeros((_RPT, _CW), f32)
    ones = jnp.ones((_BLK * 128, _CW), f32)

    cnt = _sc_counts(dstc, zc, ones)
    acc1 = _sc_segsum_plain(h.reshape(-1, _HH), src2, dst2, z32)
    h1 = _layer(acc1, cnt, h, W1_l.T.astype(f32), b1.reshape(1, _H),
                W1_r.T.astype(f32), relu=True)

    acc2 = _sc_segsum_plain(h1.reshape(-1, _HH), src2, dst2, z32)
    h2 = _layer(acc2, cnt, h1, W2_l.T.astype(f32), b2.reshape(1, _H),
                W2_r.T.astype(f32), relu=False)

    return (h2[:_NP], h2[_NP:])

# --- scband reference (transcript-rebuilt; emitter-appended) ---
"""Pipeline reference for scband-bipartite-sageextended-33603824124606 (READ-ONLY COPY).

The authoritative reference and input builder live on the scoring server;
editing this copy changes nothing except your own understanding.
"""

import jax, jax.numpy as jnp
import numpy as np

NUM_POLS = 10000
NUM_COMPS = 40000
N_TOTAL = NUM_POLS + NUM_COMPS
N_EDGES = 800000
HID = 64
POL_IN = 56
COMP_IN = 48
STATE_EMB = 8
SECTOR_EMB = 8
IND_EMB = 8


def setup_inputs(seed: int = 0) -> dict:
    key = jax.random.key(seed)
    ks = jax.random.split(key, 24)
    inp = {}
    inp['x_pol_dyn'] = jax.random.normal(ks[0], (NUM_POLS, POL_IN), dtype=jnp.float32)
    inp['pol_state_idx'] = jax.random.randint(ks[1], (NUM_POLS,), 0, 50)
    inp['x_comp_dyn'] = jax.random.normal(ks[2], (NUM_COMPS, COMP_IN), dtype=jnp.float32)
    inp['comp_sector_idx'] = jax.random.randint(ks[3], (NUM_COMPS,), 0, 12)
    inp['comp_ind_idx'] = jax.random.randint(ks[4], (NUM_COMPS,), 0, 150)
    inp['edge_index'] = jax.random.randint(ks[5], (2, N_EDGES), 0, N_TOTAL)
    # learned parameters
    inp['state_emb_table'] = 0.05 * jax.random.normal(ks[6], (50, STATE_EMB), dtype=jnp.float32)
    inp['sector_emb_table'] = 0.05 * jax.random.normal(ks[7], (12, SECTOR_EMB), dtype=jnp.float32)
    inp['ind_emb_table'] = 0.05 * jax.random.normal(ks[8], (150, IND_EMB), dtype=jnp.float32)
    inp['W_pol'] = 0.05 * jax.random.normal(ks[9], (HID, POL_IN + STATE_EMB), dtype=jnp.float32)
    inp['b_pol'] = jnp.zeros((HID,), dtype=jnp.float32)
    inp['W_comp'] = 0.05 * jax.random.normal(ks[10], (HID, COMP_IN + SECTOR_EMB + IND_EMB), dtype=jnp.float32)
    inp['b_comp'] = jnp.zeros((HID,), dtype=jnp.float32)
    inp['W1_l'] = 0.05 * jax.random.normal(ks[11], (HID, HID), dtype=jnp.float32)
    inp['b1'] = jnp.zeros((HID,), dtype=jnp.float32)
    inp['W1_r'] = 0.05 * jax.random.normal(ks[12], (HID, HID), dtype=jnp.float32)
    inp['W2_l'] = 0.05 * jax.random.normal(ks[13], (HID, HID), dtype=jnp.float32)
    inp['b2'] = jnp.zeros((HID,), dtype=jnp.float32)
    inp['W2_r'] = 0.05 * jax.random.normal(ks[14], (HID, HID), dtype=jnp.float32)
    return inp


def sage_conv(x, src, dst, W_l, b_l, W_r):
    # PyG SAGEConv (aggr='mean', root_weight=True): out = lin_l(mean_j x_j) + lin_r(x_i)
    msgs = x[src]  # gather  [E, d]
    summed = jax.ops.segment_sum(msgs, dst, num_segments=x.shape[0])
    counts = jax.ops.segment_sum(jnp.ones((src.shape[0],), dtype=x.dtype), dst, num_segments=x.shape[0])
    mean = summed / jnp.maximum(counts, 1.0)[:, None]
    return mean @ W_l.T + b_l + x @ W_r.T


def reference(x_pol_dyn, pol_state_idx, x_comp_dyn, comp_sector_idx, comp_ind_idx, edge_index,
              state_emb_table, sector_emb_table, ind_emb_table,
              W_pol, b_pol, W_comp, b_comp,
              W1_l, b1, W1_r, W2_l, b2, W2_r):
    state_embeds = jnp.take(state_emb_table, pol_state_idx, axis=0)
    sector_embeds = jnp.take(sector_emb_table, comp_sector_idx, axis=0)
    ind_embeds = jnp.take(ind_emb_table, comp_ind_idx, axis=0)
    pol_features = jnp.concatenate([x_pol_dyn, state_embeds], axis=-1)
    comp_features = jnp.concatenate([x_comp_dyn, sector_embeds, ind_embeds], axis=-1)
    h_pol = jax.nn.relu(pol_features @ W_pol.T + b_pol)
    h_comp = jax.nn.relu(comp_features @ W_comp.T + b_comp)
    # dropout is identity in eval mode
    h_total = jnp.concatenate([h_pol, h_comp], axis=0)
    src, dst = edge_index[0], edge_index[1]
    h_out = jax.nn.relu(sage_conv(h_total, src, dst, W1_l, b1, W1_r))
    h_out = sage_conv(h_out, src, dst, W2_l, b2, W2_r)
    h_pol_out = h_out[:NUM_POLS]
    h_comp_out = h_out[NUM_POLS:]
    return (h_pol_out, h_comp_out)

if __name__ == "__main__":
    import jax
    _d = setup_inputs()
    print(jax.jit(kernel)(*tuple(_d.values())))

</pallas_src>

<mosaic_0001>
#map = affine_map<(d0, d1) -> (0, 0)>
#map1 = affine_map<(d0, d1) -> (0, 0, 0)>
module attributes {stable_mosaic.version = 14 : i64} {
  func.func @body(%arg0: i32, %arg1: i32, %arg2: memref<100000x32xf32, #tpu.memory_space<hbm>>, %arg3: memref<6272x128xi32, #tpu.memory_space<hbm>>, %arg4: memref<6272x128xi32, #tpu.memory_space<hbm>>, %arg5: memref<3126x32xf32, #tpu.memory_space<hbm>>, %arg6: memref<2x50016x32xf32, #tpu.memory_space<hbm>>, %arg7: memref<7x128xi32, #tpu.memory_space<vmem>>, %arg8: memref<7x128xi32, #tpu.memory_space<vmem>>, %arg9: memref<7x128x32xf32, #tpu.memory_space<vmem>>, %arg10: memref<50016x32xf32, #tpu.memory_space<vmem_shared>>, %arg11: memref<!tpu.dma_semaphore, #tpu.memory_space<semaphore_mem>>, %arg12: memref<!tpu.dma_semaphore, #tpu.memory_space<semaphore_mem>>) attributes {dimension_semantics = [#tpu.dimension_semantics<core_parallel>, #tpu.dimension_semantics<subcore_parallel>], iteration_bounds = array<i64: 2, 16>, scalar_prefetch = 0 : i64, scratch_operands = 6 : i64, tpu.core_type = #tpu.core_type<sc_vector_subcore>, window_params = [{transform_indices = #map}, {transform_indices = #map}, {transform_indices = #map}, {transform_indices = #map}, {transform_indices = #map1}]} {
    %mul3A = arith.constant 3126 : i32
    %mul3A_0 = arith.muli %arg1, %mul3A : i32
    "tpu.region"() ({
      %run_scoped3A = tpu.sem_alloc : memref<!tpu.dma_semaphore, #tpu.memory_space<semaphore_mem>>
      %dma_start3A = arith.constant 0 : i32
      %dma_start3A_9 = tpu.memref_slice %arg10[%mul3A_0, %dma_start3A] : memref<50016x32xf32, #tpu.memory_space<vmem_shared>> -> memref<3126x32xf32, #tpu.memory_space<vmem_shared>>
      tpu.enqueue_dma source(%arg5 : memref<3126x32xf32, #tpu.memory_space<hbm>>) target(%dma_start3A_9 : memref<3126x32xf32, #tpu.memory_space<vmem_shared>>) target_semaphore(%run_scoped3A : memref<!tpu.dma_semaphore, #tpu.memory_space<semaphore_mem>>)
      %dma_wait3A = arith.constant 0 : i32
      %dma_wait3A_10 = tpu.memref_slice %arg10[%mul3A_0, %dma_wait3A] : memref<50016x32xf32, #tpu.memory_space<vmem_shared>> -> memref<3126x32xf32, #tpu.memory_space<vmem_shared>>
      tpu.wait_dma2 semaphore(%run_scoped3A : memref<!tpu.dma_semaphore, #tpu.memory_space<semaphore_mem>>) src(%arg5 : memref<3126x32xf32, #tpu.memory_space<hbm>>) dst(%dma_wait3A_10 : memref<3126x32xf32, #tpu.memory_space<vmem_shared>>)
      tpu.yield
    }) : () -> ()
    %barrier3A = arith.constant 0 : index
    tpu.barrier barrier_id(%barrier3A)
    %mul3A_1 = arith.constant 392 : i32
    %mul3A_2 = arith.muli %arg1, %mul3A_1 : i32
    %scan3A = arith.constant 0 : i32
    %scan3A_3 = arith.constant 0 : i32
    %scan3A_4 = arith.constant 56 : i32
    %scan3A_5 = arith.addi %scan3A_3, %scan3A_4 : i32
    %scan3A_6 = arith.constant 1 : i32
    scf.for %scan3A_9 = %scan3A_3 to %scan3A_5 step %scan3A_6  : i32 {
      %mul3A_10 = arith.constant 7 : i32
      %mul3A_11 = arith.muli %scan3A_9, %mul3A_10 : i32
      %add3A = arith.addi %mul3A_2, %mul3A_11 : i32
      "tpu.region"() ({
        %run_scoped3A = tpu.sem_alloc : memref<!tpu.dma_semaphore, #tpu.memory_space<semaphore_mem>>
        %dma_start3A_1240 = arith.constant 0 : i32
        %dma_start3A_1241 = tpu.memref_slice %arg3[%add3A, %dma_start3A_1240] : memref<6272x128xi32, #tpu.memory_space<hbm>> -> memref<7x128xi32, #tpu.memory_space<hbm>>
        %dma_start3A_1242 = arith.constant 0 : i32
        %dma_start3A_1243 = tpu.memref_slice %arg3[%add3A, %dma_start3A_1242] : memref<6272x128xi32, #tpu.memory_space<hbm>> -> memref<7x128xi32, #tpu.memory_space<hbm>>
        tpu.enqueue_dma source(%dma_start3A_1243 : memref<7x128xi32, #tpu.memory_space<hbm>>) target(%arg7 : memref<7x128xi32, #tpu.memory_space<vmem>>) target_semaphore(%run_scoped3A : memref<!tpu.dma_semaphore, #tpu.memory_space<semaphore_mem>>)
        %dma_wait3A_1244 = arith.constant 0 : i32
        %dma_wait3A_1245 = tpu.memref_slice %arg3[%add3A, %dma_wait3A_1244] : memref<6272x128xi32, #tpu.memory_space<hbm>> -> memref<7x128xi32, #tpu.memory_space<hbm>>
        %dma_wait3A_1246 = arith.constant 0 : i32
        %dma_wait3A_1247 = tpu.memref_slice %arg3[%add3A, %dma_wait3A_1246] : memref<6272x128xi32, #tpu.memory_space<hbm>> -> memref<7x128xi32, #tpu.memory_space<hbm>>
        tpu.wait_dma2 semaphore(%run_scoped3A : memref<!tpu.dma_semaphore, #tpu.memory_space<semaphore_mem>>) src(%dma_wait3A_1247 : memref<7x128xi32, #tpu.memory_space<hbm>>) dst(%arg7 : memref<7x128xi32, #tpu.memory_space<vmem>>)
        tpu.yield
      }) : () -> ()
      "tpu.region"() ({
        %run_scoped3A = tpu.sem_alloc : memref<!tpu.dma_semaphore, #tpu.memory_space<semaphore_mem>>
        %dma_start3A_1240 = arith.constant 0 : i32
        %dma_start3A_1241 = tpu.memref_slice %arg4[%add3A, %dma_start3A_1240] : memref<6272x128xi32, #tpu.memory_space<hbm>> -> memref<7x128xi32, #tpu.memory_space<hbm>>
        %dma_start3A_1242 = arith.constant 0 : i32
        %dma_start3A_1243 = tpu.memref_slice %arg4[%add3A, %dma_start3A_1242] : memref<6272x128xi32, #tpu.memory_space<hbm>> -> memref<7x128xi32, #tpu.memory_space<hbm>>
        tpu.enqueue_dma source(%dma_start3A_1243 : memref<7x128xi32, #tpu.memory_space<hbm>>) target(%arg8 : memref<7x128xi32, #tpu.memory_space<vmem>>) target_semaphore(%run_scoped3A : memref<!tpu.dma_semaphore, #tpu.memory_space<semaphore_mem>>)
        %dma_wait3A_1244 = arith.constant 0 : i32
        %dma_wait3A_1245 = tpu.memref_slice %arg4[%add3A, %dma_wait3A_1244] : memref<6272x128xi32, #tpu.memory_space<hbm>> -> memref<7x128xi32, #tpu.memory_space<hbm>>
        %dma_wait3A_1246 = arith.constant 0 : i32
        %dma_wait3A_1247 = tpu.memref_slice %arg4[%add3A, %dma_wait3A_1246] : memref<6272x128xi32, #tpu.memory_space<hbm>> -> memref<7x128xi32, #tpu.memory_space<hbm>>
        tpu.wait_dma2 semaphore(%run_scoped3A : memref<!tpu.dma_semaphore, #tpu.memory_space<semaphore_mem>>) src(%dma_wait3A_1247 : memref<7x128xi32, #tpu.memory_space<hbm>>) dst(%arg8 : memref<7x128xi32, #tpu.memory_space<vmem>>)
        tpu.yield
      }) : () -> ()
      %get3A = arith.constant 0 : i32
      %get3A_12 = arith.index_cast %get3A : i32 to index
      %get3A_13 = arith.constant 0 : index
      %get3A_14 = tpu.vector_load %arg7[%get3A_12, %get3A_13] {strides = array<i32>} : memref<7x128xi32, #tpu.memory_space<vmem>>, vector<1x16xi32>,
      %get3A_15 = vector.shape_cast %get3A_14 : vector<1x16xi32> to vector<16xi32>
      %mul3A_16 = arith.constant 2 : i32
      %mul3A_17 = vector.broadcast %mul3A_16 : i32 to vector<16xi32>
      %mul3A_18 = arith.muli %get3A_15, %mul3A_17 : vector<16xi32>
      %add3A_19 = vector.broadcast %arg0 : i32 to vector<16xi32>
      %add3A_20 = arith.addi %mul3A_18, %add3A_19 : vector<16xi32>
      %swap3A = arith.constant 0 : i32
      %swap3A_21 = arith.index_cast %swap3A : i32 to index
      %swap3A_22 = arith.constant 0 : index
      %swap3A_23 = tpu.vector_load %arg7[%swap3A_21, %swap3A_22] {strides = array<i32>} : memref<7x128xi32, #tpu.memory_space<vmem>>, vector<1x16xi32>,
      %swap3A_24 = vector.shape_cast %swap3A_23 : vector<1x16xi32> to vector<16xi32>
      %swap3A_25 = vector.shape_cast %add3A_20 : vector<16xi32> to vector<1x16xi32>
      tpu.vector_store %arg7[%swap3A_21, %swap3A_22], %swap3A_25 {strides = array<i32>} : memref<7x128xi32, #tpu.memory_space<vmem>>, vector<1x16xi32>,
      %get3A_26 = arith.constant 0 : i32
      %get3A_27 = arith.index_cast %get3A_26 : i32 to index
      %get3A_28 = arith.constant 16 : index
      %get3A_29 = tpu.vector_load %arg7[%get3A_27, %get3A_28] {strides = array<i32>} : memref<7x128xi32, #tpu.memory_space<vmem>>, vector<1x16xi32>,
      %get3A_30 = vector.shape_cast %get3A_29 : vector<1x16xi32> to vector<16xi32>
      %mul3A_31 = arith.constant 2 : i32
      %mul3A_32 = vector.broadcast %mul3A_31 : i32 to vector<16xi32>
      %mul3A_33 = arith.muli %get3A_30, %mul3A_32 : vector<16xi32>
      %add3A_34 = vector.broadcast %arg0 : i32 to vector<16xi32>
      %add3A_35 = arith.addi %mul3A_33, %add3A_34 : vector<16xi32>
      %swap3A_36 = arith.constant 0 : i32
      %swap3A_37 = arith.index_cast %swap3A_36 : i32 to index
      %swap3A_38 = arith.constant 16 : index
      %swap3A_39 = tpu.vector_load %arg7[%swap3A_37, %swap3A_38] {strides = array<i32>} : memref<7x128xi32, #tpu.memory_space<vmem>>, vector<1x16xi32>,
      %swap3A_40 = vector.shape_cast %swap3A_39 : vector<1x16xi32> to vector<16xi32>
      %swap3A_41 = vector.shape_cast %add3A_35 : vector<16xi32> to vector<1x16xi32>
      tpu.vector_store %arg7[%swap3A_37, %swap3A_38], %swap3A_41 {strides = array<i32>} : memref<7x128xi32, #tpu.memory_space<vmem>>, vector<1x16xi32>,
      %get3A_42 = arith.constant 0 : i32
      %get3A_43 = arith.index_cast %get3A_42 : i32 to index
      %get3A_44 = arith.constant 32 : index
      %get3A_45 = tpu.vector_load %arg7[%get3A_43, %get3A_44] {strides = array<i32>} : memref<7x128xi32, #tpu.memory_space<vmem>>, vector<1x16xi32>,
      %get3A_46 = vector.shape_cast %get3A_45 : vector<1x16xi32> to vector<16xi32>
      %mul3A_47 = arith.constant 2 : i32
      %mul3A_48 = vector.broadcast %mul3A_47 : i32 to vector<16xi32>
      %mul3A_49 = arith.muli %get3A_46, %mul3A_48 : vector<16xi32>
      %add3A_50 = vector.broadcast %arg0 : i32 to vector<16xi32>
      %add3A_51 = arith.addi %mul3A_49, %add3A_50 : vector<16xi32>
      %swap3A_52 = arith.constant 0 : i32
      %swap3A_53 = arith.index_cast %swap3A_52 : i32 to index
      %swap3A_54 = arith.constant 32 : index
      %swap3A_55 = tpu.vector_load %arg7[%swap3A_53, %swap3A_54] {strides = array<i32>} : memref<7x128xi32, #tpu.memory_space<vmem>>, vector<1x16xi32>,
      %swap3A_56 = vector.shape_cast %swap3A_55 : vector<1x16xi32> to vector<16xi32>
      %swap3A_57 = vector.shape_cast %add3A_51 : vector<16xi32> to vector<1x16xi32>
      tpu.vector_store %arg7[%swap3A_53, %swap3A_54], %swap3A_57 {strides = array<i32>} : memref<7x128xi32, #tpu.memory_space<vmem>>, vector<1x16xi32>,
      %get3A_58 = arith.constant 0 : i32
      %get3A_59 = arith.index_cast %get3A_58 : i32 to index
      %get3A_60 = arith.constant 48 : index
      %get3A_61 = tpu.vector_load %arg7[%get3A_59, %get3A_60] {strides = array<i32>} : memref<7x128xi32, #tpu.memory_space<vmem>>, vector<1x16xi32>,
      %get3A_62 = vector.shape_cast %get3A_61 : vector<1x16xi32> to vector<16xi32>
      %mul3A_63 = arith.constant 2 : i32
      %mul3A_64 = vector.broadcast %mul3A_63 : i32 to vector<16xi32>
      %mul3A_65 = arith.muli %get3A_62, %mul3A_64 : vector<16xi32>
      %add3A_66 = vector.broadcast %arg0 : i32 to vector<16xi32>
      %add3A_67 = arith.addi %mul3A_65, %add3A_66 : vector<16xi32>
      %swap3A_68 = arith.constant 0 : i32
      %swap3A_69 = arith.index_cast %swap3A_68 : i32 to index
      %swap3A_70 = arith.constant 48 : index
      %swap3A_71 = tpu.vector_load %arg7[%swap3A_69, %swap3A_70] {strides = array<i32>} : memref<7x128xi32, #tpu.memory_space<vmem>>, vector<1x16xi32>,
      %swap3A_72 = vector.shape_cast %swap3A_71 : vector<1x16xi32> to vector<16xi32>
      %swap3A_73 = vector.shape_cast %add3A_67 : vector<16xi32> to vector<1x16xi32>
      tpu.vector_store %arg7[%swap3A_69, %swap3A_70], %swap3A_73 {strides = array<i32>} : memref<7x128xi32, #tpu.memory_space<vmem>>, vector<1x16xi32>,
      %get3A_74 = arith.constant 0 : i32
      %get3A_75 = arith.index_cast %get3A_74 : i32 to index
      %get3A_76 = arith.constant 64 : index
      %get3A_77 = tpu.vector_load %arg7[%get3A_75, %get3A_76] {strides = array<i32>} : memref<7x128xi32, #tpu.memory_space<vmem>>, vector<1x16xi32>,
      %get3A_78 = vector.shape_cast %get3A_77 : vector<1x16xi32> to vector<16xi32>
      %mul3A_79 = arith.constant 2 : i32
      %mul3A_80 = vector.broadcast %mul3A_79 : i32 to vector<16xi32>
      %mul3A_81 = arith.muli %get3A_78, %mul3A_80 : vector<16xi32>
      %add3A_82 = vector.broadcast %arg0 : i32 to vector<16xi32>
      %add3A_83 = arith.addi %mul3A_81, %add3A_82 : vector<16xi32>
      %swap3A_84 = arith.constant 0 : i32
      %swap3A_85 = arith.index_cast %swap3A_84 : i32 to index
      %swap3A_86 = arith.constant 64 : index
      %swap3A_87 = tpu.vector_load %arg7[%swap3A_85, %swap3A_86] {strides = array<i32>} : memref<7x128xi32, #tpu.memory_space<vmem>>, vector<1x16xi32>,
      %swap3A_88 = vector.shape_cast %swap3A_87 : vector<1x16xi32> to vector<16xi32>
      %swap3A_89 = vector.shape_cast %add3A_83 : vector<16xi32> to vector<1x16xi32>
      tpu.vector_store %arg7[%swap3A_85, %swap3A_86], %swap3A_89 {strides = array<i32>} : memref<7x128xi32, #tpu.memory_space<vmem>>, vector<1x16xi32>,
      %get3A_90 = arith.constant 0 : i32
      %get3A_91 = arith.index_cast %get3A_90 : i32 to index
      %get3A_92 = arith.constant 80 : index
      %get3A_93 = tpu.vector_load %arg7[%get3A_91, %get3A_92] {strides = array<i32>} : memref<7x128xi32, #tpu.memory_space<vmem>>, vector<1x16xi32>,
      %get3A_94 = vector.shape_cast %get3A_93 : vector<1x16xi32> to vector<16xi32>
      %mul3A_95 = arith.constant 2 : i32
      %mul3A_96 = vector.broadcast %mul3A_95 : i32 to vector<16xi32>
      %mul3A_97 = arith.muli %get3A_94, %mul3A_96 : vector<16xi32>
      %add3A_98 = vector.broadcast %arg0 : i32 to vector<16xi32>
      %add3A_99 = arith.addi %mul3A_97, %add3A_98 : vector<16xi32>
      %swap3A_100 = arith.constant 0 : i32
      %swap3A_101 = arith.index_cast %swap3A_100 : i32 to index
      %swap3A_102 = arith.constant 80 : index
      %swap3A_103 = tpu.vector_load %arg7[%swap3A_101, %swap3A_102] {strides = array<i32>} : memref<7x128xi32, #tpu.memory_space<vmem>>, vector<1x16xi32>,
      %swap3A_104 = vector.shape_cast %swap3A_103 : vector<1x16xi32> to vector<16xi32>
      %swap3A_105 = vector.shape_cast %add3A_99 : vector<16xi32> to vector<1x16xi32>
      tpu.vector_store %arg7[%swap3A_101, %swap3A_102], %swap3A_105 {strides = array<i32>} : memref<7x128xi32, #tpu.memory_space<vmem>>, vector<1x16xi32>,
      %get3A_106 = arith.constant 0 : i32
      %get3A_107 = arith.index_cast %get3A_106 : i32 to index
      %get3A_108 = arith.constant 96 : index
      %get3A_109 = tpu.vector_load %arg7[%get3A_107, %get3A_108] {strides = array<i32>} : memref<7x128xi32, #tpu.memory_space<vmem>>, vector<1x16xi32>,
      %get3A_110 = vector.shape_cast %get3A_109 : vector<1x16xi32> to vector<16xi32>
      %mul3A_111 = arith.constant 2 : i32
      %mul3A_112 = vector.broadcast %mul3A_111 : i32 to vector<16xi32>
      %mul3A_113 = arith.muli %get3A_110, %mul3A_112 : vector<16xi32>
      %add3A_114 = vector.broadcast %arg0 : i32 to vector<16xi32>
      %add3A_115 = arith.addi %mul3A_113, %add3A_114 : vector<16xi32>
      %swap3A_116 = arith.constant 0 : i32
      %swap3A_117 = arith.index_cast %swap3A_116 : i32 to index
      %swap3A_118 = arith.constant 96 : index
      %swap3A_119 = tpu.vector_load %arg7[%swap3A_117, %swap3A_118] {strides = array<i32>} : memref<7x128xi32, #tpu.memory_space<vmem>>, vector<1x16xi32>,
      %swap3A_120 = vector.shape_cast %swap3A_119 : vector<1x16xi32> to vector<16xi32>
      %swap3A_121 = vector.shape_cast %add3A_115 : vector<16xi32> to vector<1x16xi32>
      tpu.vector_store %arg7[%swap3A_117, %swap3A_118], %swap3A_121 {strides = array<i32>} : memref<7x128xi32, #tpu.memory_space<vmem>>, vector<1x16xi32>,
      %get3A_122 = arith.constant 0 : i32
      %get3A_123 = arith.index_cast %get3A_122 : i32 to index
      %get3A_124 = arith.constant 112 : index
      %get3A_125 = tpu.vector_load %arg7[%get3A_123, %get3A_124] {strides = array<i32>} : memref<7x128xi32, #tpu.memory_space<vmem>>, vector<1x16xi32>,
      %get3A_126 = vector.shape_cast %get3A_125 : vector<1x16xi32> to vector<16xi32>
      %mul3A_127 = arith.constant 2 : i32
      %mul3A_128 = vector.broadcast %mul3A_127 : i32 to vector<16xi32>
      %mul3A_129 = arith.muli %get3A_126, %mul3A_128 : vector<16xi32>
      %add3A_130 = vector.broadcast %arg0 : i32 to vector<16xi32>
      %add3A_131 = arith.addi %mul3A_129, %add3A_130 : vector<16xi32>
      %swap3A_132 = arith.constant 0 : i32
      %swap3A_133 = arith.index_cast %swap3A_132 : i32 to index
      %swap3A_134 = arith.constant 112 : index
      %swap3A_135 = tpu.vector_load %arg7[%swap3A_133, %swap3A_134] {strides = array<i32>} : memref<7x128xi32, #tpu.memory_space<vmem>>, vector<1x16xi32>,
      %swap3A_136 = vector.shape_cast %swap3A_135 : vector<1x16xi32> to vector<16xi32>
      %swap3A_137 = vector.shape_cast %add3A_131 : vector<16xi32> to vector<1x16xi32>
      tpu.vector_store %arg7[%swap3A_133, %swap3A_134], %swap3A_137 {strides = array<i32>} : memref<7x128xi32, #tpu.memory_space<vmem>>, vector<1x16xi32>,
      %get3A_138 = arith.constant 1 : i32
      %get3A_139 = arith.index_cast %get3A_138 : i32 to index
      %get3A_140 = arith.constant 0 : index
      %get3A_141 = tpu.vector_load %arg7[%get3A_139, %get3A_140] {strides = array<i32>} : memref<7x128xi32, #tpu.memory_space<vmem>>, vector<1x16xi32>,
      %get3A_142 = vector.shape_cast %get3A_141 : vector<1x16xi32> to vector<16xi32>
      %mul3A_143 = arith.constant 2 : i32
      %mul3A_144 = vector.broadcast %mul3A_143 : i32 to vector<16xi32>
      %mul3A_145 = arith.muli %get3A_142, %mul3A_144 : vector<16xi32>
      %add3A_146 = vector.broadcast %arg0 : i32 to vector<16xi32>
      %add3A_147 = arith.addi %mul3A_145, %add3A_146 : vector<16xi32>
      %swap3A_148 = arith.constant 1 : i32
      %swap3A_149 = arith.index_cast %swap3A_148 : i32 to index
      %swap3A_150 = arith.constant 0 : index
      %swap3A_151 = tpu.vector_load %arg7[%swap3A_149, %swap3A_150] {strides = array<i32>} : memref<7x128xi32, #tpu.memory_space<vmem>>, vector<1x16xi32>,
      %swap3A_152 = vector.shape_cast %swap3A_151 : vector<1x16xi32> to vector<16xi32>
      %swap3A_153 = vector.shape_cast %add3A_147 : vector<16xi32> to vector<1x16xi32>
      tpu.vector_store %arg7[%swap3A_149, %swap3A_150], %swap3A_153 {strides = array<i32>} : memref<7x128xi32, #tpu.memory_space<vmem>>, vector<1x16xi32>,
      %get3A_154 = arith.constant 1 : i32
      %get3A_155 = arith.index_cast %get3A_154 : i32 to index
      %get3A_156 = arith.constant 16 : index
      %get3A_157 = tpu.vector_load %arg7[%get3A_155, %get3A_156] {strides = array<i32>} : memref<7x128xi32, #tpu.memory_space<vmem>>, vector<1x16xi32>,
      %get3A_158 = vector.shape_cast %get3A_157 : vector<1x16xi32> to vector<16xi32>
      %mul3A_159 = arith.constant 2 : i32
      %mul3A_160 = vector.broadcast %mul3A_159 : i32 to vector<16xi32>
      %mul3A_161 = arith.muli %get3A_158, %mul3A_160 : vector<16xi32>
      %add3A_162 = vector.broadcast %arg0 : i32 to vector<16xi32>
      %add3A_163 = arith.addi %mul3A_161, %add3A_162 : vector<16xi32>
      %swap3A_164 = arith.constant 1 : i32
      %swap3A_165 = arith.index_cast %swap3A_164 : i32 to index
      %swap3A_166 = arith.constant 16 : index
      %swap3A_167 = tpu.vector_load %arg7[%swap3A_165, %swap3A_166] {strides = array<i32>} : memref<7x128xi32, #tpu.memory_space<vmem>>, vector<1x16xi32>,
      %swap3A_168 = vector.shape_cast %swap3A_167 : vector<1x16xi32> to vector<16xi32>
      %swap3A_169 = vector.shape_cast %add3A_163 : vector<16xi32> to vector<1x16xi32>
      tpu.vector_store %arg7[%swap3A_165, %swap3A_166], %swap3A_169 {strides = array<i32>} : memref<7x128xi32, #tpu.memory_space<vmem>>, vector<1x16xi32>,
      %get3A_170 = arith.constant 1 : i32
      %get3A_171 = arith.index_cast %get3A_170 : i32 to index
      %get3A_172 = arith.constant 32 : index
      %get3A_173 = tpu.vector_load %arg7[%get3A_171, %get3A_172] {strides = array<i32>} : memref<7x128xi32, #tpu.memory_space<vmem>>, vector<1x16xi32>,
      %get3A_174 = vector.shape_cast %get3A_173 : vector<1x16xi32> to vector<16xi32>
      %mul3A_175 = arith.constant 2 : i32
      %mul3A_176 = vector.broadcast %mul3A_175 : i32 to vector<16xi32>
      %mul3A_177 = arith.muli %get3A_174, %mul3A_176 : vector<16xi32>
      %add3A_178 = vector.broadcast %arg0 : i32 to vector<16xi32>
      %add3A_179 = arith.addi %mul3A_177, %add3A_178 : vector<16xi32>
      %swap3A_180 = arith.constant 1 : i32
      %swap3A_181 = arith.index_cast %swap3A_180 : i32 to index
      %swap3A_182 = arith.constant 32 : index
      %swap3A_183 = tpu.vector_load %arg7[%swap3A_181, %swap3A_182] {strides = array<i32>} : memref<7x128xi32, #tpu.memory_space<vmem>>, vector<1x16xi32>,
      %swap3A_184 = vector.shape_cast %swap3A_183 : vector<1x16xi32> to vector<16xi32>
      %swap3A_185 = vector.shape_cast %add3A_179 : vector<16xi32> to vector<1x16xi32>
      tpu.vector_store %arg7[%swap3A_181, %swap3A_182], %swap3A_185 {strides = array<i32>} : memref<7x128xi32, #tpu.memory_space<vmem>>, vector<1x16xi32>,
      %get3A_186 = arith.constant 1 : i32
      %get3A_187 = arith.index_cast %get3A_186 : i32 to index
      %get3A_188 = arith.constant 48 : index
      %get3A_189 = tpu.vector_load %arg7[%get3A_187, %get3A_188] {strides = array<i32>} : memref<7x128xi32, #tpu.memory_space<vmem>>, vector<1x16xi32>,
      %get3A_190 = vector.shape_cast %get3A_189 : vector<1x16xi32> to vector<16xi32>
      %mul3A_191 = arith.constant 2 : i32
      %mul3A_192 = vector.broadcast %mul3A_191 : i32 to vector<16xi32>
      %mul3A_193 = arith.muli %get3A_190, %mul3A_192 : vector<16xi32>
      %add3A_194 = vector.broadcast %arg0 : i32 to vector<16xi32>
      %add3A_195 = arith.addi %mul3A_193, %add3A_194 : vector<16xi32>
      %swap3A_196 = arith.constant 1 : i32
      %swap3A_197 = arith.index_cast %swap3A_196 : i32 to index
      %swap3A_198 = arith.constant 48 : index
      %swap3A_199 = tpu.vector_load %arg7[%swap3A_197, %swap3A_198] {strides = array<i32>} : memref<7x128xi32, #tpu.memory_space<vmem>>, vector<1x16xi32>,
      %swap3A_200 = vector.shape_cast %swap3A_199 : vector<1x16xi32> to vector<16xi32>
      %swap3A_201 = vector.shape_cast %add3A_195 : vector<16xi32> to vector<1x16xi32>
      tpu.vector_store %arg7[%swap3A_197, %swap3A_198], %swap3A_201 {strides = array<i32>} : memref<7x128xi32, #tpu.memory_space<vmem>>, vector<1x16xi32>,
      %get3A_202 = arith.constant 1 : i32
      %get3A_203 = arith.index_cast %get3A_202 : i32 to index
      %get3A_204 = arith.constant 64 : index
      %get3A_205 = tpu.vector_load %arg7[%get3A_203, %get3A_204] {strides = array<i32>} : memref<7x128xi32, #tpu.memory_space<vmem>>, vector<1x16xi32>,
      %get3A_206 = vector.shape_cast %get3A_205 : vector<1x16xi32> to vector<16xi32>
      %mul3A_207 = arith.constant 2 : i32
      %mul3A_208 = vector.broadcast %mul3A_207 : i32 to vector<16xi32>
      %mul3A_209 = arith.muli %get3A_206, %mul3A_208 : vector<16xi32>
      %add3A_210 = vector.broadcast %arg0 : i32 to vector<16xi32>
      %add3A_211 = arith.addi %mul3A_209, %add3A_210 : vector<16xi32>
      %swap3A_212 = arith.constant 1 : i32
      %swap3A_213 = arith.index_cast %swap3A_212 : i32 to index
      %swap3A_214 = arith.constant 64 : index
      %swap3A_215 = tpu.vector_load %arg7[%swap3A_213, %swap3A_214] {strides = array<i32>} : memref<7x128xi32, #tpu.memory_space<vmem>>, vector<1x16xi32>,
      %swap3A_216 = vector.shape_cast %swap3A_215 : vector<1x16xi32> to vector<16xi32>
      %swap3A_217 = vector.shape_cast %add3A_211 : vector<16xi32> to vector<1x16xi32>
      tpu.vector_store %arg7[%swap3A_213, %swap3A_214], %swap3A_217 {strides = array<i32>} : memref<7x128xi32, #tpu.memory_space<vmem>>, vector<1x16xi32>,
      %get3A_218 = arith.constant 1 : i32
      %get3A_219 = arith.index_cast %get3A_218 : i32 to index
      %get3A_220 = arith.constant 80 : index
      %get3A_221 = tpu.vector_load %arg7[%get3A_219, %get3A_220] {strides = array<i32>} : memref<7x128xi32, #tpu.memory_space<vmem>>, vector<1x16xi32>,
      %get3A_222 = vector.shape_cast %get3A_221 : vector<1x16xi32> to vector<16xi32>
      %mul3A_223 = arith.constant 2 : i32
      %mul3A_224 = vector.broadcast %mul3A_223 : i32 to vector<16xi32>
      %mul3A_225 = arith.muli %get3A_222, %mul3A_224 : vector<16xi32>
      %add3A_226 = vector.broadcast %arg0 : i32 to vector<16xi32>
      %add3A_227 = arith.addi %mul3A_225, %add3A_226 : vector<16xi32>
      %swap3A_228 = arith.constant 1 : i32
      %swap3A_229 = arith.index_cast %swap3A_228 : i32 to index
      %swap3A_230 = arith.constant 80 : index
      %swap3A_231 = tpu.vector_load %arg7[%swap3A_229, %swap3A_230] {strides = array<i32>} : memref<7x128xi32, #tpu.memory_space<vmem>>, vector<1x16xi32>,
      %swap3A_232 = vector.shape_cast %swap3A_231 : vector<1x16xi32> to vector<16xi32>
      %swap3A_233 = vector.shape_cast %add3A_227 : vector<16xi32> to vector<1x16xi32>
      tpu.vector_store %arg7[%swap3A_229, %swap3A_230], %swap3A_233 {strides = array<i32>} : memref<7x128xi32, #tpu.memory_space<vmem>>, vector<1x16xi32>,
      %get3A_234 = arith.constant 1 : i32
      %get3A_235 = arith.index_cast %get3A_234 : i32 to index
      %get3A_236 = arith.constant 96 : index
      %get3A_237 = tpu.vector_load %arg7[%get3A_235, %get3A_236] {strides = array<i32>} : memref<7x128xi32, #tpu.memory_space<vmem>>, vector<1x16xi32>,
      %get3A_238 = vector.shape_cast %get3A_237 : vector<1x16xi32> to vector<16xi32>
      %mul3A_239 = arith.constant 2 : i32
      %mul3A_240 = vector.broadcast %mul3A_239 : i32 to vector<16xi32>
      %mul3A_241 = arith.muli %get3A_238, %mul3A_240 : vector<16xi32>
      %add3A_242 = vector.broadcast %arg0 : i32 to vector<16xi32>
      %add3A_243 = arith.addi %mul3A_241, %add3A_242 : vector<16xi32>
      %swap3A_244 = arith.constant 1 : i32
      %swap3A_245 = arith.index_cast %swap3A_244 : i32 to index
      %swap3A_246 = arith.constant 96 : index
      %swap3A_247 = tpu.vector_load %arg7[%swap3A_245, %swap3A_246] {strides = array<i32>} : memref<7x128xi32, #tpu.memory_space<vmem>>, vector<1x16xi32>,
      %swap3A_248 = vector.shape_cast %swap3A_247 : vector<1x16xi32> to vector<16xi32>
      %swap3A_249 = vector.shape_cast %add3A_243 : vector<16xi32> to vector<1x16xi32>
      tpu.vector_store %arg7[%swap3A_245, %swap3A_246], %swap3A_249 {strides = array<i32>} : memref<7x128xi32, #tpu.memory_space<vmem>>, vector<1x16xi32>,
      %get3A_250 = arith.constant 1 : i32
      %get3A_251 = arith.index_cast %get3A_250 : i32 to index
      %get3A_252 = arith.constant 112 : index
      %get3A_253 = tpu.vector_load %arg7[%get3A_251, %get3A_252] {strides = array<i32>} : memref<7x128xi32, #tpu.memory_space<vmem>>, vector<1x16xi32>,
      %get3A_254 = vector.shape_cast %get3A_253 : vector<1x16xi32> to vector<16xi32>
      %mul3A_255 = arith.constant 2 : i32
      %mul3A_256 = vector.broadcast %mul3A_255 : i32 to vector<16xi32>
      %mul3A_257 = arith.muli %get3A_254, %mul3A_256 : vector<16xi32>
      %add3A_258 = vector.broadcast %arg0 : i32 to vector<16xi32>
      %add3A_259 = arith.addi %mul3A_257, %add3A_258 : vector<16xi32>
      %swap3A_260 = arith.constant 1 : i32
      %swap3A_261 = arith.index_cast %swap3A_260 : i32 to index
      %swap3A_262 = arith.constant 112 : index
      %swap3A_263 = tpu.vector_load %arg7[%swap3A_261, %swap3A_262] {strides = array<i32>} : memref<7x128xi32, #tpu.memory_space<vmem>>, vector<1x16xi32>,
      %swap3A_264 = vector.shape_cast %swap3A_263 : vector<1x16xi32> to vector<16xi32>
      %swap3A_265 = vector.shape_cast %add3A_259 : vector<16xi32> to vector<1x16xi32>
      tpu.vector_store %arg7[%swap3A_261, %swap3A_262], %swap3A_265 {strides = array<i32>} : memref<7x128xi32, #tpu.memory_space<vmem>>, vector<1x16xi32>,
      %get3A_266 = arith.constant 2 : i32
      %get3A_267 = arith.index_cast %get3A_266 : i32 to index
      %get3A_268 = arith.constant 0 : index
      %get3A_269 = tpu.vector_load %arg7[%get3A_267, %get3A_268] {strides = array<i32>} : memref<7x128xi32, #tpu.memory_space<vmem>>, vector<1x16xi32>,
      %get3A_270 = vector.shape_cast %get3A_269 : vector<1x16xi32> to vector<16xi32>
      %mul3A_271 = arith.constant 2 : i32
      %mul3A_272 = vector.broadcast %mul3A_271 : i32 to vector<16xi32>
      %mul3A_273 = arith.muli %get3A_270, %mul3A_272 : vector<16xi32>
      %add3A_274 = vector.broadcast %arg0 : i32 to vector<16xi32>
      %add3A_275 = arith.addi %mul3A_273, %add3A_274 : vector<16xi32>
      %swap3A_276 = arith.constant 2 : i32
      %swap3A_277 = arith.index_cast %swap3A_276 : i32 to index
      %swap3A_278 = arith.constant 0 : index
      %swap3A_279 = tpu.vector_load %arg7[%swap3A_277, %swap3A_278] {strides = array<i32>} : memref<7x128xi32, #tpu.memory_space<vmem>>, vector<1x16xi32>,
      %swap3A_280 = vector.shape_cast %swap3A_279 : vector<1x16xi32> to vector<16xi32>
      %swap3A_281 = vector.shape_cast %add3A_275 : vector<16xi32> to vector<1x16xi32>
      tpu.vector_store %arg7[%swap3A_277, %swap3A_278], %swap3A_281 {strides = array<i32>} : memref<7x128xi32, #tpu.memory_space<vmem>>, vector<1x16xi32>,
      %get3A_282 = arith.constant 2 : i32
      %get3A_283 = arith.index_cast %get3A_282 : i32 to index
      %get3A_284 = arith.constant 16 : index
      %get3A_285 = tpu.vector_load %arg7[%get3A_283, %get3A_284] {strides = array<i32>} : memref<7x128xi32, #tpu.memory_space<vmem>>, vector<1x16xi32>,
      %get3A_286 = vector.shape_cast %get3A_285 : vector<1x16xi32> to vector<16xi32>
      %mul3A_287 = arith.constant 2 : i32
      %mul3A_288 = vector.broadcast %mul3A_287 : i32 to vector<16xi32>
      %mul3A_289 = arith.muli %get3A_286, %mul3A_288 : vector<16xi32>
      %add3A_290 = vector.broadcast %arg0 : i32 to vector<16xi32>
      %add3A_291 = arith.addi %mul3A_289, %add3A_290 : vector<16xi32>
      %swap3A_292 = arith.constant 2 : i32
      %swap3A_293 = arith.index_cast %swap3A_292 : i32 to index
      %swap3A_294 = arith.constant 16 : index
      %swap3A_295 = tpu.vector_load %arg7[%swap3A_293, %swap3A_294] {strides = array<i32>} : memref<7x128xi32, #tpu.memory_space<vmem>>, vector<1x16xi32>,
      %swap3A_296 = vector.shape_cast %swap3A_295 : vector<1x16xi32> to vector<16xi32>
      %swap3A_297 = vector.shape_cast %add3A_291 : vector<16xi32> to vector<1x16xi32>
      tpu.vector_store %arg7[%swap3A_293, %swap3A_294], %swap3A_297 {strides = array<i32>} : memref<7x128xi32, #tpu.memory_space<vmem>>, vector<1x16xi32>,
      %get3A_298 = arith.constant 2 : i32
      %get3A_299 = arith.index_cast %get3A_298 : i32 to index
      %get3A_300 = arith.constant 32 : index
      %get3A_301 = tpu.vector_load %arg7[%get3A_299, %get3A_300] {strides = array<i32>} : memref<7x128xi32, #tpu.memory_space<vmem>>, vector<1x16xi32>,
      %get3A_302 = vector.shape_cast %get3A_301 : vector<1x16xi32> to vector<16xi32>
      %mul3A_303 = arith.constant 2 : i32
      %mul3A_304 = vector.broadcast %mul3A_303 : i32 to vector<16xi32>
      %mul3A_305 = arith.muli %get3A_302, %mul3A_304 : vector<16xi32>
      %add3A_306 = vector.broadcast %arg0 : i32 to vector<16xi32>
      %add3A_307 = arith.addi %mul3A_305, %add3A_306 : vector<16xi32>
      %swap3A_308 = arith.constant 2 : i32
      %swap3A_309 = arith.index_cast %swap3A_308 : i32 to index
      %swap3A_310 = arith.constant 32 : index
      %swap3A_311 = tpu.vector_load %arg7[%swap3A_309, %swap3A_310] {strides = array<i32>} : memref<7x128xi32, #tpu.memory_space<vmem>>, vector<1x16xi32>,
      %swap3A_312 = vector.shape_cast %swap3A_311 : vector<1x16xi32> to vector<16xi32>
      %swap3A_313 = vector.shape_cast %add3A_307 : vector<16xi32> to vector<1x16xi32>
      tpu.vector_store %arg7[%swap3A_309, %swap3A_310], %swap3A_313 {strides = array<i32>} : memref<7x128xi32, #tpu.memory_space<vmem>>, vector<1x16xi32>,
      %get3A_314 = arith.constant 2 : i32
      %get3A_315 = arith.index_cast %get3A_314 : i32 to index
      %get3A_316 = arith.constant 48 : index
      %get3A_317 = tpu.vector_load %arg7[%get3A_315, %get3A_316] {strides = array<i32>} : memref<7x128xi32, #tpu.memory_space<vmem>>, vector<1x16xi32>,
      %get3A_318 = vector.shape_cast %get3A_317 : vector<1x16xi32> to vector<16xi32>
      %mul3A_319 = arith.constant 2 : i32
      %mul3A_320 = vector.broadcast %mul3A_319 : i32 to vector<16xi32>
      %mul3A_321 = arith.muli %get3A_318, %mul3A_320 : vector<16xi32>
      %add3A_322 = vector.broadcast %arg0 : i32 to vector<16xi32>
      %add3A_323 = arith.addi %mul3A_321, %add3A_322 : vector<16xi32>
      %swap3A_324 = arith.constant 2 : i32
      %swap3A_325 = arith.index_cast %swap3A_324 : i32 to index
      %swap3A_326 = arith.constant 48 : index
      %swap3A_327 = tpu.vector_load %arg7[%swap3A_325, %swap3A_326] {strides = array<i32>} : memref<7x128xi32, #tpu.memory_space<vmem>>, vector<1x16xi32>,
      %swap3A_328 = vector.shape_cast %swap3A_327 : vector<1x16xi32> to vector<16xi32>
      %swap3A_329 = vector.shape_cast %add3A_323 : vector<16xi32> to vector<1x16xi32>
      tpu.vector_store %arg7[%swap3A_325, %swap3A_326], %swap3A_329 {strides = array<i32>} : memref<7x128xi32, #tpu.memory_space<vmem>>, vector<1x16xi32>,
      %get3A_330 = arith.constant 2 : i32
      %get3A_331 = arith.index_cast %get3A_330 : i32 to index
      %get3A_332 = arith.constant 64 : index
      %get3A_333 = tpu.vector_load %arg7[%get3A_331, %get3A_332] {strides = array<i32>} : memref<7x128xi32, #tpu.memory_space<vmem>>, vector<1x16xi32>,
      %get3A_334 = vector.shape_cast %get3A_333 : vector<1x16xi32> to vector<16xi32>
      %mul3A_335 = arith.constant 2 : i32
      %mul3A_336 = vector.broadcast %mul3A_335 : i32 to vector<16xi32>
      %mul3A_337 = arith.muli %get3A_334, %mul3A_336 : vector<16xi32>
      %add3A_338 = vector.broadcast %arg0 : i32 to vector<16xi32>
      %add3A_339 = arith.addi %mul3A_337, %add3A_338 : vector<16xi32>
      %swap3A_340 = arith.constant 2 : i32
      %swap3A_341 = arith.index_cast %swap3A_340 : i32 to index
      %swap3A_342 = arith.constant 64 : index
      %swap3A_343 = tpu.vector_load %arg7[%swap3A_341, %swap3A_342] {strides = array<i32>} : memref<7x128xi32, #tpu.memory_space<vmem>>, vector<1x16xi32>,
      %swap3A_344 = vector.shape_cast %swap3A_343 : vector<1x16xi32> to vector<16xi32>
      %swap3A_345 = vector.shape_cast %add3A_339 : vector<16xi32> to vector<1x16xi32>
      tpu.vector_store %arg7[%swap3A_341, %swap3A_342], %swap3A_345 {strides = array<i32>} : memref<7x128xi32, #tpu.memory_space<vmem>>, vector<1x16xi32>,
      %get3A_346 = arith.constant 2 : i32
      %get3A_347 = arith.index_cast %get3A_346 : i32 to index
      %get3A_348 = arith.constant 80 : index
      %get3A_349 = tpu.vector_load %arg7[%get3A_347, %get3A_348] {strides = array<i32>} : memref<7x128xi32, #tpu.memory_space<vmem>>, vector<1x16xi32>,
      %get3A_350 = vector.shape_cast %get3A_349 : vector<1x16xi32> to vector<16xi32>
      %mul3A_351 = arith.constant 2 : i32
      %mul3A_352 = vector.broadcast %mul3A_351 : i32 to vector<16xi32>
      %mul3A_353 = arith.muli %get3A_350, %mul3A_352 : vector<16xi32>
      %add3A_354 = vector.broadcast %arg0 : i32 to vector<16xi32>
      %add3A_355 = arith.addi %mul3A_353, %add3A_354 : vector<16xi32>
      %swap3A_356 = arith.constant 2 : i32
      %swap3A_357 = arith.index_cast %swap3A_356 : i32 to index
      %swap3A_358 = arith.constant 80 : index
      %swap3A_359 = tpu.vector_load %arg7[%swap3A_357, %swap3A_358] {strides = array<i32>} : memref<7x128xi32, #tpu.memory_space<vmem>>, vector<1x16xi32>,
      %swap3A_360 = vector.shape_cast %swap3A_359 : vector<1x16xi32> to vector<16xi32>
      %swap3A_361 = vector.shape_cast %add3A_355 : vector<16xi32> to vector<1x16xi32>
      tpu.vector_store %arg7[%swap3A_357, %swap3A_358], %swap3A_361 {strides = array<i32>} : memref<7x128xi32, #tpu.memory_space<vmem>>, vector<1x16xi32>,
      %get3A_362 = arith.constant 2 : i32
      %get3A_363 = arith.index_cast %get3A_362 : i32 to index
      %get3A_364 = arith.constant 96 : index
      %get3A_365 = tpu.vector_load %arg7[%get3A_363, %get3A_364] {strides = array<i32>} : memref<7x128xi32, #tpu.memory_space<vmem>>, vector<1x16xi32>,
      %get3A_366 = vector.shape_cast %get3A_365 : vector<1x16xi32> to vector<16xi32>
      %mul3A_367 = arith.constant 2 : i32
      %mul3A_368 = vector.broadcast %mul3A_367 : i32 to vector<16xi32>
      %mul3A_369 = arith.muli %get3A_366, %mul3A_368 : vector<16xi32>
      %add3A_370 = vector.broadcast %arg0 : i32 to vector<16xi32>
      %add3A_371 = arith.addi %mul3A_369, %add3A_370 : vector<16xi32>
      %swap3A_372 = arith.constant 2 : i32
      %swap3A_373 = arith.index_cast %swap3A_372 : i32 to index
      %swap3A_374 = arith.constant 96 : index
      %swap3A_375 = tpu.vector_load %arg7[%swap3A_373, %swap3A_374] {strides = array<i32>} : memref<7x128xi32, #tpu.memory_space<vmem>>, vector<1x16xi32>,
      %swap3A_376 = vector.shape_cast %swap3A_375 : vector<1x16xi32> to vector<16xi32>
      %swap3A_377 = vector.shape_cast %add3A_371 : vector<16xi32> to vector<1x16xi32>
      tpu.vector_store %arg7[%swap3A_373, %swap3A_374], %swap3A_377 {strides = array<i32>} : memref<7x128xi32, #tpu.memory_space<vmem>>, vector<1x16xi32>,
      %get3A_378 = arith.constant 2 : i32
      %get3A_379 = arith.index_cast %get3A_378 : i32 to index
      %get3A_380 = arith.constant 112 : index
      %get3A_381 = tpu.vector_load %arg7[%get3A_379, %get3A_380] {strides = array<i32>} : memref<7x128xi32, #tpu.memory_space<vmem>>, vector<1x16xi32>,
      %get3A_382 = vector.shape_cast %get3A_381 : vector<1x16xi32> to vector<16xi32>
      %mul3A_383 = arith.constant 2 : i32
      %mul3A_384 = vector.broadcast %mul3A_383 : i32 to vector<16xi32>
      %mul3A_385 = arith.muli %get3A_382, %mul3A_384 : vector<16xi32>
      %add3A_386 = vector.broadcast %arg0 : i32 to vector<16xi32>
      %add3A_387 = arith.addi %mul3A_385, %add3A_386 : vector<16xi32>
      %swap3A_388 = arith.constant 2 : i32
      %swap3A_389 = arith.index_cast %swap3A_388 : i32 to index
      %swap3A_390 = arith.constant 112 : index
      %swap3A_391 = tpu.vector_load %arg7[%swap3A_389, %swap3A_390] {strides = array<i32>} : memref<7x128xi32, #tpu.memory_space<vmem>>, vector<1x16xi32>,
      %swap3A_392 = vector.shape_cast %swap3A_391 : vector<1x16xi32> to vector<16xi32>
      %swap3A_393 = vector.shape_cast %add3A_387 : vector<16xi32> to vector<1x16xi32>
      tpu.vector_store %arg7[%swap3A_389, %swap3A_390], %swap3A_393 {strides = array<i32>} : memref<7x128xi32, #tpu.memory_space<vmem>>, vector<1x16xi32>,
      %get3A_394 = arith.constant 3 : i32
      %get3A_395 = arith.index_cast %get3A_394 : i32 to index
      %get3A_396 = arith.constant 0 : index
      %get3A_397 = tpu.vector_load %arg7[%get3A_395, %get3A_396] {strides = array<i32>} : memref<7x128xi32, #tpu.memory_space<vmem>>, vector<1x16xi32>,
      %get3A_398 = vector.shape_cast %get3A_397 : vector<1x16xi32> to vector<16xi32>
      %mul3A_399 = arith.constant 2 : i32
      %mul3A_400 = vector.broadcast %mul3A_399 : i32 to vector<16xi32>
      %mul3A_401 = arith.muli %get3A_398, %mul3A_400 : vector<16xi32>
      %add3A_402 = vector.broadcast %arg0 : i32 to vector<16xi32>
      %add3A_403 = arith.addi %mul3A_401, %add3A_402 : vector<16xi32>
      %swap3A_404 = arith.constant 3 : i32
      %swap3A_405 = arith.index_cast %swap3A_404 : i32 to index
      %swap3A_406 = arith.constant 0 : index
      %swap3A_407 = tpu.vector_load %arg7[%swap3A_405, %swap3A_406] {strides = array<i32>} : memref<7x128xi32, #tpu.memory_space<vmem>>, vector<1x16xi32>,
      %swap3A_408 = vector.shape_cast %swap3A_407 : vector<1x16xi32> to vector<16xi32>
      %swap3A_409 = vector.shape_cast %add3A_403 : vector<16xi32> to vector<1x16xi32>
      tpu.vector_store %arg7[%swap3A_405, %swap3A_406], %swap3A_409 {strides = array<i32>} : memref<7x128xi32, #tpu.memory_space<vmem>>, vector<1x16xi32>,
      %get3A_410 = arith.constant 3 : i32
      %get3A_411 = arith.index_cast %get3A_410 : i32 to index
      %get3A_412 = arith.constant 16 : index
      %get3A_413 = tpu.vector_load %arg7[%get3A_411, %get3A_412] {strides = array<i32>} : memref<7x128xi32, #tpu.memory_space<vmem>>, vector<1x16xi32>,
      %get3A_414 = vector.shape_cast %get3A_413 : vector<1x16xi32> to vector<16xi32>
      %mul3A_415 = arith.constant 2 : i32
      %mul3A_416 = vector.broadcast %mul3A_415 : i32 to vector<16xi32>
      %mul3A_417 = arith.muli %get3A_414, %mul3A_416 : vector<16xi32>
      %add3A_418 = vector.broadcast %arg0 : i32 to vector<16xi32>
      %add3A_419 = arith.addi %mul3A_417, %add3A_418 : vector<16xi32>
      %swap3A_420 = arith.constant 3 : i32
      %swap3A_421 = arith.index_cast %swap3A_420 : i32 to index
      %swap3A_422 = arith.constant 16 : index
      %swap3A_423 = tpu.vector_load %arg7[%swap3A_421, %swap3A_422] {strides = array<i32>} : memref<7x128xi32, #tpu.memory_space<vmem>>, vector<1x16xi32>,
      %swap3A_424 = vector.shape_cast %swap3A_423 : vector<1x16xi32> to vector<16xi32>
      %swap3A_425 = vector.shape_cast %add3A_419 : vector<16xi32> to vector<1x16xi32>
      tpu.vector_store %arg7[%swap3A_421, %swap3A_422], %swap3A_425 {strides = array<i32>} : memref<7x128xi32, #tpu.memory_space<vmem>>, vector<1x16xi32>,
      %get3A_426 = arith.constant 3 : i32
      %get3A_427 = arith.index_cast %get3A_426 : i32 to index
      %get3A_428 = arith.constant 32 : index
      %get3A_429 = tpu.vector_load %arg7[%get3A_427, %get3A_428] {strides = array<i32>} : memref<7x128xi32, #tpu.memory_space<vmem>>, vector<1x16xi32>,
      %get3A_430 = vector.shape_cast %get3A_429 : vector<1x16xi32> to vector<16xi32>
      %mul3A_431 = arith.constant 2 : i32
      %mul3A_432 = vector.broadcast %mul3A_431 : i32 to vector<16xi32>
      %mul3A_433 = arith.muli %get3A_430, %mul3A_432 : vector<16xi32>
      %add3A_434 = vector.broadcast %arg0 : i32 to vector<16xi32>
      %add3A_435 = arith.addi %mul3A_433, %add3A_434 : vector<16xi32>
      %swap3A_436 = arith.constant 3 : i32
      %swap3A_437 = arith.index_cast %swap3A_436 : i32 to index
      %swap3A_438 = arith.constant 32 : index
      %swap3A_439 = tpu.vector_load %arg7[%swap3A_437, %swap3A_438] {strides = array<i32>} : memref<7x128xi32, #tpu.memory_space<vmem>>, vector<1x16xi32>,
      %swap3A_440 = vector.shape_cast %swap3A_439 : vector<1x16xi32> to vector<16xi32>
      %swap3A_441 = vector.shape_cast %add3A_435 : vector<16xi32> to vector<1x16xi32>
      tpu.vector_store %arg7[%swap3A_437, %swap3A_438], %swap3A_441 {strides = array<i32>} : memref<7x128xi32, #tpu.memory_space<vmem>>, vector<1x16xi32>,
      %get3A_442 = arith.constant 3 : i32
      %get3A_443 = arith.index_cast %get3A_442 : i32 to index
      %get3A_444 = arith.constant 48 : index
      %get3A_445 = tpu.vector_load %arg7[%get3A_443, %get3A_444] {strides = array<i32>} : memref<7x128xi32, #tpu.memory_space<vmem>>, vector<1x16xi32>,
      %get3A_446 = vector.shape_cast %get3A_445 : vector<1x16xi32> to vector<16xi32>
      %mul3A_447 = arith.constant 2 : i32
      %mul3A_448 = vector.broadcast %mul3A_447 : i32 to vector<16xi32>
      %mul3A_449 = arith.muli %get3A_446, %mul3A_448 : vector<16xi32>
      %add3A_450 = vector.broadcast %arg0 : i32 to vector<16xi32>
      %add3A_451 = arith.addi %mul3A_449, %add3A_450 : vector<16xi32>
      %swap3A_452 = arith.constant 3 : i32
      %swap3A_453 = arith.index_cast %swap3A_452 : i32 to index
      %swap3A_454 = arith.constant 48 : index
      %swap3A_455 = tpu.vector_load %arg7[%swap3A_453, %swap3A_454] {strides = array<i32>} : memref<7x128xi32, #tpu.memory_space<vmem>>, vector<1x16xi32>,
      %swap3A_456 = vector.shape_cast %swap3A_455 : vector<1x16xi32> to vector<16xi32>
      %swap3A_457 = vector.shape_cast %add3A_451 : vector<16xi32> to vector<1x16xi32>
      tpu.vector_store %arg7[%swap3A_453, %swap3A_454], %swap3A_457 {strides = array<i32>} : memref<7x128xi32, #tpu.memory_space<vmem>>, vector<1x16xi32>,
      %get3A_458 = arith.constant 3 : i32
      %get3A_459 = arith.index_cast %get3A_458 : i32 to index
      %get3A_460 = arith.constant 64 : index
      %get3A_461 = tpu.vector_load %arg7[%get3A_459, %get3A_460] {strides = array<i32>} : memref<7x128xi32, #tpu.memory_space<vmem>>, vector<1x16xi32>,
      %get3A_462 = vector.shape_cast %get3A_461 : vector<1x16xi32> to vector<16xi32>
      %mul3A_463 = arith.constant 2 : i32
      %mul3A_464 = vector.broadcast %mul3A_463 : i32 to vector<16xi32>
      %mul3A_465 = arith.muli %get3A_462, %mul3A_464 : vector<16xi32>
      %add3A_466 = vector.broadcast %arg0 : i32 to vector<16xi32>
      %add3A_467 = arith.addi %mul3A_465, %add3A_466 : vector<16xi32>
      %swap3A_468 = arith.constant 3 : i32
      %swap3A_469 = arith.index_cast %swap3A_468 : i32 to index
      %swap3A_470 = arith.constant 64 : index
      %swap3A_471 = tpu.vector_load %arg7[%swap3A_469, %swap3A_470] {strides = array<i32>} : memref<7x128xi32, #tpu.memory_space<vmem>>, vector<1x16xi32>,
      %swap3A_472 = vector.shape_cast %swap3A_471 : vector<1x16xi32> to vector<16xi32>
      %swap3A_473 = vector.shape_cast %add3A_467 : vector<16xi32> to vector<1x16xi32>
      tpu.vector_store %arg7[%swap3A_469, %swap3A_470], %swap3A_473 {strides = array<i32>} : memref<7x128xi32, #tpu.memory_space<vmem>>, vector<1x16xi32>,
      %get3A_474 = arith.constant 3 : i32
      %get3A_475 = arith.index_cast %get3A_474 : i32 to index
      %get3A_476 = arith.constant 80 : index
      %get3A_477 = tpu.vector_load %arg7[%get3A_475, %get3A_476] {strides = array<i32>} : memref<7x128xi32, #tpu.memory_space<vmem>>, vector<1x16xi32>,
      %get3A_478 = vector.shape_cast %get3A_477 : vector<1x16xi32> to vector<16xi32>
      %mul3A_479 = arith.constant 2 : i32
      %mul3A_480 = vector.broadcast %mul3A_479 : i32 to vector<16xi32>
      %mul3A_481 = arith.muli %get3A_478, %mul3A_480 : vector<16xi32>
      %add3A_482 = vector.broadcast %arg0 : i32 to vector<16xi32>
      %add3A_483 = arith.addi %mul3A_481, %add3A_482 : vector<16xi32>
      %swap3A_484 = arith.constant 3 : i32
      %swap3A_485 = arith.index_cast %swap3A_484 : i32 to index
      %swap3A_486 = arith.constant 80 : index
      %swap3A_487 = tpu.vector_load %arg7[%swap3A_485, %swap3A_486] {strides = array<i32>} : memref<7x128xi32, #tpu.memory_space<vmem>>, vector<1x16xi32>,
      %swap3A_488 = vector.shape_cast %swap3A_487 : vector<1x16xi32> to vector<16xi32>
      %swap3A_489 = vector.shape_cast %add3A_483 : vector<16xi32> to vector<1x16xi32>
      tpu.vector_store %arg7[%swap3A_485, %swap3A_486], %swap3A_489 {strides = array<i32>} : memref<7x128xi32, #tpu.memory_space<vmem>>, vector<1x16xi32>,
      %get3A_490 = arith.constant 3 : i32
      %get3A_491 = arith.index_cast %get3A_490 : i32 to index
      %get3A_492 = arith.constant 96 : index
      %get3A_493 = tpu.vector_load %arg7[%get3A_491, %get3A_492] {strides = array<i32>} : memref<7x128xi32, #tpu.memory_space<vmem>>, vector<1x16xi32>,
      %get3A_494 = vector.shape_cast %get3A_493 : vector<1x16xi32> to vector<16xi32>
      %mul3A_495 = arith.constant 2 : i32
      %mul3A_496 = vector.broadcast %mul3A_495 : i32 to vector<16xi32>
      %mul3A_497 = arith.muli %get3A_494, %mul3A_496 : vector<16xi32>
      %add3A_498 = vector.broadcast %arg0 : i32 to vector<16xi32>
      %add3A_499 = arith.addi %mul3A_497, %add3A_498 : vector<16xi32>
      %swap3A_500 = arith.constant 3 : i32
      %swap3A_501 = arith.index_cast %swap3A_500 : i32 to index
      %swap3A_502 = arith.constant 96 : index
      %swap3A_503 = tpu.vector_load %arg7[%swap3A_501, %swap3A_502] {strides = array<i32>} : memref<7x128xi32, #tpu.memory_space<vmem>>, vector<1x16xi32>,
      %swap3A_504 = vector.shape_cast %swap3A_503 : vector<1x16xi32> to vector<16xi32>
      %swap3A_505 = vector.shape_cast %add3A_499 : vector<16xi32> to vector<1x16xi32>
      tpu.vector_store %arg7[%swap3A_501, %swap3A_502], %swap3A_505 {strides = array<i32>} : memref<7x128xi32, #tpu.memory_space<vmem>>, vector<1x16xi32>,
      %get3A_506 = arith.constant 3 : i32
      %get3A_507 = arith.index_cast %get3A_506 : i32 to index
      %get3A_508 = arith.constant 112 : index
      %get3A_509 = tpu.vector_load %arg7[%get3A_507, %get3A_508] {strides = array<i32>} : memref<7x128xi32, #tpu.memory_space<vmem>>, vector<1x16xi32>,
      %get3A_510 = vector.shape_cast %get3A_509 : vector<1x16xi32> to vector<16xi32>
      %mul3A_511 = arith.constant 2 : i32
      %mul3A_512 = vector.broadcast %mul3A_511 : i32 to vector<16xi32>
      %mul3A_513 = arith.muli %get3A_510, %mul3A_512 : vector<16xi32>
      %add3A_514 = vector.broadcast %arg0 : i32 to vector<16xi32>
      %add3A_515 = arith.addi %mul3A_513, %add3A_514 : vector<16xi32>
      %swap3A_516 = arith.constant 3 : i32
      %swap3A_517 = arith.index_cast %swap3A_516 : i32 to index
      %swap3A_518 = arith.constant 112 : index
      %swap3A_519 = tpu.vector_load %arg7[%swap3A_517, %swap3A_518] {strides = array<i32>} : memref<7x128xi32, #tpu.memory_space<vmem>>, vector<1x16xi32>,
      %swap3A_520 = vector.shape_cast %swap3A_519 : vector<1x16xi32> to vector<16xi32>
      %swap3A_521 = vector.shape_cast %add3A_515 : vector<16xi32> to vector<1x16xi32>
      tpu.vector_store %arg7[%swap3A_517, %swap3A_518], %swap3A_521 {strides = array<i32>} : memref<7x128xi32, #tpu.memory_space<vmem>>, vector<1x16xi32>,
      %get3A_522 = arith.constant 4 : i32
      %get3A_523 = arith.index_cast %get3A_522 : i32 to index
      %get3A_524 = arith.constant 0 : index
      %get3A_525 = tpu.vector_load %arg7[%get3A_523, %get3A_524] {strides = array<i32>} : memref<7x128xi32, #tpu.memory_space<vmem>>, vector<1x16xi32>,
      %get3A_526 = vector.shape_cast %get3A_525 : vector<1x16xi32> to vector<16xi32>
      %mul3A_527 = arith.constant 2 : i32
      %mul3A_528 = vector.broadcast %mul3A_527 : i32 to vector<16xi32>
      %mul3A_529 = arith.muli %get3A_526, %mul3A_528 : vector<16xi32>
      %add3A_530 = vector.broadcast %arg0 : i32 to vector<16xi32>
      %add3A_531 = arith.addi %mul3A_529, %add3A_530 : vector<16xi32>
      %swap3A_532 = arith.constant 4 : i32
      %swap3A_533 = arith.index_cast %swap3A_532 : i32 to index
      %swap3A_534 = arith.constant 0 : index
      %swap3A_535 = tpu.vector_load %arg7[%swap3A_533, %swap3A_534] {strides = array<i32>} : memref<7x128xi32, #tpu.memory_space<vmem>>, vector<1x16xi32>,
      %swap3A_536 = vector.shape_cast %swap3A_535 : vector<1x16xi32> to vector<16xi32>
      %swap3A_537 = vector.shape_cast %add3A_531 : vector<16xi32> to vector<1x16xi32>
      tpu.vector_store %arg7[%swap3A_533, %swap3A_534], %swap3A_537 {strides = array<i32>} : memref<7x128xi32, #tpu.memory_space<vmem>>, vector<1x16xi32>,
      %get3A_538 = arith.constant 4 : i32
      %get3A_539 = arith.index_cast %get3A_538 : i32 to index
      %get3A_540 = arith.constant 16 : index
      %get3A_541 = tpu.vector_load %arg7[%get3A_539, %get3A_540] {strides = array<i32>} : memref<7x128xi32, #tpu.memory_space<vmem>>, vector<1x16xi32>,
      %get3A_542 = vector.shape_cast %get3A_541 : vector<1x16xi32> to vector<16xi32>
      %mul3A_543 = arith.constant 2 : i32
      %mul3A_544 = vector.broadcast %mul3A_543 : i32 to vector<16xi32>
      %mul3A_545 = arith.muli %get3A_542, %mul3A_544 : vector<16xi32>
      %add3A_546 = vector.broadcast %arg0 : i32 to vector<16xi32>
      %add3A_547 = arith.addi %mul3A_545, %add3A_546 : vector<16xi32>
      %swap3A_548 = arith.constant 4 : i32
      %swap3A_549 = arith.index_cast %swap3A_548 : i32 to index
      %swap3A_550 = arith.constant 16 : index
      %swap3A_551 = tpu.vector_load %arg7[%swap3A_549, %swap3A_550] {strides = array<i32>} : memref<7x128xi32, #tpu.memory_space<vmem>>, vector<1x16xi32>,
      %swap3A_552 = vector.shape_cast %swap3A_551 : vector<1x16xi32> to vector<16xi32>
      %swap3A_553 = vector.shape_cast %add3A_547 : vector<16xi32> to vector<1x16xi32>
      tpu.vector_store %arg7[%swap3A_549, %swap3A_550], %swap3A_553 {strides = array<i32>} : memref<7x128xi32, #tpu.memory_space<vmem>>, vector<1x16xi32>,
      %get3A_554 = arith.constant 4 : i32
      %get3A_555 = arith.index_cast %get3A_554 : i32 to index
      %get3A_556 = arith.constant 32 : index
      %get3A_557 = tpu.vector_load %arg7[%get3A_555, %get3A_556] {strides = array<i32>} : memref<7x128xi32, #tpu.memory_space<vmem>>, vector<1x16xi32>,
      %get3A_558 = vector.shape_cast %get3A_557 : vector<1x16xi32> to vector<16xi32>
      %mul3A_559 = arith.constant 2 : i32
      %mul3A_560 = vector.broadcast %mul3A_559 : i32 to vector<16xi32>
      %mul3A_561 = arith.muli %get3A_558, %mul3A_560 : vector<16xi32>
      %add3A_562 = vector.broadcast %arg0 : i32 to vector<16xi32>
      %add3A_563 = arith.addi %mul3A_561, %add3A_562 : vector<16xi32>
      %swap3A_564 = arith.constant 4 : i32
      %swap3A_565 = arith.index_cast %swap3A_564 : i32 to index
      %swap3A_566 = arith.constant 32 : index
      %swap3A_567 = tpu.vector_load %arg7[%swap3A_565, %swap3A_566] {strides = array<i32>} : memref<7x128xi32, #tpu.memory_space<vmem>>, vector<1x16xi32>,
      %swap3A_568 = vector.shape_cast %swap3A_567 : vector<1x16xi32> to vector<16xi32>
      %swap3A_569 = vector.shape_cast %add3A_563 : vector<16xi32> to vector<1x16xi32>
      tpu.vector_store %arg7[%swap3A_565, %swap3A_566], %swap3A_569 {strides = array<i32>} : memref<7x128xi32, #tpu.memory_space<vmem>>, vector<1x16xi32>,
      %get3A_570 = arith.constant 4 : i32
      %get3A_571 = arith.index_cast %get3A_570 : i32 to index
      %get3A_572 = arith.constant 48 : index
      %get3A_573 = tpu.vector_load %arg7[%get3A_571, %get3A_572] {strides = array<i32>} : memref<7x128xi32, #tpu.memory_space<vmem>>, vector<1x16xi32>,
      %get3A_574 = vector.shape_cast %get3A_573 : vector<1x16xi32> to vector<16xi32>
      %mul3A_575 = arith.constant 2 : i32
      %mul3A_576 = vector.broadcast %mul3A_575 : i32 to vector<16xi32>
      %mul3A_577 = arith.muli %get3A_574, %mul3A_576 : vector<16xi32>
      %add3A_578 = vector.broadcast %arg0 : i32 to vector<16xi32>
      %add3A_579 = arith.addi %mul3A_577, %add3A_578 : vector<16xi32>
      %swap3A_580 = arith.constant 4 : i32
      %swap3A_581 = arith.index_cast %swap3A_580 : i32 to index
      %swap3A_582 = arith.constant 48 : index
      %swap3A_583 = tpu.vector_load %arg7[%swap3A_581, %swap3A_582] {strides = array<i32>} : memref<7x128xi32, #tpu.memory_space<vmem>>, vector<1x16xi32>,
      %swap3A_584 = vector.shape_cast %swap3A_583 : vector<1x16xi32> to vector<16xi32>
      %swap3A_585 = vector.shape_cast %add3A_579 : vector<16xi32> to vector<1x16xi32>
      tpu.vector_store %arg7[%swap3A_581, %swap3A_582], %swap3A_585 {strides = array<i32>} : memref<7x128xi32, #tpu.memory_space<vmem>>, vector<1x16xi32>,
      %get3A_586 = arith.constant 4 : i32
      %get3A_587 = arith.index_cast %get3A_586 : i32 to index
      %get3A_588 = arith.constant 64 : index
      %get3A_589 = tpu.vector_load %arg7[%get3A_587, %get3A_588] {strides = array<i32>} : memref<7x128xi32, #tpu.memory_space<vmem>>, vector<1x16xi32>,
      %get3A_590 = vector.shape_cast %get3A_589 : vector<1x16xi32> to vector<16xi32>
      %mul3A_591 = arith.constant 2 : i32
      %mul3A_592 = vector.broadcast %mul3A_591 : i32 to vector<16xi32>
      %mul3A_593 = arith.muli %get3A_590, %mul3A_592 : vector<16xi32>
      %add3A_594 = vector.broadcast %arg0 : i32 to vector<16xi32>
      %add3A_595 = arith.addi %mul3A_593, %add3A_594 : vector<16xi32>
      %swap3A_596 = arith.constant 4 : i32
      %swap3A_597 = arith.index_cast %swap3A_596 : i32 to index
      %swap3A_598 = arith.constant 64 : index
      %swap3A_599 = tpu.vector_load %arg7[%swap3A_597, %swap3A_598] {strides = array<i32>} : memref<7x128xi32, #tpu.memory_space<vmem>>, vector<1x16xi32>,
      %swap3A_600 = vector.shape_cast %swap3A_599 : vector<1x16xi32> to vector<16xi32>
      %swap3A_601 = vector.shape_cast %add3A_595 : vector<16xi32> to vector<1x16xi32>
      tpu.vector_store %arg7[%swap3A_597, %swap3A_598], %swap3A_601 {strides = array<i32>} : memref<7x128xi32, #tpu.memory_space<vmem>>, vector<1x16xi32>,
      %get3A_602 = arith.constant 4 : i32
      %get3A_603 = arith.index_cast %get3A_602 : i32 to index
      %get3A_604 = arith.constant 80 : index
      %get3A_605 = tpu.vector_load %arg7[%get3A_603, %get3A_604] {strides = array<i32>} : memref<7x128xi32, #tpu.memory_space<vmem>>, vector<1x16xi32>,
      %get3A_606 = vector.shape_cast %get3A_605 : vector<1x16xi32> to vector<16xi32>
      %mul3A_607 = arith.constant 2 : i32
      %mul3A_608 = vector.broadcast %mul3A_607 : i32 to vector<16xi32>
      %mul3A_609 = arith.muli %get3A_606, %mul3A_608 : vector<16xi32>
      %add3A_610 = vector.broadcast %arg0 : i32 to vector<16xi32>
      %add3A_611 = arith.addi %mul3A_609, %add3A_610 : vector<16xi32>
      %swap3A_612 = arith.constant 4 : i32
      %swap3A_613 = arith.index_cast %swap3A_612 : i32 to index
      %swap3A_614 = arith.constant 80 : index
      %swap3A_615 = tpu.vector_load %arg7[%swap3A_613, %swap3A_614] {strides = array<i32>} : memref<7x128xi32, #tpu.memory_space<vmem>>, vector<1x16xi32>,
      %swap3A_616 = vector.shape_cast %swap3A_615 : vector<1x16xi32> to vector<16xi32>
      %swap3A_617 = vector.shape_cast %add3A_611 : vector<16xi32> to vector<1x16xi32>
      tpu.vector_store %arg7[%swap3A_613, %swap3A_614], %swap3A_617 {strides = array<i32>} : memref<7x128xi32, #tpu.memory_space<vmem>>, vector<1x16xi32>,
      %get3A_618 = arith.constant 4 : i32
      %get3A_619 = arith.index_cast %get3A_618 : i32 to index
      %get3A_620 = arith.constant 96 : index
      %get3A_621 = tpu.vector_load %arg7[%get3A_619, %get3A_620] {strides = array<i32>} : memref<7x128xi32, #tpu.memory_space<vmem>>, vector<1x16xi32>,
      %get3A_622 = vector.shape_cast %get3A_621 : vector<1x16xi32> to vector<16xi32>
      %mul3A_623 = arith.constant 2 : i32
      %mul3A_624 = vector.broadcast %mul3A_623 : i32 to vector<16xi32>
      %mul3A_625 = arith.muli %get3A_622, %mul3A_624 : vector<16xi32>
      %add3A_626 = vector.broadcast %arg0 : i32 to vector<16xi32>
      %add3A_627 = arith.addi %mul3A_625, %add3A_626 : vector<16xi32>
      %swap3A_628 = arith.constant 4 : i32
      %swap3A_629 = arith.index_cast %swap3A_628 : i32 to index
      %swap3A_630 = arith.constant 96 : index
      %swap3A_631 = tpu.vector_load %arg7[%swap3A_629, %swap3A_630] {strides = array<i32>} : memref<7x128xi32, #tpu.memory_space<vmem>>, vector<1x16xi32>,
      %swap3A_632 = vector.shape_cast %swap3A_631 : vector<1x16xi32> to vector<16xi32>
      %swap3A_633 = vector.shape_cast %add3A_627 : vector<16xi32> to vector<1x16xi32>
      tpu.vector_store %arg7[%swap3A_629, %swap3A_630], %swap3A_633 {strides = array<i32>} : memref<7x128xi32, #tpu.memory_space<vmem>>, vector<1x16xi32>,
      %get3A_634 = arith.constant 4 : i32
      %get3A_635 = arith.index_cast %get3A_634 : i32 to index
      %get3A_636 = arith.constant 112 : index
      %get3A_637 = tpu.vector_load %arg7[%get3A_635, %get3A_636] {strides = array<i32>} : memref<7x128xi32, #tpu.memory_space<vmem>>, vector<1x16xi32>,
      %get3A_638 = vector.shape_cast %get3A_637 : vector<1x16xi32> to vector<16xi32>
      %mul3A_639 = arith.constant 2 : i32
      %mul3A_640 = vector.broadcast %mul3A_639 : i32 to vector<16xi32>
      %mul3A_641 = arith.muli %get3A_638, %mul3A_640 : vector<16xi32>
      %add3A_642 = vector.broadcast %arg0 : i32 to vector<16xi32>
      %add3A_643 = arith.addi %mul3A_641, %add3A_642 : vector<16xi32>
      %swap3A_644 = arith.constant 4 : i32
      %swap3A_645 = arith.index_cast %swap3A_644 : i32 to index
      %swap3A_646 = arith.constant 112 : index
      %swap3A_647 = tpu.vector_load %arg7[%swap3A_645, %swap3A_646] {strides = array<i32>} : memref<7x128xi32, #tpu.memory_space<vmem>>, vector<1x16xi32>,
      %swap3A_648 = vector.shape_cast %swap3A_647 : vector<1x16xi32> to vector<16xi32>
      %swap3A_649 = vector.shape_cast %add3A_643 : vector<16xi32> to vector<1x16xi32>
      tpu.vector_store %arg7[%swap3A_645, %swap3A_646], %swap3A_649 {strides = array<i32>} : memref<7x128xi32, #tpu.memory_space<vmem>>, vector<1x16xi32>,
      %get3A_650 = arith.constant 5 : i32
      %get3A_651 = arith.index_cast %get3A_650 : i32 to index
      %get3A_652 = arith.constant 0 : index
      %get3A_653 = tpu.vector_load %arg7[%get3A_651, %get3A_652] {strides = array<i32>} : memref<7x128xi32, #tpu.memory_space<vmem>>, vector<1x16xi32>,
      %get3A_654 = vector.shape_cast %get3A_653 : vector<1x16xi32> to vector<16xi32>
      %mul3A_655 = arith.constant 2 : i32
      %mul3A_656 = vector.broadcast %mul3A_655 : i32 to vector<16xi32>
      %mul3A_657 = arith.muli %get3A_654, %mul3A_656 : vector<16xi32>
      %add3A_658 = vector.broadcast %arg0 : i32 to vector<16xi32>
      %add3A_659 = arith.addi %mul3A_657, %add3A_658 : vector<16xi32>
      %swap3A_660 = arith.constant 5 : i32
      %swap3A_661 = arith.index_cast %swap3A_660 : i32 to index
      %swap3A_662 = arith.constant 0 : index
      %swap3A_663 = tpu.vector_load %arg7[%swap3A_661, %swap3A_662] {strides = array<i32>} : memref<7x128xi32, #tpu.memory_space<vmem>>, vector<1x16xi32>,
      %swap3A_664 = vector.shape_cast %swap3A_663 : vector<1x16xi32> to vector<16xi32>
      %swap3A_665 = vector.shape_cast %add3A_659 : vector<16xi32> to vector<1x16xi32>
      tpu.vector_store %arg7[%swap3A_661, %swap3A_662], %swap3A_665 {strides = array<i32>} : memref<7x128xi32, #tpu.memory_space<vmem>>, vector<1x16xi32>,
      %get3A_666 = arith.constant 5 : i32
      %get3A_667 = arith.index_cast %get3A_666 : i32 to index
      %get3A_668 = arith.constant 16 : index
      %get3A_669 = tpu.vector_load %arg7[%get3A_667, %get3A_668] {strides = array<i32>} : memref<7x128xi32, #tpu.memory_space<vmem>>, vector<1x16xi32>,
      %get3A_670 = vector.shape_cast %get3A_669 : vector<1x16xi32> to vector<16xi32>
      %mul3A_671 = arith.constant 2 : i32
      %mul3A_672 = vector.broadcast %mul3A_671 : i32 to vector<16xi32>
      %mul3A_673 = arith.muli %get3A_670, %mul3A_672 : vector<16xi32>
      %add3A_674 = vector.broadcast %arg0 : i32 to vector<16xi32>
      %add3A_675 = arith.addi %mul3A_673, %add3A_674 : vector<16xi32>
      %swap3A_676 = arith.constant 5 : i32
      %swap3A_677 = arith.index_cast %swap3A_676 : i32 to index
      %swap3A_678 = arith.constant 16 : index
      %swap3A_679 = tpu.vector_load %arg7[%swap3A_677, %swap3A_678] {strides = array<i32>} : memref<7x128xi32, #tpu.memory_space<vmem>>, vector<1x16xi32>,
      %swap3A_680 = vector.shape_cast %swap3A_679 : vector<1x16xi32> to vector<16xi32>
      %swap3A_681 = vector.shape_cast %add3A_675 : vector<16xi32> to vector<1x16xi32>
      tpu.vector_store %arg7[%swap3A_677, %swap3A_678], %swap3A_681 {strides = array<i32>} : memref<7x128xi32, #tpu.memory_space<vmem>>, vector<1x16xi32>,
      %get3A_682 = arith.constant 5 : i32
      %get3A_683 = arith.index_cast %get3A_682 : i32 to index
      %get3A_684 = arith.constant 32 : index
      %get3A_685 = tpu.vector_load %arg7[%get3A_683, %get3A_684] {strides = array<i32>} : memref<7x128xi32, #tpu.memory_space<vmem>>, vector<1x16xi32>,
      %get3A_686 = vector.shape_cast %get3A_685 : vector<1x16xi32> to vector<16xi32>
      %mul3A_687 = arith.constant 2 : i32
      %mul3A_688 = vector.broadcast %mul3A_687 : i32 to vector<16xi32>
      %mul3A_689 = arith.muli %get3A_686, %mul3A_688 : vector<16xi32>
      %add3A_690 = vector.broadcast %arg0 : i32 to vector<16xi32>
      %add3A_691 = arith.addi %mul3A_689, %add3A_690 : vector<16xi32>
      %swap3A_692 = arith.constant 5 : i32
      %swap3A_693 = arith.index_cast %swap3A_692 : i32 to index
      %swap3A_694 = arith.constant 32 : index
      %swap3A_695 = tpu.vector_load %arg7[%swap3A_693, %swap3A_694] {strides = array<i32>} : memref<7x128xi32, #tpu.memory_space<vmem>>, vector<1x16xi32>,
      %swap3A_696 = vector.shape_cast %swap3A_695 : vector<1x16xi32> to vector<16xi32>
      %swap3A_697 = vector.shape_cast %add3A_691 : vector<16xi32> to vector<1x16xi32>
      tpu.vector_store %arg7[%swap3A_693, %swap3A_694], %swap3A_697 {strides = array<i32>} : memref<7x128xi32, #tpu.memory_space<vmem>>, vector<1x16xi32>,
      %get3A_698 = arith.constant 5 : i32
      %get3A_699 = arith.index_cast %get3A_698 : i32 to index
      %get3A_700 = arith.constant 48 : index
      %get3A_701 = tpu.vector_load %arg7[%get3A_699, %get3A_700] {strides = array<i32>} : memref<7x128xi32, #tpu.memory_space<vmem>>, vector<1x16xi32>,
      %get3A_702 = vector.shape_cast %get3A_701 : vector<1x16xi32> to vector<16xi32>
      %mul3A_703 = arith.constant 2 : i32
      %mul3A_704 = vector.broadcast %mul3A_703 : i32 to vector<16xi32>
      %mul3A_705 = arith.muli %get3A_702, %mul3A_704 : vector<16xi32>
      %add3A_706 = vector.broadcast %arg0 : i32 to vector<16xi32>
      %add3A_707 = arith.addi %mul3A_705, %add3A_706 : vector<16xi32>
      %swap3A_708 = arith.constant 5 : i32
      %swap3A_709 = arith.index_cast %swap3A_708 : i32 to index
      %swap3A_710 = arith.constant 48 : index
      %swap3A_711 = tpu.vector_load %arg7[%swap3A_709, %swap3A_710] {strides = array<i32>} : memref<7x128xi32, #tpu.memory_space<vmem>>, vector<1x16xi32>,
      %swap3A_712 = vector.shape_cast %swap3A_711 : vector<1x16xi32> to vector<16xi32>
      %swap3A_713 = vector.shape_cast %add3A_707 : vector<16xi32> to vector<1x16xi32>
      tpu.vector_store %arg7[%swap3A_709, %swap3A_710], %swap3A_713 {strides = array<i32>} : memref<7x128xi32, #tpu.memory_space<vmem>>, vector<1x16xi32>,
      %get3A_714 = arith.constant 5 : i32
      %get3A_715 = arith.index_cast %get3A_714 : i32 to index
      %get3A_716 = arith.constant 64 : index
      %get3A_717 = tpu.vector_load %arg7[%get3A_715, %get3A_716] {strides = array<i32>} : memref<7x128xi32, #tpu.memory_space<vmem>>, vector<1x16xi32>,
      %get3A_718 = vector.shape_cast %get3A_717 : vector<1x16xi32> to vector<16xi32>
      %mul3A_719 = arith.constant 2 : i32
      %mul3A_720 = vector.broadcast %mul3A_719 : i32 to vector<16xi32>
      %mul3A_721 = arith.muli %get3A_718, %mul3A_720 : vector<16xi32>
      %add3A_722 = vector.broadcast %arg0 : i32 to vector<16xi32>
      %add3A_723 = arith.addi %mul3A_721, %add3A_722 : vector<16xi32>
      %swap3A_724 = arith.constant 5 : i32
      %swap3A_725 = arith.index_cast %swap3A_724 : i32 to index
      %swap3A_726 = arith.constant 64 : index
      %swap3A_727 = tpu.vector_load %arg7[%swap3A_725, %swap3A_726] {strides = array<i32>} : memref<7x128xi32, #tpu.memory_space<vmem>>, vector<1x16xi32>,
      %swap3A_728 = vector.shape_cast %swap3A_727 : vector<1x16xi32> to vector<16xi32>
      %swap3A_729 = vector.shape_cast %add3A_723 : vector<16xi32> to vector<1x16xi32>
      tpu.vector_store %arg7[%swap3A_725, %swap3A_726], %swap3A_729 {strides = array<i32>} : memref<7x128xi32, #tpu.memory_space<vmem>>, vector<1x16xi32>,
      %get3A_730 = arith.constant 5 : i32
      %get3A_731 = arith.index_cast %get3A_730 : i32 to index
      %get3A_732 = arith.constant 80 : index
      %get3A_733 = tpu.vector_load %arg7[%get3A_731, %get3A_732] {strides = array<i32>} : memref<7x128xi32, #tpu.memory_space<vmem>>, vector<1x16xi32>,
      %get3A_734 = vector.shape_cast %get3A_733 : vector<1x16xi32> to vector<16xi32>
      %mul3A_735 = arith.constant 2 : i32
      %mul3A_736 = vector.broadcast %mul3A_735 : i32 to vector<16xi32>
      %mul3A_737 = arith.muli %get3A_734, %mul3A_736 : vector<16xi32>
      %add3A_738 = vector.broadcast %arg0 : i32 to vector<16xi32>
      %add3A_739 = arith.addi %mul3A_737, %add3A_738 : vector<16xi32>
      %swap3A_740 = arith.constant 5 : i32
      %swap3A_741 = arith.index_cast %swap3A_740 : i32 to index
      %swap3A_742 = arith.constant 80 : index
      %swap3A_743 = tpu.vector_load %arg7[%swap3A_741, %swap3A_742] {strides = array<i32>} : memref<7x128xi32, #tpu.memory_space<vmem>>, vector<1x16xi32>,
      %swap3A_744 = vector.shape_cast %swap3A_743 : vector<1x16xi32> to vector<16xi32>
      %swap3A_745 = vector.shape_cast %add3A_739 : vector<16xi32> to vector<1x16xi32>
      tpu.vector_store %arg7[%swap3A_741, %swap3A_742], %swap3A_745 {strides = array<i32>} : memref<7x128xi32, #tpu.memory_space<vmem>>, vector<1x16xi32>,
      %get3A_746 = arith.constant 5 : i32
      %get3A_747 = arith.index_cast %get3A_746 : i32 to index
      %get3A_748 = arith.constant 96 : index
      %get3A_749 = tpu.vector_load %arg7[%get3A_747, %get3A_748] {strides = array<i32>} : memref<7x128xi32, #tpu.memory_space<vmem>>, vector<1x16xi32>,
      %get3A_750 = vector.shape_cast %get3A_749 : vector<1x16xi32> to vector<16xi32>
      %mul3A_751 = arith.constant 2 : i32
      %mul3A_752 = vector.broadcast %mul3A_751 : i32 to vector<16xi32>
      %mul3A_753 = arith.muli %get3A_750, %mul3A_752 : vector<16xi32>
      %add3A_754 = vector.broadcast %arg0 : i32 to vector<16xi32>
      %add3A_755 = arith.addi %mul3A_753, %add3A_754 : vector<16xi32>
      %swap3A_756 = arith.constant 5 : i32
      %swap3A_757 = arith.index_cast %swap3A_756 : i32 to index
      %swap3A_758 = arith.constant 96 : index
      %swap3A_759 = tpu.vector_load %arg7[%swap3A_757, %swap3A_758] {strides = array<i32>} : memref<7x128xi32, #tpu.memory_space<vmem>>, vector<1x16xi32>,
      %swap3A_760 = vector.shape_cast %swap3A_759 : vector<1x16xi32> to vector<16xi32>
      %swap3A_761 = vector.shape_cast %add3A_755 : vector<16xi32> to vector<1x16xi32>
      tpu.vector_store %arg7[%swap3A_757, %swap3A_758], %swap3A_761 {strides = array<i32>} : memref<7x128xi32, #tpu.memory_space<vmem>>, vector<1x16xi32>,
      %get3A_762 = arith.constant 5 : i32
      %get3A_763 = arith.index_cast %get3A_762 : i32 to index
      %get3A_764 = arith.constant 112 : index
      %get3A_765 = tpu.vector_load %arg7[%get3A_763, %get3A_764] {strides = array<i32>} : memref<7x128xi32, #tpu.memory_space<vmem>>, vector<1x16xi32>,
      %get3A_766 = vector.shape_cast %get3A_765 : vector<1x16xi32> to vector<16xi32>
      %mul3A_767 = arith.constant 2 : i32
      %mul3A_768 = vector.broadcast %mul3A_767 : i32 to vector<16xi32>
      %mul3A_769 = arith.muli %get3A_766, %mul3A_768 : vector<16xi32>
      %add3A_770 = vector.broadcast %arg0 : i32 to vector<16xi32>
      %add3A_771 = arith.addi %mul3A_769, %add3A_770 : vector<16xi32>
      %swap3A_772 = arith.constant 5 : i32
      %swap3A_773 = arith.index_cast %swap3A_772 : i32 to index
      %swap3A_774 = arith.constant 112 : index
      %swap3A_775 = tpu.vector_load %arg7[%swap3A_773, %swap3A_774] {strides = array<i32>} : memref<7x128xi32, #tpu.memory_space<vmem>>, vector<1x16xi32>,
      %swap3A_776 = vector.shape_cast %swap3A_775 : vector<1x16xi32> to vector<16xi32>
      %swap3A_777 = vector.shape_cast %add3A_771 : vector<16xi32> to vector<1x16xi32>
      tpu.vector_store %arg7[%swap3A_773, %swap3A_774], %swap3A_777 {strides = array<i32>} : memref<7x128xi32, #tpu.memory_space<vmem>>, vector<1x16xi32>,
      %get3A_778 = arith.constant 6 : i32
      %get3A_779 = arith.index_cast %get3A_778 : i32 to index
      %get3A_780 = arith.constant 0 : index
      %get3A_781 = tpu.vector_load %arg7[%get3A_779, %get3A_780] {strides = array<i32>} : memref<7x128xi32, #tpu.memory_space<vmem>>, vector<1x16xi32>,
      %get3A_782 = vector.shape_cast %get3A_781 : vector<1x16xi32> to vector<16xi32>
      %mul3A_783 = arith.constant 2 : i32
      %mul3A_784 = vector.broadcast %mul3A_783 : i32 to vector<16xi32>
      %mul3A_785 = arith.muli %get3A_782, %mul3A_784 : vector<16xi32>
      %add3A_786 = vector.broadcast %arg0 : i32 to vector<16xi32>
      %add3A_787 = arith.addi %mul3A_785, %add3A_786 : vector<16xi32>
      %swap3A_788 = arith.constant 6 : i32
      %swap3A_789 = arith.index_cast %swap3A_788 : i32 to index
      %swap3A_790 = arith.constant 0 : index
      %swap3A_791 = tpu.vector_load %arg7[%swap3A_789, %swap3A_790] {strides = array<i32>} : memref<7x128xi32, #tpu.memory_space<vmem>>, vector<1x16xi32>,
      %swap3A_792 = vector.shape_cast %swap3A_791 : vector<1x16xi32> to vector<16xi32>
      %swap3A_793 = vector.shape_cast %add3A_787 : vector<16xi32> to vector<1x16xi32>
      tpu.vector_store %arg7[%swap3A_789, %swap3A_790], %swap3A_793 {strides = array<i32>} : memref<7x128xi32, #tpu.memory_space<vmem>>, vector<1x16xi32>,
      %get3A_794 = arith.constant 6 : i32
      %get3A_795 = arith.index_cast %get3A_794 : i32 to index
      %get3A_796 = arith.constant 16 : index
      %get3A_797 = tpu.vector_load %arg7[%get3A_795, %get3A_796] {strides = array<i32>} : memref<7x128xi32, #tpu.memory_space<vmem>>, vector<1x16xi32>,
      %get3A_798 = vector.shape_cast %get3A_797 : vector<1x16xi32> to vector<16xi32>
      %mul3A_799 = arith.constant 2 : i32
      %mul3A_800 = vector.broadcast %mul3A_799 : i32 to vector<16xi32>
      %mul3A_801 = arith.muli %get3A_798, %mul3A_800 : vector<16xi32>
      %add3A_802 = vector.broadcast %arg0 : i32 to vector<16xi32>
      %add3A_803 = arith.addi %mul3A_801, %add3A_802 : vector<16xi32>
      %swap3A_804 = arith.constant 6 : i32
      %swap3A_805 = arith.index_cast %swap3A_804 : i32 to index
      %swap3A_806 = arith.constant 16 : index
      %swap3A_807 = tpu.vector_load %arg7[%swap3A_805, %swap3A_806] {strides = array<i32>} : memref<7x128xi32, #tpu.memory_space<vmem>>, vector<1x16xi32>,
      %swap3A_808 = vector.shape_cast %swap3A_807 : vector<1x16xi32> to vector<16xi32>
      %swap3A_809 = vector.shape_cast %add3A_803 : vector<16xi32> to vector<1x16xi32>
      tpu.vector_store %arg7[%swap3A_805, %swap3A_806], %swap3A_809 {strides = array<i32>} : memref<7x128xi32, #tpu.memory_space<vmem>>, vector<1x16xi32>,
      %get3A_810 = arith.constant 6 : i32
      %get3A_811 = arith.index_cast %get3A_810 : i32 to index
      %get3A_812 = arith.constant 32 : index
      %get3A_813 = tpu.vector_load %arg7[%get3A_811, %get3A_812] {strides = array<i32>} : memref<7x128xi32, #tpu.memory_space<vmem>>, vector<1x16xi32>,
      %get3A_814 = vector.shape_cast %get3A_813 : vector<1x16xi32> to vector<16xi32>
      %mul3A_815 = arith.constant 2 : i32
      %mul3A_816 = vector.broadcast %mul3A_815 : i32 to vector<16xi32>
      %mul3A_817 = arith.muli %get3A_814, %mul3A_816 : vector<16xi32>
      %add3A_818 = vector.broadcast %arg0 : i32 to vector<16xi32>
      %add3A_819 = arith.addi %mul3A_817, %add3A_818 : vector<16xi32>
      %swap3A_820 = arith.constant 6 : i32
      %swap3A_821 = arith.index_cast %swap3A_820 : i32 to index
      %swap3A_822 = arith.constant 32 : index
      %swap3A_823 = tpu.vector_load %arg7[%swap3A_821, %swap3A_822] {strides = array<i32>} : memref<7x128xi32, #tpu.memory_space<vmem>>, vector<1x16xi32>,
      %swap3A_824 = vector.shape_cast %swap3A_823 : vector<1x16xi32> to vector<16xi32>
      %swap3A_825 = vector.shape_cast %add3A_819 : vector<16xi32> to vector<1x16xi32>
      tpu.vector_store %arg7[%swap3A_821, %swap3A_822], %swap3A_825 {strides = array<i32>} : memref<7x128xi32, #tpu.memory_space<vmem>>, vector<1x16xi32>,
      %get3A_826 = arith.constant 6 : i32
      %get3A_827 = arith.index_cast %get3A_826 : i32 to index
      %get3A_828 = arith.constant 48 : index
      %get3A_829 = tpu.vector_load %arg7[%get3A_827, %get3A_828] {strides = array<i32>} : memref<7x128xi32, #tpu.memory_space<vmem>>, vector<1x16xi32>,
      %get3A_830 = vector.shape_cast %get3A_829 : vector<1x16xi32> to vector<16xi32>
      %mul3A_831 = arith.constant 2 : i32
      %mul3A_832 = vector.broadcast %mul3A_831 : i32 to vector<16xi32>
      %mul3A_833 = arith.muli %get3A_830, %mul3A_832 : vector<16xi32>
      %add3A_834 = vector.broadcast %arg0 : i32 to vector<16xi32>
      %add3A_835 = arith.addi %mul3A_833, %add3A_834 : vector<16xi32>
      %swap3A_836 = arith.constant 6 : i32
      %swap3A_837 = arith.index_cast %swap3A_836 : i32 to index
      %swap3A_838 = arith.constant 48 : index
      %swap3A_839 = tpu.vector_load %arg7[%swap3A_837, %swap3A_838] {strides = array<i32>} : memref<7x128xi32, #tpu.memory_space<vmem>>, vector<1x16xi32>,
      %swap3A_840 = vector.shape_cast %swap3A_839 : vector<1x16xi32> to vector<16xi32>
      %swap3A_841 = vector.shape_cast %add3A_835 : vector<16xi32> to vector<1x16xi32>
      tpu.vector_store %arg7[%swap3A_837, %swap3A_838], %swap3A_841 {strides = array<i32>} : memref<7x128xi32, #tpu.memory_space<vmem>>, vector<1x16xi32>,
      %get3A_842 = arith.constant 6 : i32
      %get3A_843 = arith.index_cast %get3A_842 : i32 to index
      %get3A_844 = arith.constant 64 : index
      %get3A_845 = tpu.vector_load %arg7[%get3A_843, %get3A_844] {strides = array<i32>} : memref<7x128xi32, #tpu.memory_space<vmem>>, vector<1x16xi32>,
      %get3A_846 = vector.shape_cast %get3A_845 : vector<1x16xi32> to vector<16xi32>
      %mul3A_847 = arith.constant 2 : i32
      %mul3A_848 = vector.broadcast %mul3A_847 : i32 to vector<16xi32>
      %mul3A_849 = arith.muli %get3A_846, %mul3A_848 : vector<16xi32>
      %add3A_850 = vector.broadcast %arg0 : i32 to vector<16xi32>
      %add3A_851 = arith.addi %mul3A_849, %add3A_850 : vector<16xi32>
      %swap3A_852 = arith.constant 6 : i32
      %swap3A_853 = arith.index_cast %swap3A_852 : i32 to index
      %swap3A_854 = arith.constant 64 : index
      %swap3A_855 = tpu.vector_load %arg7[%swap3A_853, %swap3A_854] {strides = array<i32>} : memref<7x128xi32, #tpu.memory_space<vmem>>, vector<1x16xi32>,
      %swap3A_856 = vector.shape_cast %swap3A_855 : vector<1x16xi32> to vector<16xi32>
      %swap3A_857 = vector.shape_cast %add3A_851 : vector<16xi32> to vector<1x16xi32>
      tpu.vector_store %arg7[%swap3A_853, %swap3A_854], %swap3A_857 {strides = array<i32>} : memref<7x128xi32, #tpu.memory_space<vmem>>, vector<1x16xi32>,
      %get3A_858 = arith.constant 6 : i32
      %get3A_859 = arith.index_cast %get3A_858 : i32 to index
      %get3A_860 = arith.constant 80 : index
      %get3A_861 = tpu.vector_load %arg7[%get3A_859, %get3A_860] {strides = array<i32>} : memref<7x128xi32, #tpu.memory_space<vmem>>, vector<1x16xi32>,
      %get3A_862 = vector.shape_cast %get3A_861 : vector<1x16xi32> to vector<16xi32>
      %mul3A_863 = arith.constant 2 : i32
      %mul3A_864 = vector.broadcast %mul3A_863 : i32 to vector<16xi32>
      %mul3A_865 = arith.muli %get3A_862, %mul3A_864 : vector<16xi32>
      %add3A_866 = vector.broadcast %arg0 : i32 to vector<16xi32>
      %add3A_867 = arith.addi %mul3A_865, %add3A_866 : vector<16xi32>
      %swap3A_868 = arith.constant 6 : i32
      %swap3A_869 = arith.index_cast %swap3A_868 : i32 to index
      %swap3A_870 = arith.constant 80 : index
      %swap3A_871 = tpu.vector_load %arg7[%swap3A_869, %swap3A_870] {strides = array<i32>} : memref<7x128xi32, #tpu.memory_space<vmem>>, vector<1x16xi32>,
      %swap3A_872 = vector.shape_cast %swap3A_871 : vector<1x16xi32> to vector<16xi32>
      %swap3A_873 = vector.shape_cast %add3A_867 : vector<16xi32> to vector<1x16xi32>
      tpu.vector_store %arg7[%swap3A_869, %swap3A_870], %swap3A_873 {strides = array<i32>} : memref<7x128xi32, #tpu.memory_space<vmem>>, vector<1x16xi32>,
      %get3A_874 = arith.constant 6 : i32
      %get3A_875 = arith.index_cast %get3A_874 : i32 to index
      %get3A_876 = arith.constant 96 : index
      %get3A_877 = tpu.vector_load %arg7[%get3A_875, %get3A_876] {strides = array<i32>} : memref<7x128xi32, #tpu.memory_space<vmem>>, vector<1x16xi32>,
      %get3A_878 = vector.shape_cast %get3A_877 : vector<1x16xi32> to vector<16xi32>
      %mul3A_879 = arith.constant 2 : i32
      %mul3A_880 = vector.broadcast %mul3A_879 : i32 to vector<16xi32>
      %mul3A_881 = arith.muli %get3A_878, %mul3A_880 : vector<16xi32>
      %add3A_882 = vector.broadcast %arg0 : i32 to vector<16xi32>
      %add3A_883 = arith.addi %mul3A_881, %add3A_882 : vector<16xi32>
      %swap3A_884 = arith.constant 6 : i32
      %swap3A_885 = arith.index_cast %swap3A_884 : i32 to index
      %swap3A_886 = arith.constant 96 : index
      %swap3A_887 = tpu.vector_load %arg7[%swap3A_885, %swap3A_886] {strides = array<i32>} : memref<7x128xi32, #tpu.memory_space<vmem>>, vector<1x16xi32>,
      %swap3A_888 = vector.shape_cast %swap3A_887 : vector<1x16xi32> to vector<16xi32>
      %swap3A_889 = vector.shape_cast %add3A_883 : vector<16xi32> to vector<1x16xi32>
      tpu.vector_store %arg7[%swap3A_885, %swap3A_886], %swap3A_889 {strides = array<i32>} : memref<7x128xi32, #tpu.memory_space<vmem>>, vector<1x16xi32>,
      %get3A_890 = arith.constant 6 : i32
      %get3A_891 = arith.index_cast %get3A_890 : i32 to index
      %get3A_892 = arith.constant 112 : index
      %get3A_893 = tpu.vector_load %arg7[%get3A_891, %get3A_892] {strides = array<i32>} : memref<7x128xi32, #tpu.memory_space<vmem>>, vector<1x16xi32>,
      %get3A_894 = vector.shape_cast %get3A_893 : vector<1x16xi32> to vector<16xi32>
      %mul3A_895 = arith.constant 2 : i32
      %mul3A_896 = vector.broadcast %mul3A_895 : i32 to vector<16xi32>
      %mul3A_897 = arith.muli %get3A_894, %mul3A_896 : vector<16xi32>
      %add3A_898 = vector.broadcast %arg0 : i32 to vector<16xi32>
      %add3A_899 = arith.addi %mul3A_897, %add3A_898 : vector<16xi32>
      %swap3A_900 = arith.constant 6 : i32
      %swap3A_901 = arith.index_cast %swap3A_900 : i32 to index
      %swap3A_902 = arith.constant 112 : index
      %swap3A_903 = tpu.vector_load %arg7[%swap3A_901, %swap3A_902] {strides = array<i32>} : memref<7x128xi32, #tpu.memory_space<vmem>>, vector<1x16xi32>,
      %swap3A_904 = vector.shape_cast %swap3A_903 : vector<1x16xi32> to vector<16xi32>
      %swap3A_905 = vector.shape_cast %add3A_899 : vector<16xi32> to vector<1x16xi32>
      tpu.vector_store %arg7[%swap3A_901, %swap3A_902], %swap3A_905 {strides = array<i32>} : memref<7x128xi32, #tpu.memory_space<vmem>>, vector<1x16xi32>,
      %dma_start3A = arith.constant 0 : i32
      %dma_start3A_906 = arith.constant 0 : i32
      %dma_start3A_907 = arith.constant 0 : i32
      %dma_start3A_908 = arith.constant 0 : i32
      %dma_start3A_909 = tpu.memref_slice %arg9[%dma_start3A_906, %dma_start3A_907, %dma_start3A_908] : memref<7x128x32xf32, #tpu.memory_space<vmem>> -> memref<1x128x32xf32, #tpu.memory_space<vmem>>
      %dma_start3A_910 = tpu.memref_squeeze %dma_start3A_909 : memref<1x128x32xf32, #tpu.memory_space<vmem>> -> memref<128x32xf32, #tpu.memory_space<vmem>>
      %dma_start3A_911 = arith.constant 0 : i32
      %dma_start3A_912 = tpu.memref_slice %arg7[%dma_start3A, %dma_start3A_911] : memref<7x128xi32, #tpu.memory_space<vmem>> -> memref<1x128xi32, #tpu.memory_space<vmem>>
      %dma_start3A_913 = tpu.memref_squeeze %dma_start3A_912 : memref<1x128xi32, #tpu.memory_space<vmem>> -> memref<128xi32, #tpu.memory_space<vmem>>
      %dma_start3A_914 = arith.constant 0 : i32
      %dma_start3A_915 = arith.constant 0 : i32
      %dma_start3A_916 = tpu.memref_slice %arg2[%dma_start3A_914, %dma_start3A_915] : memref<100000x32xf32, #tpu.memory_space<hbm>> -> memref<100000x32xf32, #tpu.memory_space<hbm>>
      tpu.enqueue_indirect_dma source(%dma_start3A_916 : memref<100000x32xf32, #tpu.memory_space<hbm>>) target(%dma_start3A_910 : memref<128x32xf32, #tpu.memory_space<vmem>>) offsets(%dma_start3A_913 : memref<128xi32, #tpu.memory_space<vmem>>) semaphore(%arg11 : memref<!tpu.dma_semaphore, #tpu.memory_space<semaphore_mem>>)
      %dma_start3A_917 = arith.constant 1 : i32
      %dma_start3A_918 = arith.constant 1 : i32
      %dma_start3A_919 = arith.constant 0 : i32
      %dma_start3A_920 = arith.constant 0 : i32
      %dma_start3A_921 = tpu.memref_slice %arg9[%dma_start3A_918, %dma_start3A_919, %dma_start3A_920] : memref<7x128x32xf32, #tpu.memory_space<vmem>> -> memref<1x128x32xf32, #tpu.memory_space<vmem>>
      %dma_start3A_922 = tpu.memref_squeeze %dma_start3A_921 : memref<1x128x32xf32, #tpu.memory_space<vmem>> -> memref<128x32xf32, #tpu.memory_space<vmem>>
      %dma_start3A_923 = arith.constant 0 : i32
      %dma_start3A_924 = tpu.memref_slice %arg7[%dma_start3A_917, %dma_start3A_923] : memref<7x128xi32, #tpu.memory_space<vmem>> -> memref<1x128xi32, #tpu.memory_space<vmem>>
      %dma_start3A_925 = tpu.memref_squeeze %dma_start3A_924 : memref<1x128xi32, #tpu.memory_space<vmem>> -> memref<128xi32, #tpu.memory_space<vmem>>
      %dma_start3A_926 = arith.constant 0 : i32
      %dma_start3A_927 = arith.constant 0 : i32
      %dma_start3A_928 = tpu.memref_slice %arg2[%dma_start3A_926, %dma_start3A_927] : memref<100000x32xf32, #tpu.memory_space<hbm>> -> memref<100000x32xf32, #tpu.memory_space<hbm>>
      tpu.enqueue_indirect_dma source(%dma_start3A_928 : memref<100000x32xf32, #tpu.memory_space<hbm>>) target(%dma_start3A_922 : memref<128x32xf32, #tpu.memory_space<vmem>>) offsets(%dma_start3A_925 : memref<128xi32, #tpu.memory_space<vmem>>) semaphore(%arg11 : memref<!tpu.dma_semaphore, #tpu.memory_space<semaphore_mem>>)
      %dma_start3A_929 = arith.constant 2 : i32
      %dma_start3A_930 = arith.constant 2 : i32
      %dma_start3A_931 = arith.constant 0 : i32
      %dma_start3A_932 = arith.constant 0 : i32
      %dma_start3A_933 = tpu.memref_slice %arg9[%dma_start3A_930, %dma_start3A_931, %dma_start3A_932] : memref<7x128x32xf32, #tpu.memory_space<vmem>> -> memref<1x128x32xf32, #tpu.memory_space<vmem>>
      %dma_start3A_934 = tpu.memref_squeeze %dma_start3A_933 : memref<1x128x32xf32, #tpu.memory_space<vmem>> -> memref<128x32xf32, #tpu.memory_space<vmem>>
      %dma_start3A_935 = arith.constant 0 : i32
      %dma_start3A_936 = tpu.memref_slice %arg7[%dma_start3A_929, %dma_start3A_935] : memref<7x128xi32, #tpu.memory_space<vmem>> -> memref<1x128xi32, #tpu.memory_space<vmem>>
      %dma_start3A_937 = tpu.memref_squeeze %dma_start3A_936 : memref<1x128xi32, #tpu.memory_space<vmem>> -> memref<128xi32, #tpu.memory_space<vmem>>
      %dma_start3A_938 = arith.constant 0 : i32
      %dma_start3A_939 = arith.constant 0 : i32
      %dma_start3A_940 = tpu.memref_slice %arg2[%dma_start3A_938, %dma_start3A_939] : memref<100000x32xf32, #tpu.memory_space<hbm>> -> memref<100000x32xf32, #tpu.memory_space<hbm>>
      tpu.enqueue_indirect_dma source(%dma_start3A_940 : memref<100000x32xf32, #tpu.memory_space<hbm>>) target(%dma_start3A_934 : memref<128x32xf32, #tpu.memory_space<vmem>>) offsets(%dma_start3A_937 : memref<128xi32, #tpu.memory_space<vmem>>) semaphore(%arg11 : memref<!tpu.dma_semaphore, #tpu.memory_space<semaphore_mem>>)
      %dma_start3A_941 = arith.constant 3 : i32
      %dma_start3A_942 = arith.constant 3 : i32
      %dma_start3A_943 = arith.constant 0 : i32
      %dma_start3A_944 = arith.constant 0 : i32
      %dma_start3A_945 = tpu.memref_slice %arg9[%dma_start3A_942, %dma_start3A_943, %dma_start3A_944] : memref<7x128x32xf32, #tpu.memory_space<vmem>> -> memref<1x128x32xf32, #tpu.memory_space<vmem>>
      %dma_start3A_946 = tpu.memref_squeeze %dma_start3A_945 : memref<1x128x32xf32, #tpu.memory_space<vmem>> -> memref<128x32xf32, #tpu.memory_space<vmem>>
      %dma_start3A_947 = arith.constant 0 : i32
      %dma_start3A_948 = tpu.memref_slice %arg7[%dma_start3A_941, %dma_start3A_947] : memref<7x128xi32, #tpu.memory_space<vmem>> -> memref<1x128xi32, #tpu.memory_space<vmem>>
      %dma_start3A_949 = tpu.memref_squeeze %dma_start3A_948 : memref<1x128xi32, #tpu.memory_space<vmem>> -> memref<128xi32, #tpu.memory_space<vmem>>
      %dma_start3A_950 = arith.constant 0 : i32
      %dma_start3A_951 = arith.constant 0 : i32
      %dma_start3A_952 = tpu.memref_slice %arg2[%dma_start3A_950, %dma_start3A_951] : memref<100000x32xf32, #tpu.memory_space<hbm>> -> memref<100000x32xf32, #tpu.memory_space<hbm>>
      tpu.enqueue_indirect_dma source(%dma_start3A_952 : memref<100000x32xf32, #tpu.memory_space<hbm>>) target(%dma_start3A_946 : memref<128x32xf32, #tpu.memory_space<vmem>>) offsets(%dma_start3A_949 : memref<128xi32, #tpu.memory_space<vmem>>) semaphore(%arg11 : memref<!tpu.dma_semaphore, #tpu.memory_space<semaphore_mem>>)
      %dma_start3A_953 = arith.constant 4 : i32
      %dma_start3A_954 = arith.constant 4 : i32
      %dma_start3A_955 = arith.constant 0 : i32
      %dma_start3A_956 = arith.constant 0 : i32
      %dma_start3A_957 = tpu.memref_slice %arg9[%dma_start3A_954, %dma_start3A_955, %dma_start3A_956] : memref<7x128x32xf32, #tpu.memory_space<vmem>> -> memref<1x128x32xf32, #tpu.memory_space<vmem>>
      %dma_start3A_958 = tpu.memref_squeeze %dma_start3A_957 : memref<1x128x32xf32, #tpu.memory_space<vmem>> -> memref<128x32xf32, #tpu.memory_space<vmem>>
      %dma_start3A_959 = arith.constant 0 : i32
      %dma_start3A_960 = tpu.memref_slice %arg7[%dma_start3A_953, %dma_start3A_959] : memref<7x128xi32, #tpu.memory_space<vmem>> -> memref<1x128xi32, #tpu.memory_space<vmem>>
      %dma_start3A_961 = tpu.memref_squeeze %dma_start3A_960 : memref<1x128xi32, #tpu.memory_space<vmem>> -> memref<128xi32, #tpu.memory_space<vmem>>
      %dma_start3A_962 = arith.constant 0 : i32
      %dma_start3A_963 = arith.constant 0 : i32
      %dma_start3A_964 = tpu.memref_slice %arg2[%dma_start3A_962, %dma_start3A_963] : memref<100000x32xf32, #tpu.memory_space<hbm>> -> memref<100000x32xf32, #tpu.memory_space<hbm>>
      tpu.enqueue_indirect_dma source(%dma_start3A_964 : memref<100000x32xf32, #tpu.memory_space<hbm>>) target(%dma_start3A_958 : memref<128x32xf32, #tpu.memory_space<vmem>>) offsets(%dma_start3A_961 : memref<128xi32, #tpu.memory_space<vmem>>) semaphore(%arg11 : memref<!tpu.dma_semaphore, #tpu.memory_space<semaphore_mem>>)
      %dma_start3A_965 = arith.constant 5 : i32
      %dma_start3A_966 = arith.constant 5 : i32
      %dma_start3A_967 = arith.constant 0 : i32
      %dma_start3A_968 = arith.constant 0 : i32
      %dma_start3A_969 = tpu.memref_slice %arg9[%dma_start3A_966, %dma_start3A_967, %dma_start3A_968] : memref<7x128x32xf32, #tpu.memory_space<vmem>> -> memref<1x128x32xf32, #tpu.memory_space<vmem>>
      %dma_start3A_970 = tpu.memref_squeeze %dma_start3A_969 : memref<1x128x32xf32, #tpu.memory_space<vmem>> -> memref<128x32xf32, #tpu.memory_space<vmem>>
      %dma_start3A_971 = arith.constant 0 : i32
      %dma_start3A_972 = tpu.memref_slice %arg7[%dma_start3A_965, %dma_start3A_971] : memref<7x128xi32, #tpu.memory_space<vmem>> -> memref<1x128xi32, #tpu.memory_space<vmem>>
      %dma_start3A_973 = tpu.memref_squeeze %dma_start3A_972 : memref<1x128xi32, #tpu.memory_space<vmem>> -> memref<128xi32, #tpu.memory_space<vmem>>
      %dma_start3A_974 = arith.constant 0 : i32
      %dma_start3A_975 = arith.constant 0 : i32
      %dma_start3A_976 = tpu.memref_slice %arg2[%dma_start3A_974, %dma_start3A_975] : memref<100000x32xf32, #tpu.memory_space<hbm>> -> memref<100000x32xf32, #tpu.memory_space<hbm>>
      tpu.enqueue_indirect_dma source(%dma_start3A_976 : memref<100000x32xf32, #tpu.memory_space<hbm>>) target(%dma_start3A_970 : memref<128x32xf32, #tpu.memory_space<vmem>>) offsets(%dma_start3A_973 : memref<128xi32, #tpu.memory_space<vmem>>) semaphore(%arg11 : memref<!tpu.dma_semaphore, #tpu.memory_space<semaphore_mem>>)
      %dma_start3A_977 = arith.constant 6 : i32
      %dma_start3A_978 = arith.constant 6 : i32
      %dma_start3A_979 = arith.constant 0 : i32
      %dma_start3A_980 = arith.constant 0 : i32
      %dma_start3A_981 = tpu.memref_slice %arg9[%dma_start3A_978, %dma_start3A_979, %dma_start3A_980] : memref<7x128x32xf32, #tpu.memory_space<vmem>> -> memref<1x128x32xf32, #tpu.memory_space<vmem>>
      %dma_start3A_982 = tpu.memref_squeeze %dma_start3A_981 : memref<1x128x32xf32, #tpu.memory_space<vmem>> -> memref<128x32xf32, #tpu.memory_space<vmem>>
      %dma_start3A_983 = arith.constant 0 : i32
      %dma_start3A_984 = tpu.memref_slice %arg7[%dma_start3A_977, %dma_start3A_983] : memref<7x128xi32, #tpu.memory_space<vmem>> -> memref<1x128xi32, #tpu.memory_space<vmem>>
      %dma_start3A_985 = tpu.memref_squeeze %dma_start3A_984 : memref<1x128xi32, #tpu.memory_space<vmem>> -> memref<128xi32, #tpu.memory_space<vmem>>
      %dma_start3A_986 = arith.constant 0 : i32
      %dma_start3A_987 = arith.constant 0 : i32
      %dma_start3A_988 = tpu.memref_slice %arg2[%dma_start3A_986, %dma_start3A_987] : memref<100000x32xf32, #tpu.memory_space<hbm>> -> memref<100000x32xf32, #tpu.memory_space<hbm>>
      tpu.enqueue_indirect_dma source(%dma_start3A_988 : memref<100000x32xf32, #tpu.memory_space<hbm>>) target(%dma_start3A_982 : memref<128x32xf32, #tpu.memory_space<vmem>>) offsets(%dma_start3A_985 : memref<128xi32, #tpu.memory_space<vmem>>) semaphore(%arg11 : memref<!tpu.dma_semaphore, #tpu.memory_space<semaphore_mem>>)
      %dma_wait3A = arith.constant 0 : i32
      %dma_wait3A_989 = arith.constant 0 : i32
      %dma_wait3A_990 = arith.constant 0 : i32
      %dma_wait3A_991 = arith.constant 0 : i32
      %dma_wait3A_992 = tpu.memref_slice %arg9[%dma_wait3A_989, %dma_wait3A_990, %dma_wait3A_991] : memref<7x128x32xf32, #tpu.memory_space<vmem>> -> memref<1x128x32xf32, #tpu.memory_space<vmem>>
      %dma_wait3A_993 = tpu.memref_squeeze %dma_wait3A_992 : memref<1x128x32xf32, #tpu.memory_space<vmem>> -> memref<128x32xf32, #tpu.memory_space<vmem>>
      %dma_wait3A_994 = arith.constant 0 : i32
      %dma_wait3A_995 = tpu.memref_slice %arg7[%dma_wait3A, %dma_wait3A_994] : memref<7x128xi32, #tpu.memory_space<vmem>> -> memref<1x128xi32, #tpu.memory_space<vmem>>
      %dma_wait3A_996 = tpu.memref_squeeze %dma_wait3A_995 : memref<1x128xi32, #tpu.memory_space<vmem>> -> memref<128xi32, #tpu.memory_space<vmem>>
      %dma_wait3A_997 = arith.constant 0 : i32
      %dma_wait3A_998 = arith.constant 0 : i32
      %dma_wait3A_999 = tpu.memref_slice %arg2[%dma_wait3A_997, %dma_wait3A_998] : memref<100000x32xf32, #tpu.memory_space<hbm>> -> memref<100000x32xf32, #tpu.memory_space<hbm>>
      tpu.wait_indirect_dma semaphore(%arg11 : memref<!tpu.dma_semaphore, #tpu.memory_space<semaphore_mem>>) src(%dma_wait3A_999 : memref<100000x32xf32, #tpu.memory_space<hbm>>) dst(%dma_wait3A_993 : memref<128x32xf32, #tpu.memory_space<vmem>>)
      %dma_wait3A_1000 = arith.constant 1 : i32
      %dma_wait3A_1001 = arith.constant 1 : i32
      %dma_wait3A_1002 = arith.constant 0 : i32
      %dma_wait3A_1003 = arith.constant 0 : i32
      %dma_wait3A_1004 = tpu.memref_slice %arg9[%dma_wait3A_1001, %dma_wait3A_1002, %dma_wait3A_1003] : memref<7x128x32xf32, #tpu.memory_space<vmem>> -> memref<1x128x32xf32, #tpu.memory_space<vmem>>
      %dma_wait3A_1005 = tpu.memref_squeeze %dma_wait3A_1004 : memref<1x128x32xf32, #tpu.memory_space<vmem>> -> memref<128x32xf32, #tpu.memory_space<vmem>>
      %dma_wait3A_1006 = arith.constant 0 : i32
      %dma_wait3A_1007 = tpu.memref_slice %arg7[%dma_wait3A_1000, %dma_wait3A_1006] : memref<7x128xi32, #tpu.memory_space<vmem>> -> memref<1x128xi32, #tpu.memory_space<vmem>>
      %dma_wait3A_1008 = tpu.memref_squeeze %dma_wait3A_1007 : memref<1x128xi32, #tpu.memory_space<vmem>> -> memref<128xi32, #tpu.memory_space<vmem>>
      %dma_wait3A_1009 = arith.constant 0 : i32
      %dma_wait3A_1010 = arith.constant 0 : i32
      %dma_wait3A_1011 = tpu.memref_slice %arg2[%dma_wait3A_1009, %dma_wait3A_1010] : memref<100000x32xf32, #tpu.memory_space<hbm>> -> memref<100000x32xf32, #tpu.memory_space<hbm>>
      tpu.wait_indirect_dma semaphore(%arg11 : memref<!tpu.dma_semaphore, #tpu.memory_space<semaphore_mem>>) src(%dma_wait3A_1011 : memref<100000x32xf32, #tpu.memory_space<hbm>>) dst(%dma_wait3A_1005 : memref<128x32xf32, #tpu.memory_space<vmem>>)
      %dma_wait3A_1012 = arith.constant 2 : i32
      %dma_wait3A_1013 = arith.constant 2 : i32
      %dma_wait3A_1014 = arith.constant 0 : i32
      %dma_wait3A_1015 = arith.constant 0 : i32
      %dma_wait3A_1016 = tpu.memref_slice %arg9[%dma_wait3A_1013, %dma_wait3A_1014, %dma_wait3A_1015] : memref<7x128x32xf32, #tpu.memory_space<vmem>> -> memref<1x128x32xf32, #tpu.memory_space<vmem>>
      %dma_wait3A_1017 = tpu.memref_squeeze %dma_wait3A_1016 : memref<1x128x32xf32, #tpu.memory_space<vmem>> -> memref<128x32xf32, #tpu.memory_space<vmem>>
      %dma_wait3A_1018 = arith.constant 0 : i32
      %dma_wait3A_1019 = tpu.memref_slice %arg7[%dma_wait3A_1012, %dma_wait3A_1018] : memref<7x128xi32, #tpu.memory_space<vmem>> -> memref<1x128xi32, #tpu.memory_space<vmem>>
      %dma_wait3A_1020 = tpu.memref_squeeze %dma_wait3A_1019 : memref<1x128xi32, #tpu.memory_space<vmem>> -> memref<128xi32, #tpu.memory_space<vmem>>
      %dma_wait3A_1021 = arith.constant 0 : i32
      %dma_wait3A_1022 = arith.constant 0 : i32
      %dma_wait3A_1023 = tpu.memref_slice %arg2[%dma_wait3A_1021, %dma_wait3A_1022] : memref<100000x32xf32, #tpu.memory_space<hbm>> -> memref<100000x32xf32, #tpu.memory_space<hbm>>
      tpu.wait_indirect_dma semaphore(%arg11 : memref<!tpu.dma_semaphore, #tpu.memory_space<semaphore_mem>>) src(%dma_wait3A_1023 : memref<100000x32xf32, #tpu.memory_space<hbm>>) dst(%dma_wait3A_1017 : memref<128x32xf32, #tpu.memory_space<vmem>>)
      %dma_wait3A_1024 = arith.constant 3 : i32
      %dma_wait3A_1025 = arith.constant 3 : i32
      %dma_wait3A_1026 = arith.constant 0 : i32
      %dma_wait3A_1027 = arith.constant 0 : i32
      %dma_wait3A_1028 = tpu.memref_slice %arg9[%dma_wait3A_1025, %dma_wait3A_1026, %dma_wait3A_1027] : memref<7x128x32xf32, #tpu.memory_space<vmem>> -> memref<1x128x32xf32, #tpu.memory_space<vmem>>
      %dma_wait3A_1029 = tpu.memref_squeeze %dma_wait3A_1028 : memref<1x128x32xf32, #tpu.memory_space<vmem>> -> memref<128x32xf32, #tpu.memory_space<vmem>>
      %dma_wait3A_1030 = arith.constant 0 : i32
      %dma_wait3A_1031 = tpu.memref_slice %arg7[%dma_wait3A_1024, %dma_wait3A_1030] : memref<7x128xi32, #tpu.memory_space<vmem>> -> memref<1x128xi32, #tpu.memory_space<vmem>>
      %dma_wait3A_1032 = tpu.memref_squeeze %dma_wait3A_1031 : memref<1x128xi32, #tpu.memory_space<vmem>> -> memref<128xi32, #tpu.memory_space<vmem>>
      %dma_wait3A_1033 = arith.constant 0 : i32
      %dma_wait3A_1034 = arith.constant 0 : i32
      %dma_wait3A_1035 = tpu.memref_slice %arg2[%dma_wait3A_1033, %dma_wait3A_1034] : memref<100000x32xf32, #tpu.memory_space<hbm>> -> memref<100000x32xf32, #tpu.memory_space<hbm>>
      tpu.wait_indirect_dma semaphore(%arg11 : memref<!tpu.dma_semaphore, #tpu.memory_space<semaphore_mem>>) src(%dma_wait3A_1035 : memref<100000x32xf32, #tpu.memory_space<hbm>>) dst(%dma_wait3A_1029 : memref<128x32xf32, #tpu.memory_space<vmem>>)
      %dma_wait3A_1036 = arith.constant 4 : i32
      %dma_wait3A_1037 = arith.constant 4 : i32
      %dma_wait3A_1038 = arith.constant 0 : i32
      %dma_wait3A_1039 = arith.constant 0 : i32
      %dma_wait3A_1040 = tpu.memref_slice %arg9[%dma_wait3A_1037, %dma_wait3A_1038, %dma_wait3A_1039] : memref<7x128x32xf32, #tpu.memory_space<vmem>> -> memref<1x128x32xf32, #tpu.memory_space<vmem>>
      %dma_wait3A_1041 = tpu.memref_squeeze %dma_wait3A_1040 : memref<1x128x32xf32, #tpu.memory_space<vmem>> -> memref<128x32xf32, #tpu.memory_space<vmem>>
      %dma_wait3A_1042 = arith.constant 0 : i32
      %dma_wait3A_1043 = tpu.memref_slice %arg7[%dma_wait3A_1036, %dma_wait3A_1042] : memref<7x128xi32, #tpu.memory_space<vmem>> -> memref<1x128xi32, #tpu.memory_space<vmem>>
      %dma_wait3A_1044 = tpu.memref_squeeze %dma_wait3A_1043 : memref<1x128xi32, #tpu.memory_space<vmem>> -> memref<128xi32, #tpu.memory_space<vmem>>
      %dma_wait3A_1045 = arith.constant 0 : i32
      %dma_wait3A_1046 = arith.constant 0 : i32
      %dma_wait3A_1047 = tpu.memref_slice %arg2[%dma_wait3A_1045, %dma_wait3A_1046] : memref<100000x32xf32, #tpu.memory_space<hbm>> -> memref<100000x32xf32, #tpu.memory_space<hbm>>
      tpu.wait_indirect_dma semaphore(%arg11 : memref<!tpu.dma_semaphore, #tpu.memory_space<semaphore_mem>>) src(%dma_wait3A_1047 : memref<100000x32xf32, #tpu.memory_space<hbm>>) dst(%dma_wait3A_1041 : memref<128x32xf32, #tpu.memory_space<vmem>>)
      %dma_wait3A_1048 = arith.constant 5 : i32
      %dma_wait3A_1049 = arith.constant 5 : i32
      %dma_wait3A_1050 = arith.constant 0 : i32
      %dma_wait3A_1051 = arith.constant 0 : i32
      %dma_wait3A_1052 = tpu.memref_slice %arg9[%dma_wait3A_1049, %dma_wait3A_1050, %dma_wait3A_1051] : memref<7x128x32xf32, #tpu.memory_space<vmem>> -> memref<1x128x32xf32, #tpu.memory_space<vmem>>
      %dma_wait3A_1053 = tpu.memref_squeeze %dma_wait3A_1052 : memref<1x128x32xf32, #tpu.memory_space<vmem>> -> memref<128x32xf32, #tpu.memory_space<vmem>>
      %dma_wait3A_1054 = arith.constant 0 : i32
      %dma_wait3A_1055 = tpu.memref_slice %arg7[%dma_wait3A_1048, %dma_wait3A_1054] : memref<7x128xi32, #tpu.memory_space<vmem>> -> memref<1x128xi32, #tpu.memory_space<vmem>>
      %dma_wait3A_1056 = tpu.memref_squeeze %dma_wait3A_1055 : memref<1x128xi32, #tpu.memory_space<vmem>> -> memref<128xi32, #tpu.memory_space<vmem>>
      %dma_wait3A_1057 = arith.constant 0 : i32
      %dma_wait3A_1058 = arith.constant 0 : i32
      %dma_wait3A_1059 = tpu.memref_slice %arg2[%dma_wait3A_1057, %dma_wait3A_1058] : memref<100000x32xf32, #tpu.memory_space<hbm>> -> memref<100000x32xf32, #tpu.memory_space<hbm>>
      tpu.wait_indirect_dma semaphore(%arg11 : memref<!tpu.dma_semaphore, #tpu.memory_space<semaphore_mem>>) src(%dma_wait3A_1059 : memref<100000x32xf32, #tpu.memory_space<hbm>>) dst(%dma_wait3A_1053 : memref<128x32xf32, #tpu.memory_space<vmem>>)
      %dma_wait3A_1060 = arith.constant 6 : i32
      %dma_wait3A_1061 = arith.constant 6 : i32
      %dma_wait3A_1062 = arith.constant 0 : i32
      %dma_wait3A_1063 = arith.constant 0 : i32
      %dma_wait3A_1064 = tpu.memref_slice %arg9[%dma_wait3A_1061, %dma_wait3A_1062, %dma_wait3A_1063] : memref<7x128x32xf32, #tpu.memory_space<vmem>> -> memref<1x128x32xf32, #tpu.memory_space<vmem>>
      %dma_wait3A_1065 = tpu.memref_squeeze %dma_wait3A_1064 : memref<1x128x32xf32, #tpu.memory_space<vmem>> -> memref<128x32xf32, #tpu.memory_space<vmem>>
      %dma_wait3A_1066 = arith.constant 0 : i32
      %dma_wait3A_1067 = tpu.memref_slice %arg7[%dma_wait3A_1060, %dma_wait3A_1066] : memref<7x128xi32, #tpu.memory_space<vmem>> -> memref<1x128xi32, #tpu.memory_space<vmem>>
      %dma_wait3A_1068 = tpu.memref_squeeze %dma_wait3A_1067 : memref<1x128xi32, #tpu.memory_space<vmem>> -> memref<128xi32, #tpu.memory_space<vmem>>
      %dma_wait3A_1069 = arith.constant 0 : i32
      %dma_wait3A_1070 = arith.constant 0 : i32
      %dma_wait3A_1071 = tpu.memref_slice %arg2[%dma_wait3A_1069, %dma_wait3A_1070] : memref<100000x32xf32, #tpu.memory_space<hbm>> -> memref<100000x32xf32, #tpu.memory_space<hbm>>
      tpu.wait_indirect_dma semaphore(%arg11 : memref<!tpu.dma_semaphore, #tpu.memory_space<semaphore_mem>>) src(%dma_wait3A_1071 : memref<100000x32xf32, #tpu.memory_space<hbm>>) dst(%dma_wait3A_1065 : memref<128x32xf32, #tpu.memory_space<vmem>>)
      %dma_start3A_1072 = arith.constant 0 : i32
      %dma_start3A_1073 = arith.constant 0 : i32
      %dma_start3A_1074 = arith.constant 0 : i32
      %dma_start3A_1075 = arith.constant 0 : i32
      %dma_start3A_1076 = tpu.memref_slice %arg9[%dma_start3A_1072, %dma_start3A_1074, %dma_start3A_1075] : memref<7x128x32xf32, #tpu.memory_space<vmem>> -> memref<1x128x32xf32, #tpu.memory_space<vmem>>
      %dma_start3A_1077 = tpu.memref_squeeze %dma_start3A_1076 : memref<1x128x32xf32, #tpu.memory_space<vmem>> -> memref<128x32xf32, #tpu.memory_space<vmem>>
      %dma_start3A_1078 = arith.constant 0 : i32
      %dma_start3A_1079 = tpu.memref_slice %arg8[%dma_start3A_1073, %dma_start3A_1078] : memref<7x128xi32, #tpu.memory_space<vmem>> -> memref<1x128xi32, #tpu.memory_space<vmem>>
      %dma_start3A_1080 = tpu.memref_squeeze %dma_start3A_1079 : memref<1x128xi32, #tpu.memory_space<vmem>> -> memref<128xi32, #tpu.memory_space<vmem>>
      %dma_start3A_1081 = arith.constant 0 : i32
      %dma_start3A_1082 = arith.constant 0 : i32
      %dma_start3A_1083 = tpu.memref_slice %arg10[%dma_start3A_1081, %dma_start3A_1082] : memref<50016x32xf32, #tpu.memory_space<vmem_shared>> -> memref<50016x32xf32, #tpu.memory_space<vmem_shared>>
      tpu.enqueue_indirect_dma source(%dma_start3A_1077 : memref<128x32xf32, #tpu.memory_space<vmem>>) target(%dma_start3A_1083 : memref<50016x32xf32, #tpu.memory_space<vmem_shared>>) offsets(%dma_start3A_1080 : memref<128xi32, #tpu.memory_space<vmem>>) semaphore(%arg12 : memref<!tpu.dma_semaphore, #tpu.memory_space<semaphore_mem>>) {add = true}
      %dma_start3A_1084 = arith.constant 1 : i32
      %dma_start3A_1085 = arith.constant 1 : i32
      %dma_start3A_1086 = arith.constant 0 : i32
      %dma_start3A_1087 = arith.constant 0 : i32
      %dma_start3A_1088 = tpu.memref_slice %arg9[%dma_start3A_1084, %dma_start3A_1086, %dma_start3A_1087] : memref<7x128x32xf32, #tpu.memory_space<vmem>> -> memref<1x128x32xf32, #tpu.memory_space<vmem>>
      %dma_start3A_1089 = tpu.memref_squeeze %dma_start3A_1088 : memref<1x128x32xf32, #tpu.memory_space<vmem>> -> memref<128x32xf32, #tpu.memory_space<vmem>>
      %dma_start3A_1090 = arith.constant 0 : i32
      %dma_start3A_1091 = tpu.memref_slice %arg8[%dma_start3A_1085, %dma_start3A_1090] : memref<7x128xi32, #tpu.memory_space<vmem>> -> memref<1x128xi32, #tpu.memory_space<vmem>>
      %dma_start3A_1092 = tpu.memref_squeeze %dma_start3A_1091 : memref<1x128xi32, #tpu.memory_space<vmem>> -> memref<128xi32, #tpu.memory_space<vmem>>
      %dma_start3A_1093 = arith.constant 0 : i32
      %dma_start3A_1094 = arith.constant 0 : i32
      %dma_start3A_1095 = tpu.memref_slice %arg10[%dma_start3A_1093, %dma_start3A_1094] : memref<50016x32xf32, #tpu.memory_space<vmem_shared>> -> memref<50016x32xf32, #tpu.memory_space<vmem_shared>>
      tpu.enqueue_indirect_dma source(%dma_start3A_1089 : memref<128x32xf32, #tpu.memory_space<vmem>>) target(%dma_start3A_1095 : memref<50016x32xf32, #tpu.memory_space<vmem_shared>>) offsets(%dma_start3A_1092 : memref<128xi32, #tpu.memory_space<vmem>>) semaphore(%arg12 : memref<!tpu.dma_semaphore, #tpu.memory_space<semaphore_mem>>) {add = true}
      %dma_start3A_1096 = arith.constant 2 : i32
      %dma_start3A_1097 = arith.constant 2 : i32
      %dma_start3A_1098 = arith.constant 0 : i32
      %dma_start3A_1099 = arith.constant 0 : i32
      %dma_start3A_1100 = tpu.memref_slice %arg9[%dma_start3A_1096, %dma_start3A_1098, %dma_start3A_1099] : memref<7x128x32xf32, #tpu.memory_space<vmem>> -> memref<1x128x32xf32, #tpu.memory_space<vmem>>
      %dma_start3A_1101 = tpu.memref_squeeze %dma_start3A_1100 : memref<1x128x32xf32, #tpu.memory_space<vmem>> -> memref<128x32xf32, #tpu.memory_space<vmem>>
      %dma_start3A_1102 = arith.constant 0 : i32
      %dma_start3A_1103 = tpu.memref_slice %arg8[%dma_start3A_1097, %dma_start3A_1102] : memref<7x128xi32, #tpu.memory_space<vmem>> -> memref<1x128xi32, #tpu.memory_space<vmem>>
      %dma_start3A_1104 = tpu.memref_squeeze %dma_start3A_1103 : memref<1x128xi32, #tpu.memory_space<vmem>> -> memref<128xi32, #tpu.memory_space<vmem>>
      %dma_start3A_1105 = arith.constant 0 : i32
      %dma_start3A_1106 = arith.constant 0 : i32
      %dma_start3A_1107 = tpu.memref_slice %arg10[%dma_start3A_1105, %dma_start3A_1106] : memref<50016x32xf32, #tpu.memory_space<vmem_shared>> -> memref<50016x32xf32, #tpu.memory_space<vmem_shared>>
      tpu.enqueue_indirect_dma source(%dma_start3A_1101 : memref<128x32xf32, #tpu.memory_space<vmem>>) target(%dma_start3A_1107 : memref<50016x32xf32, #tpu.memory_space<vmem_shared>>) offsets(%dma_start3A_1104 : memref<128xi32, #tpu.memory_space<vmem>>) semaphore(%arg12 : memref<!tpu.dma_semaphore, #tpu.memory_space<semaphore_mem>>) {add = true}
      %dma_start3A_1108 = arith.constant 3 : i32
      %dma_start3A_1109 = arith.constant 3 : i32
      %dma_start3A_1110 = arith.constant 0 : i32
      %dma_start3A_1111 = arith.constant 0 : i32
      %dma_start3A_1112 = tpu.memref_slice %arg9[%dma_start3A_1108, %dma_start3A_1110, %dma_start3A_1111] : memref<7x128x32xf32, #tpu.memory_space<vmem>> -> memref<1x128x32xf32, #tpu.memory_space<vmem>>
      %dma_start3A_1113 = tpu.memref_squeeze %dma_start3A_1112 : memref<1x128x32xf32, #tpu.memory_space<vmem>> -> memref<128x32xf32, #tpu.memory_space<vmem>>
      %dma_start3A_1114 = arith.constant 0 : i32
      %dma_start3A_1115 = tpu.memref_slice %arg8[%dma_start3A_1109, %dma_start3A_1114] : memref<7x128xi32, #tpu.memory_space<vmem>> -> memref<1x128xi32, #tpu.memory_space<vmem>>
      %dma_start3A_1116 = tpu.memref_squeeze %dma_start3A_1115 : memref<1x128xi32, #tpu.memory_space<vmem>> -> memref<128xi32, #tpu.memory_space<vmem>>
      %dma_start3A_1117 = arith.constant 0 : i32
      %dma_start3A_1118 = arith.constant 0 : i32
      %dma_start3A_1119 = tpu.memref_slice %arg10[%dma_start3A_1117, %dma_start3A_1118] : memref<50016x32xf32, #tpu.memory_space<vmem_shared>> -> memref<50016x32xf32, #tpu.memory_space<vmem_shared>>
      tpu.enqueue_indirect_dma source(%dma_start3A_1113 : memref<128x32xf32, #tpu.memory_space<vmem>>) target(%dma_start3A_1119 : memref<50016x32xf32, #tpu.memory_space<vmem_shared>>) offsets(%dma_start3A_1116 : memref<128xi32, #tpu.memory_space<vmem>>) semaphore(%arg12 : memref<!tpu.dma_semaphore, #tpu.memory_space<semaphore_mem>>) {add = true}
      %dma_start3A_1120 = arith.constant 4 : i32
      %dma_start3A_1121 = arith.constant 4 : i32
      %dma_start3A_1122 = arith.constant 0 : i32
      %dma_start3A_1123 = arith.constant 0 : i32
      %dma_start3A_1124 = tpu.memref_slice %arg9[%dma_start3A_1120, %dma_start3A_1122, %dma_start3A_1123] : memref<7x128x32xf32, #tpu.memory_space<vmem>> -> memref<1x128x32xf32, #tpu.memory_space<vmem>>
      %dma_start3A_1125 = tpu.memref_squeeze %dma_start3A_1124 : memref<1x128x32xf32, #tpu.memory_space<vmem>> -> memref<128x32xf32, #tpu.memory_space<vmem>>
      %dma_start3A_1126 = arith.constant 0 : i32
      %dma_start3A_1127 = tpu.memref_slice %arg8[%dma_start3A_1121, %dma_start3A_1126] : memref<7x128xi32, #tpu.memory_space<vmem>> -> memref<1x128xi32, #tpu.memory_space<vmem>>
      %dma_start3A_1128 = tpu.memref_squeeze %dma_start3A_1127 : memref<1x128xi32, #tpu.memory_space<vmem>> -> memref<128xi32, #tpu.memory_space<vmem>>
      %dma_start3A_1129 = arith.constant 0 : i32
      %dma_start3A_1130 = arith.constant 0 : i32
      %dma_start3A_1131 = tpu.memref_slice %arg10[%dma_start3A_1129, %dma_start3A_1130] : memref<50016x32xf32, #tpu.memory_space<vmem_shared>> -> memref<50016x32xf32, #tpu.memory_space<vmem_shared>>
      tpu.enqueue_indirect_dma source(%dma_start3A_1125 : memref<128x32xf32, #tpu.memory_space<vmem>>) target(%dma_start3A_1131 : memref<50016x32xf32, #tpu.memory_space<vmem_shared>>) offsets(%dma_start3A_1128 : memref<128xi32, #tpu.memory_space<vmem>>) semaphore(%arg12 : memref<!tpu.dma_semaphore, #tpu.memory_space<semaphore_mem>>) {add = true}
      %dma_start3A_1132 = arith.constant 5 : i32
      %dma_start3A_1133 = arith.constant 5 : i32
      %dma_start3A_1134 = arith.constant 0 : i32
      %dma_start3A_1135 = arith.constant 0 : i32
      %dma_start3A_1136 = tpu.memref_slice %arg9[%dma_start3A_1132, %dma_start3A_1134, %dma_start3A_1135] : memref<7x128x32xf32, #tpu.memory_space<vmem>> -> memref<1x128x32xf32, #tpu.memory_space<vmem>>
      %dma_start3A_1137 = tpu.memref_squeeze %dma_start3A_1136 : memref<1x128x32xf32, #tpu.memory_space<vmem>> -> memref<128x32xf32, #tpu.memory_space<vmem>>
      %dma_start3A_1138 = arith.constant 0 : i32
      %dma_start3A_1139 = tpu.memref_slice %arg8[%dma_start3A_1133, %dma_start3A_1138] : memref<7x128xi32, #tpu.memory_space<vmem>> -> memref<1x128xi32, #tpu.memory_space<vmem>>
      %dma_start3A_1140 = tpu.memref_squeeze %dma_start3A_1139 : memref<1x128xi32, #tpu.memory_space<vmem>> -> memref<128xi32, #tpu.memory_space<vmem>>
      %dma_start3A_1141 = arith.constant 0 : i32
      %dma_start3A_1142 = arith.constant 0 : i32
      %dma_start3A_1143 = tpu.memref_slice %arg10[%dma_start3A_1141, %dma_start3A_1142] : memref<50016x32xf32, #tpu.memory_space<vmem_shared>> -> memref<50016x32xf32, #tpu.memory_space<vmem_shared>>
      tpu.enqueue_indirect_dma source(%dma_start3A_1137 : memref<128x32xf32, #tpu.memory_space<vmem>>) target(%dma_start3A_1143 : memref<50016x32xf32, #tpu.memory_space<vmem_shared>>) offsets(%dma_start3A_1140 : memref<128xi32, #tpu.memory_space<vmem>>) semaphore(%arg12 : memref<!tpu.dma_semaphore, #tpu.memory_space<semaphore_mem>>) {add = true}
      %dma_start3A_1144 = arith.constant 6 : i32
      %dma_start3A_1145 = arith.constant 6 : i32
      %dma_start3A_1146 = arith.constant 0 : i32
      %dma_start3A_1147 = arith.constant 0 : i32
      %dma_start3A_1148 = tpu.memref_slice %arg9[%dma_start3A_1144, %dma_start3A_1146, %dma_start3A_1147] : memref<7x128x32xf32, #tpu.memory_space<vmem>> -> memref<1x128x32xf32, #tpu.memory_space<vmem>>
      %dma_start3A_1149 = tpu.memref_squeeze %dma_start3A_1148 : memref<1x128x32xf32, #tpu.memory_space<vmem>> -> memref<128x32xf32, #tpu.memory_space<vmem>>
      %dma_start3A_1150 = arith.constant 0 : i32
      %dma_start3A_1151 = tpu.memref_slice %arg8[%dma_start3A_1145, %dma_start3A_1150] : memref<7x128xi32, #tpu.memory_space<vmem>> -> memref<1x128xi32, #tpu.memory_space<vmem>>
      %dma_start3A_1152 = tpu.memref_squeeze %dma_start3A_1151 : memref<1x128xi32, #tpu.memory_space<vmem>> -> memref<128xi32, #tpu.memory_space<vmem>>
      %dma_start3A_1153 = arith.constant 0 : i32
      %dma_start3A_1154 = arith.constant 0 : i32
      %dma_start3A_1155 = tpu.memref_slice %arg10[%dma_start3A_1153, %dma_start3A_1154] : memref<50016x32xf32, #tpu.memory_space<vmem_shared>> -> memref<50016x32xf32, #tpu.memory_space<vmem_shared>>
      tpu.enqueue_indirect_dma source(%dma_start3A_1149 : memref<128x32xf32, #tpu.memory_space<vmem>>) target(%dma_start3A_1155 : memref<50016x32xf32, #tpu.memory_space<vmem_shared>>) offsets(%dma_start3A_1152 : memref<128xi32, #tpu.memory_space<vmem>>) semaphore(%arg12 : memref<!tpu.dma_semaphore, #tpu.memory_space<semaphore_mem>>) {add = true}
      %dma_wait3A_1156 = arith.constant 0 : i32
      %dma_wait3A_1157 = arith.constant 0 : i32
      %dma_wait3A_1158 = arith.constant 0 : i32
      %dma_wait3A_1159 = arith.constant 0 : i32
      %dma_wait3A_1160 = tpu.memref_slice %arg9[%dma_wait3A_1156, %dma_wait3A_1158, %dma_wait3A_1159] : memref<7x128x32xf32, #tpu.memory_space<vmem>> -> memref<1x128x32xf32, #tpu.memory_space<vmem>>
      %dma_wait3A_1161 = tpu.memref_squeeze %dma_wait3A_1160 : memref<1x128x32xf32, #tpu.memory_space<vmem>> -> memref<128x32xf32, #tpu.memory_space<vmem>>
      %dma_wait3A_1162 = arith.constant 0 : i32
      %dma_wait3A_1163 = tpu.memref_slice %arg8[%dma_wait3A_1157, %dma_wait3A_1162] : memref<7x128xi32, #tpu.memory_space<vmem>> -> memref<1x128xi32, #tpu.memory_space<vmem>>
      %dma_wait3A_1164 = tpu.memref_squeeze %dma_wait3A_1163 : memref<1x128xi32, #tpu.memory_space<vmem>> -> memref<128xi32, #tpu.memory_space<vmem>>
      %dma_wait3A_1165 = arith.constant 0 : i32
      %dma_wait3A_1166 = arith.constant 0 : i32
      %dma_wait3A_1167 = tpu.memref_slice %arg10[%dma_wait3A_1165, %dma_wait3A_1166] : memref<50016x32xf32, #tpu.memory_space<vmem_shared>> -> memref<50016x32xf32, #tpu.memory_space<vmem_shared>>
      tpu.wait_indirect_dma semaphore(%arg12 : memref<!tpu.dma_semaphore, #tpu.memory_space<semaphore_mem>>) src(%dma_wait3A_1161 : memref<128x32xf32, #tpu.memory_space<vmem>>) dst(%dma_wait3A_1167 : memref<50016x32xf32, #tpu.memory_space<vmem_shared>>)
      %dma_wait3A_1168 = arith.constant 1 : i32
      %dma_wait3A_1169 = arith.constant 1 : i32
      %dma_wait3A_1170 = arith.constant 0 : i32
      %dma_wait3A_1171 = arith.constant 0 : i32
      %dma_wait3A_1172 = tpu.memref_slice %arg9[%dma_wait3A_1168, %dma_wait3A_1170, %dma_wait3A_1171] : memref<7x128x32xf32, #tpu.memory_space<vmem>> -> memref<1x128x32xf32, #tpu.memory_space<vmem>>
      %dma_wait3A_1173 = tpu.memref_squeeze %dma_wait3A_1172 : memref<1x128x32xf32, #tpu.memory_space<vmem>> -> memref<128x32xf32, #tpu.memory_space<vmem>>
      %dma_wait3A_1174 = arith.constant 0 : i32
      %dma_wait3A_1175 = tpu.memref_slice %arg8[%dma_wait3A_1169, %dma_wait3A_1174] : memref<7x128xi32, #tpu.memory_space<vmem>> -> memref<1x128xi32, #tpu.memory_space<vmem>>
      %dma_wait3A_1176 = tpu.memref_squeeze %dma_wait3A_1175 : memref<1x128xi32, #tpu.memory_space<vmem>> -> memref<128xi32, #tpu.memory_space<vmem>>
      %dma_wait3A_1177 = arith.constant 0 : i32
      %dma_wait3A_1178 = arith.constant 0 : i32
      %dma_wait3A_1179 = tpu.memref_slice %arg10[%dma_wait3A_1177, %dma_wait3A_1178] : memref<50016x32xf32, #tpu.memory_space<vmem_shared>> -> memref<50016x32xf32, #tpu.memory_space<vmem_shared>>
      tpu.wait_indirect_dma semaphore(%arg12 : memref<!tpu.dma_semaphore, #tpu.memory_space<semaphore_mem>>) src(%dma_wait3A_1173 : memref<128x32xf32, #tpu.memory_space<vmem>>) dst(%dma_wait3A_1179 : memref<50016x32xf32, #tpu.memory_space<vmem_shared>>)
      %dma_wait3A_1180 = arith.constant 2 : i32
      %dma_wait3A_1181 = arith.constant 2 : i32
      %dma_wait3A_1182 = arith.constant 0 : i32
      %dma_wait3A_1183 = arith.constant 0 : i32
      %dma_wait3A_1184 = tpu.memref_slice %arg9[%dma_wait3A_1180, %dma_wait3A_1182, %dma_wait3A_1183] : memref<7x128x32xf32, #tpu.memory_space<vmem>> -> memref<1x128x32xf32, #tpu.memory_space<vmem>>
      %dma_wait3A_1185 = tpu.memref_squeeze %dma_wait3A_1184 : memref<1x128x32xf32, #tpu.memory_space<vmem>> -> memref<128x32xf32, #tpu.memory_space<vmem>>
      %dma_wait3A_1186 = arith.constant 0 : i32
      %dma_wait3A_1187 = tpu.memref_slice %arg8[%dma_wait3A_1181, %dma_wait3A_1186] : memref<7x128xi32, #tpu.memory_space<vmem>> -> memref<1x128xi32, #tpu.memory_space<vmem>>
      %dma_wait3A_1188 = tpu.memref_squeeze %dma_wait3A_1187 : memref<1x128xi32, #tpu.memory_space<vmem>> -> memref<128xi32, #tpu.memory_space<vmem>>
      %dma_wait3A_1189 = arith.constant 0 : i32
      %dma_wait3A_1190 = arith.constant 0 : i32
      %dma_wait3A_1191 = tpu.memref_slice %arg10[%dma_wait3A_1189, %dma_wait3A_1190] : memref<50016x32xf32, #tpu.memory_space<vmem_shared>> -> memref<50016x32xf32, #tpu.memory_space<vmem_shared>>
      tpu.wait_indirect_dma semaphore(%arg12 : memref<!tpu.dma_semaphore, #tpu.memory_space<semaphore_mem>>) src(%dma_wait3A_1185 : memref<128x32xf32, #tpu.memory_space<vmem>>) dst(%dma_wait3A_1191 : memref<50016x32xf32, #tpu.memory_space<vmem_shared>>)
      %dma_wait3A_1192 = arith.constant 3 : i32
      %dma_wait3A_1193 = arith.constant 3 : i32
      %dma_wait3A_1194 = arith.constant 0 : i32
      %dma_wait3A_1195 = arith.constant 0 : i32
      %dma_wait3A_1196 = tpu.memref_slice %arg9[%dma_wait3A_1192, %dma_wait3A_1194, %dma_wait3A_1195] : memref<7x128x32xf32, #tpu.memory_space<vmem>> -> memref<1x128x32xf32, #tpu.memory_space<vmem>>
      %dma_wait3A_1197 = tpu.memref_squeeze %dma_wait3A_1196 : memref<1x128x32xf32, #tpu.memory_space<vmem>> -> memref<128x32xf32, #tpu.memory_space<vmem>>
      %dma_wait3A_1198 = arith.constant 0 : i32
      %dma_wait3A_1199 = tpu.memref_slice %arg8[%dma_wait3A_1193, %dma_wait3A_1198] : memref<7x128xi32, #tpu.memory_space<vmem>> -> memref<1x128xi32, #tpu.memory_space<vmem>>
      %dma_wait3A_1200 = tpu.memref_squeeze %dma_wait3A_1199 : memref<1x128xi32, #tpu.memory_space<vmem>> -> memref<128xi32, #tpu.memory_space<vmem>>
      %dma_wait3A_1201 = arith.constant 0 : i32
      %dma_wait3A_1202 = arith.constant 0 : i32
      %dma_wait3A_1203 = tpu.memref_slice %arg10[%dma_wait3A_1201, %dma_wait3A_1202] : memref<50016x32xf32, #tpu.memory_space<vmem_shared>> -> memref<50016x32xf32, #tpu.memory_space<vmem_shared>>
      tpu.wait_indirect_dma semaphore(%arg12 : memref<!tpu.dma_semaphore, #tpu.memory_space<semaphore_mem>>) src(%dma_wait3A_1197 : memref<128x32xf32, #tpu.memory_space<vmem>>) dst(%dma_wait3A_1203 : memref<50016x32xf32, #tpu.memory_space<vmem_shared>>)
      %dma_wait3A_1204 = arith.constant 4 : i32
      %dma_wait3A_1205 = arith.constant 4 : i32
      %dma_wait3A_1206 = arith.constant 0 : i32
      %dma_wait3A_1207 = arith.constant 0 : i32
      %dma_wait3A_1208 = tpu.memref_slice %arg9[%dma_wait3A_1204, %dma_wait3A_1206, %dma_wait3A_1207] : memref<7x128x32xf32, #tpu.memory_space<vmem>> -> memref<1x128x32xf32, #tpu.memory_space<vmem>>
      %dma_wait3A_1209 = tpu.memref_squeeze %dma_wait3A_1208 : memref<1x128x32xf32, #tpu.memory_space<vmem>> -> memref<128x32xf32, #tpu.memory_space<vmem>>
      %dma_wait3A_1210 = arith.constant 0 : i32
      %dma_wait3A_1211 = tpu.memref_slice %arg8[%dma_wait3A_1205, %dma_wait3A_1210] : memref<7x128xi32, #tpu.memory_space<vmem>> -> memref<1x128xi32, #tpu.memory_space<vmem>>
      %dma_wait3A_1212 = tpu.memref_squeeze %dma_wait3A_1211 : memref<1x128xi32, #tpu.memory_space<vmem>> -> memref<128xi32, #tpu.memory_space<vmem>>
      %dma_wait3A_1213 = arith.constant 0 : i32
      %dma_wait3A_1214 = arith.constant 0 : i32
      %dma_wait3A_1215 = tpu.memref_slice %arg10[%dma_wait3A_1213, %dma_wait3A_1214] : memref<50016x32xf32, #tpu.memory_space<vmem_shared>> -> memref<50016x32xf32, #tpu.memory_space<vmem_shared>>
      tpu.wait_indirect_dma semaphore(%arg12 : memref<!tpu.dma_semaphore, #tpu.memory_space<semaphore_mem>>) src(%dma_wait3A_1209 : memref<128x32xf32, #tpu.memory_space<vmem>>) dst(%dma_wait3A_1215 : memref<50016x32xf32, #tpu.memory_space<vmem_shared>>)
      %dma_wait3A_1216 = arith.constant 5 : i32
      %dma_wait3A_1217 = arith.constant 5 : i32
      %dma_wait3A_1218 = arith.constant 0 : i32
      %dma_wait3A_1219 = arith.constant 0 : i32
      %dma_wait3A_1220 = tpu.memref_slice %arg9[%dma_wait3A_1216, %dma_wait3A_1218, %dma_wait3A_1219] : memref<7x128x32xf32, #tpu.memory_space<vmem>> -> memref<1x128x32xf32, #tpu.memory_space<vmem>>
      %dma_wait3A_1221 = tpu.memref_squeeze %dma_wait3A_1220 : memref<1x128x32xf32, #tpu.memory_space<vmem>> -> memref<128x32xf32, #tpu.memory_space<vmem>>
      %dma_wait3A_1222 = arith.constant 0 : i32
      %dma_wait3A_1223 = tpu.memref_slice %arg8[%dma_wait3A_1217, %dma_wait3A_1222] : memref<7x128xi32, #tpu.memory_space<vmem>> -> memref<1x128xi32, #tpu.memory_space<vmem>>
      %dma_wait3A_1224 = tpu.memref_squeeze %dma_wait3A_1223 : memref<1x128xi32, #tpu.memory_space<vmem>> -> memref<128xi32, #tpu.memory_space<vmem>>
      %dma_wait3A_1225 = arith.constant 0 : i32
      %dma_wait3A_1226 = arith.constant 0 : i32
      %dma_wait3A_1227 = tpu.memref_slice %arg10[%dma_wait3A_1225, %dma_wait3A_1226] : memref<50016x32xf32, #tpu.memory_space<vmem_shared>> -> memref<50016x32xf32, #tpu.memory_space<vmem_shared>>
      tpu.wait_indirect_dma semaphore(%arg12 : memref<!tpu.dma_semaphore, #tpu.memory_space<semaphore_mem>>) src(%dma_wait3A_1221 : memref<128x32xf32, #tpu.memory_space<vmem>>) dst(%dma_wait3A_1227 : memref<50016x32xf32, #tpu.memory_space<vmem_shared>>)
      %dma_wait3A_1228 = arith.constant 6 : i32
      %dma_wait3A_1229 = arith.constant 6 : i32
      %dma_wait3A_1230 = arith.constant 0 : i32
      %dma_wait3A_1231 = arith.constant 0 : i32
      %dma_wait3A_1232 = tpu.memref_slice %arg9[%dma_wait3A_1228, %dma_wait3A_1230, %dma_wait3A_1231] : memref<7x128x32xf32, #tpu.memory_space<vmem>> -> memref<1x128x32xf32, #tpu.memory_space<vmem>>
      %dma_wait3A_1233 = tpu.memref_squeeze %dma_wait3A_1232 : memref<1x128x32xf32, #tpu.memory_space<vmem>> -> memref<128x32xf32, #tpu.memory_space<vmem>>
      %dma_wait3A_1234 = arith.constant 0 : i32
      %dma_wait3A_1235 = tpu.memref_slice %arg8[%dma_wait3A_1229, %dma_wait3A_1234] : memref<7x128xi32, #tpu.memory_space<vmem>> -> memref<1x128xi32, #tpu.memory_space<vmem>>
      %dma_wait3A_1236 = tpu.memref_squeeze %dma_wait3A_1235 : memref<1x128xi32, #tpu.memory_space<vmem>> -> memref<128xi32, #tpu.memory_space<vmem>>
      %dma_wait3A_1237 = arith.constant 0 : i32
      %dma_wait3A_1238 = arith.constant 0 : i32
      %dma_wait3A_1239 = tpu.memref_slice %arg10[%dma_wait3A_1237, %dma_wait3A_1238] : memref<50016x32xf32, #tpu.memory_space<vmem_shared>> -> memref<50016x32xf32, #tpu.memory_space<vmem_shared>>
      tpu.wait_indirect_dma semaphore(%arg12 : memref<!tpu.dma_semaphore, #tpu.memory_space<semaphore_mem>>) src(%dma_wait3A_1233 : memref<128x32xf32, #tpu.memory_space<vmem>>) dst(%dma_wait3A_1239 : memref<50016x32xf32, #tpu.memory_space<vmem_shared>>)
    }
    %scan3A_7 = arith.constant 56 : i32
    %barrier3A_8 = arith.constant 0 : index
    tpu.barrier barrier_id(%barrier3A_8)
    "tpu.region"() ({
      %run_scoped3A = tpu.sem_alloc : memref<!tpu.dma_semaphore, #tpu.memory_space<semaphore_mem>>
      %dma_start3A = arith.constant 0 : i32
      %dma_start3A_9 = tpu.memref_slice %arg6[%arg0, %mul3A_0, %dma_start3A] : memref<2x50016x32xf32, #tpu.memory_space<hbm>> -> memref<1x3126x32xf32, #tpu.memory_space<hbm>>
      %dma_start3A_10 = tpu.memref_squeeze %dma_start3A_9 : memref<1x3126x32xf32, #tpu.memory_space<hbm>> -> memref<3126x32xf32, #tpu.memory_space<hbm>>
      %dma_start3A_11 = arith.constant 0 : i32
      %dma_start3A_12 = tpu.memref_slice %arg10[%mul3A_0, %dma_start3A_11] : memref<50016x32xf32, #tpu.memory_space<vmem_shared>> -> memref<3126x32xf32, #tpu.memory_space<vmem_shared>>
      tpu.enqueue_dma source(%dma_start3A_12 : memref<3126x32xf32, #tpu.memory_space<vmem_shared>>) target(%dma_start3A_10 : memref<3126x32xf32, #tpu.memory_space<hbm>>) target_semaphore(%run_scoped3A : memref<!tpu.dma_semaphore, #tpu.memory_space<semaphore_mem>>)
      %dma_wait3A = arith.constant 0 : i32
      %dma_wait3A_13 = tpu.memref_slice %arg6[%arg0, %mul3A_0, %dma_wait3A] : memref<2x50016x32xf32, #tpu.memory_space<hbm>> -> memref<1x3126x32xf32, #tpu.memory_space<hbm>>
      %dma_wait3A_14 = tpu.memref_squeeze %dma_wait3A_13 : memref<1x3126x32xf32, #tpu.memory_space<hbm>> -> memref<3126x32xf32, #tpu.memory_space<hbm>>
      %dma_wait3A_15 = arith.constant 0 : i32
      %dma_wait3A_16 = tpu.memref_slice %arg10[%mul3A_0, %dma_wait3A_15] : memref<50016x32xf32, #tpu.memory_space<vmem_shared>> -> memref<3126x32xf32, #tpu.memory_space<vmem_shared>>
      tpu.wait_dma2 semaphore(%run_scoped3A : memref<!tpu.dma_semaphore, #tpu.memory_space<semaphore_mem>>) src(%dma_wait3A_16 : memref<3126x32xf32, #tpu.memory_space<vmem_shared>>) dst(%dma_wait3A_14 : memref<3126x32xf32, #tpu.memory_space<hbm>>)
      tpu.yield
    }) : () -> ()
    return
  }
}

#map = affine_map<(d0, d1) -> (0, 0)>
#map1 = affine_map<(d0, d1) -> (0, 0, 0)>
module attributes {stable_mosaic.version = 14 : i64} {
  func.func @body(%arg0: i32, %arg1: i32, %arg2: memref<896x896xi32, #tpu.memory_space<hbm>>, %arg3: memref<3126x8xf32, #tpu.memory_space<hbm>>, %arg4: memref<896x8xf32, #tpu.memory_space<hbm>>, %arg5: memref<2x50016x8xf32, #tpu.memory_space<hbm>>, %arg6: memref<896xi32, #tpu.memory_space<vmem>>, %arg7: memref<896x8xf32, #tpu.memory_space<vmem>>, %arg8: memref<50016x8xf32, #tpu.memory_space<vmem_shared>>) attributes {dimension_semantics = [#tpu.dimension_semantics<core_parallel>, #tpu.dimension_semantics<subcore_parallel>], iteration_bounds = array<i64: 2, 16>, scalar_prefetch = 0 : i64, scratch_operands = 3 : i64, tpu.core_type = #tpu.core_type<sc_vector_subcore>, window_params = [{transform_indices = #map}, {transform_indices = #map}, {transform_indices = #map}, {transform_indices = #map1}]} {
    %mul3A = arith.constant 3126 : i32
    %mul3A_0 = arith.muli %arg1, %mul3A : i32
    "tpu.region"() ({
      %run_scoped3A = tpu.sem_alloc : memref<!tpu.dma_semaphore, #tpu.memory_space<semaphore_mem>>
      %dma_start3A = arith.constant 0 : i32
      %dma_start3A_11 = tpu.memref_slice %arg8[%mul3A_0, %dma_start3A] : memref<50016x8xf32, #tpu.memory_space<vmem_shared>> -> memref<3126x8xf32, #tpu.memory_space<vmem_shared>>
      tpu.enqueue_dma source(%arg3 : memref<3126x8xf32, #tpu.memory_space<hbm>>) target(%dma_start3A_11 : memref<3126x8xf32, #tpu.memory_space<vmem_shared>>) target_semaphore(%run_scoped3A : memref<!tpu.dma_semaphore, #tpu.memory_space<semaphore_mem>>)
      %dma_wait3A = arith.constant 0 : i32
      %dma_wait3A_12 = tpu.memref_slice %arg8[%mul3A_0, %dma_wait3A] : memref<50016x8xf32, #tpu.memory_space<vmem_shared>> -> memref<3126x8xf32, #tpu.memory_space<vmem_shared>>
      tpu.wait_dma2 semaphore(%run_scoped3A : memref<!tpu.dma_semaphore, #tpu.memory_space<semaphore_mem>>) src(%arg3 : memref<3126x8xf32, #tpu.memory_space<hbm>>) dst(%dma_wait3A_12 : memref<3126x8xf32, #tpu.memory_space<vmem_shared>>)
      tpu.yield
    }) : () -> ()
    "tpu.region"() ({
      %run_scoped3A = tpu.sem_alloc : memref<!tpu.dma_semaphore, #tpu.memory_space<semaphore_mem>>
      tpu.enqueue_dma source(%arg4 : memref<896x8xf32, #tpu.memory_space<hbm>>) target(%arg7 : memref<896x8xf32, #tpu.memory_space<vmem>>) target_semaphore(%run_scoped3A : memref<!tpu.dma_semaphore, #tpu.memory_space<semaphore_mem>>)
      tpu.wait_dma2 semaphore(%run_scoped3A : memref<!tpu.dma_semaphore, #tpu.memory_space<semaphore_mem>>) src(%arg4 : memref<896x8xf32, #tpu.memory_space<hbm>>) dst(%arg7 : memref<896x8xf32, #tpu.memory_space<vmem>>)
      tpu.yield
    }) : () -> ()
    %barrier3A = arith.constant 0 : index
    tpu.barrier barrier_id(%barrier3A)
    %mul3A_1 = arith.constant 56 : i32
    %mul3A_2 = arith.muli %arg1, %mul3A_1 : i32
    %mul3A_3 = arith.constant 28 : i32
    %mul3A_4 = arith.muli %arg0, %mul3A_3 : i32
    %add3A = arith.addi %mul3A_2, %mul3A_4 : i32
    %scan3A = arith.constant 0 : i32
    %scan3A_5 = arith.constant 0 : i32
    %scan3A_6 = arith.constant 28 : i32
    %scan3A_7 = arith.addi %scan3A_5, %scan3A_6 : i32
    %scan3A_8 = arith.constant 1 : i32
    scf.for %scan3A_11 = %scan3A_5 to %scan3A_7 step %scan3A_8  : i32 {
      %add3A_12 = arith.addi %add3A, %scan3A_11 : i32
      "tpu.region"() ({
        %run_scoped3A = tpu.sem_alloc : memref<!tpu.dma_semaphore, #tpu.memory_space<semaphore_mem>>
        %dma_start3A = arith.constant 0 : i32
        %dma_start3A_13 = tpu.memref_slice %arg2[%add3A_12, %dma_start3A] : memref<896x896xi32, #tpu.memory_space<hbm>> -> memref<1x896xi32, #tpu.memory_space<hbm>>
        %dma_start3A_14 = tpu.memref_squeeze %dma_start3A_13 : memref<1x896xi32, #tpu.memory_space<hbm>> -> memref<896xi32, #tpu.memory_space<hbm>>
        %dma_start3A_15 = arith.constant 0 : i32
        %dma_start3A_16 = tpu.memref_slice %arg2[%add3A_12, %dma_start3A_15] : memref<896x896xi32, #tpu.memory_space<hbm>> -> memref<1x896xi32, #tpu.memory_space<hbm>>
        %dma_start3A_17 = tpu.memref_squeeze %dma_start3A_16 : memref<1x896xi32, #tpu.memory_space<hbm>> -> memref<896xi32, #tpu.memory_space<hbm>>
        tpu.enqueue_dma source(%dma_start3A_17 : memref<896xi32, #tpu.memory_space<hbm>>) target(%arg6 : memref<896xi32, #tpu.memory_space<vmem>>) target_semaphore(%run_scoped3A : memref<!tpu.dma_semaphore, #tpu.memory_space<semaphore_mem>>)
        %dma_wait3A = arith.constant 0 : i32
        %dma_wait3A_18 = tpu.memref_slice %arg2[%add3A_12, %dma_wait3A] : memref<896x896xi32, #tpu.memory_space<hbm>> -> memref<1x896xi32, #tpu.memory_space<hbm>>
        %dma_wait3A_19 = tpu.memref_squeeze %dma_wait3A_18 : memref<1x896xi32, #tpu.memory_space<hbm>> -> memref<896xi32, #tpu.memory_space<hbm>>
        %dma_wait3A_20 = arith.constant 0 : i32
        %dma_wait3A_21 = tpu.memref_slice %arg2[%add3A_12, %dma_wait3A_20] : memref<896x896xi32, #tpu.memory_space<hbm>> -> memref<1x896xi32, #tpu.memory_space<hbm>>
        %dma_wait3A_22 = tpu.memref_squeeze %dma_wait3A_21 : memref<1x896xi32, #tpu.memory_space<hbm>> -> memref<896xi32, #tpu.memory_space<hbm>>
        tpu.wait_dma2 semaphore(%run_scoped3A : memref<!tpu.dma_semaphore, #tpu.memory_space<semaphore_mem>>) src(%dma_wait3A_22 : memref<896xi32, #tpu.memory_space<hbm>>) dst(%arg6 : memref<896xi32, #tpu.memory_space<vmem>>)
        tpu.yield
      }) : () -> ()
      "tpu.region"() ({
        %run_scoped3A = tpu.sem_alloc : memref<!tpu.dma_semaphore, #tpu.memory_space<semaphore_mem>>
        %dma_start3A = arith.constant 0 : i32
        %dma_start3A_13 = arith.constant 0 : i32
        %dma_start3A_14 = tpu.memref_slice %arg8[%dma_start3A, %dma_start3A_13] : memref<50016x8xf32, #tpu.memory_space<vmem_shared>> -> memref<50016x8xf32, #tpu.memory_space<vmem_shared>>
        tpu.enqueue_indirect_dma source(%arg7 : memref<896x8xf32, #tpu.memory_space<vmem>>) target(%dma_start3A_14 : memref<50016x8xf32, #tpu.memory_space<vmem_shared>>) offsets(%arg6 : memref<896xi32, #tpu.memory_space<vmem>>) semaphore(%run_scoped3A : memref<!tpu.dma_semaphore, #tpu.memory_space<semaphore_mem>>) {add = true}
        %dma_wait3A = arith.constant 0 : i32
        %dma_wait3A_15 = arith.constant 0 : i32
        %dma_wait3A_16 = tpu.memref_slice %arg8[%dma_wait3A, %dma_wait3A_15] : memref<50016x8xf32, #tpu.memory_space<vmem_shared>> -> memref<50016x8xf32, #tpu.memory_space<vmem_shared>>
        tpu.wait_indirect_dma semaphore(%run_scoped3A : memref<!tpu.dma_semaphore, #tpu.memory_space<semaphore_mem>>) src(%arg7 : memref<896x8xf32, #tpu.memory_space<vmem>>) dst(%dma_wait3A_16 : memref<50016x8xf32, #tpu.memory_space<vmem_shared>>)
        tpu.yield
      }) : () -> ()
    }
    %scan3A_9 = arith.constant 28 : i32
    %barrier3A_10 = arith.constant 0 : index
    tpu.barrier barrier_id(%barrier3A_10)
    "tpu.region"() ({
      %run_scoped3A = tpu.sem_alloc : memref<!tpu.dma_semaphore, #tpu.memory_space<semaphore_mem>>
      %dma_start3A = arith.constant 0 : i32
      %dma_start3A_11 = tpu.memref_slice %arg5[%arg0, %mul3A_0, %dma_start3A] : memref<2x50016x8xf32, #tpu.memory_space<hbm>> -> memref<1x3126x8xf32, #tpu.memory_space<hbm>>
      %dma_start3A_12 = tpu.memref_squeeze %dma_start3A_11 : memref<1x3126x8xf32, #tpu.memory_space<hbm>> -> memref<3126x8xf32, #tpu.memory_space<hbm>>
      %dma_start3A_13 = arith.constant 0 : i32
      %dma_start3A_14 = tpu.memref_slice %arg8[%mul3A_0, %dma_start3A_13] : memref<50016x8xf32, #tpu.memory_space<vmem_shared>> -> memref<3126x8xf32, #tpu.memory_space<vmem_shared>>
      tpu.enqueue_dma source(%dma_start3A_14 : memref<3126x8xf32, #tpu.memory_space<vmem_shared>>) target(%dma_start3A_12 : memref<3126x8xf32, #tpu.memory_space<hbm>>) target_semaphore(%run_scoped3A : memref<!tpu.dma_semaphore, #tpu.memory_space<semaphore_mem>>)
      %dma_wait3A = arith.constant 0 : i32
      %dma_wait3A_15 = tpu.memref_slice %arg5[%arg0, %mul3A_0, %dma_wait3A] : memref<2x50016x8xf32, #tpu.memory_space<hbm>> -> memref<1x3126x8xf32, #tpu.memory_space<hbm>>
      %dma_wait3A_16 = tpu.memref_squeeze %dma_wait3A_15 : memref<1x3126x8xf32, #tpu.memory_space<hbm>> -> memref<3126x8xf32, #tpu.memory_space<hbm>>
      %dma_wait3A_17 = arith.constant 0 : i32
      %dma_wait3A_18 = tpu.memref_slice %arg8[%mul3A_0, %dma_wait3A_17] : memref<50016x8xf32, #tpu.memory_space<vmem_shared>> -> memref<3126x8xf32, #tpu.memory_space<vmem_shared>>
      tpu.wait_dma2 semaphore(%run_scoped3A : memref<!tpu.dma_semaphore, #tpu.memory_space<semaphore_mem>>) src(%dma_wait3A_18 : memref<3126x8xf32, #tpu.memory_space<vmem_shared>>) dst(%dma_wait3A_16 : memref<3126x8xf32, #tpu.memory_space<hbm>>)
      tpu.yield
    }) : () -> ()
    return
  }
}

#map = affine_map<(d0, d1) -> (0, 0)>
#map1 = affine_map<(d0, d1) -> (0, 0, 0)>
module attributes {stable_mosaic.version = 14 : i64} {
  func.func @body(%arg0: i32, %arg1: i32, %arg2: memref<100000x32xf32, #tpu.memory_space<hbm>>, %arg3: memref<6272x128xi32, #tpu.memory_space<hbm>>, %arg4: memref<6272x128xi32, #tpu.memory_space<hbm>>, %arg5: memref<3126x32xf32, #tpu.memory_space<hbm>>, %arg6: memref<2x50016x32xf32, #tpu.memory_space<hbm>>, %arg7: memref<7x128xi32, #tpu.memory_space<vmem>>, %arg8: memref<7x128xi32, #tpu.memory_space<vmem>>, %arg9: memref<7x128x32xf32, #tpu.memory_space<vmem>>, %arg10: memref<50016x32xf32, #tpu.memory_space<vmem_shared>>, %arg11: memref<!tpu.dma_semaphore, #tpu.memory_space<semaphore_mem>>, %arg12: memref<!tpu.dma_semaphore, #tpu.memory_space<semaphore_mem>>) attributes {dimension_semantics = [#tpu.dimension_semantics<core_parallel>, #tpu.dimension_semantics<subcore_parallel>], iteration_bounds = array<i64: 2, 16>, scalar_prefetch = 0 : i64, scratch_operands = 6 : i64, tpu.core_type = #tpu.core_type<sc_vector_subcore>, window_params = [{transform_indices = #map}, {transform_indices = #map}, {transform_indices = #map}, {transform_indices = #map}, {transform_indices = #map1}]} {
    %mul3A = arith.constant 3126 : i32
    %mul3A_0 = arith.muli %arg1, %mul3A : i32
    "tpu.region"() ({
      %run_scoped3A = tpu.sem_alloc : memref<!tpu.dma_semaphore, #tpu.memory_space<semaphore_mem>>
      %dma_start3A = arith.constant 0 : i32
      %dma_start3A_9 = tpu.memref_slice %arg10[%mul3A_0, %dma_start3A] : memref<50016x32xf32, #tpu.memory_space<vmem_shared>> -> memref<3126x32xf32, #tpu.memory_space<vmem_shared>>
      tpu.enqueue_dma source(%arg5 : memref<3126x32xf32, #tpu.memory_space<hbm>>) target(%dma_start3A_9 : memref<3126x32xf32, #tpu.memory_space<vmem_shared>>) target_semaphore(%run_scoped3A : memref<!tpu.dma_semaphore, #tpu.memory_space<semaphore_mem>>)
      %dma_wait3A = arith.constant 0 : i32
      %dma_wait3A_10 = tpu.memref_slice %arg10[%mul3A_0, %dma_wait3A] : memref<50016x32xf32, #tpu.memory_space<vmem_shared>> -> memref<3126x32xf32, #tpu.memory_space<vmem_shared>>
      tpu.wait_dma2 semaphore(%run_scoped3A : memref<!tpu.dma_semaphore, #tpu.memory_space<semaphore_mem>>) src(%arg5 : memref<3126x32xf32, #tpu.memory_space<hbm>>) dst(%dma_wait3A_10 : memref<3126x32xf32, #tpu.memory_space<vmem_shared>>)
      tpu.yield
    }) : () -> ()
    %barrier3A = arith.constant 0 : index
    tpu.barrier barrier_id(%barrier3A)
    %mul3A_1 = arith.constant 392 : i32
    %mul3A_2 = arith.muli %arg1, %mul3A_1 : i32
    %scan3A = arith.constant 0 : i32
    %scan3A_3 = arith.constant 0 : i32
    %scan3A_4 = arith.constant 56 : i32
    %scan3A_5 = arith.addi %scan3A_3, %scan3A_4 : i32
    %scan3A_6 = arith.constant 1 : i32
    scf.for %scan3A_9 = %scan3A_3 to %scan3A_5 step %scan3A_6  : i32 {
      %mul3A_10 = arith.constant 7 : i32
      %mul3A_11 = arith.muli %scan3A_9, %mul3A_10 : i32
      %add3A = arith.addi %mul3A_2, %mul3A_11 : i32
      "tpu.region"() ({
        %run_scoped3A = tpu.sem_alloc : memref<!tpu.dma_semaphore, #tpu.memory_space<semaphore_mem>>
        %dma_start3A_1240 = arith.constant 0 : i32
        %dma_start3A_1241 = tpu.memref_slice %arg3[%add3A, %dma_start3A_1240] : memref<6272x128xi32, #tpu.memory_space<hbm>> -> memref<7x128xi32, #tpu.memory_space<hbm>>
        %dma_start3A_1242 = arith.constant 0 : i32
        %dma_start3A_1243 = tpu.memref_slice %arg3[%add3A, %dma_start3A_1242] : memref<6272x128xi32, #tpu.memory_space<hbm>> -> memref<7x128xi32, #tpu.memory_space<hbm>>
        tpu.enqueue_dma source(%dma_start3A_1243 : memref<7x128xi32, #tpu.memory_space<hbm>>) target(%arg7 : memref<7x128xi32, #tpu.memory_space<vmem>>) target_semaphore(%run_scoped3A : memref<!tpu.dma_semaphore, #tpu.memory_space<semaphore_mem>>)
        %dma_wait3A_1244 = arith.constant 0 : i32
        %dma_wait3A_1245 = tpu.memref_slice %arg3[%add3A, %dma_wait3A_1244] : memref<6272x128xi32, #tpu.memory_space<hbm>> -> memref<7x128xi32, #tpu.memory_space<hbm>>
        %dma_wait3A_1246 = arith.constant 0 : i32
        %dma_wait3A_1247 = tpu.memref_slice %arg3[%add3A, %dma_wait3A_1246] : memref<6272x128xi32, #tpu.memory_space<hbm>> -> memref<7x128xi32, #tpu.memory_space<hbm>>
        tpu.wait_dma2 semaphore(%run_scoped3A : memref<!tpu.dma_semaphore, #tpu.memory_space<semaphore_mem>>) src(%dma_wait3A_1247 : memref<7x128xi32, #tpu.memory_space<hbm>>) dst(%arg7 : memref<7x128xi32, #tpu.memory_space<vmem>>)
        tpu.yield
      }) : () -> ()
      "tpu.region"() ({
        %run_scoped3A = tpu.sem_alloc : memref<!tpu.dma_semaphore, #tpu.memory_space<semaphore_mem>>
        %dma_start3A_1240 = arith.constant 0 : i32
        %dma_start3A_1241 = tpu.memref_slice %arg4[%add3A, %dma_start3A_1240] : memref<6272x128xi32, #tpu.memory_space<hbm>> -> memref<7x128xi32, #tpu.memory_space<hbm>>
        %dma_start3A_1242 = arith.constant 0 : i32
        %dma_start3A_1243 = tpu.memref_slice %arg4[%add3A, %dma_start3A_1242] : memref<6272x128xi32, #tpu.memory_space<hbm>> -> memref<7x128xi32, #tpu.memory_space<hbm>>
        tpu.enqueue_dma source(%dma_start3A_1243 : memref<7x128xi32, #tpu.memory_space<hbm>>) target(%arg8 : memref<7x128xi32, #tpu.memory_space<vmem>>) target_semaphore(%run_scoped3A : memref<!tpu.dma_semaphore, #tpu.memory_space<semaphore_mem>>)
        %dma_wait3A_1244 = arith.constant 0 : i32
        %dma_wait3A_1245 = tpu.memref_slice %arg4[%add3A, %dma_wait3A_1244] : memref<6272x128xi32, #tpu.memory_space<hbm>> -> memref<7x128xi32, #tpu.memory_space<hbm>>
        %dma_wait3A_1246 = arith.constant 0 : i32
        %dma_wait3A_1247 = tpu.memref_slice %arg4[%add3A, %dma_wait3A_1246] : memref<6272x128xi32, #tpu.memory_space<hbm>> -> memref<7x128xi32, #tpu.memory_space<hbm>>
        tpu.wait_dma2 semaphore(%run_scoped3A : memref<!tpu.dma_semaphore, #tpu.memory_space<semaphore_mem>>) src(%dma_wait3A_1247 : memref<7x128xi32, #tpu.memory_space<hbm>>) dst(%arg8 : memref<7x128xi32, #tpu.memory_space<vmem>>)
        tpu.yield
      }) : () -> ()
      %get3A = arith.constant 0 : i32
      %get3A_12 = arith.index_cast %get3A : i32 to index
      %get3A_13 = arith.constant 0 : index
      %get3A_14 = tpu.vector_load %arg7[%get3A_12, %get3A_13] {strides = array<i32>} : memref<7x128xi32, #tpu.memory_space<vmem>>, vector<1x16xi32>,
      %get3A_15 = vector.shape_cast %get3A_14 : vector<1x16xi32> to vector<16xi32>
      %mul3A_16 = arith.constant 2 : i32
      %mul3A_17 = vector.broadcast %mul3A_16 : i32 to vector<16xi32>
      %mul3A_18 = arith.muli %get3A_15, %mul3A_17 : vector<16xi32>
      %add3A_19 = vector.broadcast %arg0 : i32 to vector<16xi32>
      %add3A_20 = arith.addi %mul3A_18, %add3A_19 : vector<16xi32>
      %swap3A = arith.constant 0 : i32
      %swap3A_21 = arith.index_cast %swap3A : i32 to index
      %swap3A_22 = arith.constant 0 : index
      %swap3A_23 = tpu.vector_load %arg7[%swap3A_21, %swap3A_22] {strides = array<i32>} : memref<7x128xi32, #tpu.memory_space<vmem>>, vector<1x16xi32>,
      %swap3A_24 = vector.shape_cast %swap3A_23 : vector<1x16xi32> to vector<16xi32>
      %swap3A_25 = vector.shape_cast %add3A_20 : vector<16xi32> to vector<1x16xi32>
      tpu.vector_store %arg7[%swap3A_21, %swap3A_22], %swap3A_25 {strides = array<i32>} : memref<7x128xi32, #tpu.memory_space<vmem>>, vector<1x16xi32>,
      %get3A_26 = arith.constant 0 : i32
      %get3A_27 = arith.index_cast %get3A_26 : i32 to index
      %get3A_28 = arith.constant 16 : index
      %get3A_29 = tpu.vector_load %arg7[%get3A_27, %get3A_28] {strides = array<i32>} : memref<7x128xi32, #tpu.memory_space<vmem>>, vector<1x16xi32>,
      %get3A_30 = vector.shape_cast %get3A_29 : vector<1x16xi32> to vector<16xi32>
      %mul3A_31 = arith.constant 2 : i32
      %mul3A_32 = vector.broadcast %mul3A_31 : i32 to vector<16xi32>
      %mul3A_33 = arith.muli %get3A_30, %mul3A_32 : vector<16xi32>
      %add3A_34 = vector.broadcast %arg0 : i32 to vector<16xi32>
      %add3A_35 = arith.addi %mul3A_33, %add3A_34 : vector<16xi32>
      %swap3A_36 = arith.constant 0 : i32
      %swap3A_37 = arith.index_cast %swap3A_36 : i32 to index
      %swap3A_38 = arith.constant 16 : index
      %swap3A_39 = tpu.vector_load %arg7[%swap3A_37, %swap3A_38] {strides = array<i32>} : memref<7x128xi32, #tpu.memory_space<vmem>>, vector<1x16xi32>,
      %swap3A_40 = vector.shape_cast %swap3A_39 : vector<1x16xi32> to vector<16xi32>
      %swap3A_41 = vector.shape_cast %add3A_35 : vector<16xi32> to vector<1x16xi32>
      tpu.vector_store %arg7[%swap3A_37, %swap3A_38], %swap3A_41 {strides = array<i32>} : memref<7x128xi32, #tpu.memory_space<vmem>>, vector<1x16xi32>,
      %get3A_42 = arith.constant 0 : i32
      %get3A_43 = arith.index_cast %get3A_42 : i32 to index
      %get3A_44 = arith.constant 32 : index
      %get3A_45 = tpu.vector_load %arg7[%get3A_43, %get3A_44] {strides = array<i32>} : memref<7x128xi32, #tpu.memory_space<vmem>>, vector<1x16xi32>,
      %get3A_46 = vector.shape_cast %get3A_45 : vector<1x16xi32> to vector<16xi32>
      %mul3A_47 = arith.constant 2 : i32
      %mul3A_48 = vector.broadcast %mul3A_47 : i32 to vector<16xi32>
      %mul3A_49 = arith.muli %get3A_46, %mul3A_48 : vector<16xi32>
      %add3A_50 = vector.broadcast %arg0 : i32 to vector<16xi32>
      %add3A_51 = arith.addi %mul3A_49, %add3A_50 : vector<16xi32>
      %swap3A_52 = arith.constant 0 : i32
      %swap3A_53 = arith.index_cast %swap3A_52 : i32 to index
      %swap3A_54 = arith.constant 32 : index
      %swap3A_55 = tpu.vector_load %arg7[%swap3A_53, %swap3A_54] {strides = array<i32>} : memref<7x128xi32, #tpu.memory_space<vmem>>, vector<1x16xi32>,
      %swap3A_56 = vector.shape_cast %swap3A_55 : vector<1x16xi32> to vector<16xi32>
      %swap3A_57 = vector.shape_cast %add3A_51 : vector<16xi32> to vector<1x16xi32>
      tpu.vector_store %arg7[%swap3A_53, %swap3A_54], %swap3A_57 {strides = array<i32>} : memref<7x128xi32, #tpu.memory_space<vmem>>, vector<1x16xi32>,
      %get3A_58 = arith.constant 0 : i32
      %get3A_59 = arith.index_cast %get3A_58 : i32 to index
      %get3A_60 = arith.constant 48 : index
      %get3A_61 = tpu.vector_load %arg7[%get3A_59, %get3A_60] {strides = array<i32>} : memref<7x128xi32, #tpu.memory_space<vmem>>, vector<1x16xi32>,
      %get3A_62 = vector.shape_cast %get3A_61 : vector<1x16xi32> to vector<16xi32>
      %mul3A_63 = arith.constant 2 : i32
      %mul3A_64 = vector.broadcast %mul3A_63 : i32 to vector<16xi32>
      %mul3A_65 = arith.muli %get3A_62, %mul3A_64 : vector<16xi32>
      %add3A_66 = vector.broadcast %arg0 : i32 to vector<16xi32>
      %add3A_67 = arith.addi %mul3A_65, %add3A_66 : vector<16xi32>
      %swap3A_68 = arith.constant 0 : i32
      %swap3A_69 = arith.index_cast %swap3A_68 : i32 to index
      %swap3A_70 = arith.constant 48 : index
      %swap3A_71 = tpu.vector_load %arg7[%swap3A_69, %swap3A_70] {strides = array<i32>} : memref<7x128xi32, #tpu.memory_space<vmem>>, vector<1x16xi32>,
      %swap3A_72 = vector.shape_cast %swap3A_71 : vector<1x16xi32> to vector<16xi32>
      %swap3A_73 = vector.shape_cast %add3A_67 : vector<16xi32> to vector<1x16xi32>
      tpu.vector_store %arg7[%swap3A_69, %swap3A_70], %swap3A_73 {strides = array<i32>} : memref<7x128xi32, #tpu.memory_space<vmem>>, vector<1x16xi32>,
      %get3A_74 = arith.constant 0 : i32
      %get3A_75 = arith.index_cast %get3A_74 : i32 to index
      %get3A_76 = arith.constant 64 : index
      %get3A_77 = tpu.vector_load %arg7[%get3A_75, %get3A_76] {strides = array<i32>} : memref<7x128xi32, #tpu.memory_space<vmem>>, vector<1x16xi32>,
      %get3A_78 = vector.shape_cast %get3A_77 : vector<1x16xi32> to vector<16xi32>
      %mul3A_79 = arith.constant 2 : i32
      %mul3A_80 = vector.broadcast %mul3A_79 : i32 to vector<16xi32>
      %mul3A_81 = arith.muli %get3A_78, %mul3A_80 : vector<16xi32>
      %add3A_82 = vector.broadcast %arg0 : i32 to vector<16xi32>
      %add3A_83 = arith.addi %mul3A_81, %add3A_82 : vector<16xi32>
      %swap3A_84 = arith.constant 0 : i32
      %swap3A_85 = arith.index_cast %swap3A_84 : i32 to index
      %swap3A_86 = arith.constant 64 : index
      %swap3A_87 = tpu.vector_load %arg7[%swap3A_85, %swap3A_86] {strides = array<i32>} : memref<7x128xi32, #tpu.memory_space<vmem>>, vector<1x16xi32>,
      %swap3A_88 = vector.shape_cast %swap3A_87 : vector<1x16xi32> to vector<16xi32>
      %swap3A_89 = vector.shape_cast %add3A_83 : vector<16xi32> to vector<1x16xi32>
      tpu.vector_store %arg7[%swap3A_85, %swap3A_86], %swap3A_89 {strides = array<i32>} : memref<7x128xi32, #tpu.memory_space<vmem>>, vector<1x16xi32>,
      %get3A_90 = arith.constant 0 : i32
      %get3A_91 = arith.index_cast %get3A_90 : i32 to index
      %get3A_92 = arith.constant 80 : index
      %get3A_93 = tpu.vector_load %arg7[%get3A_91, %get3A_92] {strides = array<i32>} : memref<7x128xi32, #tpu.memory_space<vmem>>, vector<1x16xi32>,
      %get3A_94 = vector.shape_cast %get3A_93 : vector<1x16xi32> to vector<16xi32>
      %mul3A_95 = arith.constant 2 : i32
      %mul3A_96 = vector.broadcast %mul3A_95 : i32 to vector<16xi32>
      %mul3A_97 = arith.muli %get3A_94, %mul3A_96 : vector<16xi32>
      %add3A_98 = vector.broadcast %arg0 : i32 to vector<16xi32>
      %add3A_99 = arith.addi %mul3A_97, %add3A_98 : vector<16xi32>
      %swap3A_100 = arith.constant 0 : i32
      %swap3A_101 = arith.index_cast %swap3A_100 : i32 to index
      %swap3A_102 = arith.constant 80 : index
      %swap3A_103 = tpu.vector_load %arg7[%swap3A_101, %swap3A_102] {strides = array<i32>} : memref<7x128xi32, #tpu.memory_space<vmem>>, vector<1x16xi32>,
      %swap3A_104 = vector.shape_cast %swap3A_103 : vector<1x16xi32> to vector<16xi32>
      %swap3A_105 = vector.shape_cast %add3A_99 : vector<16xi32> to vector<1x16xi32>
      tpu.vector_store %arg7[%swap3A_101, %swap3A_102], %swap3A_105 {strides = array<i32>} : memref<7x128xi32, #tpu.memory_space<vmem>>, vector<1x16xi32>,
      %get3A_106 = arith.constant 0 : i32
      %get3A_107 = arith.index_cast %get3A_106 : i32 to index
      %get3A_108 = arith.constant 96 : index
      %get3A_109 = tpu.vector_load %arg7[%get3A_107, %get3A_108] {strides = array<i32>} : memref<7x128xi32, #tpu.memory_space<vmem>>, vector<1x16xi32>,
      %get3A_110 = vector.shape_cast %get3A_109 : vector<1x16xi32> to vector<16xi32>
      %mul3A_111 = arith.constant 2 : i32
      %mul3A_112 = vector.broadcast %mul3A_111 : i32 to vector<16xi32>
      %mul3A_113 = arith.muli %get3A_110, %mul3A_112 : vector<16xi32>
      %add3A_114 = vector.broadcast %arg0 : i32 to vector<16xi32>
      %add3A_115 = arith.addi %mul3A_113, %add3A_114 : vector<16xi32>
      %swap3A_116 = arith.constant 0 : i32
      %swap3A_117 = arith.index_cast %swap3A_116 : i32 to index
      %swap3A_118 = arith.constant 96 : index
      %swap3A_119 = tpu.vector_load %arg7[%swap3A_117, %swap3A_118] {strides = array<i32>} : memref<7x128xi32, #tpu.memory_space<vmem>>, vector<1x16xi32>,
      %swap3A_120 = vector.shape_cast %swap3A_119 : vector<1x16xi32> to vector<16xi32>
      %swap3A_121 = vector.shape_cast %add3A_115 : vector<16xi32> to vector<1x16xi32>
      tpu.vector_store %arg7[%swap3A_117, %swap3A_118], %swap3A_121 {strides = array<i32>} : memref<7x128xi32, #tpu.memory_space<vmem>>, vector<1x16xi32>,
      %get3A_122 = arith.constant 0 : i32
      %get3A_123 = arith.index_cast %get3A_122 : i32 to index
      %get3A_124 = arith.constant 112 : index
      %get3A_125 = tpu.vector_load %arg7[%get3A_123, %get3A_124] {strides = array<i32>} : memref<7x128xi32, #tpu.memory_space<vmem>>, vector<1x16xi32>,
      %get3A_126 = vector.shape_cast %get3A_125 : vector<1x16xi32> to vector<16xi32>
      %mul3A_127 = arith.constant 2 : i32
      %mul3A_128 = vector.broadcast %mul3A_127 : i32 to vector<16xi32>
      %mul3A_129 = arith.muli %get3A_126, %mul3A_128 : vector<16xi32>
      %add3A_130 = vector.broadcast %arg0 : i32 to vector<16xi32>
      %add3A_131 = arith.addi %mul3A_129, %add3A_130 : vector<16xi32>
      %swap3A_132 = arith.constant 0 : i32
      %swap3A_133 = arith.index_cast %swap3A_132 : i32 to index
      %swap3A_134 = arith.constant 112 : index
      %swap3A_135 = tpu.vector_load %arg7[%swap3A_133, %swap3A_134] {strides = array<i32>} : memref<7x128xi32, #tpu.memory_space<vmem>>, vector<1x16xi32>,
      %swap3A_136 = vector.shape_cast %swap3A_135 : vector<1x16xi32> to vector<16xi32>
      %swap3A_137 = vector.shape_cast %add3A_131 : vector<16xi32> to vector<1x16xi32>
      tpu.vector_store %arg7[%swap3A_133, %swap3A_134], %swap3A_137 {strides = array<i32>} : memref<7x128xi32, #tpu.memory_space<vmem>>, vector<1x16xi32>,
      %get3A_138 = arith.constant 1 : i32
      %get3A_139 = arith.index_cast %get3A_138 : i32 to index
      %get3A_140 = arith.constant 0 : index
      %get3A_141 = tpu.vector_load %arg7[%get3A_139, %get3A_140] {strides = array<i32>} : memref<7x128xi32, #tpu.memory_space<vmem>>, vector<1x16xi32>,
      %get3A_142 = vector.shape_cast %get3A_141 : vector<1x16xi32> to vector<16xi32>
      %mul3A_143 = arith.constant 2 : i32
      %mul3A_144 = vector.broadcast %mul3A_143 : i32 to vector<16xi32>
      %mul3A_145 = arith.muli %get3A_142, %mul3A_144 : vector<16xi32>
      %add3A_146 = vector.broadcast %arg0 : i32 to vector<16xi32>
      %add3A_147 = arith.addi %mul3A_145, %add3A_146 : vector<16xi32>
      %swap3A_148 = arith.constant 1 : i32
      %swap3A_149 = arith.index_cast %swap3A_148 : i32 to index
      %swap3A_150 = arith.constant 0 : index
      %swap3A_151 = tpu.vector_load %arg7[%swap3A_149, %swap3A_150] {strides = array<i32>} : memref<7x128xi32, #tpu.memory_space<vmem>>, vector<1x16xi32>,
      %swap3A_152 = vector.shape_cast %swap3A_151 : vector<1x16xi32> to vector<16xi32>
      %swap3A_153 = vector.shape_cast %add3A_147 : vector<16xi32> to vector<1x16xi32>
      tpu.vector_store %arg7[%swap3A_149, %swap3A_150], %swap3A_153 {strides = array<i32>} : memref<7x128xi32, #tpu.memory_space<vmem>>, vector<1x16xi32>,
      %get3A_154 = arith.constant 1 : i32
      %get3A_155 = arith.index_cast %get3A_154 : i32 to index
      %get3A_156 = arith.constant 16 : index
      %get3A_157 = tpu.vector_load %arg7[%get3A_155, %get3A_156] {strides = array<i32>} : memref<7x128xi32, #tpu.memory_space<vmem>>, vector<1x16xi32>,
      %get3A_158 = vector.shape_cast %get3A_157 : vector<1x16xi32> to vector<16xi32>
      %mul3A_159 = arith.constant 2 : i32
      %mul3A_160 = vector.broadcast %mul3A_159 : i32 to vector<16xi32>
      %mul3A_161 = arith.muli %get3A_158, %mul3A_160 : vector<16xi32>
      %add3A_162 = vector.broadcast %arg0 : i32 to vector<16xi32>
      %add3A_163 = arith.addi %mul3A_161, %add3A_162 : vector<16xi32>
      %swap3A_164 = arith.constant 1 : i32
      %swap3A_165 = arith.index_cast %swap3A_164 : i32 to index
      %swap3A_166 = arith.constant 16 : index
      %swap3A_167 = tpu.vector_load %arg7[%swap3A_165, %swap3A_166] {strides = array<i32>} : memref<7x128xi32, #tpu.memory_space<vmem>>, vector<1x16xi32>,
      %swap3A_168 = vector.shape_cast %swap3A_167 : vector<1x16xi32> to vector<16xi32>
      %swap3A_169 = vector.shape_cast %add3A_163 : vector<16xi32> to vector<1x16xi32>
      tpu.vector_store %arg7[%swap3A_165, %swap3A_166], %swap3A_169 {strides = array<i32>} : memref<7x128xi32, #tpu.memory_space<vmem>>, vector<1x16xi32>,
      %get3A_170 = arith.constant 1 : i32
      %get3A_171 = arith.index_cast %get3A_170 : i32 to index
      %get3A_172 = arith.constant 32 : index
      %get3A_173 = tpu.vector_load %arg7[%get3A_171, %get3A_172] {strides = array<i32>} : memref<7x128xi32, #tpu.memory_space<vmem>>, vector<1x16xi32>,
      %get3A_174 = vector.shape_cast %get3A_173 : vector<1x16xi32> to vector<16xi32>
      %mul3A_175 = arith.constant 2 : i32
      %mul3A_176 = vector.broadcast %mul3A_175 : i32 to vector<16xi32>
      %mul3A_177 = arith.muli %get3A_174, %mul3A_176 : vector<16xi32>
      %add3A_178 = vector.broadcast %arg0 : i32 to vector<16xi32>
      %add3A_179 = arith.addi %mul3A_177, %add3A_178 : vector<16xi32>
      %swap3A_180 = arith.constant 1 : i32
      %swap3A_181 = arith.index_cast %swap3A_180 : i32 to index
      %swap3A_182 = arith.constant 32 : index
      %swap3A_183 = tpu.vector_load %arg7[%swap3A_181, %swap3A_182] {strides = array<i32>} : memref<7x128xi32, #tpu.memory_space<vmem>>, vector<1x16xi32>,
      %swap3A_184 = vector.shape_cast %swap3A_183 : vector<1x16xi32> to vector<16xi32>
      %swap3A_185 = vector.shape_cast %add3A_179 : vector<16xi32> to vector<1x16xi32>
      tpu.vector_store %arg7[%swap3A_181, %swap3A_182], %swap3A_185 {strides = array<i32>} : memref<7x128xi32, #tpu.memory_space<vmem>>, vector<1x16xi32>,
      %get3A_186 = arith.constant 1 : i32
      %get3A_187 = arith.index_cast %get3A_186 : i32 to index
      %get3A_188 = arith.constant 48 : index
      %get3A_189 = tpu.vector_load %arg7[%get3A_187, %get3A_188] {strides = array<i32>} : memref<7x128xi32, #tpu.memory_space<vmem>>, vector<1x16xi32>,
      %get3A_190 = vector.shape_cast %get3A_189 : vector<1x16xi32> to vector<16xi32>
      %mul3A_191 = arith.constant 2 : i32
      %mul3A_192 = vector.broadcast %mul3A_191 : i32 to vector<16xi32>
      %mul3A_193 = arith.muli %get3A_190, %mul3A_192 : vector<16xi32>
      %add3A_194 = vector.broadcast %arg0 : i32 to vector<16xi32>
      %add3A_195 = arith.addi %mul3A_193, %add3A_194 : vector<16xi32>
      %swap3A_196 = arith.constant 1 : i32
      %swap3A_197 = arith.index_cast %swap3A_196 : i32 to index
      %swap3A_198 = arith.constant 48 : index
      %swap3A_199 = tpu.vector_load %arg7[%swap3A_197, %swap3A_198] {strides = array<i32>} : memref<7x128xi32, #tpu.memory_space<vmem>>, vector<1x16xi32>,
      %swap3A_200 = vector.shape_cast %swap3A_199 : vector<1x16xi32> to vector<16xi32>
      %swap3A_201 = vector.shape_cast %add3A_195 : vector<16xi32> to vector<1x16xi32>
      tpu.vector_store %arg7[%swap3A_197, %swap3A_198], %swap3A_201 {strides = array<i32>} : memref<7x128xi32, #tpu.memory_space<vmem>>, vector<1x16xi32>,
      %get3A_202 = arith.constant 1 : i32
      %get3A_203 = arith.index_cast %get3A_202 : i32 to index
      %get3A_204 = arith.constant 64 : index
      %get3A_205 = tpu.vector_load %arg7[%get3A_203, %get3A_204] {strides = array<i32>} : memref<7x128xi32, #tpu.memory_space<vmem>>, vector<1x16xi32>,
      %get3A_206 = vector.shape_cast %get3A_205 : vector<1x16xi32> to vector<16xi32>
      %mul3A_207 = arith.constant 2 : i32
      %mul3A_208 = vector.broadcast %mul3A_207 : i32 to vector<16xi32>
      %mul3A_209 = arith.muli %get3A_206, %mul3A_208 : vector<16xi32>
      %add3A_210 = vector.broadcast %arg0 : i32 to vector<16xi32>
      %add3A_211 = arith.addi %mul3A_209, %add3A_210 : vector<16xi32>
      %swap3A_212 = arith.constant 1 : i32
      %swap3A_213 = arith.index_cast %swap3A_212 : i32 to index
      %swap3A_214 = arith.constant 64 : index
      %swap3A_215 = tpu.vector_load %arg7[%swap3A_213, %swap3A_214] {strides = array<i32>} : memref<7x128xi32, #tpu.memory_space<vmem>>, vector<1x16xi32>,
      %swap3A_216 = vector.shape_cast %swap3A_215 : vector<1x16xi32> to vector<16xi32>
      %swap3A_217 = vector.shape_cast %add3A_211 : vector<16xi32> to vector<1x16xi32>
      tpu.vector_store %arg7[%swap3A_213, %swap3A_214], %swap3A_217 {strides = array<i32>} : memref<7x128xi32, #tpu.memory_space<vmem>>, vector<1x16xi32>,
      %get3A_218 = arith.constant 1 : i32
      %get3A_219 = arith.index_cast %get3A_218 : i32 to index
      %get3A_220 = arith.constant 80 : index
      %get3A_221 = tpu.vector_load %arg7[%get3A_219, %get3A_220] {strides = array<i32>} : memref<7x128xi32, #tpu.memory_space<vmem>>, vector<1x16xi32>,
      %get3A_222 = vector.shape_cast %get3A_221 : vector<1x16xi32> to vector<16xi32>
      %mul3A_223 = arith.constant 2 : i32
      %mul3A_224 = vector.broadcast %mul3A_223 : i32 to vector<16xi32>
      %mul3A_225 = arith.muli %get3A_222, %mul3A_224 : vector<16xi32>
      %add3A_226 = vector.broadcast %arg0 : i32 to vector<16xi32>
      %add3A_227 = arith.addi %mul3A_225, %add3A_226 : vector<16xi32>
      %swap3A_228 = arith.constant 1 : i32
      %swap3A_229 = arith.index_cast %swap3A_228 : i32 to index
      %swap3A_230 = arith.constant 80 : index
      %swap3A_231 = tpu.vector_load %arg7[%swap3A_229, %swap3A_230] {strides = array<i32>} : memref<7x128xi32, #tpu.memory_space<vmem>>, vector<1x16xi32>,
      %swap3A_232 = vector.shape_cast %swap3A_231 : vector<1x16xi32> to vector<16xi32>
      %swap3A_233 = vector.shape_cast %add3A_227 : vector<16xi32> to vector<1x16xi32>
      tpu.vector_store %arg7[%swap3A_229, %swap3A_230], %swap3A_233 {strides = array<i32>} : memref<7x128xi32, #tpu.memory_space<vmem>>, vector<1x16xi32>,
      %get3A_234 = arith.constant 1 : i32
      %get3A_235 = arith.index_cast %get3A_234 : i32 to index
      %get3A_236 = arith.constant 96 : index
      %get3A_237 = tpu.vector_load %arg7[%get3A_235, %get3A_236] {strides = array<i32>} : memref<7x128xi32, #tpu.memory_space<vmem>>, vector<1x16xi32>,
      %get3A_238 = vector.shape_cast %get3A_237 : vector<1x16xi32> to vector<16xi32>
      %mul3A_239 = arith.constant 2 : i32
      %mul3A_240 = vector.broadcast %mul3A_239 : i32 to vector<16xi32>
      %mul3A_241 = arith.muli %get3A_238, %mul3A_240 : vector<16xi32>
      %add3A_242 = vector.broadcast %arg0 : i32 to vector<16xi32>
      %add3A_243 = arith.addi %mul3A_241, %add3A_242 : vector<16xi32>
      %swap3A_244 = arith.constant 1 : i32
      %swap3A_245 = arith.index_cast %swap3A_244 : i32 to index
      %swap3A_246 = arith.constant 96 : index
      %swap3A_247 = tpu.vector_load %arg7[%swap3A_245, %swap3A_246] {strides = array<i32>} : memref<7x128xi32, #tpu.memory_space<vmem>>, vector<1x16xi32>,
      %swap3A_248 = vector.shape_cast %swap3A_247 : vector<1x16xi32> to vector<16xi32>
      %swap3A_249 = vector.shape_cast %add3A_243 : vector<16xi32> to vector<1x16xi32>
      tpu.vector_store %arg7[%swap3A_245, %swap3A_246], %swap3A_249 {strides = array<i32>} : memref<7x128xi32, #tpu.memory_space<vmem>>, vector<1x16xi32>,
      %get3A_250 = arith.constant 1 : i32
      %get3A_251 = arith.index_cast %get3A_250 : i32 to index
      %get3A_252 = arith.constant 112 : index
      %get3A_253 = tpu.vector_load %arg7[%get3A_251, %get3A_252] {strides = array<i32>} : memref<7x128xi32, #tpu.memory_space<vmem>>, vector<1x16xi32>,
      %get3A_254 = vector.shape_cast %get3A_253 : vector<1x16xi32> to vector<16xi32>
      %mul3A_255 = arith.constant 2 : i32
      %mul3A_256 = vector.broadcast %mul3A_255 : i32 to vector<16xi32>
      %mul3A_257 = arith.muli %get3A_254, %mul3A_256 : vector<16xi32>
      %add3A_258 = vector.broadcast %arg0 : i32 to vector<16xi32>
      %add3A_259 = arith.addi %mul3A_257, %add3A_258 : vector<16xi32>
      %swap3A_260 = arith.constant 1 : i32
      %swap3A_261 = arith.index_cast %swap3A_260 : i32 to index
      %swap3A_262 = arith.constant 112 : index
      %swap3A_263 = tpu.vector_load %arg7[%swap3A_261, %swap3A_262] {strides = array<i32>} : memref<7x128xi32, #tpu.memory_space<vmem>>, vector<1x16xi32>,
      %swap3A_264 = vector.shape_cast %swap3A_263 : vector<1x16xi32> to vector<16xi32>
      %swap3A_265 = vector.shape_cast %add3A_259 : vector<16xi32> to vector<1x16xi32>
      tpu.vector_store %arg7[%swap3A_261, %swap3A_262], %swap3A_265 {strides = array<i32>} : memref<7x128xi32, #tpu.memory_space<vmem>>, vector<1x16xi32>,
      %get3A_266 = arith.constant 2 : i32
      %get3A_267 = arith.index_cast %get3A_266 : i32 to index
      %get3A_268 = arith.constant 0 : index
      %get3A_269 = tpu.vector_load %arg7[%get3A_267, %get3A_268] {strides = array<i32>} : memref<7x128xi32, #tpu.memory_space<vmem>>, vector<1x16xi32>,
      %get3A_270 = vector.shape_cast %get3A_269 : vector<1x16xi32> to vector<16xi32>
      %mul3A_271 = arith.constant 2 : i32
      %mul3A_272 = vector.broadcast %mul3A_271 : i32 to vector<16xi32>
      %mul3A_273 = arith.muli %get3A_270, %mul3A_272 : vector<16xi32>
      %add3A_274 = vector.broadcast %arg0 : i32 to vector<16xi32>
      %add3A_275 = arith.addi %mul3A_273, %add3A_274 : vector<16xi32>
      %swap3A_276 = arith.constant 2 : i32
      %swap3A_277 = arith.index_cast %swap3A_276 : i32 to index
      %swap3A_278 = arith.constant 0 : index
      %swap3A_279 = tpu.vector_load %arg7[%swap3A_277, %swap3A_278] {strides = array<i32>} : memref<7x128xi32, #tpu.memory_space<vmem>>, vector<1x16xi32>,
      %swap3A_280 = vector.shape_cast %swap3A_279 : vector<1x16xi32> to vector<16xi32>
      %swap3A_281 = vector.shape_cast %add3A_275 : vector<16xi32> to vector<1x16xi32>
      tpu.vector_store %arg7[%swap3A_277, %swap3A_278], %swap3A_281 {strides = array<i32>} : memref<7x128xi32, #tpu.memory_space<vmem>>, vector<1x16xi32>,
      %get3A_282 = arith.constant 2 : i32
      %get3A_283 = arith.index_cast %get3A_282 : i32 to index
      %get3A_284 = arith.constant 16 : index
      %get3A_285 = tpu.vector_load %arg7[%get3A_283, %get3A_284] {strides = array<i32>} : memref<7x128xi32, #tpu.memory_space<vmem>>, vector<1x16xi32>,
      %get3A_286 = vector.shape_cast %get3A_285 : vector<1x16xi32> to vector<16xi32>
      %mul3A_287 = arith.constant 2 : i32
      %mul3A_288 = vector.broadcast %mul3A_287 : i32 to vector<16xi32>
      %mul3A_289 = arith.muli %get3A_286, %mul3A_288 : vector<16xi32>
      %add3A_290 = vector.broadcast %arg0 : i32 to vector<16xi32>
      %add3A_291 = arith.addi %mul3A_289, %add3A_290 : vector<16xi32>
      %swap3A_292 = arith.constant 2 : i32
      %swap3A_293 = arith.index_cast %swap3A_292 : i32 to index
      %swap3A_294 = arith.constant 16 : index
      %swap3A_295 = tpu.vector_load %arg7[%swap3A_293, %swap3A_294] {strides = array<i32>} : memref<7x128xi32, #tpu.memory_space<vmem>>, vector<1x16xi32>,
      %swap3A_296 = vector.shape_cast %swap3A_295 : vector<1x16xi32> to vector<16xi32>
      %swap3A_297 = vector.shape_cast %add3A_291 : vector<16xi32> to vector<1x16xi32>
      tpu.vector_store %arg7[%swap3A_293, %swap3A_294], %swap3A_297 {strides = array<i32>} : memref<7x128xi32, #tpu.memory_space<vmem>>, vector<1x16xi32>,
      %get3A_298 = arith.constant 2 : i32
      %get3A_299 = arith.index_cast %get3A_298 : i32 to index
      %get3A_300 = arith.constant 32 : index
      %get3A_301 = tpu.vector_load %arg7[%get3A_299, %get3A_300] {strides = array<i32>} : memref<7x128xi32, #tpu.memory_space<vmem>>, vector<1x16xi32>,
      %get3A_302 = vector.shape_cast %get3A_301 : vector<1x16xi32> to vector<16xi32>
      %mul3A_303 = arith.constant 2 : i32
      %mul3A_304 = vector.broadcast %mul3A_303 : i32 to vector<16xi32>
      %mul3A_305 = arith.muli %get3A_302, %mul3A_304 : vector<16xi32>
      %add3A_306 = vector.broadcast %arg0 : i32 to vector<16xi32>
      %add3A_307 = arith.addi %mul3A_305, %add3A_306 : vector<16xi32>
      %swap3A_308 = arith.constant 2 : i32
      %swap3A_309 = arith.index_cast %swap3A_308 : i32 to index
      %swap3A_310 = arith.constant 32 : index
      %swap3A_311 = tpu.vector_load %arg7[%swap3A_309, %swap3A_310] {strides = array<i32>} : memref<7x128xi32, #tpu.memory_space<vmem>>, vector<1x16xi32>,
      %swap3A_312 = vector.shape_cast %swap3A_311 : vector<1x16xi32> to vector<16xi32>
      %swap3A_313 = vector.shape_cast %add3A_307 : vector<16xi32> to vector<1x16xi32>
      tpu.vector_store %arg7[%swap3A_309, %swap3A_310], %swap3A_313 {strides = array<i32>} : memref<7x128xi32, #tpu.memory_space<vmem>>, vector<1x16xi32>,
      %get3A_314 = arith.constant 2 : i32
      %get3A_315 = arith.index_cast %get3A_314 : i32 to index
      %get3A_316 = arith.constant 48 : index
      %get3A_317 = tpu.vector_load %arg7[%get3A_315, %get3A_316] {strides = array<i32>} : memref<7x128xi32, #tpu.memory_space<vmem>>, vector<1x16xi32>,
      %get3A_318 = vector.shape_cast %get3A_317 : vector<1x16xi32> to vector<16xi32>
      %mul3A_319 = arith.constant 2 : i32
      %mul3A_320 = vector.broadcast %mul3A_319 : i32 to vector<16xi32>
      %mul3A_321 = arith.muli %get3A_318, %mul3A_320 : vector<16xi32>
      %add3A_322 = vector.broadcast %arg0 : i32 to vector<16xi32>
      %add3A_323 = arith.addi %mul3A_321, %add3A_322 : vector<16xi32>
      %swap3A_324 = arith.constant 2 : i32
      %swap3A_325 = arith.index_cast %swap3A_324 : i32 to index
      %swap3A_326 = arith.constant 48 : index
      %swap3A_327 = tpu.vector_load %arg7[%swap3A_325, %swap3A_326] {strides = array<i32>} : memref<7x128xi32, #tpu.memory_space<vmem>>, vector<1x16xi32>,
      %swap3A_328 = vector.shape_cast %swap3A_327 : vector<1x16xi32> to vector<16xi32>
      %swap3A_329 = vector.shape_cast %add3A_323 : vector<16xi32> to vector<1x16xi32>
      tpu.vector_store %arg7[%swap3A_325, %swap3A_326], %swap3A_329 {strides = array<i32>} : memref<7x128xi32, #tpu.memory_space<vmem>>, vector<1x16xi32>,
      %get3A_330 = arith.constant 2 : i32
      %get3A_331 = arith.index_cast %get3A_330 : i32 to index
      %get3A_332 = arith.constant 64 : index
      %get3A_333 = tpu.vector_load %arg7[%get3A_331, %get3A_332] {strides = array<i32>} : memref<7x128xi32, #tpu.memory_space<vmem>>, vector<1x16xi32>,
      %get3A_334 = vector.shape_cast %get3A_333 : vector<1x16xi32> to vector<16xi32>
      %mul3A_335 = arith.constant 2 : i32
      %mul3A_336 = vector.broadcast %mul3A_335 : i32 to vector<16xi32>
      %mul3A_337 = arith.muli %get3A_334, %mul3A_336 : vector<16xi32>
      %add3A_338 = vector.broadcast %arg0 : i32 to vector<16xi32>
      %add3A_339 = arith.addi %mul3A_337, %add3A_338 : vector<16xi32>
      %swap3A_340 = arith.constant 2 : i32
      %swap3A_341 = arith.index_cast %swap3A_340 : i32 to index
      %swap3A_342 = arith.constant 64 : index
      %swap3A_343 = tpu.vector_load %arg7[%swap3A_341, %swap3A_342] {strides = array<i32>} : memref<7x128xi32, #tpu.memory_space<vmem>>, vector<1x16xi32>,
      %swap3A_344 = vector.shape_cast %swap3A_343 : vector<1x16xi32> to vector<16xi32>
      %swap3A_345 = vector.shape_cast %add3A_339 : vector<16xi32> to vector<1x16xi32>
      tpu.vector_store %arg7[%swap3A_341, %swap3A_342], %swap3A_345 {strides = array<i32>} : memref<7x128xi32, #tpu.memory_space<vmem>>, vector<1x16xi32>,
      %get3A_346 = arith.constant 2 : i32
      %get3A_347 = arith.index_cast %get3A_346 : i32 to index
      %get3A_348 = arith.constant 80 : index
      %get3A_349 = tpu.vector_load %arg7[%get3A_347, %get3A_348] {strides = array<i32>} : memref<7x128xi32, #tpu.memory_space<vmem>>, vector<1x16xi32>,
      %get3A_350 = vector.shape_cast %get3A_349 : vector<1x16xi32> to vector<16xi32>
      %mul3A_351 = arith.constant 2 : i32
      %mul3A_352 = vector.broadcast %mul3A_351 : i32 to vector<16xi32>
      %mul3A_353 = arith.muli %get3A_350, %mul3A_352 : vector<16xi32>
      %add3A_354 = vector.broadcast %arg0 : i32 to vector<16xi32>
      %add3A_355 = arith.addi %mul3A_353, %add3A_354 : vector<16xi32>
      %swap3A_356 = arith.constant 2 : i32
      %swap3A_357 = arith.index_cast %swap3A_356 : i32 to index
      %swap3A_358 = arith.constant 80 : index
      %swap3A_359 = tpu.vector_load %arg7[%swap3A_357, %swap3A_358] {strides = array<i32>} : memref<7x128xi32, #tpu.memory_space<vmem>>, vector<1x16xi32>,
      %swap3A_360 = vector.shape_cast %swap3A_359 : vector<1x16xi32> to vector<16xi32>
      %swap3A_361 = vector.shape_cast %add3A_355 : vector<16xi32> to vector<1x16xi32>
      tpu.vector_store %arg7[%swap3A_357, %swap3A_358], %swap3A_361 {strides = array<i32>} : memref<7x128xi32, #tpu.memory_space<vmem>>, vector<1x16xi32>,
      %get3A_362 = arith.constant 2 : i32
      %get3A_363 = arith.index_cast %get3A_362 : i32 to index
      %get3A_364 = arith.constant 96 : index
      %get3A_365 = tpu.vector_load %arg7[%get3A_363, %get3A_364] {strides = array<i32>} : memref<7x128xi32, #tpu.memory_space<vmem>>, vector<1x16xi32>,
      %get3A_366 = vector.shape_cast %get3A_365 : vector<1x16xi32> to vector<16xi32>
      %mul3A_367 = arith.constant 2 : i32
      %mul3A_368 = vector.broadcast %mul3A_367 : i32 to vector<16xi32>
      %mul3A_369 = arith.muli %get3A_366, %mul3A_368 : vector<16xi32>
      %add3A_370 = vector.broadcast %arg0 : i32 to vector<16xi32>
      %add3A_371 = arith.addi %mul3A_369, %add3A_370 : vector<16xi32>
      %swap3A_372 = arith.constant 2 : i32
      %swap3A_373 = arith.index_cast %swap3A_372 : i32 to index
      %swap3A_374 = arith.constant 96 : index
      %swap3A_375 = tpu.vector_load %arg7[%swap3A_373, %swap3A_374] {strides = array<i32>} : memref<7x128xi32, #tpu.memory_space<vmem>>, vector<1x16xi32>,
      %swap3A_376 = vector.shape_cast %swap3A_375 : vector<1x16xi32> to vector<16xi32>
      %swap3A_377 = vector.shape_cast %add3A_371 : vector<16xi32> to vector<1x16xi32>
      tpu.vector_store %arg7[%swap3A_373, %swap3A_374], %swap3A_377 {strides = array<i32>} : memref<7x128xi32, #tpu.memory_space<vmem>>, vector<1x16xi32>,
      %get3A_378 = arith.constant 2 : i32
      %get3A_379 = arith.index_cast %get3A_378 : i32 to index
      %get3A_380 = arith.constant 112 : index
      %get3A_381 = tpu.vector_load %arg7[%get3A_379, %get3A_380] {strides = array<i32>} : memref<7x128xi32, #tpu.memory_space<vmem>>, vector<1x16xi32>,
      %get3A_382 = vector.shape_cast %get3A_381 : vector<1x16xi32> to vector<16xi32>
      %mul3A_383 = arith.constant 2 : i32
      %mul3A_384 = vector.broadcast %mul3A_383 : i32 to vector<16xi32>
      %mul3A_385 = arith.muli %get3A_382, %mul3A_384 : vector<16xi32>
      %add3A_386 = vector.broadcast %arg0 : i32 to vector<16xi32>
      %add3A_387 = arith.addi %mul3A_385, %add3A_386 : vector<16xi32>
      %swap3A_388 = arith.constant 2 : i32
      %swap3A_389 = arith.index_cast %swap3A_388 : i32 to index
      %swap3A_390 = arith.constant 112 : index
      %swap3A_391 = tpu.vector_load %arg7[%swap3A_389, %swap3A_390] {strides = array<i32>} : memref<7x128xi32, #tpu.memory_space<vmem>>, vector<1x16xi32>,
      %swap3A_392 = vector.shape_cast %swap3A_391 : vector<1x16xi32> to vector<16xi32>
      %swap3A_393 = vector.shape_cast %add3A_387 : vector<16xi32> to vector<1x16xi32>
      tpu.vector_store %arg7[%swap3A_389, %swap3A_390], %swap3A_393 {strides = array<i32>} : memref<7x128xi32, #tpu.memory_space<vmem>>, vector<1x16xi32>,
      %get3A_394 = arith.constant 3 : i32
      %get3A_395 = arith.index_cast %get3A_394 : i32 to index
      %get3A_396 = arith.constant 0 : index
      %get3A_397 = tpu.vector_load %arg7[%get3A_395, %get3A_396] {strides = array<i32>} : memref<7x128xi32, #tpu.memory_space<vmem>>, vector<1x16xi32>,
      %get3A_398 = vector.shape_cast %get3A_397 : vector<1x16xi32> to vector<16xi32>
      %mul3A_399 = arith.constant 2 : i32
      %mul3A_400 = vector.broadcast %mul3A_399 : i32 to vector<16xi32>
      %mul3A_401 = arith.muli %get3A_398, %mul3A_400 : vector<16xi32>
      %add3A_402 = vector.broadcast %arg0 : i32 to vector<16xi32>
      %add3A_403 = arith.addi %mul3A_401, %add3A_402 : vector<16xi32>
      %swap3A_404 = arith.constant 3 : i32
      %swap3A_405 = arith.index_cast %swap3A_404 : i32 to index
      %swap3A_406 = arith.constant 0 : index
      %swap3A_407 = tpu.vector_load %arg7[%swap3A_405, %swap3A_406] {strides = array<i32>} : memref<7x128xi32, #tpu.memory_space<vmem>>, vector<1x16xi32>,
      %swap3A_408 = vector.shape_cast %swap3A_407 : vector<1x16xi32> to vector<16xi32>
      %swap3A_409 = vector.shape_cast %add3A_403 : vector<16xi32> to vector<1x16xi32>
      tpu.vector_store %arg7[%swap3A_405, %swap3A_406], %swap3A_409 {strides = array<i32>} : memref<7x128xi32, #tpu.memory_space<vmem>>, vector<1x16xi32>,
      %get3A_410 = arith.constant 3 : i32
      %get3A_411 = arith.index_cast %get3A_410 : i32 to index
      %get3A_412 = arith.constant 16 : index
      %get3A_413 = tpu.vector_load %arg7[%get3A_411, %get3A_412] {strides = array<i32>} : memref<7x128xi32, #tpu.memory_space<vmem>>, vector<1x16xi32>,
      %get3A_414 = vector.shape_cast %get3A_413 : vector<1x16xi32> to vector<16xi32>
      %mul3A_415 = arith.constant 2 : i32
      %mul3A_416 = vector.broadcast %mul3A_415 : i32 to vector<16xi32>
      %mul3A_417 = arith.muli %get3A_414, %mul3A_416 : vector<16xi32>
      %add3A_418 = vector.broadcast %arg0 : i32 to vector<16xi32>
      %add3A_419 = arith.addi %mul3A_417, %add3A_418 : vector<16xi32>
      %swap3A_420 = arith.constant 3 : i32
      %swap3A_421 = arith.index_cast %swap3A_420 : i32 to index
      %swap3A_422 = arith.constant 16 : index
      %swap3A_423 = tpu.vector_load %arg7[%swap3A_421, %swap3A_422] {strides = array<i32>} : memref<7x128xi32, #tpu.memory_space<vmem>>, vector<1x16xi32>,
      %swap3A_424 = vector.shape_cast %swap3A_423 : vector<1x16xi32> to vector<16xi32>
      %swap3A_425 = vector.shape_cast %add3A_419 : vector<16xi32> to vector<1x16xi32>
      tpu.vector_store %arg7[%swap3A_421, %swap3A_422], %swap3A_425 {strides = array<i32>} : memref<7x128xi32, #tpu.memory_space<vmem>>, vector<1x16xi32>,
      %get3A_426 = arith.constant 3 : i32
      %get3A_427 = arith.index_cast %get3A_426 : i32 to index
      %get3A_428 = arith.constant 32 : index
      %get3A_429 = tpu.vector_load %arg7[%get3A_427, %get3A_428] {strides = array<i32>} : memref<7x128xi32, #tpu.memory_space<vmem>>, vector<1x16xi32>,
      %get3A_430 = vector.shape_cast %get3A_429 : vector<1x16xi32> to vector<16xi32>
      %mul3A_431 = arith.constant 2 : i32
      %mul3A_432 = vector.broadcast %mul3A_431 : i32 to vector<16xi32>
      %mul3A_433 = arith.muli %get3A_430, %mul3A_432 : vector<16xi32>
      %add3A_434 = vector.broadcast %arg0 : i32 to vector<16xi32>
      %add3A_435 = arith.addi %mul3A_433, %add3A_434 : vector<16xi32>
      %swap3A_436 = arith.constant 3 : i32
      %swap3A_437 = arith.index_cast %swap3A_436 : i32 to index
      %swap3A_438 = arith.constant 32 : index
      %swap3A_439 = tpu.vector_load %arg7[%swap3A_437, %swap3A_438] {strides = array<i32>} : memref<7x128xi32, #tpu.memory_space<vmem>>, vector<1x16xi32>,
      %swap3A_440 = vector.shape_cast %swap3A_439 : vector<1x16xi32> to vector<16xi32>
      %swap3A_441 = vector.shape_cast %add3A_435 : vector<16xi32> to vector<1x16xi32>
      tpu.vector_store %arg7[%swap3A_437, %swap3A_438], %swap3A_441 {strides = array<i32>} : memref<7x128xi32, #tpu.memory_space<vmem>>, vector<1x16xi32>,
      %get3A_442 = arith.constant 3 : i32
      %get3A_443 = arith.index_cast %get3A_442 : i32 to index
      %get3A_444 = arith.constant 48 : index
      %get3A_445 = tpu.vector_load %arg7[%get3A_443, %get3A_444] {strides = array<i32>} : memref<7x128xi32, #tpu.memory_space<vmem>>, vector<1x16xi32>,
      %get3A_446 = vector.shape_cast %get3A_445 : vector<1x16xi32> to vector<16xi32>
      %mul3A_447 = arith.constant 2 : i32
      %mul3A_448 = vector.broadcast %mul3A_447 : i32 to vector<16xi32>
      %mul3A_449 = arith.muli %get3A_446, %mul3A_448 : vector<16xi32>
      %add3A_450 = vector.broadcast %arg0 : i32 to vector<16xi32>
      %add3A_451 = arith.addi %mul3A_449, %add3A_450 : vector<16xi32>
      %swap3A_452 = arith.constant 3 : i32
      %swap3A_453 = arith.index_cast %swap3A_452 : i32 to index
      %swap3A_454 = arith.constant 48 : index
      %swap3A_455 = tpu.vector_load %arg7[%swap3A_453, %swap3A_454] {strides = array<i32>} : memref<7x128xi32, #tpu.memory_space<vmem>>, vector<1x16xi32>,
      %swap3A_456 = vector.shape_cast %swap3A_455 : vector<1x16xi32> to vector<16xi32>
      %swap3A_457 = vector.shape_cast %add3A_451 : vector<16xi32> to vector<1x16xi32>
      tpu.vector_store %arg7[%swap3A_453, %swap3A_454], %swap3A_457 {strides = array<i32>} : memref<7x128xi32, #tpu.memory_space<vmem>>, vector<1x16xi32>,
      %get3A_458 = arith.constant 3 : i32
      %get3A_459 = arith.index_cast %get3A_458 : i32 to index
      %get3A_460 = arith.constant 64 : index
      %get3A_461 = tpu.vector_load %arg7[%get3A_459, %get3A_460] {strides = array<i32>} : memref<7x128xi32, #tpu.memory_space<vmem>>, vector<1x16xi32>,
      %get3A_462 = vector.shape_cast %get3A_461 : vector<1x16xi32> to vector<16xi32>
      %mul3A_463 = arith.constant 2 : i32
      %mul3A_464 = vector.broadcast %mul3A_463 : i32 to vector<16xi32>
      %mul3A_465 = arith.muli %get3A_462, %mul3A_464 : vector<16xi32>
      %add3A_466 = vector.broadcast %arg0 : i32 to vector<16xi32>
      %add3A_467 = arith.addi %mul3A_465, %add3A_466 : vector<16xi32>
      %swap3A_468 = arith.constant 3 : i32
      %swap3A_469 = arith.index_cast %swap3A_468 : i32 to index
      %swap3A_470 = arith.constant 64 : index
      %swap3A_471 = tpu.vector_load %arg7[%swap3A_469, %swap3A_470] {strides = array<i32>} : memref<7x128xi32, #tpu.memory_space<vmem>>, vector<1x16xi32>,
      %swap3A_472 = vector.shape_cast %swap3A_471 : vector<1x16xi32> to vector<16xi32>
      %swap3A_473 = vector.shape_cast %add3A_467 : vector<16xi32> to vector<1x16xi32>
      tpu.vector_store %arg7[%swap3A_469, %swap3A_470], %swap3A_473 {strides = array<i32>} : memref<7x128xi32, #tpu.memory_space<vmem>>, vector<1x16xi32>,
      %get3A_474 = arith.constant 3 : i32
      %get3A_475 = arith.index_cast %get3A_474 : i32 to index
      %get3A_476 = arith.constant 80 : index
      %get3A_477 = tpu.vector_load %arg7[%get3A_475, %get3A_476] {strides = array<i32>} : memref<7x128xi32, #tpu.memory_space<vmem>>, vector<1x16xi32>,
      %get3A_478 = vector.shape_cast %get3A_477 : vector<1x16xi32> to vector<16xi32>
      %mul3A_479 = arith.constant 2 : i32
      %mul3A_480 = vector.broadcast %mul3A_479 : i32 to vector<16xi32>
      %mul3A_481 = arith.muli %get3A_478, %mul3A_480 : vector<16xi32>
      %add3A_482 = vector.broadcast %arg0 : i32 to vector<16xi32>
      %add3A_483 = arith.addi %mul3A_481, %add3A_482 : vector<16xi32>
      %swap3A_484 = arith.constant 3 : i32
      %swap3A_485 = arith.index_cast %swap3A_484 : i32 to index
      %swap3A_486 = arith.constant 80 : index
      %swap3A_487 = tpu.vector_load %arg7[%swap3A_485, %swap3A_486] {strides = array<i32>} : memref<7x128xi32, #tpu.memory_space<vmem>>, vector<1x16xi32>,
      %swap3A_488 = vector.shape_cast %swap3A_487 : vector<1x16xi32> to vector<16xi32>
      %swap3A_489 = vector.shape_cast %add3A_483 : vector<16xi32> to vector<1x16xi32>
      tpu.vector_store %arg7[%swap3A_485, %swap3A_486], %swap3A_489 {strides = array<i32>} : memref<7x128xi32, #tpu.memory_space<vmem>>, vector<1x16xi32>,
      %get3A_490 = arith.constant 3 : i32
      %get3A_491 = arith.index_cast %get3A_490 : i32 to index
      %get3A_492 = arith.constant 96 : index
      %get3A_493 = tpu.vector_load %arg7[%get3A_491, %get3A_492] {strides = array<i32>} : memref<7x128xi32, #tpu.memory_space<vmem>>, vector<1x16xi32>,
      %get3A_494 = vector.shape_cast %get3A_493 : vector<1x16xi32> to vector<16xi32>
      %mul3A_495 = arith.constant 2 : i32
      %mul3A_496 = vector.broadcast %mul3A_495 : i32 to vector<16xi32>
      %mul3A_497 = arith.muli %get3A_494, %mul3A_496 : vector<16xi32>
      %add3A_498 = vector.broadcast %arg0 : i32 to vector<16xi32>
      %add3A_499 = arith.addi %mul3A_497, %add3A_498 : vector<16xi32>
      %swap3A_500 = arith.constant 3 : i32
      %swap3A_501 = arith.index_cast %swap3A_500 : i32 to index
      %swap3A_502 = arith.constant 96 : index
      %swap3A_503 = tpu.vector_load %arg7[%swap3A_501, %swap3A_502] {strides = array<i32>} : memref<7x128xi32, #tpu.memory_space<vmem>>, vector<1x16xi32>,
      %swap3A_504 = vector.shape_cast %swap3A_503 : vector<1x16xi32> to vector<16xi32>
      %swap3A_505 = vector.shape_cast %add3A_499 : vector<16xi32> to vector<1x16xi32>
      tpu.vector_store %arg7[%swap3A_501, %swap3A_502], %swap3A_505 {strides = array<i32>} : memref<7x128xi32, #tpu.memory_space<vmem>>, vector<1x16xi32>,
      %get3A_506 = arith.constant 3 : i32
      %get3A_507 = arith.index_cast %get3A_506 : i32 to index
      %get3A_508 = arith.constant 112 : index
      %get3A_509 = tpu.vector_load %arg7[%get3A_507, %get3A_508] {strides = array<i32>} : memref<7x128xi32, #tpu.memory_space<vmem>>, vector<1x16xi32>,
      %get3A_510 = vector.shape_cast %get3A_509 : vector<1x16xi32> to vector<16xi32>
      %mul3A_511 = arith.constant 2 : i32
      %mul3A_512 = vector.broadcast %mul3A_511 : i32 to vector<16xi32>
      %mul3A_513 = arith.muli %get3A_510, %mul3A_512 : vector<16xi32>
      %add3A_514 = vector.broadcast %arg0 : i32 to vector<16xi32>
      %add3A_515 = arith.addi %mul3A_513, %add3A_514 : vector<16xi32>
      %swap3A_516 = arith.constant 3 : i32
      %swap3A_517 = arith.index_cast %swap3A_516 : i32 to index
      %swap3A_518 = arith.constant 112 : index
      %swap3A_519 = tpu.vector_load %arg7[%swap3A_517, %swap3A_518] {strides = array<i32>} : memref<7x128xi32, #tpu.memory_space<vmem>>, vector<1x16xi32>,
      %swap3A_520 = vector.shape_cast %swap3A_519 : vector<1x16xi32> to vector<16xi32>
      %swap3A_521 = vector.shape_cast %add3A_515 : vector<16xi32> to vector<1x16xi32>
      tpu.vector_store %arg7[%swap3A_517, %swap3A_518], %swap3A_521 {strides = array<i32>} : memref<7x128xi32, #tpu.memory_space<vmem>>, vector<1x16xi32>,
      %get3A_522 = arith.constant 4 : i32
      %get3A_523 = arith.index_cast %get3A_522 : i32 to index
      %get3A_524 = arith.constant 0 : index
      %get3A_525 = tpu.vector_load %arg7[%get3A_523, %get3A_524] {strides = array<i32>} : memref<7x128xi32, #tpu.memory_space<vmem>>, vector<1x16xi32>,
      %get3A_526 = vector.shape_cast %get3A_525 : vector<1x16xi32> to vector<16xi32>
      %mul3A_527 = arith.constant 2 : i32
      %mul3A_528 = vector.broadcast %mul3A_527 : i32 to vector<16xi32>
      %mul3A_529 = arith.muli %get3A_526, %mul3A_528 : vector<16xi32>
      %add3A_530 = vector.broadcast %arg0 : i32 to vector<16xi32>
      %add3A_531 = arith.addi %mul3A_529, %add3A_530 : vector<16xi32>
      %swap3A_532 = arith.constant 4 : i32
      %swap3A_533 = arith.index_cast %swap3A_532 : i32 to index
      %swap3A_534 = arith.constant 0 : index
      %swap3A_535 = tpu.vector_load %arg7[%swap3A_533, %swap3A_534] {strides = array<i32>} : memref<7x128xi32, #tpu.memory_space<vmem>>, vector<1x16xi32>,
      %swap3A_536 = vector.shape_cast %swap3A_535 : vector<1x16xi32> to vector<16xi32>
      %swap3A_537 = vector.shape_cast %add3A_531 : vector<16xi32> to vector<1x16xi32>
      tpu.vector_store %arg7[%swap3A_533, %swap3A_534], %swap3A_537 {strides = array<i32>} : memref<7x128xi32, #tpu.memory_space<vmem>>, vector<1x16xi32>,
      %get3A_538 = arith.constant 4 : i32
      %get3A_539 = arith.index_cast %get3A_538 : i32 to index
      %get3A_540 = arith.constant 16 : index
      %get3A_541 = tpu.vector_load %arg7[%get3A_539, %get3A_540] {strides = array<i32>} : memref<7x128xi32, #tpu.memory_space<vmem>>, vector<1x16xi32>,
      %get3A_542 = vector.shape_cast %get3A_541 : vector<1x16xi32> to vector<16xi32>
      %mul3A_543 = arith.constant 2 : i32
      %mul3A_544 = vector.broadcast %mul3A_543 : i32 to vector<16xi32>
      %mul3A_545 = arith.muli %get3A_542, %mul3A_544 : vector<16xi32>
      %add3A_546 = vector.broadcast %arg0 : i32 to vector<16xi32>
      %add3A_547 = arith.addi %mul3A_545, %add3A_546 : vector<16xi32>
      %swap3A_548 = arith.constant 4 : i32
      %swap3A_549 = arith.index_cast %swap3A_548 : i32 to index
      %swap3A_550 = arith.constant 16 : index
      %swap3A_551 = tpu.vector_load %arg7[%swap3A_549, %swap3A_550] {strides = array<i32>} : memref<7x128xi32, #tpu.memory_space<vmem>>, vector<1x16xi32>,
      %swap3A_552 = vector.shape_cast %swap3A_551 : vector<1x16xi32> to vector<16xi32>
      %swap3A_553 = vector.shape_cast %add3A_547 : vector<16xi32> to vector<1x16xi32>
      tpu.vector_store %arg7[%swap3A_549, %swap3A_550], %swap3A_553 {strides = array<i32>} : memref<7x128xi32, #tpu.memory_space<vmem>>, vector<1x16xi32>,
      %get3A_554 = arith.constant 4 : i32
      %get3A_555 = arith.index_cast %get3A_554 : i32 to index
      %get3A_556 = arith.constant 32 : index
      %get3A_557 = tpu.vector_load %arg7[%get3A_555, %get3A_556] {strides = array<i32>} : memref<7x128xi32, #tpu.memory_space<vmem>>, vector<1x16xi32>,
      %get3A_558 = vector.shape_cast %get3A_557 : vector<1x16xi32> to vector<16xi32>
      %mul3A_559 = arith.constant 2 : i32
      %mul3A_560 = vector.broadcast %mul3A_559 : i32 to vector<16xi32>
      %mul3A_561 = arith.muli %get3A_558, %mul3A_560 : vector<16xi32>
      %add3A_562 = vector.broadcast %arg0 : i32 to vector<16xi32>
      %add3A_563 = arith.addi %mul3A_561, %add3A_562 : vector<16xi32>
      %swap3A_564 = arith.constant 4 : i32
      %swap3A_565 = arith.index_cast %swap3A_564 : i32 to index
      %swap3A_566 = arith.constant 32 : index
      %swap3A_567 = tpu.vector_load %arg7[%swap3A_565, %swap3A_566] {strides = array<i32>} : memref<7x128xi32, #tpu.memory_space<vmem>>, vector<1x16xi32>,
      %swap3A_568 = vector.shape_cast %swap3A_567 : vector<1x16xi32> to vector<16xi32>
      %swap3A_569 = vector.shape_cast %add3A_563 : vector<16xi32> to vector<1x16xi32>
      tpu.vector_store %arg7[%swap3A_565, %swap3A_566], %swap3A_569 {strides = array<i32>} : memref<7x128xi32, #tpu.memory_space<vmem>>, vector<1x16xi32>,
      %get3A_570 = arith.constant 4 : i32
      %get3A_571 = arith.index_cast %get3A_570 : i32 to index
      %get3A_572 = arith.constant 48 : index
      %get3A_573 = tpu.vector_load %arg7[%get3A_571, %get3A_572] {strides = array<i32>} : memref<7x128xi32, #tpu.memory_space<vmem>>, vector<1x16xi32>,
      %get3A_574 = vector.shape_cast %get3A_573 : vector<1x16xi32> to vector<16xi32>
      %mul3A_575 = arith.constant 2 : i32
      %mul3A_576 = vector.broadcast %mul3A_575 : i32 to vector<16xi32>
      %mul3A_577 = arith.muli %get3A_574, %mul3A_576 : vector<16xi32>
      %add3A_578 = vector.broadcast %arg0 : i32 to vector<16xi32>
      %add3A_579 = arith.addi %mul3A_577, %add3A_578 : vector<16xi32>
      %swap3A_580 = arith.constant 4 : i32
      %swap3A_581 = arith.index_cast %swap3A_580 : i32 to index
      %swap3A_582 = arith.constant 48 : index
      %swap3A_583 = tpu.vector_load %arg7[%swap3A_581, %swap3A_582] {strides = array<i32>} : memref<7x128xi32, #tpu.memory_space<vmem>>, vector<1x16xi32>,
      %swap3A_584 = vector.shape_cast %swap3A_583 : vector<1x16xi32> to vector<16xi32>
      %swap3A_585 = vector.shape_cast %add3A_579 : vector<16xi32> to vector<1x16xi32>
      tpu.vector_store %arg7[%swap3A_581, %swap3A_582], %swap3A_585 {strides = array<i32>} : memref<7x128xi32, #tpu.memory_space<vmem>>, vector<1x16xi32>,
      %get3A_586 = arith.constant 4 : i32
      %get3A_587 = arith.index_cast %get3A_586 : i32 to index
      %get3A_588 = arith.constant 64 : index
      %get3A_589 = tpu.vector_load %arg7[%get3A_587, %get3A_588] {strides = array<i32>} : memref<7x128xi32, #tpu.memory_space<vmem>>, vector<1x16xi32>,
      %get3A_590 = vector.shape_cast %get3A_589 : vector<1x16xi32> to vector<16xi32>
      %mul3A_591 = arith.constant 2 : i32
      %mul3A_592 = vector.broadcast %mul3A_591 : i32 to vector<16xi32>
      %mul3A_593 = arith.muli %get3A_590, %mul3A_592 : vector<16xi32>
      %add3A_594 = vector.broadcast %arg0 : i32 to vector<16xi32>
      %add3A_595 = arith.addi %mul3A_593, %add3A_594 : vector<16xi32>
      %swap3A_596 = arith.constant 4 : i32
      %swap3A_597 = arith.index_cast %swap3A_596 : i32 to index
      %swap3A_598 = arith.constant 64 : index
      %swap3A_599 = tpu.vector_load %arg7[%swap3A_597, %swap3A_598] {strides = array<i32>} : memref<7x128xi32, #tpu.memory_space<vmem>>, vector<1x16xi32>,
      %swap3A_600 = vector.shape_cast %swap3A_599 : vector<1x16xi32> to vector<16xi32>
      %swap3A_601 = vector.shape_cast %add3A_595 : vector<16xi32> to vector<1x16xi32>
      tpu.vector_store %arg7[%swap3A_597, %swap3A_598], %swap3A_601 {strides = array<i32>} : memref<7x128xi32, #tpu.memory_space<vmem>>, vector<1x16xi32>,
      %get3A_602 = arith.constant 4 : i32
      %get3A_603 = arith.index_cast %get3A_602 : i32 to index
      %get3A_604 = arith.constant 80 : index
      %get3A_605 = tpu.vector_load %arg7[%get3A_603, %get3A_604] {strides = array<i32>} : memref<7x128xi32, #tpu.memory_space<vmem>>, vector<1x16xi32>,
      %get3A_606 = vector.shape_cast %get3A_605 : vector<1x16xi32> to vector<16xi32>
      %mul3A_607 = arith.constant 2 : i32
      %mul3A_608 = vector.broadcast %mul3A_607 : i32 to vector<16xi32>
      %mul3A_609 = arith.muli %get3A_606, %mul3A_608 : vector<16xi32>
      %add3A_610 = vector.broadcast %arg0 : i32 to vector<16xi32>
      %add3A_611 = arith.addi %mul3A_609, %add3A_610 : vector<16xi32>
      %swap3A_612 = arith.constant 4 : i32
      %swap3A_613 = arith.index_cast %swap3A_612 : i32 to index
      %swap3A_614 = arith.constant 80 : index
      %swap3A_615 = tpu.vector_load %arg7[%swap3A_613, %swap3A_614] {strides = array<i32>} : memref<7x128xi32, #tpu.memory_space<vmem>>, vector<1x16xi32>,
      %swap3A_616 = vector.shape_cast %swap3A_615 : vector<1x16xi32> to vector<16xi32>
      %swap3A_617 = vector.shape_cast %add3A_611 : vector<16xi32> to vector<1x16xi32>
      tpu.vector_store %arg7[%swap3A_613, %swap3A_614], %swap3A_617 {strides = array<i32>} : memref<7x128xi32, #tpu.memory_space<vmem>>, vector<1x16xi32>,
      %get3A_618 = arith.constant 4 : i32
      %get3A_619 = arith.index_cast %get3A_618 : i32 to index
      %get3A_620 = arith.constant 96 : index
      %get3A_621 = tpu.vector_load %arg7[%get3A_619, %get3A_620] {strides = array<i32>} : memref<7x128xi32, #tpu.memory_space<vmem>>, vector<1x16xi32>,
      %get3A_622 = vector.shape_cast %get3A_621 : vector<1x16xi32> to vector<16xi32>
      %mul3A_623 = arith.constant 2 : i32
      %mul3A_624 = vector.broadcast %mul3A_623 : i32 to vector<16xi32>
      %mul3A_625 = arith.muli %get3A_622, %mul3A_624 : vector<16xi32>
      %add3A_626 = vector.broadcast %arg0 : i32 to vector<16xi32>
      %add3A_627 = arith.addi %mul3A_625, %add3A_626 : vector<16xi32>
      %swap3A_628 = arith.constant 4 : i32
      %swap3A_629 = arith.index_cast %swap3A_628 : i32 to index
      %swap3A_630 = arith.constant 96 : index
      %swap3A_631 = tpu.vector_load %arg7[%swap3A_629, %swap3A_630] {strides = array<i32>} : memref<7x128xi32, #tpu.memory_space<vmem>>, vector<1x16xi32>,
      %swap3A_632 = vector.shape_cast %swap3A_631 : vector<1x16xi32> to vector<16xi32>
      %swap3A_633 = vector.shape_cast %add3A_627 : vector<16xi32> to vector<1x16xi32>
      tpu.vector_store %arg7[%swap3A_629, %swap3A_630], %swap3A_633 {strides = array<i32>} : memref<7x128xi32, #tpu.memory_space<vmem>>, vector<1x16xi32>,
      %get3A_634 = arith.constant 4 : i32
      %get3A_635 = arith.index_cast %get3A_634 : i32 to index
      %get3A_636 = arith.constant 112 : index
      %get3A_637 = tpu.vector_load %arg7[%get3A_635, %get3A_636] {strides = array<i32>} : memref<7x128xi32, #tpu.memory_space<vmem>>, vector<1x16xi32>,
      %get3A_638 = vector.shape_cast %get3A_637 : vector<1x16xi32> to vector<16xi32>
      %mul3A_639 = arith.constant 2 : i32
      %mul3A_640 = vector.broadcast %mul3A_639 : i32 to vector<16xi32>
      %mul3A_641 = arith.muli %get3A_638, %mul3A_640 : vector<16xi32>
      %add3A_642 = vector.broadcast %arg0 : i32 to vector<16xi32>
      %add3A_643 = arith.addi %mul3A_641, %add3A_642 : vector<16xi32>
      %swap3A_644 = arith.constant 4 : i32
      %swap3A_645 = arith.index_cast %swap3A_644 : i32 to index
      %swap3A_646 = arith.constant 112 : index
      %swap3A_647 = tpu.vector_load %arg7[%swap3A_645, %swap3A_646] {strides = array<i32>} : memref<7x128xi32, #tpu.memory_space<vmem>>, vector<1x16xi32>,
      %swap3A_648 = vector.shape_cast %swap3A_647 : vector<1x16xi32> to vector<16xi32>
      %swap3A_649 = vector.shape_cast %add3A_643 : vector<16xi32> to vector<1x16xi32>
      tpu.vector_store %arg7[%swap3A_645, %swap3A_646], %swap3A_649 {strides = array<i32>} : memref<7x128xi32, #tpu.memory_space<vmem>>, vector<1x16xi32>,
      %get3A_650 = arith.constant 5 : i32
      %get3A_651 = arith.index_cast %get3A_650 : i32 to index
      %get3A_652 = arith.constant 0 : index
      %get3A_653 = tpu.vector_load %arg7[%get3A_651, %get3A_652] {strides = array<i32>} : memref<7x128xi32, #tpu.memory_space<vmem>>, vector<1x16xi32>,
      %get3A_654 = vector.shape_cast %get3A_653 : vector<1x16xi32> to vector<16xi32>
      %mul3A_655 = arith.constant 2 : i32
      %mul3A_656 = vector.broadcast %mul3A_655 : i32 to vector<16xi32>
      %mul3A_657 = arith.muli %get3A_654, %mul3A_656 : vector<16xi32>
      %add3A_658 = vector.broadcast %arg0 : i32 to vector<16xi32>
      %add3A_659 = arith.addi %mul3A_657, %add3A_658 : vector<16xi32>
      %swap3A_660 = arith.constant 5 : i32
      %swap3A_661 = arith.index_cast %swap3A_660 : i32 to index
      %swap3A_662 = arith.constant 0 : index
      %swap3A_663 = tpu.vector_load %arg7[%swap3A_661, %swap3A_662] {strides = array<i32>} : memref<7x128xi32, #tpu.memory_space<vmem>>, vector<1x16xi32>,
      %swap3A_664 = vector.shape_cast %swap3A_663 : vector<1x16xi32> to vector<16xi32>
      %swap3A_665 = vector.shape_cast %add3A_659 : vector<16xi32> to vector<1x16xi32>
      tpu.vector_store %arg7[%swap3A_661, %swap3A_662], %swap3A_665 {strides = array<i32>} : memref<7x128xi32, #tpu.memory_space<vmem>>, vector<1x16xi32>,
      %get3A_666 = arith.constant 5 : i32
      %get3A_667 = arith.index_cast %get3A_666 : i32 to index
      %get3A_668 = arith.constant 16 : index
      %get3A_669 = tpu.vector_load %arg7[%get3A_667, %get3A_668] {strides = array<i32>} : memref<7x128xi32, #tpu.memory_space<vmem>>, vector<1x16xi32>,
      %get3A_670 = vector.shape_cast %get3A_669 : vector<1x16xi32> to vector<16xi32>
      %mul3A_671 = arith.constant 2 : i32
      %mul3A_672 = vector.broadcast %mul3A_671 : i32 to vector<16xi32>
      %mul3A_673 = arith.muli %get3A_670, %mul3A_672 : vector<16xi32>
      %add3A_674 = vector.broadcast %arg0 : i32 to vector<16xi32>
      %add3A_675 = arith.addi %mul3A_673, %add3A_674 : vector<16xi32>
      %swap3A_676 = arith.constant 5 : i32
      %swap3A_677 = arith.index_cast %swap3A_676 : i32 to index
      %swap3A_678 = arith.constant 16 : index
      %swap3A_679 = tpu.vector_load %arg7[%swap3A_677, %swap3A_678] {strides = array<i32>} : memref<7x128xi32, #tpu.memory_space<vmem>>, vector<1x16xi32>,
      %swap3A_680 = vector.shape_cast %swap3A_679 : vector<1x16xi32> to vector<16xi32>
      %swap3A_681 = vector.shape_cast %add3A_675 : vector<16xi32> to vector<1x16xi32>
      tpu.vector_store %arg7[%swap3A_677, %swap3A_678], %swap3A_681 {strides = array<i32>} : memref<7x128xi32, #tpu.memory_space<vmem>>, vector<1x16xi32>,
      %get3A_682 = arith.constant 5 : i32
      %get3A_683 = arith.index_cast %get3A_682 : i32 to index
      %get3A_684 = arith.constant 32 : index
      %get3A_685 = tpu.vector_load %arg7[%get3A_683, %get3A_684] {strides = array<i32>} : memref<7x128xi32, #tpu.memory_space<vmem>>, vector<1x16xi32>,
      %get3A_686 = vector.shape_cast %get3A_685 : vector<1x16xi32> to vector<16xi32>
      %mul3A_687 = arith.constant 2 : i32
      %mul3A_688 = vector.broadcast %mul3A_687 : i32 to vector<16xi32>
      %mul3A_689 = arith.muli %get3A_686, %mul3A_688 : vector<16xi32>
      %add3A_690 = vector.broadcast %arg0 : i32 to vector<16xi32>
      %add3A_691 = arith.addi %mul3A_689, %add3A_690 : vector<16xi32>
      %swap3A_692 = arith.constant 5 : i32
      %swap3A_693 = arith.index_cast %swap3A_692 : i32 to index
      %swap3A_694 = arith.constant 32 : index
      %swap3A_695 = tpu.vector_load %arg7[%swap3A_693, %swap3A_694] {strides = array<i32>} : memref<7x128xi32, #tpu.memory_space<vmem>>, vector<1x16xi32>,
      %swap3A_696 = vector.shape_cast %swap3A_695 : vector<1x16xi32> to vector<16xi32>
      %swap3A_697 = vector.shape_cast %add3A_691 : vector<16xi32> to vector<1x16xi32>
      tpu.vector_store %arg7[%swap3A_693, %swap3A_694], %swap3A_697 {strides = array<i32>} : memref<7x128xi32, #tpu.memory_space<vmem>>, vector<1x16xi32>,
      %get3A_698 = arith.constant 5 : i32
      %get3A_699 = arith.index_cast %get3A_698 : i32 to index
      %get3A_700 = arith.constant 48 : index
      %get3A_701 = tpu.vector_load %arg7[%get3A_699, %get3A_700] {strides = array<i32>} : memref<7x128xi32, #tpu.memory_space<vmem>>, vector<1x16xi32>,
      %get3A_702 = vector.shape_cast %get3A_701 : vector<1x16xi32> to vector<16xi32>
      %mul3A_703 = arith.constant 2 : i32
      %mul3A_704 = vector.broadcast %mul3A_703 : i32 to vector<16xi32>
      %mul3A_705 = arith.muli %get3A_702, %mul3A_704 : vector<16xi32>
      %add3A_706 = vector.broadcast %arg0 : i32 to vector<16xi32>
      %add3A_707 = arith.addi %mul3A_705, %add3A_706 : vector<16xi32>
      %swap3A_708 = arith.constant 5 : i32
      %swap3A_709 = arith.index_cast %swap3A_708 : i32 to index
      %swap3A_710 = arith.constant 48 : index
      %swap3A_711 = tpu.vector_load %arg7[%swap3A_709, %swap3A_710] {strides = array<i32>} : memref<7x128xi32, #tpu.memory_space<vmem>>, vector<1x16xi32>,
      %swap3A_712 = vector.shape_cast %swap3A_711 : vector<1x16xi32> to vector<16xi32>
      %swap3A_713 = vector.shape_cast %add3A_707 : vector<16xi32> to vector<1x16xi32>
      tpu.vector_store %arg7[%swap3A_709, %swap3A_710], %swap3A_713 {strides = array<i32>} : memref<7x128xi32, #tpu.memory_space<vmem>>, vector<1x16xi32>,
      %get3A_714 = arith.constant 5 : i32
      %get3A_715 = arith.index_cast %get3A_714 : i32 to index
      %get3A_716 = arith.constant 64 : index
      %get3A_717 = tpu.vector_load %arg7[%get3A_715, %get3A_716] {strides = array<i32>} : memref<7x128xi32, #tpu.memory_space<vmem>>, vector<1x16xi32>,
      %get3A_718 = vector.shape_cast %get3A_717 : vector<1x16xi32> to vector<16xi32>
      %mul3A_719 = arith.constant 2 : i32
      %mul3A_720 = vector.broadcast %mul3A_719 : i32 to vector<16xi32>
      %mul3A_721 = arith.muli %get3A_718, %mul3A_720 : vector<16xi32>
      %add3A_722 = vector.broadcast %arg0 : i32 to vector<16xi32>
      %add3A_723 = arith.addi %mul3A_721, %add3A_722 : vector<16xi32>
      %swap3A_724 = arith.constant 5 : i32
      %swap3A_725 = arith.index_cast %swap3A_724 : i32 to index
      %swap3A_726 = arith.constant 64 : index
      %swap3A_727 = tpu.vector_load %arg7[%swap3A_725, %swap3A_726] {strides = array<i32>} : memref<7x128xi32, #tpu.memory_space<vmem>>, vector<1x16xi32>,
      %swap3A_728 = vector.shape_cast %swap3A_727 : vector<1x16xi32> to vector<16xi32>
      %swap3A_729 = vector.shape_cast %add3A_723 : vector<16xi32> to vector<1x16xi32>
      tpu.vector_store %arg7[%swap3A_725, %swap3A_726], %swap3A_729 {strides = array<i32>} : memref<7x128xi32, #tpu.memory_space<vmem>>, vector<1x16xi32>,
      %get3A_730 = arith.constant 5 : i32
      %get3A_731 = arith.index_cast %get3A_730 : i32 to index
      %get3A_732 = arith.constant 80 : index
      %get3A_733 = tpu.vector_load %arg7[%get3A_731, %get3A_732] {strides = array<i32>} : memref<7x128xi32, #tpu.memory_space<vmem>>, vector<1x16xi32>,
      %get3A_734 = vector.shape_cast %get3A_733 : vector<1x16xi32> to vector<16xi32>
      %mul3A_735 = arith.constant 2 : i32
      %mul3A_736 = vector.broadcast %mul3A_735 : i32 to vector<16xi32>
      %mul3A_737 = arith.muli %get3A_734, %mul3A_736 : vector<16xi32>
      %add3A_738 = vector.broadcast %arg0 : i32 to vector<16xi32>
      %add3A_739 = arith.addi %mul3A_737, %add3A_738 : vector<16xi32>
      %swap3A_740 = arith.constant 5 : i32
      %swap3A_741 = arith.index_cast %swap3A_740 : i32 to index
      %swap3A_742 = arith.constant 80 : index
      %swap3A_743 = tpu.vector_load %arg7[%swap3A_741, %swap3A_742] {strides = array<i32>} : memref<7x128xi32, #tpu.memory_space<vmem>>, vector<1x16xi32>,
      %swap3A_744 = vector.shape_cast %swap3A_743 : vector<1x16xi32> to vector<16xi32>
      %swap3A_745 = vector.shape_cast %add3A_739 : vector<16xi32> to vector<1x16xi32>
      tpu.vector_store %arg7[%swap3A_741, %swap3A_742], %swap3A_745 {strides = array<i32>} : memref<7x128xi32, #tpu.memory_space<vmem>>, vector<1x16xi32>,
      %get3A_746 = arith.constant 5 : i32
      %get3A_747 = arith.index_cast %get3A_746 : i32 to index
      %get3A_748 = arith.constant 96 : index
      %get3A_749 = tpu.vector_load %arg7[%get3A_747, %get3A_748] {strides = array<i32>} : memref<7x128xi32, #tpu.memory_space<vmem>>, vector<1x16xi32>,
      %get3A_750 = vector.shape_cast %get3A_749 : vector<1x16xi32> to vector<16xi32>
      %mul3A_751 = arith.constant 2 : i32
      %mul3A_752 = vector.broadcast %mul3A_751 : i32 to vector<16xi32>
      %mul3A_753 = arith.muli %get3A_750, %mul3A_752 : vector<16xi32>
      %add3A_754 = vector.broadcast %arg0 : i32 to vector<16xi32>
      %add3A_755 = arith.addi %mul3A_753, %add3A_754 : vector<16xi32>
      %swap3A_756 = arith.constant 5 : i32
      %swap3A_757 = arith.index_cast %swap3A_756 : i32 to index
      %swap3A_758 = arith.constant 96 : index
      %swap3A_759 = tpu.vector_load %arg7[%swap3A_757, %swap3A_758] {strides = array<i32>} : memref<7x128xi32, #tpu.memory_space<vmem>>, vector<1x16xi32>,
      %swap3A_760 = vector.shape_cast %swap3A_759 : vector<1x16xi32> to vector<16xi32>
      %swap3A_761 = vector.shape_cast %add3A_755 : vector<16xi32> to vector<1x16xi32>
      tpu.vector_store %arg7[%swap3A_757, %swap3A_758], %swap3A_761 {strides = array<i32>} : memref<7x128xi32, #tpu.memory_space<vmem>>, vector<1x16xi32>,
      %get3A_762 = arith.constant 5 : i32
      %get3A_763 = arith.index_cast %get3A_762 : i32 to index
      %get3A_764 = arith.constant 112 : index
      %get3A_765 = tpu.vector_load %arg7[%get3A_763, %get3A_764] {strides = array<i32>} : memref<7x128xi32, #tpu.memory_space<vmem>>, vector<1x16xi32>,
      %get3A_766 = vector.shape_cast %get3A_765 : vector<1x16xi32> to vector<16xi32>
      %mul3A_767 = arith.constant 2 : i32
      %mul3A_768 = vector.broadcast %mul3A_767 : i32 to vector<16xi32>
      %mul3A_769 = arith.muli %get3A_766, %mul3A_768 : vector<16xi32>
      %add3A_770 = vector.broadcast %arg0 : i32 to vector<16xi32>
      %add3A_771 = arith.addi %mul3A_769, %add3A_770 : vector<16xi32>
      %swap3A_772 = arith.constant 5 : i32
      %swap3A_773 = arith.index_cast %swap3A_772 : i32 to index
      %swap3A_774 = arith.constant 112 : index
      %swap3A_775 = tpu.vector_load %arg7[%swap3A_773, %swap3A_774] {strides = array<i32>} : memref<7x128xi32, #tpu.memory_space<vmem>>, vector<1x16xi32>,
      %swap3A_776 = vector.shape_cast %swap3A_775 : vector<1x16xi32> to vector<16xi32>
      %swap3A_777 = vector.shape_cast %add3A_771 : vector<16xi32> to vector<1x16xi32>
      tpu.vector_store %arg7[%swap3A_773, %swap3A_774], %swap3A_777 {strides = array<i32>} : memref<7x128xi32, #tpu.memory_space<vmem>>, vector<1x16xi32>,
      %get3A_778 = arith.constant 6 : i32
      %get3A_779 = arith.index_cast %get3A_778 : i32 to index
      %get3A_780 = arith.constant 0 : index
      %get3A_781 = tpu.vector_load %arg7[%get3A_779, %get3A_780] {strides = array<i32>} : memref<7x128xi32, #tpu.memory_space<vmem>>, vector<1x16xi32>,
      %get3A_782 = vector.shape_cast %get3A_781 : vector<1x16xi32> to vector<16xi32>
      %mul3A_783 = arith.constant 2 : i32
      %mul3A_784 = vector.broadcast %mul3A_783 : i32 to vector<16xi32>
      %mul3A_785 = arith.muli %get3A_782, %mul3A_784 : vector<16xi32>
      %add3A_786 = vector.broadcast %arg0 : i32 to vector<16xi32>
      %add3A_787 = arith.addi %mul3A_785, %add3A_786 : vector<16xi32>
      %swap3A_788 = arith.constant 6 : i32
      %swap3A_789 = arith.index_cast %swap3A_788 : i32 to index
      %swap3A_790 = arith.constant 0 : index
      %swap3A_791 = tpu.vector_load %arg7[%swap3A_789, %swap3A_790] {strides = array<i32>} : memref<7x128xi32, #tpu.memory_space<vmem>>, vector<1x16xi32>,
      %swap3A_792 = vector.shape_cast %swap3A_791 : vector<1x16xi32> to vector<16xi32>
      %swap3A_793 = vector.shape_cast %add3A_787 : vector<16xi32> to vector<1x16xi32>
      tpu.vector_store %arg7[%swap3A_789, %swap3A_790], %swap3A_793 {strides = array<i32>} : memref<7x128xi32, #tpu.memory_space<vmem>>, vector<1x16xi32>,
      %get3A_794 = arith.constant 6 : i32
      %get3A_795 = arith.index_cast %get3A_794 : i32 to index
      %get3A_796 = arith.constant 16 : index
      %get3A_797 = tpu.vector_load %arg7[%get3A_795, %get3A_796] {strides = array<i32>} : memref<7x128xi32, #tpu.memory_space<vmem>>, vector<1x16xi32>,
      %get3A_798 = vector.shape_cast %get3A_797 : vector<1x16xi32> to vector<16xi32>
      %mul3A_799 = arith.constant 2 : i32
      %mul3A_800 = vector.broadcast %mul3A_799 : i32 to vector<16xi32>
      %mul3A_801 = arith.muli %get3A_798, %mul3A_800 : vector<16xi32>
      %add3A_802 = vector.broadcast %arg0 : i32 to vector<16xi32>
      %add3A_803 = arith.addi %mul3A_801, %add3A_802 : vector<16xi32>
      %swap3A_804 = arith.constant 6 : i32
      %swap3A_805 = arith.index_cast %swap3A_804 : i32 to index
      %swap3A_806 = arith.constant 16 : index
      %swap3A_807 = tpu.vector_load %arg7[%swap3A_805, %swap3A_806] {strides = array<i32>} : memref<7x128xi32, #tpu.memory_space<vmem>>, vector<1x16xi32>,
      %swap3A_808 = vector.shape_cast %swap3A_807 : vector<1x16xi32> to vector<16xi32>
      %swap3A_809 = vector.shape_cast %add3A_803 : vector<16xi32> to vector<1x16xi32>
      tpu.vector_store %arg7[%swap3A_805, %swap3A_806], %swap3A_809 {strides = array<i32>} : memref<7x128xi32, #tpu.memory_space<vmem>>, vector<1x16xi32>,
      %get3A_810 = arith.constant 6 : i32
      %get3A_811 = arith.index_cast %get3A_810 : i32 to index
      %get3A_812 = arith.constant 32 : index
      %get3A_813 = tpu.vector_load %arg7[%get3A_811, %get3A_812] {strides = array<i32>} : memref<7x128xi32, #tpu.memory_space<vmem>>, vector<1x16xi32>,
      %get3A_814 = vector.shape_cast %get3A_813 : vector<1x16xi32> to vector<16xi32>
      %mul3A_815 = arith.constant 2 : i32
      %mul3A_816 = vector.broadcast %mul3A_815 : i32 to vector<16xi32>
      %mul3A_817 = arith.muli %get3A_814, %mul3A_816 : vector<16xi32>
      %add3A_818 = vector.broadcast %arg0 : i32 to vector<16xi32>
      %add3A_819 = arith.addi %mul3A_817, %add3A_818 : vector<16xi32>
      %swap3A_820 = arith.constant 6 : i32
      %swap3A_821 = arith.index_cast %swap3A_820 : i32 to index
      %swap3A_822 = arith.constant 32 : index
      %swap3A_823 = tpu.vector_load %arg7[%swap3A_821, %swap3A_822] {strides = array<i32>} : memref<7x128xi32, #tpu.memory_space<vmem>>, vector<1x16xi32>,
      %swap3A_824 = vector.shape_cast %swap3A_823 : vector<1x16xi32> to vector<16xi32>
      %swap3A_825 = vector.shape_cast %add3A_819 : vector<16xi32> to vector<1x16xi32>
      tpu.vector_store %arg7[%swap3A_821, %swap3A_822], %swap3A_825 {strides = array<i32>} : memref<7x128xi32, #tpu.memory_space<vmem>>, vector<1x16xi32>,
      %get3A_826 = arith.constant 6 : i32
      %get3A_827 = arith.index_cast %get3A_826 : i32 to index
      %get3A_828 = arith.constant 48 : index
      %get3A_829 = tpu.vector_load %arg7[%get3A_827, %get3A_828] {strides = array<i32>} : memref<7x128xi32, #tpu.memory_space<vmem>>, vector<1x16xi32>,
      %get3A_830 = vector.shape_cast %get3A_829 : vector<1x16xi32> to vector<16xi32>
      %mul3A_831 = arith.constant 2 : i32
      %mul3A_832 = vector.broadcast %mul3A_831 : i32 to vector<16xi32>
      %mul3A_833 = arith.muli %get3A_830, %mul3A_832 : vector<16xi32>
      %add3A_834 = vector.broadcast %arg0 : i32 to vector<16xi32>
      %add3A_835 = arith.addi %mul3A_833, %add3A_834 : vector<16xi32>
      %swap3A_836 = arith.constant 6 : i32
      %swap3A_837 = arith.index_cast %swap3A_836 : i32 to index
      %swap3A_838 = arith.constant 48 : index
      %swap3A_839 = tpu.vector_load %arg7[%swap3A_837, %swap3A_838] {strides = array<i32>} : memref<7x128xi32, #tpu.memory_space<vmem>>, vector<1x16xi32>,
      %swap3A_840 = vector.shape_cast %swap3A_839 : vector<1x16xi32> to vector<16xi32>
      %swap3A_841 = vector.shape_cast %add3A_835 : vector<16xi32> to vector<1x16xi32>
      tpu.vector_store %arg7[%swap3A_837, %swap3A_838], %swap3A_841 {strides = array<i32>} : memref<7x128xi32, #tpu.memory_space<vmem>>, vector<1x16xi32>,
      %get3A_842 = arith.constant 6 : i32
      %get3A_843 = arith.index_cast %get3A_842 : i32 to index
      %get3A_844 = arith.constant 64 : index
      %get3A_845 = tpu.vector_load %arg7[%get3A_843, %get3A_844] {strides = array<i32>} : memref<7x128xi32, #tpu.memory_space<vmem>>, vector<1x16xi32>,
      %get3A_846 = vector.shape_cast %get3A_845 : vector<1x16xi32> to vector<16xi32>
      %mul3A_847 = arith.constant 2 : i32
      %mul3A_848 = vector.broadcast %mul3A_847 : i32 to vector<16xi32>
      %mul3A_849 = arith.muli %get3A_846, %mul3A_848 : vector<16xi32>
      %add3A_850 = vector.broadcast %arg0 : i32 to vector<16xi32>
      %add3A_851 = arith.addi %mul3A_849, %add3A_850 : vector<16xi32>
      %swap3A_852 = arith.constant 6 : i32
      %swap3A_853 = arith.index_cast %swap3A_852 : i32 to index
      %swap3A_854 = arith.constant 64 : index
      %swap3A_855 = tpu.vector_load %arg7[%swap3A_853, %swap3A_854] {strides = array<i32>} : memref<7x128xi32, #tpu.memory_space<vmem>>, vector<1x16xi32>,
      %swap3A_856 = vector.shape_cast %swap3A_855 : vector<1x16xi32> to vector<16xi32>
      %swap3A_857 = vector.shape_cast %add3A_851 : vector<16xi32> to vector<1x16xi32>
      tpu.vector_store %arg7[%swap3A_853, %swap3A_854], %swap3A_857 {strides = array<i32>} : memref<7x128xi32, #tpu.memory_space<vmem>>, vector<1x16xi32>,
      %get3A_858 = arith.constant 6 : i32
      %get3A_859 = arith.index_cast %get3A_858 : i32 to index
      %get3A_860 = arith.constant 80 : index
      %get3A_861 = tpu.vector_load %arg7[%get3A_859, %get3A_860] {strides = array<i32>} : memref<7x128xi32, #tpu.memory_space<vmem>>, vector<1x16xi32>,
      %get3A_862 = vector.shape_cast %get3A_861 : vector<1x16xi32> to vector<16xi32>
      %mul3A_863 = arith.constant 2 : i32
      %mul3A_864 = vector.broadcast %mul3A_863 : i32 to vector<16xi32>
      %mul3A_865 = arith.muli %get3A_862, %mul3A_864 : vector<16xi32>
      %add3A_866 = vector.broadcast %arg0 : i32 to vector<16xi32>
      %add3A_867 = arith.addi %mul3A_865, %add3A_866 : vector<16xi32>
      %swap3A_868 = arith.constant 6 : i32
      %swap3A_869 = arith.index_cast %swap3A_868 : i32 to index
      %swap3A_870 = arith.constant 80 : index
      %swap3A_871 = tpu.vector_load %arg7[%swap3A_869, %swap3A_870] {strides = array<i32>} : memref<7x128xi32, #tpu.memory_space<vmem>>, vector<1x16xi32>,
      %swap3A_872 = vector.shape_cast %swap3A_871 : vector<1x16xi32> to vector<16xi32>
      %swap3A_873 = vector.shape_cast %add3A_867 : vector<16xi32> to vector<1x16xi32>
      tpu.vector_store %arg7[%swap3A_869, %swap3A_870], %swap3A_873 {strides = array<i32>} : memref<7x128xi32, #tpu.memory_space<vmem>>, vector<1x16xi32>,
      %get3A_874 = arith.constant 6 : i32
      %get3A_875 = arith.index_cast %get3A_874 : i32 to index
      %get3A_876 = arith.constant 96 : index
      %get3A_877 = tpu.vector_load %arg7[%get3A_875, %get3A_876] {strides = array<i32>} : memref<7x128xi32, #tpu.memory_space<vmem>>, vector<1x16xi32>,
      %get3A_878 = vector.shape_cast %get3A_877 : vector<1x16xi32> to vector<16xi32>
      %mul3A_879 = arith.constant 2 : i32
      %mul3A_880 = vector.broadcast %mul3A_879 : i32 to vector<16xi32>
      %mul3A_881 = arith.muli %get3A_878, %mul3A_880 : vector<16xi32>
      %add3A_882 = vector.broadcast %arg0 : i32 to vector<16xi32>
      %add3A_883 = arith.addi %mul3A_881, %add3A_882 : vector<16xi32>
      %swap3A_884 = arith.constant 6 : i32
      %swap3A_885 = arith.index_cast %swap3A_884 : i32 to index
      %swap3A_886 = arith.constant 96 : index
      %swap3A_887 = tpu.vector_load %arg7[%swap3A_885, %swap3A_886] {strides = array<i32>} : memref<7x128xi32, #tpu.memory_space<vmem>>, vector<1x16xi32>,
      %swap3A_888 = vector.shape_cast %swap3A_887 : vector<1x16xi32> to vector<16xi32>
      %swap3A_889 = vector.shape_cast %add3A_883 : vector<16xi32> to vector<1x16xi32>
      tpu.vector_store %arg7[%swap3A_885, %swap3A_886], %swap3A_889 {strides = array<i32>} : memref<7x128xi32, #tpu.memory_space<vmem>>, vector<1x16xi32>,
      %get3A_890 = arith.constant 6 : i32
      %get3A_891 = arith.index_cast %get3A_890 : i32 to index
      %get3A_892 = arith.constant 112 : index
      %get3A_893 = tpu.vector_load %arg7[%get3A_891, %get3A_892] {strides = array<i32>} : memref<7x128xi32, #tpu.memory_space<vmem>>, vector<1x16xi32>,
      %get3A_894 = vector.shape_cast %get3A_893 : vector<1x16xi32> to vector<16xi32>
      %mul3A_895 = arith.constant 2 : i32
      %mul3A_896 = vector.broadcast %mul3A_895 : i32 to vector<16xi32>
      %mul3A_897 = arith.muli %get3A_894, %mul3A_896 : vector<16xi32>
      %add3A_898 = vector.broadcast %arg0 : i32 to vector<16xi32>
      %add3A_899 = arith.addi %mul3A_897, %add3A_898 : vector<16xi32>
      %swap3A_900 = arith.constant 6 : i32
      %swap3A_901 = arith.index_cast %swap3A_900 : i32 to index
      %swap3A_902 = arith.constant 112 : index
      %swap3A_903 = tpu.vector_load %arg7[%swap3A_901, %swap3A_902] {strides = array<i32>} : memref<7x128xi32, #tpu.memory_space<vmem>>, vector<1x16xi32>,
      %swap3A_904 = vector.shape_cast %swap3A_903 : vector<1x16xi32> to vector<16xi32>
      %swap3A_905 = vector.shape_cast %add3A_899 : vector<16xi32> to vector<1x16xi32>
      tpu.vector_store %arg7[%swap3A_901, %swap3A_902], %swap3A_905 {strides = array<i32>} : memref<7x128xi32, #tpu.memory_space<vmem>>, vector<1x16xi32>,
      %dma_start3A = arith.constant 0 : i32
      %dma_start3A_906 = arith.constant 0 : i32
      %dma_start3A_907 = arith.constant 0 : i32
      %dma_start3A_908 = arith.constant 0 : i32
      %dma_start3A_909 = tpu.memref_slice %arg9[%dma_start3A_906, %dma_start3A_907, %dma_start3A_908] : memref<7x128x32xf32, #tpu.memory_space<vmem>> -> memref<1x128x32xf32, #tpu.memory_space<vmem>>
      %dma_start3A_910 = tpu.memref_squeeze %dma_start3A_909 : memref<1x128x32xf32, #tpu.memory_space<vmem>> -> memref<128x32xf32, #tpu.memory_space<vmem>>
      %dma_start3A_911 = arith.constant 0 : i32
      %dma_start3A_912 = tpu.memref_slice %arg7[%dma_start3A, %dma_start3A_911] : memref<7x128xi32, #tpu.memory_space<vmem>> -> memref<1x128xi32, #tpu.memory_space<vmem>>
      %dma_start3A_913 = tpu.memref_squeeze %dma_start3A_912 : memref<1x128xi32, #tpu.memory_space<vmem>> -> memref<128xi32, #tpu.memory_space<vmem>>
      %dma_start3A_914 = arith.constant 0 : i32
      %dma_start3A_915 = arith.constant 0 : i32
      %dma_start3A_916 = tpu.memref_slice %arg2[%dma_start3A_914, %dma_start3A_915] : memref<100000x32xf32, #tpu.memory_space<hbm>> -> memref<100000x32xf32, #tpu.memory_space<hbm>>
      tpu.enqueue_indirect_dma source(%dma_start3A_916 : memref<100000x32xf32, #tpu.memory_space<hbm>>) target(%dma_start3A_910 : memref<128x32xf32, #tpu.memory_space<vmem>>) offsets(%dma_start3A_913 : memref<128xi32, #tpu.memory_space<vmem>>) semaphore(%arg11 : memref<!tpu.dma_semaphore, #tpu.memory_space<semaphore_mem>>)
      %dma_start3A_917 = arith.constant 1 : i32
      %dma_start3A_918 = arith.constant 1 : i32
      %dma_start3A_919 = arith.constant 0 : i32
      %dma_start3A_920 = arith.constant 0 : i32
      %dma_start3A_921 = tpu.memref_slice %arg9[%dma_start3A_918, %dma_start3A_919, %dma_start3A_920] : memref<7x128x32xf32, #tpu.memory_space<vmem>> -> memref<1x128x32xf32, #tpu.memory_space<vmem>>
      %dma_start3A_922 = tpu.memref_squeeze %dma_start3A_921 : memref<1x128x32xf32, #tpu.memory_space<vmem>> -> memref<128x32xf32, #tpu.memory_space<vmem>>
      %dma_start3A_923 = arith.constant 0 : i32
      %dma_start3A_924 = tpu.memref_slice %arg7[%dma_start3A_917, %dma_start3A_923] : memref<7x128xi32, #tpu.memory_space<vmem>> -> memref<1x128xi32, #tpu.memory_space<vmem>>
      %dma_start3A_925 = tpu.memref_squeeze %dma_start3A_924 : memref<1x128xi32, #tpu.memory_space<vmem>> -> memref<128xi32, #tpu.memory_space<vmem>>
      %dma_start3A_926 = arith.constant 0 : i32
      %dma_start3A_927 = arith.constant 0 : i32
      %dma_start3A_928 = tpu.memref_slice %arg2[%dma_start3A_926, %dma_start3A_927] : memref<100000x32xf32, #tpu.memory_space<hbm>> -> memref<100000x32xf32, #tpu.memory_space<hbm>>
      tpu.enqueue_indirect_dma source(%dma_start3A_928 : memref<100000x32xf32, #tpu.memory_space<hbm>>) target(%dma_start3A_922 : memref<128x32xf32, #tpu.memory_space<vmem>>) offsets(%dma_start3A_925 : memref<128xi32, #tpu.memory_space<vmem>>) semaphore(%arg11 : memref<!tpu.dma_semaphore, #tpu.memory_space<semaphore_mem>>)
      %dma_start3A_929 = arith.constant 2 : i32
      %dma_start3A_930 = arith.constant 2 : i32
      %dma_start3A_931 = arith.constant 0 : i32
      %dma_start3A_932 = arith.constant 0 : i32
      %dma_start3A_933 = tpu.memref_slice %arg9[%dma_start3A_930, %dma_start3A_931, %dma_start3A_932] : memref<7x128x32xf32, #tpu.memory_space<vmem>> -> memref<1x128x32xf32, #tpu.memory_space<vmem>>
      %dma_start3A_934 = tpu.memref_squeeze %dma_start3A_933 : memref<1x128x32xf32, #tpu.memory_space<vmem>> -> memref<128x32xf32, #tpu.memory_space<vmem>>
      %dma_start3A_935 = arith.constant 0 : i32
      %dma_start3A_936 = tpu.memref_slice %arg7[%dma_start3A_929, %dma_start3A_935] : memref<7x128xi32, #tpu.memory_space<vmem>> -> memref<1x128xi32, #tpu.memory_space<vmem>>
      %dma_start3A_937 = tpu.memref_squeeze %dma_start3A_936 : memref<1x128xi32, #tpu.memory_space<vmem>> -> memref<128xi32, #tpu.memory_space<vmem>>
      %dma_start3A_938 = arith.constant 0 : i32
      %dma_start3A_939 = arith.constant 0 : i32
      %dma_start3A_940 = tpu.memref_slice %arg2[%dma_start3A_938, %dma_start3A_939] : memref<100000x32xf32, #tpu.memory_space<hbm>> -> memref<100000x32xf32, #tpu.memory_space<hbm>>
      tpu.enqueue_indirect_dma source(%dma_start3A_940 : memref<100000x32xf32, #tpu.memory_space<hbm>>) target(%dma_start3A_934 : memref<128x32xf32, #tpu.memory_space<vmem>>) offsets(%dma_start3A_937 : memref<128xi32, #tpu.memory_space<vmem>>) semaphore(%arg11 : memref<!tpu.dma_semaphore, #tpu.memory_space<semaphore_mem>>)
      %dma_start3A_941 = arith.constant 3 : i32
      %dma_start3A_942 = arith.constant 3 : i32
      %dma_start3A_943 = arith.constant 0 : i32
      %dma_start3A_944 = arith.constant 0 : i32
      %dma_start3A_945 = tpu.memref_slice %arg9[%dma_start3A_942, %dma_start3A_943, %dma_start3A_944] : memref<7x128x32xf32, #tpu.memory_space<vmem>> -> memref<1x128x32xf32, #tpu.memory_space<vmem>>
      %dma_start3A_946 = tpu.memref_squeeze %dma_start3A_945 : memref<1x128x32xf32, #tpu.memory_space<vmem>> -> memref<128x32xf32, #tpu.memory_space<vmem>>
      %dma_start3A_947 = arith.constant 0 : i32
      %dma_start3A_948 = tpu.memref_slice %arg7[%dma_start3A_941, %dma_start3A_947] : memref<7x128xi32, #tpu.memory_space<vmem>> -> memref<1x128xi32, #tpu.memory_space<vmem>>
      %dma_start3A_949 = tpu.memref_squeeze %dma_start3A_948 : memref<1x128xi32, #tpu.memory_space<vmem>> -> memref<128xi32, #tpu.memory_space<vmem>>
      %dma_start3A_950 = arith.constant 0 : i32
      %dma_start3A_951 = arith.constant 0 : i32
      %dma_start3A_952 = tpu.memref_slice %arg2[%dma_start3A_950, %dma_start3A_951] : memref<100000x32xf32, #tpu.memory_space<hbm>> -> memref<100000x32xf32, #tpu.memory_space<hbm>>
      tpu.enqueue_indirect_dma source(%dma_start3A_952 : memref<100000x32xf32, #tpu.memory_space<hbm>>) target(%dma_start3A_946 : memref<128x32xf32, #tpu.memory_space<vmem>>) offsets(%dma_start3A_949 : memref<128xi32, #tpu.memory_space<vmem>>) semaphore(%arg11 : memref<!tpu.dma_semaphore, #tpu.memory_space<semaphore_mem>>)
      %dma_start3A_953 = arith.constant 4 : i32
      %dma_start3A_954 = arith.constant 4 : i32
      %dma_start3A_955 = arith.constant 0 : i32
      %dma_start3A_956 = arith.constant 0 : i32
      %dma_start3A_957 = tpu.memref_slice %arg9[%dma_start3A_954, %dma_start3A_955, %dma_start3A_956] : memref<7x128x32xf32, #tpu.memory_space<vmem>> -> memref<1x128x32xf32, #tpu.memory_space<vmem>>
      %dma_start3A_958 = tpu.memref_squeeze %dma_start3A_957 : memref<1x128x32xf32, #tpu.memory_space<vmem>> -> memref<128x32xf32, #tpu.memory_space<vmem>>
      %dma_start3A_959 = arith.constant 0 : i32
      %dma_start3A_960 = tpu.memref_slice %arg7[%dma_start3A_953, %dma_start3A_959] : memref<7x128xi32, #tpu.memory_space<vmem>> -> memref<1x128xi32, #tpu.memory_space<vmem>>
      %dma_start3A_961 = tpu.memref_squeeze %dma_start3A_960 : memref<1x128xi32, #tpu.memory_space<vmem>> -> memref<128xi32, #tpu.memory_space<vmem>>
      %dma_start3A_962 = arith.constant 0 : i32
      %dma_start3A_963 = arith.constant 0 : i32
      %dma_start3A_964 = tpu.memref_slice %arg2[%dma_start3A_962, %dma_start3A_963] : memref<100000x32xf32, #tpu.memory_space<hbm>> -> memref<100000x32xf32, #tpu.memory_space<hbm>>
      tpu.enqueue_indirect_dma source(%dma_start3A_964 : memref<100000x32xf32, #tpu.memory_space<hbm>>) target(%dma_start3A_958 : memref<128x32xf32, #tpu.memory_space<vmem>>) offsets(%dma_start3A_961 : memref<128xi32, #tpu.memory_space<vmem>>) semaphore(%arg11 : memref<!tpu.dma_semaphore, #tpu.memory_space<semaphore_mem>>)
      %dma_start3A_965 = arith.constant 5 : i32
      %dma_start3A_966 = arith.constant 5 : i32
      %dma_start3A_967 = arith.constant 0 : i32
      %dma_start3A_968 = arith.constant 0 : i32
      %dma_start3A_969 = tpu.memref_slice %arg9[%dma_start3A_966, %dma_start3A_967, %dma_start3A_968] : memref<7x128x32xf32, #tpu.memory_space<vmem>> -> memref<1x128x32xf32, #tpu.memory_space<vmem>>
      %dma_start3A_970 = tpu.memref_squeeze %dma_start3A_969 : memref<1x128x32xf32, #tpu.memory_space<vmem>> -> memref<128x32xf32, #tpu.memory_space<vmem>>
      %dma_start3A_971 = arith.constant 0 : i32
      %dma_start3A_972 = tpu.memref_slice %arg7[%dma_start3A_965, %dma_start3A_971] : memref<7x128xi32, #tpu.memory_space<vmem>> -> memref<1x128xi32, #tpu.memory_space<vmem>>
      %dma_start3A_973 = tpu.memref_squeeze %dma_start3A_972 : memref<1x128xi32, #tpu.memory_space<vmem>> -> memref<128xi32, #tpu.memory_space<vmem>>
      %dma_start3A_974 = arith.constant 0 : i32
      %dma_start3A_975 = arith.constant 0 : i32
      %dma_start3A_976 = tpu.memref_slice %arg2[%dma_start3A_974, %dma_start3A_975] : memref<100000x32xf32, #tpu.memory_space<hbm>> -> memref<100000x32xf32, #tpu.memory_space<hbm>>
      tpu.enqueue_indirect_dma source(%dma_start3A_976 : memref<100000x32xf32, #tpu.memory_space<hbm>>) target(%dma_start3A_970 : memref<128x32xf32, #tpu.memory_space<vmem>>) offsets(%dma_start3A_973 : memref<128xi32, #tpu.memory_space<vmem>>) semaphore(%arg11 : memref<!tpu.dma_semaphore, #tpu.memory_space<semaphore_mem>>)
      %dma_start3A_977 = arith.constant 6 : i32
      %dma_start3A_978 = arith.constant 6 : i32
      %dma_start3A_979 = arith.constant 0 : i32
      %dma_start3A_980 = arith.constant 0 : i32
      %dma_start3A_981 = tpu.memref_slice %arg9[%dma_start3A_978, %dma_start3A_979, %dma_start3A_980] : memref<7x128x32xf32, #tpu.memory_space<vmem>> -> memref<1x128x32xf32, #tpu.memory_space<vmem>>
      %dma_start3A_982 = tpu.memref_squeeze %dma_start3A_981 : memref<1x128x32xf32, #tpu.memory_space<vmem>> -> memref<128x32xf32, #tpu.memory_space<vmem>>
      %dma_start3A_983 = arith.constant 0 : i32
      %dma_start3A_984 = tpu.memref_slice %arg7[%dma_start3A_977, %dma_start3A_983] : memref<7x128xi32, #tpu.memory_space<vmem>> -> memref<1x128xi32, #tpu.memory_space<vmem>>
      %dma_start3A_985 = tpu.memref_squeeze %dma_start3A_984 : memref<1x128xi32, #tpu.memory_space<vmem>> -> memref<128xi32, #tpu.memory_space<vmem>>
      %dma_start3A_986 = arith.constant 0 : i32
      %dma_start3A_987 = arith.constant 0 : i32
      %dma_start3A_988 = tpu.memref_slice %arg2[%dma_start3A_986, %dma_start3A_987] : memref<100000x32xf32, #tpu.memory_space<hbm>> -> memref<100000x32xf32, #tpu.memory_space<hbm>>
      tpu.enqueue_indirect_dma source(%dma_start3A_988 : memref<100000x32xf32, #tpu.memory_space<hbm>>) target(%dma_start3A_982 : memref<128x32xf32, #tpu.memory_space<vmem>>) offsets(%dma_start3A_985 : memref<128xi32, #tpu.memory_space<vmem>>) semaphore(%arg11 : memref<!tpu.dma_semaphore, #tpu.memory_space<semaphore_mem>>)
      %dma_wait3A = arith.constant 0 : i32
      %dma_wait3A_989 = arith.constant 0 : i32
      %dma_wait3A_990 = arith.constant 0 : i32
      %dma_wait3A_991 = arith.constant 0 : i32
      %dma_wait3A_992 = tpu.memref_slice %arg9[%dma_wait3A_989, %dma_wait3A_990, %dma_wait3A_991] : memref<7x128x32xf32, #tpu.memory_space<vmem>> -> memref<1x128x32xf32, #tpu.memory_space<vmem>>
      %dma_wait3A_993 = tpu.memref_squeeze %dma_wait3A_992 : memref<1x128x32xf32, #tpu.memory_space<vmem>> -> memref<128x32xf32, #tpu.memory_space<vmem>>
      %dma_wait3A_994 = arith.constant 0 : i32
      %dma_wait3A_995 = tpu.memref_slice %arg7[%dma_wait3A, %dma_wait3A_994] : memref<7x128xi32, #tpu.memory_space<vmem>> -> memref<1x128xi32, #tpu.memory_space<vmem>>
      %dma_wait3A_996 = tpu.memref_squeeze %dma_wait3A_995 : memref<1x128xi32, #tpu.memory_space<vmem>> -> memref<128xi32, #tpu.memory_space<vmem>>
      %dma_wait3A_997 = arith.constant 0 : i32
      %dma_wait3A_998 = arith.constant 0 : i32
      %dma_wait3A_999 = tpu.memref_slice %arg2[%dma_wait3A_997, %dma_wait3A_998] : memref<100000x32xf32, #tpu.memory_space<hbm>> -> memref<100000x32xf32, #tpu.memory_space<hbm>>
      tpu.wait_indirect_dma semaphore(%arg11 : memref<!tpu.dma_semaphore, #tpu.memory_space<semaphore_mem>>) src(%dma_wait3A_999 : memref<100000x32xf32, #tpu.memory_space<hbm>>) dst(%dma_wait3A_993 : memref<128x32xf32, #tpu.memory_space<vmem>>)
      %dma_wait3A_1000 = arith.constant 1 : i32
      %dma_wait3A_1001 = arith.constant 1 : i32
      %dma_wait3A_1002 = arith.constant 0 : i32
      %dma_wait3A_1003 = arith.constant 0 : i32
      %dma_wait3A_1004 = tpu.memref_slice %arg9[%dma_wait3A_1001, %dma_wait3A_1002, %dma_wait3A_1003] : memref<7x128x32xf32, #tpu.memory_space<vmem>> -> memref<1x128x32xf32, #tpu.memory_space<vmem>>
      %dma_wait3A_1005 = tpu.memref_squeeze %dma_wait3A_1004 : memref<1x128x32xf32, #tpu.memory_space<vmem>> -> memref<128x32xf32, #tpu.memory_space<vmem>>
      %dma_wait3A_1006 = arith.constant 0 : i32
      %dma_wait3A_1007 = tpu.memref_slice %arg7[%dma_wait3A_1000, %dma_wait3A_1006] : memref<7x128xi32, #tpu.memory_space<vmem>> -> memref<1x128xi32, #tpu.memory_space<vmem>>
      %dma_wait3A_1008 = tpu.memref_squeeze %dma_wait3A_1007 : memref<1x128xi32, #tpu.memory_space<vmem>> -> memref<128xi32, #tpu.memory_space<vmem>>
      %dma_wait3A_1009 = arith.constant 0 : i32
      %dma_wait3A_1010 = arith.constant 0 : i32
      %dma_wait3A_1011 = tpu.memref_slice %arg2[%dma_wait3A_1009, %dma_wait3A_1010] : memref<100000x32xf32, #tpu.memory_space<hbm>> -> memref<100000x32xf32, #tpu.memory_space<hbm>>
      tpu.wait_indirect_dma semaphore(%arg11 : memref<!tpu.dma_semaphore, #tpu.memory_space<semaphore_mem>>) src(%dma_wait3A_1011 : memref<100000x32xf32, #tpu.memory_space<hbm>>) dst(%dma_wait3A_1005 : memref<128x32xf32, #tpu.memory_space<vmem>>)
      %dma_wait3A_1012 = arith.constant 2 : i32
      %dma_wait3A_1013 = arith.constant 2 : i32
      %dma_wait3A_1014 = arith.constant 0 : i32
      %dma_wait3A_1015 = arith.constant 0 : i32
      %dma_wait3A_1016 = tpu.memref_slice %arg9[%dma_wait3A_1013, %dma_wait3A_1014, %dma_wait3A_1015] : memref<7x128x32xf32, #tpu.memory_space<vmem>> -> memref<1x128x32xf32, #tpu.memory_space<vmem>>
      %dma_wait3A_1017 = tpu.memref_squeeze %dma_wait3A_1016 : memref<1x128x32xf32, #tpu.memory_space<vmem>> -> memref<128x32xf32, #tpu.memory_space<vmem>>
      %dma_wait3A_1018 = arith.constant 0 : i32
      %dma_wait3A_1019 = tpu.memref_slice %arg7[%dma_wait3A_1012, %dma_wait3A_1018] : memref<7x128xi32, #tpu.memory_space<vmem>> -> memref<1x128xi32, #tpu.memory_space<vmem>>
      %dma_wait3A_1020 = tpu.memref_squeeze %dma_wait3A_1019 : memref<1x128xi32, #tpu.memory_space<vmem>> -> memref<128xi32, #tpu.memory_space<vmem>>
      %dma_wait3A_1021 = arith.constant 0 : i32
      %dma_wait3A_1022 = arith.constant 0 : i32
      %dma_wait3A_1023 = tpu.memref_slice %arg2[%dma_wait3A_1021, %dma_wait3A_1022] : memref<100000x32xf32, #tpu.memory_space<hbm>> -> memref<100000x32xf32, #tpu.memory_space<hbm>>
      tpu.wait_indirect_dma semaphore(%arg11 : memref<!tpu.dma_semaphore, #tpu.memory_space<semaphore_mem>>) src(%dma_wait3A_1023 : memref<100000x32xf32, #tpu.memory_space<hbm>>) dst(%dma_wait3A_1017 : memref<128x32xf32, #tpu.memory_space<vmem>>)
      %dma_wait3A_1024 = arith.constant 3 : i32
      %dma_wait3A_1025 = arith.constant 3 : i32
      %dma_wait3A_1026 = arith.constant 0 : i32
      %dma_wait3A_1027 = arith.constant 0 : i32
      %dma_wait3A_1028 = tpu.memref_slice %arg9[%dma_wait3A_1025, %dma_wait3A_1026, %dma_wait3A_1027] : memref<7x128x32xf32, #tpu.memory_space<vmem>> -> memref<1x128x32xf32, #tpu.memory_space<vmem>>
      %dma_wait3A_1029 = tpu.memref_squeeze %dma_wait3A_1028 : memref<1x128x32xf32, #tpu.memory_space<vmem>> -> memref<128x32xf32, #tpu.memory_space<vmem>>
      %dma_wait3A_1030 = arith.constant 0 : i32
      %dma_wait3A_1031 = tpu.memref_slice %arg7[%dma_wait3A_1024, %dma_wait3A_1030] : memref<7x128xi32, #tpu.memory_space<vmem>> -> memref<1x128xi32, #tpu.memory_space<vmem>>
      %dma_wait3A_1032 = tpu.memref_squeeze %dma_wait3A_1031 : memref<1x128xi32, #tpu.memory_space<vmem>> -> memref<128xi32, #tpu.memory_space<vmem>>
      %dma_wait3A_1033 = arith.constant 0 : i32
      %dma_wait3A_1034 = arith.constant 0 : i32
      %dma_wait3A_1035 = tpu.memref_slice %arg2[%dma_wait3A_1033, %dma_wait3A_1034] : memref<100000x32xf32, #tpu.memory_space<hbm>> -> memref<100000x32xf32, #tpu.memory_space<hbm>>
      tpu.wait_indirect_dma semaphore(%arg11 : memref<!tpu.dma_semaphore, #tpu.memory_space<semaphore_mem>>) src(%dma_wait3A_1035 : memref<100000x32xf32, #tpu.memory_space<hbm>>) dst(%dma_wait3A_1029 : memref<128x32xf32, #tpu.memory_space<vmem>>)
      %dma_wait3A_1036 = arith.constant 4 : i32
      %dma_wait3A_1037 = arith.constant 4 : i32
      %dma_wait3A_1038 = arith.constant 0 : i32
      %dma_wait3A_1039 = arith.constant 0 : i32
      %dma_wait3A_1040 = tpu.memref_slice %arg9[%dma_wait3A_1037, %dma_wait3A_1038, %dma_wait3A_1039] : memref<7x128x32xf32, #tpu.memory_space<vmem>> -> memref<1x128x32xf32, #tpu.memory_space<vmem>>
      %dma_wait3A_1041 = tpu.memref_squeeze %dma_wait3A_1040 : memref<1x128x32xf32, #tpu.memory_space<vmem>> -> memref<128x32xf32, #tpu.memory_space<vmem>>
      %dma_wait3A_1042 = arith.constant 0 : i32
      %dma_wait3A_1043 = tpu.memref_slice %arg7[%dma_wait3A_1036, %dma_wait3A_1042] : memref<7x128xi32, #tpu.memory_space<vmem>> -> memref<1x128xi32, #tpu.memory_space<vmem>>
      %dma_wait3A_1044 = tpu.memref_squeeze %dma_wait3A_1043 : memref<1x128xi32, #tpu.memory_space<vmem>> -> memref<128xi32, #tpu.memory_space<vmem>>
      %dma_wait3A_1045 = arith.constant 0 : i32
      %dma_wait3A_1046 = arith.constant 0 : i32
      %dma_wait3A_1047 = tpu.memref_slice %arg2[%dma_wait3A_1045, %dma_wait3A_1046] : memref<100000x32xf32, #tpu.memory_space<hbm>> -> memref<100000x32xf32, #tpu.memory_space<hbm>>
      tpu.wait_indirect_dma semaphore(%arg11 : memref<!tpu.dma_semaphore, #tpu.memory_space<semaphore_mem>>) src(%dma_wait3A_1047 : memref<100000x32xf32, #tpu.memory_space<hbm>>) dst(%dma_wait3A_1041 : memref<128x32xf32, #tpu.memory_space<vmem>>)
      %dma_wait3A_1048 = arith.constant 5 : i32
      %dma_wait3A_1049 = arith.constant 5 : i32
      %dma_wait3A_1050 = arith.constant 0 : i32
      %dma_wait3A_1051 = arith.constant 0 : i32
      %dma_wait3A_1052 = tpu.memref_slice %arg9[%dma_wait3A_1049, %dma_wait3A_1050, %dma_wait3A_1051] : memref<7x128x32xf32, #tpu.memory_space<vmem>> -> memref<1x128x32xf32, #tpu.memory_space<vmem>>
      %dma_wait3A_1053 = tpu.memref_squeeze %dma_wait3A_1052 : memref<1x128x32xf32, #tpu.memory_space<vmem>> -> memref<128x32xf32, #tpu.memory_space<vmem>>
      %dma_wait3A_1054 = arith.constant 0 : i32
      %dma_wait3A_1055 = tpu.memref_slice %arg7[%dma_wait3A_1048, %dma_wait3A_1054] : memref<7x128xi32, #tpu.memory_space<vmem>> -> memref<1x128xi32, #tpu.memory_space<vmem>>
      %dma_wait3A_1056 = tpu.memref_squeeze %dma_wait3A_1055 : memref<1x128xi32, #tpu.memory_space<vmem>> -> memref<128xi32, #tpu.memory_space<vmem>>
      %dma_wait3A_1057 = arith.constant 0 : i32
      %dma_wait3A_1058 = arith.constant 0 : i32
      %dma_wait3A_1059 = tpu.memref_slice %arg2[%dma_wait3A_1057, %dma_wait3A_1058] : memref<100000x32xf32, #tpu.memory_space<hbm>> -> memref<100000x32xf32, #tpu.memory_space<hbm>>
      tpu.wait_indirect_dma semaphore(%arg11 : memref<!tpu.dma_semaphore, #tpu.memory_space<semaphore_mem>>) src(%dma_wait3A_1059 : memref<100000x32xf32, #tpu.memory_space<hbm>>) dst(%dma_wait3A_1053 : memref<128x32xf32, #tpu.memory_space<vmem>>)
      %dma_wait3A_1060 = arith.constant 6 : i32
      %dma_wait3A_1061 = arith.constant 6 : i32
      %dma_wait3A_1062 = arith.constant 0 : i32
      %dma_wait3A_1063 = arith.constant 0 : i32
      %dma_wait3A_1064 = tpu.memref_slice %arg9[%dma_wait3A_1061, %dma_wait3A_1062, %dma_wait3A_1063] : memref<7x128x32xf32, #tpu.memory_space<vmem>> -> memref<1x128x32xf32, #tpu.memory_space<vmem>>
      %dma_wait3A_1065 = tpu.memref_squeeze %dma_wait3A_1064 : memref<1x128x32xf32, #tpu.memory_space<vmem>> -> memref<128x32xf32, #tpu.memory_space<vmem>>
      %dma_wait3A_1066 = arith.constant 0 : i32
      %dma_wait3A_1067 = tpu.memref_slice %arg7[%dma_wait3A_1060, %dma_wait3A_1066] : memref<7x128xi32, #tpu.memory_space<vmem>> -> memref<1x128xi32, #tpu.memory_space<vmem>>
      %dma_wait3A_1068 = tpu.memref_squeeze %dma_wait3A_1067 : memref<1x128xi32, #tpu.memory_space<vmem>> -> memref<128xi32, #tpu.memory_space<vmem>>
      %dma_wait3A_1069 = arith.constant 0 : i32
      %dma_wait3A_1070 = arith.constant 0 : i32
      %dma_wait3A_1071 = tpu.memref_slice %arg2[%dma_wait3A_1069, %dma_wait3A_1070] : memref<100000x32xf32, #tpu.memory_space<hbm>> -> memref<100000x32xf32, #tpu.memory_space<hbm>>
      tpu.wait_indirect_dma semaphore(%arg11 : memref<!tpu.dma_semaphore, #tpu.memory_space<semaphore_mem>>) src(%dma_wait3A_1071 : memref<100000x32xf32, #tpu.memory_space<hbm>>) dst(%dma_wait3A_1065 : memref<128x32xf32, #tpu.memory_space<vmem>>)
      %dma_start3A_1072 = arith.constant 0 : i32
      %dma_start3A_1073 = arith.constant 0 : i32
      %dma_start3A_1074 = arith.constant 0 : i32
      %dma_start3A_1075 = arith.constant 0 : i32
      %dma_start3A_1076 = tpu.memref_slice %arg9[%dma_start3A_1072, %dma_start3A_1074, %dma_start3A_1075] : memref<7x128x32xf32, #tpu.memory_space<vmem>> -> memref<1x128x32xf32, #tpu.memory_space<vmem>>
      %dma_start3A_1077 = tpu.memref_squeeze %dma_start3A_1076 : memref<1x128x32xf32, #tpu.memory_space<vmem>> -> memref<128x32xf32, #tpu.memory_space<vmem>>
      %dma_start3A_1078 = arith.constant 0 : i32
      %dma_start3A_1079 = tpu.memref_slice %arg8[%dma_start3A_1073, %dma_start3A_1078] : memref<7x128xi32, #tpu.memory_space<vmem>> -> memref<1x128xi32, #tpu.memory_space<vmem>>
      %dma_start3A_1080 = tpu.memref_squeeze %dma_start3A_1079 : memref<1x128xi32, #tpu.memory_space<vmem>> -> memref<128xi32, #tpu.memory_space<vmem>>
      %dma_start3A_1081 = arith.constant 0 : i32
      %dma_start3A_1082 = arith.constant 0 : i32
      %dma_start3A_1083 = tpu.memref_slice %arg10[%dma_start3A_1081, %dma_start3A_1082] : memref<50016x32xf32, #tpu.memory_space<vmem_shared>> -> memref<50016x32xf32, #tpu.memory_space<vmem_shared>>
      tpu.enqueue_indirect_dma source(%dma_start3A_1077 : memref<128x32xf32, #tpu.memory_space<vmem>>) target(%dma_start3A_1083 : memref<50016x32xf32, #tpu.memory_space<vmem_shared>>) offsets(%dma_start3A_1080 : memref<128xi32, #tpu.memory_space<vmem>>) semaphore(%arg12 : memref<!tpu.dma_semaphore, #tpu.memory_space<semaphore_mem>>) {add = true}
      %dma_start3A_1084 = arith.constant 1 : i32
      %dma_start3A_1085 = arith.constant 1 : i32
      %dma_start3A_1086 = arith.constant 0 : i32
      %dma_start3A_1087 = arith.constant 0 : i32
      %dma_start3A_1088 = tpu.memref_slice %arg9[%dma_start3A_1084, %dma_start3A_1086, %dma_start3A_1087] : memref<7x128x32xf32, #tpu.memory_space<vmem>> -> memref<1x128x32xf32, #tpu.memory_space<vmem>>
      %dma_start3A_1089 = tpu.memref_squeeze %dma_start3A_1088 : memref<1x128x32xf32, #tpu.memory_space<vmem>> -> memref<128x32xf32, #tpu.memory_space<vmem>>
      %dma_start3A_1090 = arith.constant 0 : i32
      %dma_start3A_1091 = tpu.memref_slice %arg8[%dma_start3A_1085, %dma_start3A_1090] : memref<7x128xi32, #tpu.memory_space<vmem>> -> memref<1x128xi32, #tpu.memory_space<vmem>>
      %dma_start3A_1092 = tpu.memref_squeeze %dma_start3A_1091 : memref<1x128xi32, #tpu.memory_space<vmem>> -> memref<128xi32, #tpu.memory_space<vmem>>
      %dma_start3A_1093 = arith.constant 0 : i32
      %dma_start3A_1094 = arith.constant 0 : i32
      %dma_start3A_1095 = tpu.memref_slice %arg10[%dma_start3A_1093, %dma_start3A_1094] : memref<50016x32xf32, #tpu.memory_space<vmem_shared>> -> memref<50016x32xf32, #tpu.memory_space<vmem_shared>>
      tpu.enqueue_indirect_dma source(%dma_start3A_1089 : memref<128x32xf32, #tpu.memory_space<vmem>>) target(%dma_start3A_1095 : memref<50016x32xf32, #tpu.memory_space<vmem_shared>>) offsets(%dma_start3A_1092 : memref<128xi32, #tpu.memory_space<vmem>>) semaphore(%arg12 : memref<!tpu.dma_semaphore, #tpu.memory_space<semaphore_mem>>) {add = true}
      %dma_start3A_1096 = arith.constant 2 : i32
      %dma_start3A_1097 = arith.constant 2 : i32
      %dma_start3A_1098 = arith.constant 0 : i32
      %dma_start3A_1099 = arith.constant 0 : i32
      %dma_start3A_1100 = tpu.memref_slice %arg9[%dma_start3A_1096, %dma_start3A_1098, %dma_start3A_1099] : memref<7x128x32xf32, #tpu.memory_space<vmem>> -> memref<1x128x32xf32, #tpu.memory_space<vmem>>
      %dma_start3A_1101 = tpu.memref_squeeze %dma_start3A_1100 : memref<1x128x32xf32, #tpu.memory_space<vmem>> -> memref<128x32xf32, #tpu.memory_space<vmem>>
      %dma_start3A_1102 = arith.constant 0 : i32
      %dma_start3A_1103 = tpu.memref_slice %arg8[%dma_start3A_1097, %dma_start3A_1102] : memref<7x128xi32, #tpu.memory_space<vmem>> -> memref<1x128xi32, #tpu.memory_space<vmem>>
      %dma_start3A_1104 = tpu.memref_squeeze %dma_start3A_1103 : memref<1x128xi32, #tpu.memory_space<vmem>> -> memref<128xi32, #tpu.memory_space<vmem>>
      %dma_start3A_1105 = arith.constant 0 : i32
      %dma_start3A_1106 = arith.constant 0 : i32
      %dma_start3A_1107 = tpu.memref_slice %arg10[%dma_start3A_1105, %dma_start3A_1106] : memref<50016x32xf32, #tpu.memory_space<vmem_shared>> -> memref<50016x32xf32, #tpu.memory_space<vmem_shared>>
      tpu.enqueue_indirect_dma source(%dma_start3A_1101 : memref<128x32xf32, #tpu.memory_space<vmem>>) target(%dma_start3A_1107 : memref<50016x32xf32, #tpu.memory_space<vmem_shared>>) offsets(%dma_start3A_1104 : memref<128xi32, #tpu.memory_space<vmem>>) semaphore(%arg12 : memref<!tpu.dma_semaphore, #tpu.memory_space<semaphore_mem>>) {add = true}
      %dma_start3A_1108 = arith.constant 3 : i32
      %dma_start3A_1109 = arith.constant 3 : i32
      %dma_start3A_1110 = arith.constant 0 : i32
      %dma_start3A_1111 = arith.constant 0 : i32
      %dma_start3A_1112 = tpu.memref_slice %arg9[%dma_start3A_1108, %dma_start3A_1110, %dma_start3A_1111] : memref<7x128x32xf32, #tpu.memory_space<vmem>> -> memref<1x128x32xf32, #tpu.memory_space<vmem>>
      %dma_start3A_1113 = tpu.memref_squeeze %dma_start3A_1112 : memref<1x128x32xf32, #tpu.memory_space<vmem>> -> memref<128x32xf32, #tpu.memory_space<vmem>>
      %dma_start3A_1114 = arith.constant 0 : i32
      %dma_start3A_1115 = tpu.memref_slice %arg8[%dma_start3A_1109, %dma_start3A_1114] : memref<7x128xi32, #tpu.memory_space<vmem>> -> memref<1x128xi32, #tpu.memory_space<vmem>>
      %dma_start3A_1116 = tpu.memref_squeeze %dma_start3A_1115 : memref<1x128xi32, #tpu.memory_space<vmem>> -> memref<128xi32, #tpu.memory_space<vmem>>
      %dma_start3A_1117 = arith.constant 0 : i32
      %dma_start3A_1118 = arith.constant 0 : i32
      %dma_start3A_1119 = tpu.memref_slice %arg10[%dma_start3A_1117, %dma_start3A_1118] : memref<50016x32xf32, #tpu.memory_space<vmem_shared>> -> memref<50016x32xf32, #tpu.memory_space<vmem_shared>>
      tpu.enqueue_indirect_dma source(%dma_start3A_1113 : memref<128x32xf32, #tpu.memory_space<vmem>>) target(%dma_start3A_1119 : memref<50016x32xf32, #tpu.memory_space<vmem_shared>>) offsets(%dma_start3A_1116 : memref<128xi32, #tpu.memory_space<vmem>>) semaphore(%arg12 : memref<!tpu.dma_semaphore, #tpu.memory_space<semaphore_mem>>) {add = true}
      %dma_start3A_1120 = arith.constant 4 : i32
      %dma_start3A_1121 = arith.constant 4 : i32
      %dma_start3A_1122 = arith.constant 0 : i32
      %dma_start3A_1123 = arith.constant 0 : i32
      %dma_start3A_1124 = tpu.memref_slice %arg9[%dma_start3A_1120, %dma_start3A_1122, %dma_start3A_1123] : memref<7x128x32xf32, #tpu.memory_space<vmem>> -> memref<1x128x32xf32, #tpu.memory_space<vmem>>
      %dma_start3A_1125 = tpu.memref_squeeze %dma_start3A_1124 : memref<1x128x32xf32, #tpu.memory_space<vmem>> -> memref<128x32xf32, #tpu.memory_space<vmem>>
      %dma_start3A_1126 = arith.constant 0 : i32
      %dma_start3A_1127 = tpu.memref_slice %arg8[%dma_start3A_1121, %dma_start3A_1126] : memref<7x128xi32, #tpu.memory_space<vmem>> -> memref<1x128xi32, #tpu.memory_space<vmem>>
      %dma_start3A_1128 = tpu.memref_squeeze %dma_start3A_1127 : memref<1x128xi32, #tpu.memory_space<vmem>> -> memref<128xi32, #tpu.memory_space<vmem>>
      %dma_start3A_1129 = arith.constant 0 : i32
      %dma_start3A_1130 = arith.constant 0 : i32
      %dma_start3A_1131 = tpu.memref_slice %arg10[%dma_start3A_1129, %dma_start3A_1130] : memref<50016x32xf32, #tpu.memory_space<vmem_shared>> -> memref<50016x32xf32, #tpu.memory_space<vmem_shared>>
      tpu.enqueue_indirect_dma source(%dma_start3A_1125 : memref<128x32xf32, #tpu.memory_space<vmem>>) target(%dma_start3A_1131 : memref<50016x32xf32, #tpu.memory_space<vmem_shared>>) offsets(%dma_start3A_1128 : memref<128xi32, #tpu.memory_space<vmem>>) semaphore(%arg12 : memref<!tpu.dma_semaphore, #tpu.memory_space<semaphore_mem>>) {add = true}
      %dma_start3A_1132 = arith.constant 5 : i32
      %dma_start3A_1133 = arith.constant 5 : i32
      %dma_start3A_1134 = arith.constant 0 : i32
      %dma_start3A_1135 = arith.constant 0 : i32
      %dma_start3A_1136 = tpu.memref_slice %arg9[%dma_start3A_1132, %dma_start3A_1134, %dma_start3A_1135] : memref<7x128x32xf32, #tpu.memory_space<vmem>> -> memref<1x128x32xf32, #tpu.memory_space<vmem>>
      %dma_start3A_1137 = tpu.memref_squeeze %dma_start3A_1136 : memref<1x128x32xf32, #tpu.memory_space<vmem>> -> memref<128x32xf32, #tpu.memory_space<vmem>>
      %dma_start3A_1138 = arith.constant 0 : i32
      %dma_start3A_1139 = tpu.memref_slice %arg8[%dma_start3A_1133, %dma_start3A_1138] : memref<7x128xi32, #tpu.memory_space<vmem>> -> memref<1x128xi32, #tpu.memory_space<vmem>>
      %dma_start3A_1140 = tpu.memref_squeeze %dma_start3A_1139 : memref<1x128xi32, #tpu.memory_space<vmem>> -> memref<128xi32, #tpu.memory_space<vmem>>
      %dma_start3A_1141 = arith.constant 0 : i32
      %dma_start3A_1142 = arith.constant 0 : i32
      %dma_start3A_1143 = tpu.memref_slice %arg10[%dma_start3A_1141, %dma_start3A_1142] : memref<50016x32xf32, #tpu.memory_space<vmem_shared>> -> memref<50016x32xf32, #tpu.memory_space<vmem_shared>>
      tpu.enqueue_indirect_dma source(%dma_start3A_1137 : memref<128x32xf32, #tpu.memory_space<vmem>>) target(%dma_start3A_1143 : memref<50016x32xf32, #tpu.memory_space<vmem_shared>>) offsets(%dma_start3A_1140 : memref<128xi32, #tpu.memory_space<vmem>>) semaphore(%arg12 : memref<!tpu.dma_semaphore, #tpu.memory_space<semaphore_mem>>) {add = true}
      %dma_start3A_1144 = arith.constant 6 : i32
      %dma_start3A_1145 = arith.constant 6 : i32
      %dma_start3A_1146 = arith.constant 0 : i32
      %dma_start3A_1147 = arith.constant 0 : i32
      %dma_start3A_1148 = tpu.memref_slice %arg9[%dma_start3A_1144, %dma_start3A_1146, %dma_start3A_1147] : memref<7x128x32xf32, #tpu.memory_space<vmem>> -> memref<1x128x32xf32, #tpu.memory_space<vmem>>
      %dma_start3A_1149 = tpu.memref_squeeze %dma_start3A_1148 : memref<1x128x32xf32, #tpu.memory_space<vmem>> -> memref<128x32xf32, #tpu.memory_space<vmem>>
      %dma_start3A_1150 = arith.constant 0 : i32
      %dma_start3A_1151 = tpu.memref_slice %arg8[%dma_start3A_1145, %dma_start3A_1150] : memref<7x128xi32, #tpu.memory_space<vmem>> -> memref<1x128xi32, #tpu.memory_space<vmem>>
      %dma_start3A_1152 = tpu.memref_squeeze %dma_start3A_1151 : memref<1x128xi32, #tpu.memory_space<vmem>> -> memref<128xi32, #tpu.memory_space<vmem>>
      %dma_start3A_1153 = arith.constant 0 : i32
      %dma_start3A_1154 = arith.constant 0 : i32
      %dma_start3A_1155 = tpu.memref_slice %arg10[%dma_start3A_1153, %dma_start3A_1154] : memref<50016x32xf32, #tpu.memory_space<vmem_shared>> -> memref<50016x32xf32, #tpu.memory_space<vmem_shared>>
      tpu.enqueue_indirect_dma source(%dma_start3A_1149 : memref<128x32xf32, #tpu.memory_space<vmem>>) target(%dma_start3A_1155 : memref<50016x32xf32, #tpu.memory_space<vmem_shared>>) offsets(%dma_start3A_1152 : memref<128xi32, #tpu.memory_space<vmem>>) semaphore(%arg12 : memref<!tpu.dma_semaphore, #tpu.memory_space<semaphore_mem>>) {add = true}
      %dma_wait3A_1156 = arith.constant 0 : i32
      %dma_wait3A_1157 = arith.constant 0 : i32
      %dma_wait3A_1158 = arith.constant 0 : i32
      %dma_wait3A_1159 = arith.constant 0 : i32
      %dma_wait3A_1160 = tpu.memref_slice %arg9[%dma_wait3A_1156, %dma_wait3A_1158, %dma_wait3A_1159] : memref<7x128x32xf32, #tpu.memory_space<vmem>> -> memref<1x128x32xf32, #tpu.memory_space<vmem>>
      %dma_wait3A_1161 = tpu.memref_squeeze %dma_wait3A_1160 : memref<1x128x32xf32, #tpu.memory_space<vmem>> -> memref<128x32xf32, #tpu.memory_space<vmem>>
      %dma_wait3A_1162 = arith.constant 0 : i32
      %dma_wait3A_1163 = tpu.memref_slice %arg8[%dma_wait3A_1157, %dma_wait3A_1162] : memref<7x128xi32, #tpu.memory_space<vmem>> -> memref<1x128xi32, #tpu.memory_space<vmem>>
      %dma_wait3A_1164 = tpu.memref_squeeze %dma_wait3A_1163 : memref<1x128xi32, #tpu.memory_space<vmem>> -> memref<128xi32, #tpu.memory_space<vmem>>
      %dma_wait3A_1165 = arith.constant 0 : i32
      %dma_wait3A_1166 = arith.constant 0 : i32
      %dma_wait3A_1167 = tpu.memref_slice %arg10[%dma_wait3A_1165, %dma_wait3A_1166] : memref<50016x32xf32, #tpu.memory_space<vmem_shared>> -> memref<50016x32xf32, #tpu.memory_space<vmem_shared>>
      tpu.wait_indirect_dma semaphore(%arg12 : memref<!tpu.dma_semaphore, #tpu.memory_space<semaphore_mem>>) src(%dma_wait3A_1161 : memref<128x32xf32, #tpu.memory_space<vmem>>) dst(%dma_wait3A_1167 : memref<50016x32xf32, #tpu.memory_space<vmem_shared>>)
      %dma_wait3A_1168 = arith.constant 1 : i32
      %dma_wait3A_1169 = arith.constant 1 : i32
      %dma_wait3A_1170 = arith.constant 0 : i32
      %dma_wait3A_1171 = arith.constant 0 : i32
      %dma_wait3A_1172 = tpu.memref_slice %arg9[%dma_wait3A_1168, %dma_wait3A_1170, %dma_wait3A_1171] : memref<7x128x32xf32, #tpu.memory_space<vmem>> -> memref<1x128x32xf32, #tpu.memory_space<vmem>>
      %dma_wait3A_1173 = tpu.memref_squeeze %dma_wait3A_1172 : memref<1x128x32xf32, #tpu.memory_space<vmem>> -> memref<128x32xf32, #tpu.memory_space<vmem>>
      %dma_wait3A_1174 = arith.constant 0 : i32
      %dma_wait3A_1175 = tpu.memref_slice %arg8[%dma_wait3A_1169, %dma_wait3A_1174] : memref<7x128xi32, #tpu.memory_space<vmem>> -> memref<1x128xi32, #tpu.memory_space<vmem>>
      %dma_wait3A_1176 = tpu.memref_squeeze %dma_wait3A_1175 : memref<1x128xi32, #tpu.memory_space<vmem>> -> memref<128xi32, #tpu.memory_space<vmem>>
      %dma_wait3A_1177 = arith.constant 0 : i32
      %dma_wait3A_1178 = arith.constant 0 : i32
      %dma_wait3A_1179 = tpu.memref_slice %arg10[%dma_wait3A_1177, %dma_wait3A_1178] : memref<50016x32xf32, #tpu.memory_space<vmem_shared>> -> memref<50016x32xf32, #tpu.memory_space<vmem_shared>>
      tpu.wait_indirect_dma semaphore(%arg12 : memref<!tpu.dma_semaphore, #tpu.memory_space<semaphore_mem>>) src(%dma_wait3A_1173 : memref<128x32xf32, #tpu.memory_space<vmem>>) dst(%dma_wait3A_1179 : memref<50016x32xf32, #tpu.memory_space<vmem_shared>>)
      %dma_wait3A_1180 = arith.constant 2 : i32
      %dma_wait3A_1181 = arith.constant 2 : i32
      %dma_wait3A_1182 = arith.constant 0 : i32
      %dma_wait3A_1183 = arith.constant 0 : i32
      %dma_wait3A_1184 = tpu.memref_slice %arg9[%dma_wait3A_1180, %dma_wait3A_1182, %dma_wait3A_1183] : memref<7x128x32xf32, #tpu.memory_space<vmem>> -> memref<1x128x32xf32, #tpu.memory_space<vmem>>
      %dma_wait3A_1185 = tpu.memref_squeeze %dma_wait3A_1184 : memref<1x128x32xf32, #tpu.memory_space<vmem>> -> memref<128x32xf32, #tpu.memory_space<vmem>>
      %dma_wait3A_1186 = arith.constant 0 : i32
      %dma_wait3A_1187 = tpu.memref_slice %arg8[%dma_wait3A_1181, %dma_wait3A_1186] : memref<7x128xi32, #tpu.memory_space<vmem>> -> memref<1x128xi32, #tpu.memory_space<vmem>>
      %dma_wait3A_1188 = tpu.memref_squeeze %dma_wait3A_1187 : memref<1x128xi32, #tpu.memory_space<vmem>> -> memref<128xi32, #tpu.memory_space<vmem>>
      %dma_wait3A_1189 = arith.constant 0 : i32
      %dma_wait3A_1190 = arith.constant 0 : i32
      %dma_wait3A_1191 = tpu.memref_slice %arg10[%dma_wait3A_1189, %dma_wait3A_1190] : memref<50016x32xf32, #tpu.memory_space<vmem_shared>> -> memref<50016x32xf32, #tpu.memory_space<vmem_shared>>
      tpu.wait_indirect_dma semaphore(%arg12 : memref<!tpu.dma_semaphore, #tpu.memory_space<semaphore_mem>>) src(%dma_wait3A_1185 : memref<128x32xf32, #tpu.memory_space<vmem>>) dst(%dma_wait3A_1191 : memref<50016x32xf32, #tpu.memory_space<vmem_shared>>)
      %dma_wait3A_1192 = arith.constant 3 : i32
      %dma_wait3A_1193 = arith.constant 3 : i32
      %dma_wait3A_1194 = arith.constant 0 : i32
      %dma_wait3A_1195 = arith.constant 0 : i32
      %dma_wait3A_1196 = tpu.memref_slice %arg9[%dma_wait3A_1192, %dma_wait3A_1194, %dma_wait3A_1195] : memref<7x128x32xf32, #tpu.memory_space<vmem>> -> memref<1x128x32xf32, #tpu.memory_space<vmem>>
      %dma_wait3A_1197 = tpu.memref_squeeze %dma_wait3A_1196 : memref<1x128x32xf32, #tpu.memory_space<vmem>> -> memref<128x32xf32, #tpu.memory_space<vmem>>
      %dma_wait3A_1198 = arith.constant 0 : i32
      %dma_wait3A_1199 = tpu.memref_slice %arg8[%dma_wait3A_1193, %dma_wait3A_1198] : memref<7x128xi32, #tpu.memory_space<vmem>> -> memref<1x128xi32, #tpu.memory_space<vmem>>
      %dma_wait3A_1200 = tpu.memref_squeeze %dma_wait3A_1199 : memref<1x128xi32, #tpu.memory_space<vmem>> -> memref<128xi32, #tpu.memory_space<vmem>>
      %dma_wait3A_1201 = arith.constant 0 : i32
      %dma_wait3A_1202 = arith.constant 0 : i32
      %dma_wait3A_1203 = tpu.memref_slice %arg10[%dma_wait3A_1201, %dma_wait3A_1202] : memref<50016x32xf32, #tpu.memory_space<vmem_shared>> -> memref<50016x32xf32, #tpu.memory_space<vmem_shared>>
      tpu.wait_indirect_dma semaphore(%arg12 : memref<!tpu.dma_semaphore, #tpu.memory_space<semaphore_mem>>) src(%dma_wait3A_1197 : memref<128x32xf32, #tpu.memory_space<vmem>>) dst(%dma_wait3A_1203 : memref<50016x32xf32, #tpu.memory_space<vmem_shared>>)
      %dma_wait3A_1204 = arith.constant 4 : i32
      %dma_wait3A_1205 = arith.constant 4 : i32
      %dma_wait3A_1206 = arith.constant 0 : i32
      %dma_wait3A_1207 = arith.constant 0 : i32
      %dma_wait3A_1208 = tpu.memref_slice %arg9[%dma_wait3A_1204, %dma_wait3A_1206, %dma_wait3A_1207] : memref<7x128x32xf32, #tpu.memory_space<vmem>> -> memref<1x128x32xf32, #tpu.memory_space<vmem>>
      %dma_wait3A_1209 = tpu.memref_squeeze %dma_wait3A_1208 : memref<1x128x32xf32, #tpu.memory_space<vmem>> -> memref<128x32xf32, #tpu.memory_space<vmem>>
      %dma_wait3A_1210 = arith.constant 0 : i32
      %dma_wait3A_1211 = tpu.memref_slice %arg8[%dma_wait3A_1205, %dma_wait3A_1210] : memref<7x128xi32, #tpu.memory_space<vmem>> -> memref<1x128xi32, #tpu.memory_space<vmem>>
      %dma_wait3A_1212 = tpu.memref_squeeze %dma_wait3A_1211 : memref<1x128xi32, #tpu.memory_space<vmem>> -> memref<128xi32, #tpu.memory_space<vmem>>
      %dma_wait3A_1213 = arith.constant 0 : i32
      %dma_wait3A_1214 = arith.constant 0 : i32
      %dma_wait3A_1215 = tpu.memref_slice %arg10[%dma_wait3A_1213, %dma_wait3A_1214] : memref<50016x32xf32, #tpu.memory_space<vmem_shared>> -> memref<50016x32xf32, #tpu.memory_space<vmem_shared>>
      tpu.wait_indirect_dma semaphore(%arg12 : memref<!tpu.dma_semaphore, #tpu.memory_space<semaphore_mem>>) src(%dma_wait3A_1209 : memref<128x32xf32, #tpu.memory_space<vmem>>) dst(%dma_wait3A_1215 : memref<50016x32xf32, #tpu.memory_space<vmem_shared>>)
      %dma_wait3A_1216 = arith.constant 5 : i32
      %dma_wait3A_1217 = arith.constant 5 : i32
      %dma_wait3A_1218 = arith.constant 0 : i32
      %dma_wait3A_1219 = arith.constant 0 : i32
      %dma_wait3A_1220 = tpu.memref_slice %arg9[%dma_wait3A_1216, %dma_wait3A_1218, %dma_wait3A_1219] : memref<7x128x32xf32, #tpu.memory_space<vmem>> -> memref<1x128x32xf32, #tpu.memory_space<vmem>>
      %dma_wait3A_1221 = tpu.memref_squeeze %dma_wait3A_1220 : memref<1x128x32xf32, #tpu.memory_space<vmem>> -> memref<128x32xf32, #tpu.memory_space<vmem>>
      %dma_wait3A_1222 = arith.constant 0 : i32
      %dma_wait3A_1223 = tpu.memref_slice %arg8[%dma_wait3A_1217, %dma_wait3A_1222] : memref<7x128xi32, #tpu.memory_space<vmem>> -> memref<1x128xi32, #tpu.memory_space<vmem>>
      %dma_wait3A_1224 = tpu.memref_squeeze %dma_wait3A_1223 : memref<1x128xi32, #tpu.memory_space<vmem>> -> memref<128xi32, #tpu.memory_space<vmem>>
      %dma_wait3A_1225 = arith.constant 0 : i32
      %dma_wait3A_1226 = arith.constant 0 : i32
      %dma_wait3A_1227 = tpu.memref_slice %arg10[%dma_wait3A_1225, %dma_wait3A_1226] : memref<50016x32xf32, #tpu.memory_space<vmem_shared>> -> memref<50016x32xf32, #tpu.memory_space<vmem_shared>>
      tpu.wait_indirect_dma semaphore(%arg12 : memref<!tpu.dma_semaphore, #tpu.memory_space<semaphore_mem>>) src(%dma_wait3A_1221 : memref<128x32xf32, #tpu.memory_space<vmem>>) dst(%dma_wait3A_1227 : memref<50016x32xf32, #tpu.memory_space<vmem_shared>>)
      %dma_wait3A_1228 = arith.constant 6 : i32
      %dma_wait3A_1229 = arith.constant 6 : i32
      %dma_wait3A_1230 = arith.constant 0 : i32
      %dma_wait3A_1231 = arith.constant 0 : i32
      %dma_wait3A_1232 = tpu.memref_slice %arg9[%dma_wait3A_1228, %dma_wait3A_1230, %dma_wait3A_1231] : memref<7x128x32xf32, #tpu.memory_space<vmem>> -> memref<1x128x32xf32, #tpu.memory_space<vmem>>
      %dma_wait3A_1233 = tpu.memref_squeeze %dma_wait3A_1232 : memref<1x128x32xf32, #tpu.memory_space<vmem>> -> memref<128x32xf32, #tpu.memory_space<vmem>>
      %dma_wait3A_1234 = arith.constant 0 : i32
      %dma_wait3A_1235 = tpu.memref_slice %arg8[%dma_wait3A_1229, %dma_wait3A_1234] : memref<7x128xi32, #tpu.memory_space<vmem>> -> memref<1x128xi32, #tpu.memory_space<vmem>>
      %dma_wait3A_1236 = tpu.memref_squeeze %dma_wait3A_1235 : memref<1x128xi32, #tpu.memory_space<vmem>> -> memref<128xi32, #tpu.memory_space<vmem>>
      %dma_wait3A_1237 = arith.constant 0 : i32
      %dma_wait3A_1238 = arith.constant 0 : i32
      %dma_wait3A_1239 = tpu.memref_slice %arg10[%dma_wait3A_1237, %dma_wait3A_1238] : memref<50016x32xf32, #tpu.memory_space<vmem_shared>> -> memref<50016x32xf32, #tpu.memory_space<vmem_shared>>
      tpu.wait_indirect_dma semaphore(%arg12 : memref<!tpu.dma_semaphore, #tpu.memory_space<semaphore_mem>>) src(%dma_wait3A_1233 : memref<128x32xf32, #tpu.memory_space<vmem>>) dst(%dma_wait3A_1239 : memref<50016x32xf32, #tpu.memory_space<vmem_shared>>)
    }
    %scan3A_7 = arith.constant 56 : i32
    %barrier3A_8 = arith.constant 0 : index
    tpu.barrier barrier_id(%barrier3A_8)
    "tpu.region"() ({
      %run_scoped3A = tpu.sem_alloc : memref<!tpu.dma_semaphore, #tpu.memory_space<semaphore_mem>>
      %dma_start3A = arith.constant 0 : i32
      %dma_start3A_9 = tpu.memref_slice %arg6[%arg0, %mul3A_0, %dma_start3A] : memref<2x50016x32xf32, #tpu.memory_space<hbm>> -> memref<1x3126x32xf32, #tpu.memory_space<hbm>>
      %dma_start3A_10 = tpu.memref_squeeze %dma_start3A_9 : memref<1x3126x32xf32, #tpu.memory_space<hbm>> -> memref<3126x32xf32, #tpu.memory_space<hbm>>
      %dma_start3A_11 = arith.constant 0 : i32
      %dma_start3A_12 = tpu.memref_slice %arg10[%mul3A_0, %dma_start3A_11] : memref<50016x32xf32, #tpu.memory_space<vmem_shared>> -> memref<3126x32xf32, #tpu.memory_space<vmem_shared>>
      tpu.enqueue_dma source(%dma_start3A_12 : memref<3126x32xf32, #tpu.memory_space<vmem_shared>>) target(%dma_start3A_10 : memref<3126x32xf32, #tpu.memory_space<hbm>>) target_semaphore(%run_scoped3A : memref<!tpu.dma_semaphore, #tpu.memory_space<semaphore_mem>>)
      %dma_wait3A = arith.constant 0 : i32
      %dma_wait3A_13 = tpu.memref_slice %arg6[%arg0, %mul3A_0, %dma_wait3A] : memref<2x50016x32xf32, #tpu.memory_space<hbm>> -> memref<1x3126x32xf32, #tpu.memory_space<hbm>>
      %dma_wait3A_14 = tpu.memref_squeeze %dma_wait3A_13 : memref<1x3126x32xf32, #tpu.memory_space<hbm>> -> memref<3126x32xf32, #tpu.memory_space<hbm>>
      %dma_wait3A_15 = arith.constant 0 : i32
      %dma_wait3A_16 = tpu.memref_slice %arg10[%mul3A_0, %dma_wait3A_15] : memref<50016x32xf32, #tpu.memory_space<vmem_shared>> -> memref<3126x32xf32, #tpu.memory_space<vmem_shared>>
      tpu.wait_dma2 semaphore(%run_scoped3A : memref<!tpu.dma_semaphore, #tpu.memory_space<semaphore_mem>>) src(%dma_wait3A_16 : memref<3126x32xf32, #tpu.memory_space<vmem_shared>>) dst(%dma_wait3A_14 : memref<3126x32xf32, #tpu.memory_space<hbm>>)
      tpu.yield
    }) : () -> ()
    return
  }
}

module attributes {stable_mosaic.version = 14 : i64} {
  func.func @_proj_body(%arg0: i32, %arg1: memref<1000x56xf32, #tpu.memory_space<vmem>>, %arg2: memref<1x1x1000xi32, #tpu.memory_space<vmem>>, %arg3: memref<1000x48xf32, #tpu.memory_space<vmem>>, %arg4: memref<1x1x1000xi32, #tpu.memory_space<vmem>>, %arg5: memref<1x1x1000xi32, #tpu.memory_space<vmem>>, %arg6: memref<50x8xf32, #tpu.memory_space<vmem>>, %arg7: memref<12x8xf32, #tpu.memory_space<vmem>>, %arg8: memref<150x8xf32, #tpu.memory_space<vmem>>, %arg9: memref<64x64xf32, #tpu.memory_space<vmem>>, %arg10: memref<1x64xf32, #tpu.memory_space<vmem>>, %arg11: memref<64x64xf32, #tpu.memory_space<vmem>>, %arg12: memref<1x64xf32, #tpu.memory_space<vmem>>, %arg13: memref<1000x64xf32, #tpu.memory_space<vmem>>) attributes {dimension_semantics = [#tpu.dimension_semantics<arbitrary>], iteration_bounds = array<i64: 50>, scalar_prefetch = 0 : i64, scratch_operands = 0 : i64, tpu.core_type = #tpu.core_type<tc>, window_params = [{transform_indices = @transform_0, window_bounds = array<i64: 1000, 56>}, {transform_indices = @transform_1, window_bounds = array<i64: 1, 1, 1000>}, {transform_indices = @transform_2, window_bounds = array<i64: 1000, 48>}, {transform_indices = @transform_3, window_bounds = array<i64: 1, 1, 1000>}, {transform_indices = @transform_4, window_bounds = array<i64: 1, 1, 1000>}, {pipeline_mode = #tpu.pipeline_mode<synchronous>, transform_indices = @transform_5, window_bounds = array<i64: 50, 8>}, {pipeline_mode = #tpu.pipeline_mode<synchronous>, transform_indices = @transform_6, window_bounds = array<i64: 12, 8>}, {pipeline_mode = #tpu.pipeline_mode<synchronous>, transform_indices = @transform_7, window_bounds = array<i64: 150, 8>}, {pipeline_mode = #tpu.pipeline_mode<synchronous>, transform_indices = @transform_8, window_bounds = array<i64: 64, 64>}, {pipeline_mode = #tpu.pipeline_mode<synchronous>, transform_indices = @transform_9, window_bounds = array<i64: 1, 64>}, {pipeline_mode = #tpu.pipeline_mode<synchronous>, transform_indices = @transform_10, window_bounds = array<i64: 64, 64>}, {pipeline_mode = #tpu.pipeline_mode<synchronous>, transform_indices = @transform_11, window_bounds = array<i64: 1, 64>}, {transform_indices = @transform_12, window_bounds = array<i64: 1000, 64>}]} {
    %lt3A = arith.constant 10 : i32
    %lt3A_0 = arith.cmpi slt, %arg0, %lt3A : i32
    %convert_element_type3A = arith.extui %lt3A_0 : i1 to i32
    %cond3A = arith.constant 0 : i32
    %cond3A_1 = arith.cmpi ne, %convert_element_type3A, %cond3A : i32
    scf.if %cond3A_1 {
      %get3A = arith.constant 0 : index
      %get3A_6 = arith.constant 0 : index
      %get3A_7 = arith.constant 0 : index
      %get3A_8 = vector.load %arg2[%get3A, %get3A_6, %get3A_7] : memref<1x1x1000xi32, #tpu.memory_space<vmem>>, vector<1x1x1000xi32>
      %get3A_9 = vector.shape_cast %get3A_8 : vector<1x1x1000xi32> to vector<1000xi32>
      %broadcast_in_dim3A = vector.shape_cast %get3A_9 : vector<1000xi32> to vector<1000x1xi32>
      %iota3A = tpu.iota {dimensions = array<i32: 1>} : vector<1000x50xi32>
      %eq3A = vector.broadcast %broadcast_in_dim3A : vector<1000x1xi32> to vector<1000x50xi32>
      %eq3A_10 = arith.cmpi eq, %eq3A, %iota3A : vector<1000x50xi32>
      %convert_element_type3A_11 = arith.extui %eq3A_10 : vector<1000x50xi1> to vector<1000x50xi32>
      %convert_element_type3A_12 = arith.sitofp %convert_element_type3A_11 : vector<1000x50xi32> to vector<1000x50xf32>
      %get3A_13 = arith.constant 0 : index
      %get3A_14 = arith.constant 0 : index
      %get3A_15 = vector.load %arg6[%get3A_13, %get3A_14] : memref<50x8xf32, #tpu.memory_space<vmem>>, vector<50x8xf32>
      %dot_general3A = arith.constant dense<0.000000e+00> : vector<1000x8xf32>
      %dot_general3A_16 = tpu.matmul %convert_element_type3A_12, %get3A_15, %dot_general3A {dimension_numbers = #tpu.dot_dimension_numbers<[1], [0], [0], [1], [0, 0, 1, 1], [], []>, transpose_lhs_hint = false} : vector<1000x50xf32>, vector<50x8xf32>, vector<1000x8xf32> -> vector<1000x8xf32>
      %get3A_17 = arith.constant 0 : index
      %get3A_18 = arith.constant 0 : index
      %get3A_19 = vector.load %arg1[%get3A_17, %get3A_18] : memref<1000x56xf32, #tpu.memory_space<vmem>>, vector<1000x56xf32>
      %concatenate3A = tpu.concatenate %get3A_19, %dot_general3A_16 in 1 : vector<1000x56xf32>, vector<1000x8xf32> -> vector<1000x64xf32>
      %get3A_20 = arith.constant 0 : index
      %get3A_21 = arith.constant 0 : index
      %get3A_22 = vector.load %arg9[%get3A_20, %get3A_21] : memref<64x64xf32, #tpu.memory_space<vmem>>, vector<64x64xf32>
      %dot_general3A_23 = arith.constant dense<0.000000e+00> : vector<1000x64xf32>
      %dot_general3A_24 = tpu.matmul %concatenate3A, %get3A_22, %dot_general3A_23 {dimension_numbers = #tpu.dot_dimension_numbers<[1], [0], [0], [1], [0, 0, 1, 1], [], []>, transpose_lhs_hint = false} : vector<1000x64xf32>, vector<64x64xf32>, vector<1000x64xf32> -> vector<1000x64xf32>
      %get3A_25 = arith.constant 0 : index
      %get3A_26 = arith.constant 0 : index
      %get3A_27 = vector.load %arg10[%get3A_25, %get3A_26] : memref<1x64xf32, #tpu.memory_space<vmem>>, vector<1x64xf32>
      %add3A = vector.broadcast %get3A_27 : vector<1x64xf32> to vector<1000x64xf32>
      %add3A_28 = arith.addf %dot_general3A_24, %add3A : vector<1000x64xf32>
      %max3A = arith.constant 0.000000e+00 : f32
      %max3A_29 = vector.broadcast %max3A : f32 to vector<1000x64xf32>
      %max3A_30 = arith.maximumf %add3A_28, %max3A_29 : vector<1000x64xf32>
      %swap3A = arith.constant 0 : index
      %swap3A_31 = arith.constant 0 : index
      %swap3A_32 = vector.load %arg13[%swap3A, %swap3A_31] : memref<1000x64xf32, #tpu.memory_space<vmem>>, vector<1000x64xf32>
      tpu.vector_store %arg13[%swap3A, %swap3A_31], %max3A_30 {strides = array<i32>} : memref<1000x64xf32, #tpu.memory_space<vmem>>, vector<1000x64xf32>,
    } else {
    }
    %ge3A = arith.constant 10 : i32
    %ge3A_2 = arith.cmpi sge, %arg0, %ge3A : i32
    %convert_element_type3A_3 = arith.extui %ge3A_2 : i1 to i32
    %cond3A_4 = arith.constant 0 : i32
    %cond3A_5 = arith.cmpi ne, %convert_element_type3A_3, %cond3A_4 : i32
    scf.if %cond3A_5 {
      %get3A = arith.constant 0 : index
      %get3A_6 = arith.constant 0 : index
      %get3A_7 = arith.constant 0 : index
      %get3A_8 = vector.load %arg4[%get3A, %get3A_6, %get3A_7] : memref<1x1x1000xi32, #tpu.memory_space<vmem>>, vector<1x1x1000xi32>
      %get3A_9 = vector.shape_cast %get3A_8 : vector<1x1x1000xi32> to vector<1000xi32>
      %get3A_10 = arith.constant 0 : index
      %get3A_11 = arith.constant 0 : index
      %get3A_12 = arith.constant 0 : index
      %get3A_13 = vector.load %arg5[%get3A_10, %get3A_11, %get3A_12] : memref<1x1x1000xi32, #tpu.memory_space<vmem>>, vector<1x1x1000xi32>
      %get3A_14 = vector.shape_cast %get3A_13 : vector<1x1x1000xi32> to vector<1000xi32>
      %broadcast_in_dim3A = vector.shape_cast %get3A_9 : vector<1000xi32> to vector<1000x1xi32>
      %iota3A = tpu.iota {dimensions = array<i32: 1>} : vector<1000x12xi32>
      %eq3A = vector.broadcast %broadcast_in_dim3A : vector<1000x1xi32> to vector<1000x12xi32>
      %eq3A_15 = arith.cmpi eq, %eq3A, %iota3A : vector<1000x12xi32>
      %convert_element_type3A_16 = arith.extui %eq3A_15 : vector<1000x12xi1> to vector<1000x12xi32>
      %convert_element_type3A_17 = arith.sitofp %convert_element_type3A_16 : vector<1000x12xi32> to vector<1000x12xf32>
      %broadcast_in_dim3A_18 = vector.shape_cast %get3A_14 : vector<1000xi32> to vector<1000x1xi32>
      %iota3A_19 = tpu.iota {dimensions = array<i32: 1>} : vector<1000x150xi32>
      %eq3A_20 = vector.broadcast %broadcast_in_dim3A_18 : vector<1000x1xi32> to vector<1000x150xi32>
      %eq3A_21 = arith.cmpi eq, %eq3A_20, %iota3A_19 : vector<1000x150xi32>
      %convert_element_type3A_22 = arith.extui %eq3A_21 : vector<1000x150xi1> to vector<1000x150xi32>
      %convert_element_type3A_23 = arith.sitofp %convert_element_type3A_22 : vector<1000x150xi32> to vector<1000x150xf32>
      %get3A_24 = arith.constant 0 : index
      %get3A_25 = arith.constant 0 : index
      %get3A_26 = vector.load %arg7[%get3A_24, %get3A_25] : memref<12x8xf32, #tpu.memory_space<vmem>>, vector<12x8xf32>
      %dot_general3A = arith.constant dense<0.000000e+00> : vector<1000x8xf32>
      %dot_general3A_27 = tpu.matmul %convert_element_type3A_17, %get3A_26, %dot_general3A {dimension_numbers = #tpu.dot_dimension_numbers<[1], [0], [0], [1], [0, 0, 1, 1], [], []>, transpose_lhs_hint = false} : vector<1000x12xf32>, vector<12x8xf32>, vector<1000x8xf32> -> vector<1000x8xf32>
      %get3A_28 = arith.constant 0 : index
      %get3A_29 = arith.constant 0 : index
      %get3A_30 = vector.load %arg8[%get3A_28, %get3A_29] : memref<150x8xf32, #tpu.memory_space<vmem>>, vector<150x8xf32>
      %dot_general3A_31 = arith.constant dense<0.000000e+00> : vector<1000x8xf32>
      %dot_general3A_32 = tpu.matmul %convert_element_type3A_23, %get3A_30, %dot_general3A_31 {dimension_numbers = #tpu.dot_dimension_numbers<[1], [0], [0], [1], [0, 0, 1, 1], [], []>, transpose_lhs_hint = false} : vector<1000x150xf32>, vector<150x8xf32>, vector<1000x8xf32> -> vector<1000x8xf32>
      %get3A_33 = arith.constant 0 : index
      %get3A_34 = arith.constant 0 : index
      %get3A_35 = vector.load %arg3[%get3A_33, %get3A_34] : memref<1000x48xf32, #tpu.memory_space<vmem>>, vector<1000x48xf32>
      %concatenate3A = tpu.concatenate %get3A_35, %dot_general3A_27, %dot_general3A_32 in 1 : vector<1000x48xf32>, vector<1000x8xf32>, vector<1000x8xf32> -> vector<1000x64xf32>
      %get3A_36 = arith.constant 0 : index
      %get3A_37 = arith.constant 0 : index
      %get3A_38 = vector.load %arg11[%get3A_36, %get3A_37] : memref<64x64xf32, #tpu.memory_space<vmem>>, vector<64x64xf32>
      %dot_general3A_39 = arith.constant dense<0.000000e+00> : vector<1000x64xf32>
      %dot_general3A_40 = tpu.matmul %concatenate3A, %get3A_38, %dot_general3A_39 {dimension_numbers = #tpu.dot_dimension_numbers<[1], [0], [0], [1], [0, 0, 1, 1], [], []>, transpose_lhs_hint = false} : vector<1000x64xf32>, vector<64x64xf32>, vector<1000x64xf32> -> vector<1000x64xf32>
      %get3A_41 = arith.constant 0 : index
      %get3A_42 = arith.constant 0 : index
      %get3A_43 = vector.load %arg12[%get3A_41, %get3A_42] : memref<1x64xf32, #tpu.memory_space<vmem>>, vector<1x64xf32>
      %add3A = vector.broadcast %get3A_43 : vector<1x64xf32> to vector<1000x64xf32>
      %add3A_44 = arith.addf %dot_general3A_40, %add3A : vector<1000x64xf32>
      %max3A = arith.constant 0.000000e+00 : f32
      %max3A_45 = vector.broadcast %max3A : f32 to vector<1000x64xf32>
      %max3A_46 = arith.maximumf %add3A_44, %max3A_45 : vector<1000x64xf32>
      %swap3A = arith.constant 0 : index
      %swap3A_47 = arith.constant 0 : index
      %swap3A_48 = vector.load %arg13[%swap3A, %swap3A_47] : memref<1000x64xf32, #tpu.memory_space<vmem>>, vector<1000x64xf32>
      tpu.vector_store %arg13[%swap3A, %swap3A_47], %max3A_46 {strides = array<i32>} : memref<1000x64xf32, #tpu.memory_space<vmem>>, vector<1000x64xf32>,
    } else {
    }
    return
  }
  func.func @transform_0(%arg0: i32) -> (i32, i32) {
    %min3A = arith.constant 9 : i32
    %min3A_0 = arith.minsi %arg0, %min3A : i32
    %c0_i32 = arith.constant 0 : i32
    %c0_i32_1 = arith.constant 0 : i32
    return %min3A_0, %c0_i32 : i32, i32
  }
  func.func @transform_1(%arg0: i32) -> (i32, i32, i32) {
    %min3A = arith.constant 9 : i32
    %min3A_0 = arith.minsi %arg0, %min3A : i32
    %c0_i32 = arith.constant 0 : i32
    %c0_i32_1 = arith.constant 0 : i32
    %c0_i32_2 = arith.constant 0 : i32
    return %min3A_0, %c0_i32, %c0_i32_1 : i32, i32, i32
  }
  func.func @transform_2(%arg0: i32) -> (i32, i32) {
    %sub3A = arith.constant 10 : i32
    %sub3A_0 = arith.subi %arg0, %sub3A : i32
    %max3A = arith.constant 0 : i32
    %max3A_1 = arith.maxsi %sub3A_0, %max3A : i32
    %c0_i32 = arith.constant 0 : i32
    %c0_i32_2 = arith.constant 0 : i32
    return %max3A_1, %c0_i32 : i32, i32
  }
  func.func @transform_3(%arg0: i32) -> (i32, i32, i32) {
    %sub3A = arith.constant 10 : i32
    %sub3A_0 = arith.subi %arg0, %sub3A : i32
    %max3A = arith.constant 0 : i32
    %max3A_1 = arith.maxsi %sub3A_0, %max3A : i32
    %c0_i32 = arith.constant 0 : i32
    %c0_i32_2 = arith.constant 0 : i32
    %c0_i32_3 = arith.constant 0 : i32
    return %max3A_1, %c0_i32, %c0_i32_2 : i32, i32, i32
  }
  func.func @transform_4(%arg0: i32) -> (i32, i32, i32) {
    %sub3A = arith.constant 10 : i32
    %sub3A_0 = arith.subi %arg0, %sub3A : i32
    %max3A = arith.constant 0 : i32
    %max3A_1 = arith.maxsi %sub3A_0, %max3A : i32
    %c0_i32 = arith.constant 0 : i32
    %c0_i32_2 = arith.constant 0 : i32
    %c0_i32_3 = arith.constant 0 : i32
    return %max3A_1, %c0_i32, %c0_i32_2 : i32, i32, i32
  }
  func.func @transform_5(%arg0: i32) -> (i32, i32) {
    %c0_i32 = arith.constant 0 : i32
    %c0_i32_0 = arith.constant 0 : i32
    %c0_i32_1 = arith.constant 0 : i32
    return %c0_i32, %c0_i32_0 : i32, i32
  }
  func.func @transform_6(%arg0: i32) -> (i32, i32) {
    %c0_i32 = arith.constant 0 : i32
    %c0_i32_0 = arith.constant 0 : i32
    %c0_i32_1 = arith.constant 0 : i32
    return %c0_i32, %c0_i32_0 : i32, i32
  }
  func.func @transform_7(%arg0: i32) -> (i32, i32) {
    %c0_i32 = arith.constant 0 : i32
    %c0_i32_0 = arith.constant 0 : i32
    %c0_i32_1 = arith.constant 0 : i32
    return %c0_i32, %c0_i32_0 : i32, i32
  }
  func.func @transform_8(%arg0: i32) -> (i32, i32) {
    %c0_i32 = arith.constant 0 : i32
    %c0_i32_0 = arith.constant 0 : i32
    %c0_i32_1 = arith.constant 0 : i32
    return %c0_i32, %c0_i32_0 : i32, i32
  }
  func.func @transform_9(%arg0: i32) -> (i32, i32) {
    %c0_i32 = arith.constant 0 : i32
    %c0_i32_0 = arith.constant 0 : i32
    %c0_i32_1 = arith.constant 0 : i32
    return %c0_i32, %c0_i32_0 : i32, i32
  }
  func.func @transform_10(%arg0: i32) -> (i32, i32) {
    %c0_i32 = arith.constant 0 : i32
    %c0_i32_0 = arith.constant 0 : i32
    %c0_i32_1 = arith.constant 0 : i32
    return %c0_i32, %c0_i32_0 : i32, i32
  }
  func.func @transform_11(%arg0: i32) -> (i32, i32) {
    %c0_i32 = arith.constant 0 : i32
    %c0_i32_0 = arith.constant 0 : i32
    %c0_i32_1 = arith.constant 0 : i32
    return %c0_i32, %c0_i32_0 : i32, i32
  }
  func.func @transform_12(%arg0: i32) -> (i32, i32) {
    %c0_i32 = arith.constant 0 : i32
    %c0_i32_0 = arith.constant 0 : i32
    return %arg0, %c0_i32 : i32, i32
  }
}

module attributes {stable_mosaic.version = 14 : i64} {
  func.func @_layer_body(%arg0: i32, %arg1: memref<2x1000x32xf32, #tpu.memory_space<vmem>>, %arg2: memref<2x1000x8xf32, #tpu.memory_space<vmem>>, %arg3: memref<1000x64xf32, #tpu.memory_space<vmem>>, %arg4: memref<64x64xf32, #tpu.memory_space<vmem>>, %arg5: memref<1x64xf32, #tpu.memory_space<vmem>>, %arg6: memref<64x64xf32, #tpu.memory_space<vmem>>, %arg7: memref<1000x64xf32, #tpu.memory_space<vmem>>) attributes {dimension_semantics = [#tpu.dimension_semantics<arbitrary>], iteration_bounds = array<i64: 50>, scalar_prefetch = 0 : i64, scratch_operands = 0 : i64, tpu.core_type = #tpu.core_type<tc>, window_params = [{transform_indices = @transform_0, window_bounds = array<i64: 2, 1000, 32>}, {transform_indices = @transform_1, window_bounds = array<i64: 2, 1000, 8>}, {transform_indices = @transform_2, window_bounds = array<i64: 1000, 64>}, {pipeline_mode = #tpu.pipeline_mode<synchronous>, transform_indices = @transform_3, window_bounds = array<i64: 64, 64>}, {pipeline_mode = #tpu.pipeline_mode<synchronous>, transform_indices = @transform_4, window_bounds = array<i64: 1, 64>}, {pipeline_mode = #tpu.pipeline_mode<synchronous>, transform_indices = @transform_5, window_bounds = array<i64: 64, 64>}, {transform_indices = @transform_6, window_bounds = array<i64: 1000, 64>}]} {
    %get3A = arith.constant 0 : index
    %get3A_0 = arith.constant 0 : index
    %get3A_1 = arith.constant 0 : index
    %get3A_2 = vector.load %arg2[%get3A, %get3A_0, %get3A_1] : memref<2x1000x8xf32, #tpu.memory_space<vmem>>, vector<1x1000x8xf32>
    %get3A_3 = vector.shape_cast %get3A_2 : vector<1x1000x8xf32> to vector<1000x8xf32>
    %get3A_4 = arith.constant 1 : index
    %get3A_5 = arith.constant 0 : index
    %get3A_6 = arith.constant 0 : index
    %get3A_7 = vector.load %arg2[%get3A_4, %get3A_5, %get3A_6] : memref<2x1000x8xf32, #tpu.memory_space<vmem>>, vector<1x1000x8xf32>
    %get3A_8 = vector.shape_cast %get3A_7 : vector<1x1000x8xf32> to vector<1000x8xf32>
    %add3A = arith.addf %get3A_3, %get3A_8 : vector<1000x8xf32>
    %slice3A = vector.extract_strided_slice %add3A {offsets = [0, 0], sizes = [1000, 1], strides = [1, 1]} : vector<1000x8xf32> to vector<1000x1xf32>
    %max3A = arith.constant 1.000000e+00 : f32
    %max3A_9 = vector.broadcast %max3A : f32 to vector<1000x1xf32>
    %max3A_10 = arith.maximumf %slice3A, %max3A_9 : vector<1000x1xf32>
    %div3A = arith.constant 1.000000e+00 : f32
    %div3A_11 = vector.broadcast %div3A : f32 to vector<1000x1xf32>
    %div3A_12 = arith.divf %div3A_11, %max3A_10 : vector<1000x1xf32>
    %get3A_13 = arith.constant 0 : index
    %get3A_14 = arith.constant 0 : index
    %get3A_15 = arith.constant 0 : index
    %get3A_16 = vector.load %arg1[%get3A_13, %get3A_14, %get3A_15] : memref<2x1000x32xf32, #tpu.memory_space<vmem>>, vector<1x1000x32xf32>
    %get3A_17 = vector.shape_cast %get3A_16 : vector<1x1000x32xf32> to vector<1000x32xf32>
    %get3A_18 = arith.constant 1 : index
    %get3A_19 = arith.constant 0 : index
    %get3A_20 = arith.constant 0 : index
    %get3A_21 = vector.load %arg1[%get3A_18, %get3A_19, %get3A_20] : memref<2x1000x32xf32, #tpu.memory_space<vmem>>, vector<1x1000x32xf32>
    %get3A_22 = vector.shape_cast %get3A_21 : vector<1x1000x32xf32> to vector<1000x32xf32>
    %concatenate3A = tpu.concatenate %get3A_17, %get3A_22 in 1 : vector<1000x32xf32>, vector<1000x32xf32> -> vector<1000x64xf32>
    %mul3A = vector.broadcast %div3A_12 : vector<1000x1xf32> to vector<1000x64xf32>
    %mul3A_23 = arith.mulf %concatenate3A, %mul3A : vector<1000x64xf32>
    %get3A_24 = arith.constant 0 : index
    %get3A_25 = arith.constant 0 : index
    %get3A_26 = vector.load %arg4[%get3A_24, %get3A_25] : memref<64x64xf32, #tpu.memory_space<vmem>>, vector<64x64xf32>
    %dot_general3A = arith.constant dense<0.000000e+00> : vector<1000x64xf32>
    %dot_general3A_27 = tpu.matmul %mul3A_23, %get3A_26, %dot_general3A {dimension_numbers = #tpu.dot_dimension_numbers<[1], [0], [0], [1], [0, 0, 1, 1], [], []>, transpose_lhs_hint = false} : vector<1000x64xf32>, vector<64x64xf32>, vector<1000x64xf32> -> vector<1000x64xf32>
    %get3A_28 = arith.constant 0 : index
    %get3A_29 = arith.constant 0 : index
    %get3A_30 = vector.load %arg5[%get3A_28, %get3A_29] : memref<1x64xf32, #tpu.memory_space<vmem>>, vector<1x64xf32>
    %add3A_31 = vector.broadcast %get3A_30 : vector<1x64xf32> to vector<1000x64xf32>
    %add3A_32 = arith.addf %dot_general3A_27, %add3A_31 : vector<1000x64xf32>
    %get3A_33 = arith.constant 0 : index
    %get3A_34 = arith.constant 0 : index
    %get3A_35 = vector.load %arg3[%get3A_33, %get3A_34] : memref<1000x64xf32, #tpu.memory_space<vmem>>, vector<1000x64xf32>
    %get3A_36 = arith.constant 0 : index
    %get3A_37 = arith.constant 0 : index
    %get3A_38 = vector.load %arg6[%get3A_36, %get3A_37] : memref<64x64xf32, #tpu.memory_space<vmem>>, vector<64x64xf32>
    %dot_general3A_39 = arith.constant dense<0.000000e+00> : vector<1000x64xf32>
    %dot_general3A_40 = tpu.matmul %get3A_35, %get3A_38, %dot_general3A_39 {dimension_numbers = #tpu.dot_dimension_numbers<[1], [0], [0], [1], [0, 0, 1, 1], [], []>, transpose_lhs_hint = false} : vector<1000x64xf32>, vector<64x64xf32>, vector<1000x64xf32> -> vector<1000x64xf32>
    %add3A_41 = arith.addf %add3A_32, %dot_general3A_40 : vector<1000x64xf32>
    %max3A_42 = arith.constant 0.000000e+00 : f32
    %max3A_43 = vector.broadcast %max3A_42 : f32 to vector<1000x64xf32>
    %max3A_44 = arith.maximumf %add3A_41, %max3A_43 : vector<1000x64xf32>
    %swap3A = arith.constant 0 : index
    %swap3A_45 = arith.constant 0 : index
    %swap3A_46 = vector.load %arg7[%swap3A, %swap3A_45] : memref<1000x64xf32, #tpu.memory_space<vmem>>, vector<1000x64xf32>
    tpu.vector_store %arg7[%swap3A, %swap3A_45], %max3A_44 {strides = array<i32>} : memref<1000x64xf32, #tpu.memory_space<vmem>>, vector<1000x64xf32>,
    return
  }
  func.func @transform_0(%arg0: i32) -> (i32, i32, i32) {
    %c0_i32 = arith.constant 0 : i32
    %c0_i32_0 = arith.constant 0 : i32
    %c0_i32_1 = arith.constant 0 : i32
    return %c0_i32, %arg0, %c0_i32_0 : i32, i32, i32
  }
  func.func @transform_1(%arg0: i32) -> (i32, i32, i32) {
    %c0_i32 = arith.constant 0 : i32
    %c0_i32_0 = arith.constant 0 : i32
    %c0_i32_1 = arith.constant 0 : i32
    return %c0_i32, %arg0, %c0_i32_0 : i32, i32, i32
  }
  func.func @transform_2(%arg0: i32) -> (i32, i32) {
    %c0_i32 = arith.constant 0 : i32
    %c0_i32_0 = arith.constant 0 : i32
    return %arg0, %c0_i32 : i32, i32
  }
  func.func @transform_3(%arg0: i32) -> (i32, i32) {
    %c0_i32 = arith.constant 0 : i32
    %c0_i32_0 = arith.constant 0 : i32
    %c0_i32_1 = arith.constant 0 : i32
    return %c0_i32, %c0_i32_0 : i32, i32
  }
  func.func @transform_4(%arg0: i32) -> (i32, i32) {
    %c0_i32 = arith.constant 0 : i32
    %c0_i32_0 = arith.constant 0 : i32
    %c0_i32_1 = arith.constant 0 : i32
    return %c0_i32, %c0_i32_0 : i32, i32
  }
  func.func @transform_5(%arg0: i32) -> (i32, i32) {
    %c0_i32 = arith.constant 0 : i32
    %c0_i32_0 = arith.constant 0 : i32
    %c0_i32_1 = arith.constant 0 : i32
    return %c0_i32, %c0_i32_0 : i32, i32
  }
  func.func @transform_6(%arg0: i32) -> (i32, i32) {
    %c0_i32 = arith.constant 0 : i32
    %c0_i32_0 = arith.constant 0 : i32
    return %arg0, %c0_i32 : i32, i32
  }
}

module attributes {stable_mosaic.version = 14 : i64} {
  func.func @_layer_body(%arg0: i32, %arg1: memref<2x1000x32xf32, #tpu.memory_space<vmem>>, %arg2: memref<2x1000x8xf32, #tpu.memory_space<vmem>>, %arg3: memref<1000x64xf32, #tpu.memory_space<vmem>>, %arg4: memref<64x64xf32, #tpu.memory_space<vmem>>, %arg5: memref<1x64xf32, #tpu.memory_space<vmem>>, %arg6: memref<64x64xf32, #tpu.memory_space<vmem>>, %arg7: memref<1000x64xf32, #tpu.memory_space<vmem>>) attributes {dimension_semantics = [#tpu.dimension_semantics<arbitrary>], iteration_bounds = array<i64: 50>, scalar_prefetch = 0 : i64, scratch_operands = 0 : i64, tpu.core_type = #tpu.core_type<tc>, window_params = [{transform_indices = @transform_0, window_bounds = array<i64: 2, 1000, 32>}, {transform_indices = @transform_1, window_bounds = array<i64: 2, 1000, 8>}, {transform_indices = @transform_2, window_bounds = array<i64: 1000, 64>}, {pipeline_mode = #tpu.pipeline_mode<synchronous>, transform_indices = @transform_3, window_bounds = array<i64: 64, 64>}, {pipeline_mode = #tpu.pipeline_mode<synchronous>, transform_indices = @transform_4, window_bounds = array<i64: 1, 64>}, {pipeline_mode = #tpu.pipeline_mode<synchronous>, transform_indices = @transform_5, window_bounds = array<i64: 64, 64>}, {transform_indices = @transform_6, window_bounds = array<i64: 1000, 64>}]} {
    %get3A = arith.constant 0 : index
    %get3A_0 = arith.constant 0 : index
    %get3A_1 = arith.constant 0 : index
    %get3A_2 = vector.load %arg2[%get3A, %get3A_0, %get3A_1] : memref<2x1000x8xf32, #tpu.memory_space<vmem>>, vector<1x1000x8xf32>
    %get3A_3 = vector.shape_cast %get3A_2 : vector<1x1000x8xf32> to vector<1000x8xf32>
    %get3A_4 = arith.constant 1 : index
    %get3A_5 = arith.constant 0 : index
    %get3A_6 = arith.constant 0 : index
    %get3A_7 = vector.load %arg2[%get3A_4, %get3A_5, %get3A_6] : memref<2x1000x8xf32, #tpu.memory_space<vmem>>, vector<1x1000x8xf32>
    %get3A_8 = vector.shape_cast %get3A_7 : vector<1x1000x8xf32> to vector<1000x8xf32>
    %add3A = arith.addf %get3A_3, %get3A_8 : vector<1000x8xf32>
    %slice3A = vector.extract_strided_slice %add3A {offsets = [0, 0], sizes = [1000, 1], strides = [1, 1]} : vector<1000x8xf32> to vector<1000x1xf32>
    %max3A = arith.constant 1.000000e+00 : f32
    %max3A_9 = vector.broadcast %max3A : f32 to vector<1000x1xf32>
    %max3A_10 = arith.maximumf %slice3A, %max3A_9 : vector<1000x1xf32>
    %div3A = arith.constant 1.000000e+00 : f32
    %div3A_11 = vector.broadcast %div3A : f32 to vector<1000x1xf32>
    %div3A_12 = arith.divf %div3A_11, %max3A_10 : vector<1000x1xf32>
    %get3A_13 = arith.constant 0 : index
    %get3A_14 = arith.constant 0 : index
    %get3A_15 = arith.constant 0 : index
    %get3A_16 = vector.load %arg1[%get3A_13, %get3A_14, %get3A_15] : memref<2x1000x32xf32, #tpu.memory_space<vmem>>, vector<1x1000x32xf32>
    %get3A_17 = vector.shape_cast %get3A_16 : vector<1x1000x32xf32> to vector<1000x32xf32>
    %get3A_18 = arith.constant 1 : index
    %get3A_19 = arith.constant 0 : index
    %get3A_20 = arith.constant 0 : index
    %get3A_21 = vector.load %arg1[%get3A_18, %get3A_19, %get3A_20] : memref<2x1000x32xf32, #tpu.memory_space<vmem>>, vector<1x1000x32xf32>
    %get3A_22 = vector.shape_cast %get3A_21 : vector<1x1000x32xf32> to vector<1000x32xf32>
    %concatenate3A = tpu.concatenate %get3A_17, %get3A_22 in 1 : vector<1000x32xf32>, vector<1000x32xf32> -> vector<1000x64xf32>
    %mul3A = vector.broadcast %div3A_12 : vector<1000x1xf32> to vector<1000x64xf32>
    %mul3A_23 = arith.mulf %concatenate3A, %mul3A : vector<1000x64xf32>
    %get3A_24 = arith.constant 0 : index
    %get3A_25 = arith.constant 0 : index
    %get3A_26 = vector.load %arg4[%get3A_24, %get3A_25] : memref<64x64xf32, #tpu.memory_space<vmem>>, vector<64x64xf32>
    %dot_general3A = arith.constant dense<0.000000e+00> : vector<1000x64xf32>
    %dot_general3A_27 = tpu.matmul %mul3A_23, %get3A_26, %dot_general3A {dimension_numbers = #tpu.dot_dimension_numbers<[1], [0], [0], [1], [0, 0, 1, 1], [], []>, transpose_lhs_hint = false} : vector<1000x64xf32>, vector<64x64xf32>, vector<1000x64xf32> -> vector<1000x64xf32>
    %get3A_28 = arith.constant 0 : index
    %get3A_29 = arith.constant 0 : index
    %get3A_30 = vector.load %arg5[%get3A_28, %get3A_29] : memref<1x64xf32, #tpu.memory_space<vmem>>, vector<1x64xf32>
    %add3A_31 = vector.broadcast %get3A_30 : vector<1x64xf32> to vector<1000x64xf32>
    %add3A_32 = arith.addf %dot_general3A_27, %add3A_31 : vector<1000x64xf32>
    %get3A_33 = arith.constant 0 : index
    %get3A_34 = arith.constant 0 : index
    %get3A_35 = vector.load %arg3[%get3A_33, %get3A_34] : memref<1000x64xf32, #tpu.memory_space<vmem>>, vector<1000x64xf32>
    %get3A_36 = arith.constant 0 : index
    %get3A_37 = arith.constant 0 : index
    %get3A_38 = vector.load %arg6[%get3A_36, %get3A_37] : memref<64x64xf32, #tpu.memory_space<vmem>>, vector<64x64xf32>
    %dot_general3A_39 = arith.constant dense<0.000000e+00> : vector<1000x64xf32>
    %dot_general3A_40 = tpu.matmul %get3A_35, %get3A_38, %dot_general3A_39 {dimension_numbers = #tpu.dot_dimension_numbers<[1], [0], [0], [1], [0, 0, 1, 1], [], []>, transpose_lhs_hint = false} : vector<1000x64xf32>, vector<64x64xf32>, vector<1000x64xf32> -> vector<1000x64xf32>
    %add3A_41 = arith.addf %add3A_32, %dot_general3A_40 : vector<1000x64xf32>
    %swap3A = arith.constant 0 : index
    %swap3A_42 = arith.constant 0 : index
    %swap3A_43 = vector.load %arg7[%swap3A, %swap3A_42] : memref<1000x64xf32, #tpu.memory_space<vmem>>, vector<1000x64xf32>
    tpu.vector_store %arg7[%swap3A, %swap3A_42], %add3A_41 {strides = array<i32>} : memref<1000x64xf32, #tpu.memory_space<vmem>>, vector<1000x64xf32>,
    return
  }
  func.func @transform_0(%arg0: i32) -> (i32, i32, i32) {
    %c0_i32 = arith.constant 0 : i32
    %c0_i32_0 = arith.constant 0 : i32
    %c0_i32_1 = arith.constant 0 : i32
    return %c0_i32, %arg0, %c0_i32_0 : i32, i32, i32
  }
  func.func @transform_1(%arg0: i32) -> (i32, i32, i32) {
    %c0_i32 = arith.constant 0 : i32
    %c0_i32_0 = arith.constant 0 : i32
    %c0_i32_1 = arith.constant 0 : i32
    return %c0_i32, %arg0, %c0_i32_0 : i32, i32, i32
  }
  func.func @transform_2(%arg0: i32) -> (i32, i32) {
    %c0_i32 = arith.constant 0 : i32
    %c0_i32_0 = arith.constant 0 : i32
    return %arg0, %c0_i32 : i32, i32
  }
  func.func @transform_3(%arg0: i32) -> (i32, i32) {
    %c0_i32 = arith.constant 0 : i32
    %c0_i32_0 = arith.constant 0 : i32
    %c0_i32_1 = arith.constant 0 : i32
    return %c0_i32, %c0_i32_0 : i32, i32
  }
  func.func @transform_4(%arg0: i32) -> (i32, i32) {
    %c0_i32 = arith.constant 0 : i32
    %c0_i32_0 = arith.constant 0 : i32
    %c0_i32_1 = arith.constant 0 : i32
    return %c0_i32, %c0_i32_0 : i32, i32
  }
  func.func @transform_5(%arg0: i32) -> (i32, i32) {
    %c0_i32 = arith.constant 0 : i32
    %c0_i32_0 = arith.constant 0 : i32
    %c0_i32_1 = arith.constant 0 : i32
    return %c0_i32, %c0_i32_0 : i32, i32
  }
  func.func @transform_6(%arg0: i32) -> (i32, i32) {
    %c0_i32 = arith.constant 0 : i32
    %c0_i32_0 = arith.constant 0 : i32
    return %arg0, %c0_i32 : i32, i32
  }
}

</mosaic_0001>

<sc_bundles>
// kernel: kernel.11.cloned.1.call-start
scs
__scs_entry_jumppad:
0x0: {  	(pc) =	sbr.rel $0x88, $3  }
0x1: {  	(tag) =	ssettag $0x0;
	lr =	simm.s32 $0x1  }
0x2: {  	[smem:$0x3F8E] =	sst lr;
	_ =	strace $0xD0000000  }
0x3: {  	_ = 	snop  }
0x4: {  	_ = 	snop  }
0x5: {  	_ = 	snop  }
0x6: {  	_ = 	snop  }
0x7: {  	_ = 	snop  }
__scs_overlays_trampoline_lowered:
0x8: {  	[smem:$0x3F9D] =	sst s0  }
0x9: {  	[smem:$0x3F9E] =	sst s1  }
0xa: {  	[smem:$0x3F9F] =	sst s2  }
0xb: {  	[smem:$0x3FA0] =	sst s3  }
0xc: {  	[smem:$0x3FA1] =	sst s4  }
0xd: {  	[smem:$0x3FA2] =	sst s5  }
0xe: {  	[smem:$0x3FA3] =	sst s6  }
0xf: {  	[smem:$0x3FA4] =	sst s7  }
0x10: {  	[smem:$0x3FA5] =	sst s8  }
0x11: {  	[smem:$0x3FA6] =	sst s9;
	s0 =	simm.s32 @!p0 $0x0  }
0x12: {  	s1 =	sld [smem:$0x3F8C];
	s0 =	simm.s32 @p0 $0x1  }
0x13: {  	[smem:$0x3FA7] =	sst s0;
	s0 =	simm.s32 @!p1 $0x0  }
0x14: {  	s2 =	sld [smem:$0x3F8B];
	s0 =	simm.s32 @p1 $0x1  }
0x15: {  	[smem:$0x3FA8] =	sst s0;
	s0 =	simm.s32 @!p2 $0x0  }
0x16: {  	s3 =	sld [smem:$0x3FDB];
	s0 =	simm.s32 @p2 $0x1  }
0x17: {  	s4 =	simm.s32 $0x1BF5;
	[smem:$0x3FAA] =	sst s0  }
0x18: {  	s0 =	sld [smem:$0x3F8D];
	_ =	swait.ge [sflag:s4], $0x0  }
0x19: {  	s7 =	sld [smem:$0x3F8E]  }
0x1a: {  	s8 =	sadd.s32 $0xFFFFE003, lr  }
0x1b: {  	s9 =	sadd.s32 $0xFFFFFEF7, lr;
	s5 =	simm.s32 $0xFFFFFFFF;
	p2 =	slt.u32 s8, $0xFFFFF086  }
0x1c: {  	p1 =	slt.u32 s9, $0xF7A;
	s5 =	simm.s32 @!p2 $0x0  }
0x1d: {  	s5 =	simm.s32 @p1 $0x1;
	p0 =	seq.s32 s7, s2  }
0x1e: {  	s7 =	smul.u32 @!p0 $0xF7A, s2;
	p2 =	seq.s32 @!p0 s5, $0x0  }
0x1f: {  	s9 =	smul.u32 $0xF7A, s1;
	s8 =	simm.s32 @!p0 $0x1BF5;
	p2 =	por !p2, p0  }
0x20: {  	[sflag:s8] =	ssyncset.s32 @!p0 $0xFFFFF086;
	s6 =	sadd.s32 @!p0 s3, s7;
	s7 =	simm.s32 @!p0 $0x108  }
0x21: {  	s3 =	sadd.s32 s3, s9;
	s6 =	sadd.s32 @!p0 $0x88, s6;
	s7 =	simm.s32 @p2 $0x1082  }
0x22: {  	[simem:s7], [sflag:s8] =	dma.local @!p0 [hbm:s6], $0xF7A  }
0x23: {  	s9 =	sor.u32 $0xD0000000, s2;
	s6 =	simm.s32 $0x108;
	_ =	swait.ge @!p0 [sflag:s8], $0x0  }
0x24: {  	s3 =	sadd.s32 $0x88, s3;
	s6 =	simm.s32 @!p1 $0x1082;
	[sflag:s4] =	ssyncset.s32 $0xFFFFF086  }
0x25: {  	[simem:s6], [sflag:s4] =	dma.local [hbm:s3], $0xF7A  }
0x26: {  	[smem:$0x3F8E] =	sst s1;
	(tag) =	ssettag s2;
	_ =	strace s9  }
0x27: {  	s1 =	sld [smem:$0x3F9E]  }
0x28: {  	s2 =	sld [smem:$0x3F9F]  }
0x29: {  	s4 =	sld [smem:$0x3FA1]  }
0x2a: {  	p0 =	seq.s32 s5, $0x0;
	s5 =	sld [smem:$0x3FA2]  }
0x2b: {  	s6 =	sld [smem:$0x3FA3]  }
0x2c: {  	s7 =	sld [smem:$0x3FA4]  }
0x2d: {  	s3 =	simm.s32 $0x108;
	s8 =	sld [smem:$0x3FA5]  }
0x2e: {  	s3 =	simm.s32 @!p0 $0x1082;
	s9 =	sld [smem:$0x3FA6]  }
0x2f: {  	lr =	sadd.s32 s0, s3;
	s0 =	sld [smem:$0x3F9D]  }
0x30: {  	s3 =	sld [smem:$0x3FA0]  }
0x31: {  	[smem:$0x3FA9] =	sst s10  }
0x32: {  	s10 =	sld [smem:$0x3FA7];
	_ =	sdelay $0x3  }
0x33: {  	p0 =	seq.s32 s10, $0x1;
	s10 =	sld [smem:$0x3FA9];
	_ =	sdelay $0x3  }
0x34: {  	[smem:$0x3FA9] =	sst s10  }
0x35: {  	s10 =	sld [smem:$0x3FA8];
	_ =	sdelay $0x3  }
0x36: {  	p1 =	seq.s32 s10, $0x1;
	s10 =	sld [smem:$0x3FA9];
	_ =	sdelay $0x3  }
0x37: {  	[smem:$0x3FA9] =	sst s10  }
0x38: {  	s10 =	sld [smem:$0x3FAA]  }
0x39: {  	_ = 	snop;
	(pc) =	sbr.ind lr, $3  }
0x3a: {  	_ = 	snop  }
0x3b: {  	_ = 	snop  }
0x3c: {  	p2 =	seq.s32 s10, $0x1;
	s10 =	sld [smem:$0x3FA9]  }
0x3d: {  	_ =	shalt  }
0x3e: {  	_ =	shalt  }
0x3f: {  	_ =	shalt  }
0x40: {  	_ =	shalt  }
0x41: {  	_ =	shalt  }
0x42: {  	_ =	shalt  }
0x43: {  	_ =	shalt  }
0x44: {  	_ =	shalt  }
0x45: {  	_ =	shalt  }
0x46: {  	_ =	shalt  }
0x47: {  	_ =	shalt  }
0x48: {  	_ =	shalt  }
0x49: {  	_ =	shalt  }
0x4a: {  	_ =	shalt  }
0x4b: {  	_ =	shalt  }
0x4c: {  	_ =	shalt  }
0x4d: {  	_ =	shalt  }
0x4e: {  	_ =	shalt  }
0x4f: {  	_ =	shalt  }
0x50: {  	_ =	shalt  }
0x51: {  	_ =	shalt  }
0x52: {  	_ =	shalt  }
0x53: {  	_ =	shalt  }
0x54: {  	_ =	shalt  }
0x55: {  	_ =	shalt  }
0x56: {  	_ =	shalt  }
0x57: {  	_ =	shalt  }
0x58: {  	_ =	shalt  }
0x59: {  	_ =	shalt  }
0x5a: {  	_ =	shalt  }
0x5b: {  	_ =	shalt  }
0x5c: {  	_ =	shalt  }
0x5d: {  	_ =	shalt  }
0x5e: {  	_ =	shalt  }
0x5f: {  	_ =	shalt  }
0x60: {  	_ =	shalt  }
0x61: {  	_ =	shalt  }
0x62: {  	_ =	shalt  }
0x63: {  	_ =	shalt  }
0x64: {  	_ =	shalt  }
0x65: {  	_ =	shalt  }
0x66: {  	_ =	shalt  }
0x67: {  	_ =	shalt  }
0x68: {  	_ =	shalt  }
0x69: {  	_ =	shalt  }
0x6a: {  	_ =	shalt  }
0x6b: {  	_ =	shalt  }
0x6c: {  	_ =	shalt  }
0x6d: {  	_ =	shalt  }
0x6e: {  	_ =	shalt  }
0x6f: {  	_ =	shalt  }
0x70: {  	_ =	shalt  }
0x71: {  	_ =	shalt  }
0x72: {  	_ =	shalt  }
0x73: {  	_ =	shalt  }
0x74: {  	_ =	shalt  }
0x75: {  	_ =	shalt  }
0x76: {  	_ =	shalt  }
0x77: {  	_ =	shalt  }
0x78: {  	_ =	shalt  }
0x79: {  	_ =	shalt  }
0x7a: {  	_ =	shalt  }
0x7b: {  	_ =	shalt  }
0x7c: {  	_ =	shalt  }
0x7d: {  	_ =	shalt  }
0x7e: {  	_ =	shalt  }
0x7f: {  	_ =	shalt  }
0x80: {  	_ =	shalt  }
0x81: {  	_ =	shalt  }
0x82: {  	_ =	shalt  }
0x83: {  	_ =	shalt  }
0x84: {  	_ =	shalt  }
0x85: {  	_ =	shalt  }
0x86: {  	_ =	shalt  }
0x87: {  	_ =	shalt  }
.Lfunc_end0:
.L_simem_size_0:
called_computation.1_lowered:
.L_overlay_start_0:
0x88: {  	s2 =	sld [smem:$0x3FD9]  }
0x89: {  	s3 =	sld [smem:$0x3FFE];
	_ =	sdelay $0x1  }
0x8a: {  	s1 =	srdreg.scid  }
0x8b: {  	s0 =	sand.u32 $0x1, s1  }
0x8c: {  	s14 =	sshll.u32 s0, $0xA;
	s2 =	sadd.s32 s3, s2  }
0x8d: {  	s2 =	sadd.s32 s2, s14  }
0x8e: {  	[smem:$0x3FB5] =	sst s2  }
0x8f: {  	_ = 	snop  }
0x90: {  	s2 =	sld [smem:$0x3FD0];
	_ =	sdelay $0x2  }
0x91: {  	s15 =	simm.s32 $0xB;
	s4 =	simm.s32 $0x10  }
0x92: {  	[smem:s4], [sflag:s15] =	dma.local [hbm:s2], $0x1  }
0x93: {  	_ =	swait.eq [sflag:s15], $0x1  }
0x94: {  	[sflag:s15] =	ssyncset.done $0x0  }
0x95: {  	s16 =	sld [smem:$0x10];
	[sflag:s15] =	ssyncadd.s32 $0xFFFFFFFF  }
0x96: {  	s17 =	sld [smem:$0x11];
	(tm) =	ssettm $0x1  }
0x97: {  	s18 =	sld [smem:$0x3FFB];
	_ =	sdelay $0x3  }
0x98: {  	_ =	strace s18  }
0x99: {  	s4 =	sld [smem:$0x3FFC];
	_ =	sdelay $0x3  }
0x9a: {  	_ =	strace s4  }
0x9b: {  	s4 =	sld [smem:$0x3FFD];
	_ =	sdelay $0x3  }
0x9c: {  	_ =	strace s4  }
0x9d: {  	_ =	strace $0x8FFFFFFF  }
0x9e: {  	s19 =	sld [smem:$0x3FDB];
	_ =	sdelay $0x1  }
0x9f: {  	s5 =	simm.s32 $_scs_section_size  }
0xa0: {  	s6 =	simm.s32 $_size__tile_overlayer_lowered;
	s7 =	simm.s32 $_tile_overlayer_lowered  }
0xa1: {  	s22 =	simm.s32 $0x1BFF;
	s21 =	sshll.u32 s7, $0x1;
	s4 =	sadd.s32 s5, s19  }
0xa2: {  	s8 =	simm.s32 $0x0;
	s20 =	sshll.u32 s6, $0x1;
	s6 =	sadd.s32 s21, s4  }
0xa3: {  	[timem:s8], [sflag:s22] =	dma.local [hbm:s6], s20  }
0xa4: {  	_ =	swait.ge [sflag:s22], s20  }
0xa5: {  	s5 =	ssub.s32 $0x0, s20;
	[sflag:s22] =	ssyncset.done $0x0  }
0xa6: {  	[sflag:s22] =	ssyncadd.s32 s5;
	_ =	sdelay $0x1  }
0xa7: {  	s23 =	simm.s32 $0x1B8B  }
0xa8: {  	_ =	swait.ge [sflag:s23], $0x1  }
0xa9: {  	[sflag:s23] =	ssyncset.done $0x0  }
0xaa: {  	s25 =	simm.s32 $0x1B8E;
	s24 =	sld [smem:$0x3FFE];
	[sflag:s23] =	ssyncadd.s32 $0xFFFFFFFF  }
0xab: {  	s26 =	simm.s32 $execute0_lowered;
	[smem:$0x3FD2] =	sst s25  }
0xac: {  	s6 =	sshll.u32 s26, $0x1;
	_ =	strace $0x80000046;
	[dreg:$0x1] =	wrdreg $0xFFFFFFFF  }
0xad: {  	s28 =	simm.s32 $_size_execute0_lowered;
	s4 =	sadd.s32 s4, s6;
	[dreg:$0x0] =	wrdreg $0x0  }
0xae: {  	s6 =	sshll.u32 s28, $0x1;
	[dreg:$0x2] =	wrdreg s4  }
0xaf: {  	[dreg:$0x3] =	wrdreg s6  }
0xb0: {  	[dreg:$0x4] =	wrdreg $0xC0  }
0xb1: {  	_ =	task [dreg:s8], $0x5FFFF  }
0xb2: {  	[dreg:$0x1] =	wrdreg $0xFFFFFFFF  }
0xb3: {  	[dreg:$0x0] =	wrdreg $0x60  }
0xb4: {  	[dreg:$0x2] =	wrdreg s24  }
0xb5: {  	[dreg:$0x3] =	wrdreg s17  }
0xb6: {  	[dreg:$0x4] =	wrdreg s16  }
0xb7: {  	[dreg:$0x5] =	wrdreg $0x77000  }
0xb8: {  	[dreg:$0x6] =	wrdreg $0xA  }
0xb9: {  	_ =	task.clear_ibuf [dreg:s8], $0x7FFFF;
	_ =	strace $0x90000046  }
0xba: {  	s29 =	simm.s32 $0xA;
	_ =	strace $0x80000048  }
0xbb: {  	_ =	swait.ge [sflag:s29], $0x1  }
0xbc: {  	[sflag:s29] =	ssyncadd.s32 $0xFFFFFFFF  }
0xbd: {  	_ =	strace $0x90000048  }
0xbe: {  	_ =	sfence  }
0xbf: {  	s30 =	sld [smem:$0x0];
	_ =	sdelay $0x2  }
0xc0: {  	s31 =	sshll.u32 s1, $0xD;
	s1 =	sshrl.u32 s1, $0x2  }
0xc1: {  	s3 =	sand.u32 $0x4000, s31;
	s1 =	sadd.s32 s1, s30  }
0xc2: {  	s0 =	sor.u32 s3, s0;
	s1 =	sshll.u32 s1, $0x11  }
0xc3: {  	s0 =	sor.u32 s1, s0  }
0xc4: {  	s0 =	sadd.s32 $0x8F2B, s0  }
0xc5: {  	[sflag:s0] =	ssyncadd.remote.s32 $0x1  }
0xc6: {  	_ =	sfence.sel $0xFFFF  }
0xc7: {  	[dreg:$0x0] =	wrdreg $0xFFFFFFFF;
	(pc) =	sbr.abs _section_cstart, $3  }
0xc8: {  	[dreg:$0x1] =	wrdreg $0xFFFFFFFF  }
0xc9: {  	_ =	task.clear_ibuf [dreg:s8], $0x2FFFF;
	_ =	strace $0x9FFFFFFF  }
0xca: {  	(tm) =	ssettm $0x7FFFFFFF  }
0xcb: {  	_ =	shalt  }
tec
execute0_lowered:
.L_overlay_start_1:
0x0: {  	(tag) =	ssettag $0x1  }
0x1: {  	s0 =	rddreg [dreg:$0x0]  }
0x2: {  	s1 =	rddreg [dreg:$0x1]  }
0x3: {  	s11 =	stileid.u32;
	s2 =	srdreg.scid  }
0x4: {  	s3 =	rddreg [dreg:$0x3];
	s4 =	simm.s32 $0x0;
	s12 =	simm.s32 $0x380  }
0x5: {  	s13 =	simm.s32 $0x80;
	s14 =	simm.s32 $0x700;
	s15 =	simm.s32 $0x1700  }
0x6: {  	s16 =	simm.s32 $0x100;
	s17 =	simm.s32 $0x2700;
	s18 =	simm.s32 $0x180  }
0x7: {  	s19 =	simm.s32 $0x3700;
	s20 =	simm.s32 $0x200;
	s21 =	simm.s32 $0x4700  }
0x8: {  	s28 =	simm.s32 $0x400;
	s29 =	simm.s32 $0x480;
	s30 =	simm.s32 $0x500  }
0x9: {  	s31 =	simm.s32 $0x580;
	s2 =	sand.u32 $0x1, s2;
	s6 =	smul.u32 $0x186C0, s11  }
0xa: {  	[smem:$0x7FF] =	sst s4;
	s8 =	smul.u32 $0x1880, s11;
	s5 =	sadd.s32 $0x3000, s0  }
0xb: {  	s11 =	sshll.u32 s11, $0x6;
	s7 =	smul.u32 $0x186C00, s2;
	_ =	strace $0x80000047  }
0xc: {  	s10 =	ssub.s32 $0x2, s2;
	s24 =	sor.u32 $0x1C03, s11;
	s11 =	simm.s32 $0x3  }
0xd: {  	v0 =	vmov s2;
	s2 =	simm.s32 $0x2;
	s9 =	sadd.s32 s8, s0;
	s22 =	sshrl.u32 s10, $0x1  }
0xe: {  	s23 =	sadd.s32 s6, s3;
	s7 =	sadd.s32 s6, s7;
	s26 =	sadd.s32 $0x64C00, s9  }
0xf: {  	s9 =	sadd.s32 s8, s1;
	s8 =	smov.u32 s24;
	s24 =	simm.s32 $0x300  }
0x10: {  	s1 =	simm.s32 $0x600;
	s7 =	sshrl.u32 s7, $0x3;
	[dreg:$0x5] =	wrdreg s26  }
0x11: {  	s26 =	simm.s32 $0x1;
	[dreg:$0x8] =	wrdreg s8;
	s0 =	sadd.s32 s7, s0  }
0x12: {  	s7 =	ssub.s32 s10, s22;
	s10 =	sshrl.u32 s23, $0x3;
	s22 =	simm.s32 $0x280  }
0x13: {  	s23 =	simm.s32 $0x5700;
	s0 =	sadd.s32 $0x162A00, s0;
	[dreg:$0x9] =	wrdreg s10  }
0x14: {  	s25 =	smax.u32 s7, $0x1;
	s7 =	simm.s32 $0x0;
	[dreg:$0x6] =	wrdreg s0  }
0x15: {  	[dreg:$0x7] =	wrdreg s25;
	s25 =	simm.s32 $0x6700;
	s0 =	simm.s32 $0x680  }
.LBB2_1:
0x16: {  	s6 =	rddreg [dreg:$0x2]  }
0x17: {  	[spmem:s10], [sflag:s8] =	dma.local [hbm:s6], $0x30D8  }
0x18: {  	_ =	swait.ge [sflag:s11], $0x30D8  }
0x19: {  	[sflag:s11] =	ssyncset.done $0x0  }
0x1a: {  	[sflag:s11] =	ssyncadd.s32 $0xFFFFCF28  }
0x1b: {  	s8 =	simm.s32 $0x0;
	[bflag:$0x0] =	sbarrier.arrive $0xFFFF  }
.LBB2_2:
0x1c: {  	s6 =	sadd.s32 s8, s9  }
0x1d: {  	[tilespmem:s4], [sflag:$0x3] =	stream.linear.gather [hbm4b:s6+s4], $0x380, $0x38;
	[tilespmem:$0x1FDC0] =	vst v63  }
0x1e: {  	_ =	swait.ge [sflag:s11], $0x380  }
0x1f: {  	s10 =	rddreg [dreg:$0x5];
	[sflag:s11] =	ssyncset.done $0x0  }
0x20: {  	[sflag:s11] =	ssyncadd.s32 $0xFFFFFC80;
	s6 =	sadd.s32 s8, s10  }
0x21: {  	[tilespmem:s12], [sflag:$0x3] =	stream.linear.gather [hbm4b:s6+s4], $0x380, $0x38;
	[tilespmem:$0x1FDC0] =	vst v63  }
0x22: {  	_ =	swait.ge [sflag:s11], $0x380  }
0x23: {  	[sflag:s11] =	ssyncset.done $0x0  }
0x24: {  	[sflag:s11] =	ssyncadd.s32 $0xFFFFFC80  }
0x25: {  	v1 =	vld [tilespmem:$0x0]  }
0x26: {  	v2 =	vld [tilespmem:$0x10]  }
0x27: {  	v3 =	vld [tilespmem:$0x20]  }
0x28: {  	v4 =	vld [tilespmem:$0x30]  }
0x29: {  	v5 =	vld [tilespmem:$0x40]  }
0x2a: {  	v6 =	vld [tilespmem:$0x50];
	v1 =	vshll.u32 v1, $0x1  }
0x2b: {  	v7 =	vld [tilespmem:$0x60];
	v2 =	vshll.u32 v2, $0x1;
	v1 =	vor.u32 v0, v1  }
0x2c: {  	[tilespmem:$0x0] =	vst v1;
	v1 =	vor.u32 v0, v2;
	v2 =	vshll.u32 v3, $0x1;
	v3 =	vld [tilespmem:$0x70]  }
0x2d: {  	v25 =	vld [tilespmem:$0x80];
	[tilespmem:$0x10] =	vst v1;
	v1 =	vor.u32 v0, v2;
	v2 =	vshll.u32 v4, $0x1  }
0x2e: {  	v26 =	vld [tilespmem:$0x90];
	[tilespmem:$0x20] =	vst v1;
	v1 =	vor.u32 v0, v2;
	v2 =	vshll.u32 v5, $0x1  }
0x2f: {  	v27 =	vld [tilespmem:$0xA0];
	[tilespmem:$0x30] =	vst v1;
	v1 =	vor.u32 v0, v2;
	v2 =	vshll.u32 v6, $0x1  }
0x30: {  	v28 =	vld [tilespmem:$0xB0];
	[tilespmem:$0x40] =	vst v1;
	v1 =	vor.u32 v0, v2;
	v2 =	vshll.u32 v7, $0x1  }
0x31: {  	[tilespmem:$0x50] =	vst v1;
	v1 =	vor.u32 v0, v2;
	v2 =	vshll.u32 v3, $0x1;
	v3 =	vld [tilespmem:$0xC0]  }
0x32: {  	v29 =	vld [tilespmem:$0xD0];
	[tilespmem:$0x60] =	vst v1;
	v1 =	vor.u32 v0, v2;
	v2 =	vshll.u32 v25, $0x1  }
0x33: {  	v30 =	vld [tilespmem:$0xE0];
	[tilespmem:$0x70] =	vst v1;
	v1 =	vor.u32 v0, v2;
	v2 =	vshll.u32 v26, $0x1  }
0x34: {  	v31 =	vld [tilespmem:$0xF0];
	[tilespmem:$0x80] =	vst v1;
	v1 =	vor.u32 v0, v2;
	v2 =	vshll.u32 v27, $0x1  }
0x35: {  	v32 =	vld [tilespmem:$0x100];
	[tilespmem:$0x90] =	vst v1;
	v1 =	vor.u32 v0, v2;
	v2 =	vshll.u32 v28, $0x1  }
0x36: {  	[tilespmem:$0xA0] =	vst v1;
	v1 =	vor.u32 v0, v2;
	v2 =	vshll.u32 v3, $0x1;
	v3 =	vld [tilespmem:$0x110]  }
0x37: {  	v33 =	vld [tilespmem:$0x120];
	[tilespmem:$0xB0] =	vst v1;
	v1 =	vor.u32 v0, v2;
	v2 =	vshll.u32 v29, $0x1  }
0x38: {  	v34 =	vld [tilespmem:$0x130];
	[tilespmem:$0xC0] =	vst v1;
	v1 =	vor.u32 v0, v2;
	v2 =	vshll.u32 v30, $0x1  }
0x39: {  	v35 =	vld [tilespmem:$0x140];
	[tilespmem:$0xD0] =	vst v1;
	v1 =	vor.u32 v0, v2;
	v2 =	vshll.u32 v31, $0x1  }
0x3a: {  	v36 =	vld [tilespmem:$0x150];
	[tilespmem:$0xE0] =	vst v1;
	v1 =	vor.u32 v0, v2;
	v2 =	vshll.u32 v32, $0x1  }
0x3b: {  	[tilespmem:$0xF0] =	vst v1;
	v1 =	vor.u32 v0, v2;
	v2 =	vshll.u32 v3, $0x1;
	v3 =	vld [tilespmem:$0x160]  }
0x3c: {  	v37 =	vld [tilespmem:$0x170];
	[tilespmem:$0x100] =	vst v1;
	v1 =	vor.u32 v0, v2;
	v2 =	vshll.u32 v33, $0x1  }
0x3d: {  	v38 =	vld [tilespmem:$0x180];
	[tilespmem:$0x110] =	vst v1;
	v1 =	vor.u32 v0, v2;
	v2 =	vshll.u32 v34, $0x1  }
0x3e: {  	v39 =	vld [tilespmem:$0x190];
	[tilespmem:$0x120] =	vst v1;
	v1 =	vor.u32 v0, v2;
	v2 =	vshll.u32 v35, $0x1  }
0x3f: {  	v40 =	vld [tilespmem:$0x1A0];
	[tilespmem:$0x130] =	vst v1;
	v1 =	vor.u32 v0, v2;
	v2 =	vshll.u32 v36, $0x1  }
0x40: {  	[tilespmem:$0x140] =	vst v1;
	v1 =	vor.u32 v0, v2;
	v2 =	vshll.u32 v3, $0x1;
	v3 =	vld [tilespmem:$0x1B0]  }
0x41: {  	v41 =	vld [tilespmem:$0x1C0];
	[tilespmem:$0x150] =	vst v1;
	v1 =	vor.u32 v0, v2;
	v2 =	vshll.u32 v37, $0x1  }
0x42: {  	v42 =	vld [tilespmem:$0x1D0];
	[tilespmem:$0x160] =	vst v1;
	v1 =	vor.u32 v0, v2;
	v2 =	vshll.u32 v38, $0x1  }
0x43: {  	v43 =	vld [tilespmem:$0x1E0];
	[tilespmem:$0x170] =	vst v1;
	v1 =	vor.u32 v0, v2;
	v2 =	vshll.u32 v39, $0x1  }
0x44: {  	v44 =	vld [tilespmem:$0x1F0];
	[tilespmem:$0x180] =	vst v1;
	v1 =	vor.u32 v0, v2;
	v2 =	vshll.u32 v40, $0x1  }
0x45: {  	[tilespmem:$0x190] =	vst v1;
	v1 =	vor.u32 v0, v2;
	v2 =	vshll.u32 v3, $0x1;
	v3 =	vld [tilespmem:$0x200]  }
0x46: {  	v45 =	vld [tilespmem:$0x210];
	[tilespmem:$0x1A0] =	vst v1;
	v1 =	vor.u32 v0, v2;
	v2 =	vshll.u32 v41, $0x1  }
0x47: {  	v46 =	vld [tilespmem:$0x220];
	[tilespmem:$0x1B0] =	vst v1;
	v1 =	vor.u32 v0, v2;
	v2 =	vshll.u32 v42, $0x1  }
0x48: {  	v47 =	vld [tilespmem:$0x230];
	[tilespmem:$0x1C0] =	vst v1;
	v1 =	vor.u32 v0, v2;
	v2 =	vshll.u32 v43, $0x1  }
0x49: {  	v48 =	vld [tilespmem:$0x240];
	[tilespmem:$0x1D0] =	vst v1;
	v1 =	vor.u32 v0, v2;
	v2 =	vshll.u32 v44, $0x1  }
0x4a: {  	[tilespmem:$0x1E0] =	vst v1;
	v1 =	vor.u32 v0, v2;
	v2 =	vshll.u32 v3, $0x1;
	v3 =	vld [tilespmem:$0x250]  }
0x4b: {  	v49 =	vld [tilespmem:$0x260];
	[tilespmem:$0x1F0] =	vst v1;
	v1 =	vor.u32 v0, v2;
	v2 =	vshll.u32 v45, $0x1  }
0x4c: {  	v50 =	vld [tilespmem:$0x270];
	[tilespmem:$0x200] =	vst v1;
	v1 =	vor.u32 v0, v2;
	v2 =	vshll.u32 v46, $0x1  }
0x4d: {  	v51 =	vld [tilespmem:$0x280];
	[tilespmem:$0x210] =	vst v1;
	v1 =	vor.u32 v0, v2;
	v2 =	vshll.u32 v47, $0x1  }
0x4e: {  	v52 =	vld [tilespmem:$0x290];
	[tilespmem:$0x220] =	vst v1;
	v1 =	vor.u32 v0, v2;
	v2 =	vshll.u32 v48, $0x1  }
0x4f: {  	[tilespmem:$0x230] =	vst v1;
	v1 =	vor.u32 v0, v2;
	v2 =	vshll.u32 v3, $0x1;
	v3 =	vld [tilespmem:$0x2A0]  }
0x50: {  	v53 =	vld [tilespmem:$0x2B0];
	[tilespmem:$0x240] =	vst v1;
	v1 =	vor.u32 v0, v2;
	v2 =	vshll.u32 v49, $0x1  }
0x51: {  	v54 =	vld [tilespmem:$0x2C0];
	[tilespmem:$0x250] =	vst v1;
	v1 =	vor.u32 v0, v2;
	v2 =	vshll.u32 v50, $0x1  }
0x52: {  	v55 =	vld [tilespmem:$0x2D0];
	[tilespmem:$0x260] =	vst v1;
	v1 =	vor.u32 v0, v2;
	v2 =	vshll.u32 v51, $0x1  }
0x53: {  	v56 =	vld [tilespmem:$0x2E0];
	[tilespmem:$0x270] =	vst v1;
	v1 =	vor.u32 v0, v2;
	v2 =	vshll.u32 v52, $0x1  }
0x54: {  	[tilespmem:$0x280] =	vst v1;
	v1 =	vor.u32 v0, v2;
	v2 =	vshll.u32 v3, $0x1;
	v3 =	vld [tilespmem:$0x2F0]  }
0x55: {  	v57 =	vld [tilespmem:$0x300];
	[tilespmem:$0x290] =	vst v1;
	v1 =	vor.u32 v0, v2;
	v2 =	vshll.u32 v53, $0x1  }
0x56: {  	v58 =	vld [tilespmem:$0x310];
	[tilespmem:$0x2A0] =	vst v1;
	v1 =	vor.u32 v0, v2;
	v2 =	vshll.u32 v54, $0x1  }
0x57: {  	v59 =	vld [tilespmem:$0x320];
	[tilespmem:$0x2B0] =	vst v1;
	v1 =	vor.u32 v0, v2;
	v2 =	vshll.u32 v55, $0x1  }
0x58: {  	v60 =	vld [tilespmem:$0x330];
	[tilespmem:$0x2C0] =	vst v1;
	v1 =	vor.u32 v0, v2;
	v2 =	vshll.u32 v56, $0x1  }
0x59: {  	[tilespmem:$0x2D0] =	vst v1;
	v1 =	vor.u32 v0, v2;
	v2 =	vshll.u32 v3, $0x1;
	v3 =	vld [tilespmem:$0x340]  }
0x5a: {  	v61 =	vld [tilespmem:$0x350];
	[tilespmem:$0x2E0] =	vst v1;
	v1 =	vor.u32 v0, v2;
	v2 =	vshll.u32 v57, $0x1  }
0x5b: {  	v62 =	vld [tilespmem:$0x360];
	[tilespmem:$0x2F0] =	vst v1;
	v1 =	vor.u32 v0, v2;
	v2 =	vshll.u32 v58, $0x1  }
0x5c: {  	v63 =	vld [tilespmem:$0x370];
	[tilespmem:$0x300] =	vst v1;
	v1 =	vor.u32 v0, v2;
	v2 =	vshll.u32 v59, $0x1  }
0x5d: {  	[tilespmem:$0x310] =	vst v1;
	v1 =	vor.u32 v0, v2;
	v2 =	vshll.u32 v60, $0x1  }
0x5e: {  	[tilespmem:$0x320] =	vst v1;
	v1 =	vor.u32 v0, v2;
	v2 =	vshll.u32 v3, $0x1  }
0x5f: {  	[tilespmem:$0x330] =	vst v1;
	v1 =	vor.u32 v0, v2;
	v2 =	vshll.u32 v61, $0x1  }
0x60: {  	[tilespmem:$0x340] =	vst v1;
	v1 =	vor.u32 v0, v2;
	v2 =	vshll.u32 v62, $0x1  }
0x61: {  	[tilespmem:$0x350] =	vst v1;
	v1 =	vor.u32 v0, v2;
	v2 =	vshll.u32 v63, $0x1  }
0x62: {  	[tilespmem:$0x360] =	vst v1;
	v1 =	vor.u32 v0, v2  }
0x63: {  	[tilespmem:$0x370] =	vst v1  }
0x64: {  	[tilespmem:s14], [sflag:$0x1] =	stream.indirect.gather [hbm4b:s5+s13], $0x20, s4, s13, $0xb8;
	[tilespmem:$0x1FDC0] =	vst v63  }
0x65: {  	_ = 	snop  }
0x66: {  	[tilespmem:s15], [sflag:$0x1] =	stream.indirect.gather [hbm4b:s5+s13], $0x20, s13, s13, $0xb8;
	[tilespmem:$0x1FDC0] =	vst v63  }
0x67: {  	_ = 	snop  }
0x68: {  	[tilespmem:s17], [sflag:$0x1] =	stream.indirect.gather [hbm4b:s5+s13], $0x20, s16, s13, $0xb8;
	[tilespmem:$0x1FDC0] =	vst v63  }
0x69: {  	_ = 	snop  }
0x6a: {  	[tilespmem:s19], [sflag:$0x1] =	stream.indirect.gather [hbm4b:s5+s13], $0x20, s18, s13, $0xb8;
	[tilespmem:$0x1FDC0] =	vst v63  }
0x6b: {  	_ = 	snop  }
0x6c: {  	[tilespmem:s21], [sflag:$0x1] =	stream.indirect.gather [hbm4b:s5+s13], $0x20, s20, s13, $0xb8;
	[tilespmem:$0x1FDC0] =	vst v63  }
0x6d: {  	_ = 	snop  }
0x6e: {  	[tilespmem:s23], [sflag:$0x1] =	stream.indirect.gather [hbm4b:s5+s13], $0x20, s22, s13, $0xb8;
	[tilespmem:$0x1FDC0] =	vst v63  }
0x6f: {  	_ = 	snop  }
0x70: {  	[tilespmem:s25], [sflag:$0x1] =	stream.indirect.gather [hbm4b:s5+s13], $0x20, s24, s13, $0xb8;
	[tilespmem:$0x1FDC0] =	vst v63  }
0x71: {  	_ =	swait.ge [sflag:s26], $0x1000  }
0x72: {  	[sflag:s26] =	ssyncset.done $0x0  }
0x73: {  	[sflag:s26] =	ssyncadd.s32 $0xFFFFF000  }
0x74: {  	_ =	swait.ge [sflag:s26], $0x1000  }
0x75: {  	[sflag:s26] =	ssyncset.done $0x0  }
0x76: {  	[sflag:s26] =	ssyncadd.s32 $0xFFFFF000  }
0x77: {  	_ =	swait.ge [sflag:s26], $0x1000  }
0x78: {  	[sflag:s26] =	ssyncset.done $0x0  }
0x79: {  	[sflag:s26] =	ssyncadd.s32 $0xFFFFF000  }
0x7a: {  	_ =	swait.ge [sflag:s26], $0x1000  }
0x7b: {  	[sflag:s26] =	ssyncset.done $0x0  }
0x7c: {  	[sflag:s26] =	ssyncadd.s32 $0xFFFFF000  }
0x7d: {  	_ =	swait.ge [sflag:s26], $0x1000  }
0x7e: {  	[sflag:s26] =	ssyncset.done $0x0  }
0x7f: {  	[sflag:s26] =	ssyncadd.s32 $0xFFFFF000  }
0x80: {  	_ =	swait.ge [sflag:s26], $0x1000  }
0x81: {  	[sflag:s26] =	ssyncset.done $0x0  }
0x82: {  	[sflag:s26] =	ssyncadd.s32 $0xFFFFF000  }
0x83: {  	_ =	swait.ge [sflag:s26], $0x1000  }
0x84: {  	[sflag:s26] =	ssyncset.done $0x0  }
0x85: {  	[sflag:s26] =	ssyncadd.s32 $0xFFFFF000  }
0x86: {  	[spmem:s3] =	stream.indirect.scatter.add.f32 [tilespmem:s14], [sflag:$0x2], $0x20, s12, s13, $0xb8;
	[tilespmem:$0x1FDC0] =	vst v63  }
0x87: {  	_ = 	snop  }
0x88: {  	[spmem:s3] =	stream.indirect.scatter.add.f32 [tilespmem:s15], [sflag:$0x2], $0x20, s28, s13, $0xb8;
	[tilespmem:$0x1FDC0] =	vst v63  }
0x89: {  	_ = 	snop  }
0x8a: {  	[spmem:s3] =	stream.indirect.scatter.add.f32 [tilespmem:s17], [sflag:$0x2], $0x20, s29, s13, $0xb8;
	[tilespmem:$0x1FDC0] =	vst v63  }
0x8b: {  	_ = 	snop  }
0x8c: {  	[spmem:s3] =	stream.indirect.scatter.add.f32 [tilespmem:s19], [sflag:$0x2], $0x20, s30, s13, $0xb8;
	[tilespmem:$0x1FDC0] =	vst v63  }
0x8d: {  	_ = 	snop  }
0x8e: {  	[spmem:s3] =	stream.indirect.scatter.add.f32 [tilespmem:s21], [sflag:$0x2], $0x20, s31, s13, $0xb8;
	[tilespmem:$0x1FDC0] =	vst v63  }
0x8f: {  	_ = 	snop  }
0x90: {  	[spmem:s3] =	stream.indirect.scatter.add.f32 [tilespmem:s23], [sflag:$0x2], $0x20, s1, s13, $0xb8;
	[tilespmem:$0x1FDC0] =	vst v63  }
0x91: {  	_ = 	snop  }
0x92: {  	[spmem:s3] =	stream.indirect.scatter.add.f32 [tilespmem:s25], [sflag:$0x2], $0x20, s0, s13, $0xb8;
	[tilespmem:$0x1FDC0] =	vst v63  }
0x93: {  	_ =	swait.ge [sflag:s2], $0x1000  }
0x94: {  	[sflag:s2] =	ssyncset.done $0x0  }
0x95: {  	[sflag:s2] =	ssyncadd.s32 $0xFFFFF000  }
0x96: {  	_ =	swait.ge [sflag:s2], $0x1000  }
0x97: {  	[sflag:s2] =	ssyncset.done $0x0  }
0x98: {  	[sflag:s2] =	ssyncadd.s32 $0xFFFFF000  }
0x99: {  	_ =	swait.ge [sflag:s2], $0x1000  }
0x9a: {  	[sflag:s2] =	ssyncset.done $0x0  }
0x9b: {  	[sflag:s2] =	ssyncadd.s32 $0xFFFFF000  }
0x9c: {  	_ =	swait.ge [sflag:s2], $0x1000  }
0x9d: {  	[sflag:s2] =	ssyncset.done $0x0  }
0x9e: {  	[sflag:s2] =	ssyncadd.s32 $0xFFFFF000  }
0x9f: {  	_ =	swait.ge [sflag:s2], $0x1000  }
0xa0: {  	[sflag:s2] =	ssyncset.done $0x0  }
0xa1: {  	[sflag:s2] =	ssyncadd.s32 $0xFFFFF000  }
0xa2: {  	p0 =	sne.s32 s8, $0x1810;
	_ =	swait.ge [sflag:s2], $0x1000  }
.Ltmp0:
0xa3: {  	[sflag:s2] =	ssyncset.done $0x0;
	(pc) =	sbr.rel @p0 .LBB2_2-.Ltmp0, $4  }
0xa4: {  	[sflag:s2] =	ssyncadd.s32 $0xFFFFF000  }
0xa5: {  	_ =	swait.ge [sflag:s2], $0x1000  }
0xa6: {  	[sflag:s2] =	ssyncset.done $0x0  }
0xa7: {  	s8 =	sadd.s32 $0x70, s8;
	[sflag:s2] =	ssyncadd.s32 $0xFFFFF000  }
0xa8: {  	[bflag:$0x0] =	sbarrier.arrive $0xFFFF  }
0xa9: {  	s8 =	rddreg [dreg:$0x8]  }
0xaa: {  	s6 =	rddreg [dreg:$0x6]  }
0xab: {  	s10 =	rddreg [dreg:$0x9]  }
0xac: {  	[hbm:s6], [sflag:s8] =	dma.local [spmem:s10], $0x30D8  }
0xad: {  	_ =	swait.ge [sflag:s11], $0x30D8  }
0xae: {  	s7 =	sadd.s32 $0x1, s7;
	s6 =	rddreg [dreg:$0x7]  }
0xaf: {  	p0 =	sne.s32 s7, s6  }
.Ltmp1:
0xb0: {  	_ = 	snop;
	(pc) =	sbr.rel @p0 .LBB2_1-.Ltmp1, $3  }
0xb1: {  	_ =	sdelay $0x1  }
0xb2: {  	[sflag:s11] =	ssyncset.done $0x0  }
0xb3: {  	[sflag:s11] =	ssyncadd.s32 $0xFFFFCF28  }
0xb4: {  	_ =	sfence.sel $0x180000  }
0xb5: {  	[bflag:$0x0] =	sbarrier.arrive $0xFFFF  }
0xb6: {  	_ =	strace $0x90000047  }
0xb7: {  	s0 =	stileid.u32;
	[bflag:$0x2] =	sbarrier.arrive $0xFFFF  }
0xb8: {  	p0 =	sne.s32 s0, $0x0;
	s0 =	rddreg [dreg:$0x4]  }
0xb9: {  	s0 =	sadd.s32 @!p0 $0x100000, s0  }
0xba: {  	[sflag:s0] =	ssyncadd.tile.s32 @!p0 $0x1;
	_ =	shalt  }
.Lfunc_end2:
_tile_overlayer_lowered:
.L_overlay_start_2:
0xbb: {  	(tag) =	ssettag $0x2  }
0xbc: {  	s0 =	rddreg [dreg:$0x0];
	s2 =	stileid.u32  }
0xbd: {  	s1 =	rddreg [dreg:$0x1];
	p0 =	sne.s32 s2, $0x0  }
0xbe: {  	s3 =	rddreg [dreg:$0x2];
	[bflag:$0x3] =	sbarrier.arrive $0xFFFF;
	s2 =	simm.s32 @!p0 $0x1C03  }
0xbf: {  	[timem:s3], [sflag:s2] =	dma.local @!p0 [hbm:s0], s1  }
0xc0: {  	s0 =	simm.s32 @!p0 $0x3  }
0xc1: {  	_ =	swait.ge @!p0 [sflag:s0], s1  }
0xc2: {  	s1 =	ssub.s32 @!p0 $0x0, s1;
	[sflag:s0] =	ssyncset.done @!p0 $0x0  }
0xc3: {  	[sflag:s0] =	ssyncadd.s32 @!p0 s1  }
0xc4: {  	[bflag:$0x3] =	sbarrier.arrive $0xFFFF  }
0xc5: {  	_ =	shalt  }

// kernel: kernel.14.cloned.1.call-start
scs
__scs_entry_jumppad:
0x0: {  	(pc) =	sbr.rel $0x88, $3  }
0x1: {  	(tag) =	ssettag $0x0;
	lr =	simm.s32 $0x1  }
0x2: {  	[smem:$0x3F8E] =	sst lr;
	_ =	strace $0xD0000000  }
0x3: {  	_ = 	snop  }
0x4: {  	_ = 	snop  }
0x5: {  	_ = 	snop  }
0x6: {  	_ = 	snop  }
0x7: {  	_ = 	snop  }
__scs_overlays_trampoline_lowered:
0x8: {  	[smem:$0x3F9D] =	sst s0  }
0x9: {  	[smem:$0x3F9E] =	sst s1  }
0xa: {  	[smem:$0x3F9F] =	sst s2  }
0xb: {  	[smem:$0x3FA0] =	sst s3  }
0xc: {  	[smem:$0x3FA1] =	sst s4  }
0xd: {  	[smem:$0x3FA2] =	sst s5  }
0xe: {  	[smem:$0x3FA3] =	sst s6  }
0xf: {  	[smem:$0x3FA4] =	sst s7  }
0x10: {  	[smem:$0x3FA5] =	sst s8  }
0x11: {  	[smem:$0x3FA6] =	sst s9;
	s0 =	simm.s32 @!p0 $0x0  }
0x12: {  	s1 =	sld [smem:$0x3F8C];
	s0 =	simm.s32 @p0 $0x1  }
0x13: {  	[smem:$0x3FA7] =	sst s0;
	s0 =	simm.s32 @!p1 $0x0  }
0x14: {  	s2 =	sld [smem:$0x3F8B];
	s0 =	simm.s32 @p1 $0x1  }
0x15: {  	[smem:$0x3FA8] =	sst s0;
	s0 =	simm.s32 @!p2 $0x0  }
0x16: {  	s3 =	sld [smem:$0x3FDB];
	s0 =	simm.s32 @p2 $0x1  }
0x17: {  	s4 =	simm.s32 $0x1BF5;
	[smem:$0x3FAA] =	sst s0  }
0x18: {  	s0 =	sld [smem:$0x3F8D];
	_ =	swait.ge [sflag:s4], $0x0  }
0x19: {  	s7 =	sld [smem:$0x3F8E]  }
0x1a: {  	s8 =	sadd.s32 $0xFFFFE003, lr  }
0x1b: {  	s9 =	sadd.s32 $0xFFFFFEF7, lr;
	s5 =	simm.s32 $0xFFFFFFFF;
	p2 =	slt.u32 s8, $0xFFFFF086  }
0x1c: {  	p1 =	slt.u32 s9, $0xF7A;
	s5 =	simm.s32 @!p2 $0x0  }
0x1d: {  	s5 =	simm.s32 @p1 $0x1;
	p0 =	seq.s32 s7, s2  }
0x1e: {  	s7 =	smul.u32 @!p0 $0xF7A, s2;
	p2 =	seq.s32 @!p0 s5, $0x0  }
0x1f: {  	s9 =	smul.u32 $0xF7A, s1;
	s8 =	simm.s32 @!p0 $0x1BF5;
	p2 =	por !p2, p0  }
0x20: {  	[sflag:s8] =	ssyncset.s32 @!p0 $0xFFFFF086;
	s6 =	sadd.s32 @!p0 s3, s7;
	s7 =	simm.s32 @!p0 $0x108  }
0x21: {  	s3 =	sadd.s32 s3, s9;
	s6 =	sadd.s32 @!p0 $0x88, s6;
	s7 =	simm.s32 @p2 $0x1082  }
0x22: {  	[simem:s7], [sflag:s8] =	dma.local @!p0 [hbm:s6], $0xF7A  }
0x23: {  	s9 =	sor.u32 $0xD0000000, s2;
	s6 =	simm.s32 $0x108;
	_ =	swait.ge @!p0 [sflag:s8], $0x0  }
0x24: {  	s3 =	sadd.s32 $0x88, s3;
	s6 =	simm.s32 @!p1 $0x1082;
	[sflag:s4] =	ssyncset.s32 $0xFFFFF086  }
0x25: {  	[simem:s6], [sflag:s4] =	dma.local [hbm:s3], $0xF7A  }
0x26: {  	[smem:$0x3F8E] =	sst s1;
	(tag) =	ssettag s2;
	_ =	strace s9  }
0x27: {  	s1 =	sld [smem:$0x3F9E]  }
0x28: {  	s2 =	sld [smem:$0x3F9F]  }
0x29: {  	s4 =	sld [smem:$0x3FA1]  }
0x2a: {  	p0 =	seq.s32 s5, $0x0;
	s5 =	sld [smem:$0x3FA2]  }
0x2b: {  	s6 =	sld [smem:$0x3FA3]  }
0x2c: {  	s7 =	sld [smem:$0x3FA4]  }
0x2d: {  	s3 =	simm.s32 $0x108;
	s8 =	sld [smem:$0x3FA5]  }
0x2e: {  	s3 =	simm.s32 @!p0 $0x1082;
	s9 =	sld [smem:$0x3FA6]  }
0x2f: {  	lr =	sadd.s32 s0, s3;
	s0 =	sld [smem:$0x3F9D]  }
0x30: {  	s3 =	sld [smem:$0x3FA0]  }
0x31: {  	[smem:$0x3FA9] =	sst s10  }
0x32: {  	s10 =	sld [smem:$0x3FA7];
	_ =	sdelay $0x3  }
0x33: {  	p0 =	seq.s32 s10, $0x1;
	s10 =	sld [smem:$0x3FA9];
	_ =	sdelay $0x3  }
0x34: {  	[smem:$0x3FA9] =	sst s10  }
0x35: {  	s10 =	sld [smem:$0x3FA8];
	_ =	sdelay $0x3  }
0x36: {  	p1 =	seq.s32 s10, $0x1;
	s10 =	sld [smem:$0x3FA9];
	_ =	sdelay $0x3  }
0x37: {  	[smem:$0x3FA9] =	sst s10  }
0x38: {  	s10 =	sld [smem:$0x3FAA]  }
0x39: {  	_ = 	snop;
	(pc) =	sbr.ind lr, $3  }
0x3a: {  	_ = 	snop  }
0x3b: {  	_ = 	snop  }
0x3c: {  	p2 =	seq.s32 s10, $0x1;
	s10 =	sld [smem:$0x3FA9]  }
0x3d: {  	_ =	shalt  }
0x3e: {  	_ =	shalt  }
0x3f: {  	_ =	shalt  }
0x40: {  	_ =	shalt  }
0x41: {  	_ =	shalt  }
0x42: {  	_ =	shalt  }
0x43: {  	_ =	shalt  }
0x44: {  	_ =	shalt  }
0x45: {  	_ =	shalt  }
0x46: {  	_ =	shalt  }
0x47: {  	_ =	shalt  }
0x48: {  	_ =	shalt  }
0x49: {  	_ =	shalt  }
0x4a: {  	_ =	shalt  }
0x4b: {  	_ =	shalt  }
0x4c: {  	_ =	shalt  }
0x4d: {  	_ =	shalt  }
0x4e: {  	_ =	shalt  }
0x4f: {  	_ =	shalt  }
0x50: {  	_ =	shalt  }
0x51: {  	_ =	shalt  }
0x52: {  	_ =	shalt  }
0x53: {  	_ =	shalt  }
0x54: {  	_ =	shalt  }
0x55: {  	_ =	shalt  }
0x56: {  	_ =	shalt  }
0x57: {  	_ =	shalt  }
0x58: {  	_ =	shalt  }
0x59: {  	_ =	shalt  }
0x5a: {  	_ =	shalt  }
0x5b: {  	_ =	shalt  }
0x5c: {  	_ =	shalt  }
0x5d: {  	_ =	shalt  }
0x5e: {  	_ =	shalt  }
0x5f: {  	_ =	shalt  }
0x60: {  	_ =	shalt  }
0x61: {  	_ =	shalt  }
0x62: {  	_ =	shalt  }
0x63: {  	_ =	shalt  }
0x64: {  	_ =	shalt  }
0x65: {  	_ =	shalt  }
0x66: {  	_ =	shalt  }
0x67: {  	_ =	shalt  }
0x68: {  	_ =	shalt  }
0x69: {  	_ =	shalt  }
0x6a: {  	_ =	shalt  }
0x6b: {  	_ =	shalt  }
0x6c: {  	_ =	shalt  }
0x6d: {  	_ =	shalt  }
0x6e: {  	_ =	shalt  }
0x6f: {  	_ =	shalt  }
0x70: {  	_ =	shalt  }
0x71: {  	_ =	shalt  }
0x72: {  	_ =	shalt  }
0x73: {  	_ =	shalt  }
0x74: {  	_ =	shalt  }
0x75: {  	_ =	shalt  }
0x76: {  	_ =	shalt  }
0x77: {  	_ =	shalt  }
0x78: {  	_ =	shalt  }
0x79: {  	_ =	shalt  }
0x7a: {  	_ =	shalt  }
0x7b: {  	_ =	shalt  }
0x7c: {  	_ =	shalt  }
0x7d: {  	_ =	shalt  }
0x7e: {  	_ =	shalt  }
0x7f: {  	_ =	shalt  }
0x80: {  	_ =	shalt  }
0x81: {  	_ =	shalt  }
0x82: {  	_ =	shalt  }
0x83: {  	_ =	shalt  }
0x84: {  	_ =	shalt  }
0x85: {  	_ =	shalt  }
0x86: {  	_ =	shalt  }
0x87: {  	_ =	shalt  }
.Lfunc_end0:
.L_simem_size_0:
called_computation.2_lowered:
.L_overlay_start_0:
0x88: {  	s2 =	sld [smem:$0x3FD9]  }
0x89: {  	s3 =	sld [smem:$0x3FFE];
	_ =	sdelay $0x1  }
0x8a: {  	s1 =	srdreg.scid  }
0x8b: {  	s0 =	sand.u32 $0x1, s1  }
0x8c: {  	s14 =	sshll.u32 s0, $0xA;
	s2 =	sadd.s32 s3, s2  }
0x8d: {  	s2 =	sadd.s32 s2, s14  }
0x8e: {  	[smem:$0x3FB5] =	sst s2  }
0x8f: {  	_ = 	snop  }
0x90: {  	s2 =	sld [smem:$0x3FD0];
	_ =	sdelay $0x2  }
0x91: {  	s15 =	simm.s32 $0xB;
	s4 =	simm.s32 $0x10  }
0x92: {  	[smem:s4], [sflag:s15] =	dma.local [hbm:s2], $0x1  }
0x93: {  	_ =	swait.eq [sflag:s15], $0x1  }
0x94: {  	[sflag:s15] =	ssyncset.done $0x0  }
0x95: {  	s16 =	sld [smem:$0x10];
	[sflag:s15] =	ssyncadd.s32 $0xFFFFFFFF  }
0x96: {  	s17 =	sld [smem:$0x11];
	(tm) =	ssettm $0x1  }
0x97: {  	s18 =	sld [smem:$0x3FFB];
	_ =	sdelay $0x3  }
0x98: {  	_ =	strace s18  }
0x99: {  	s4 =	sld [smem:$0x3FFC];
	_ =	sdelay $0x3  }
0x9a: {  	_ =	strace s4  }
0x9b: {  	s4 =	sld [smem:$0x3FFD];
	_ =	sdelay $0x3  }
0x9c: {  	_ =	strace s4  }
0x9d: {  	_ =	strace $0x8FFFFFFF  }
0x9e: {  	s19 =	sld [smem:$0x3FDB];
	_ =	sdelay $0x1  }
0x9f: {  	s5 =	simm.s32 $_scs_section_size  }
0xa0: {  	s6 =	simm.s32 $_size__tile_overlayer_lowered;
	s7 =	simm.s32 $_tile_overlayer_lowered  }
0xa1: {  	s22 =	simm.s32 $0x1BFF;
	s21 =	sshll.u32 s7, $0x1;
	s4 =	sadd.s32 s5, s19  }
0xa2: {  	s8 =	simm.s32 $0x0;
	s20 =	sshll.u32 s6, $0x1;
	s6 =	sadd.s32 s21, s4  }
0xa3: {  	[timem:s8], [sflag:s22] =	dma.local [hbm:s6], s20  }
0xa4: {  	_ =	swait.ge [sflag:s22], s20  }
0xa5: {  	s5 =	ssub.s32 $0x0, s20;
	[sflag:s22] =	ssyncset.done $0x0  }
0xa6: {  	[sflag:s22] =	ssyncadd.s32 s5;
	_ =	sdelay $0x1  }
0xa7: {  	s23 =	simm.s32 $0x1B8B  }
0xa8: {  	_ =	swait.ge [sflag:s23], $0x1  }
0xa9: {  	[sflag:s23] =	ssyncset.done $0x0  }
0xaa: {  	s25 =	simm.s32 $0x1B8E;
	s24 =	sld [smem:$0x3FFE];
	[sflag:s23] =	ssyncadd.s32 $0xFFFFFFFF  }
0xab: {  	s26 =	simm.s32 $execute0_lowered;
	[smem:$0x3FD2] =	sst s25  }
0xac: {  	s6 =	sshll.u32 s26, $0x1;
	_ =	strace $0x8000004C;
	[dreg:$0x1] =	wrdreg $0xFFFFFFFF  }
0xad: {  	s28 =	simm.s32 $_size_execute0_lowered;
	s4 =	sadd.s32 s4, s6;
	[dreg:$0x0] =	wrdreg $0x0  }
0xae: {  	s6 =	sshll.u32 s28, $0x1;
	[dreg:$0x2] =	wrdreg s4  }
0xaf: {  	[dreg:$0x3] =	wrdreg s6  }
0xb0: {  	[dreg:$0x4] =	wrdreg $0xC0  }
0xb1: {  	_ =	task [dreg:s8], $0x5FFFF  }
0xb2: {  	[dreg:$0x1] =	wrdreg $0xFFFFFFFF  }
0xb3: {  	[dreg:$0x0] =	wrdreg $0x60  }
0xb4: {  	[dreg:$0x2] =	wrdreg s24  }
0xb5: {  	[dreg:$0x3] =	wrdreg s17  }
0xb6: {  	[dreg:$0x4] =	wrdreg s16  }
0xb7: {  	[dreg:$0x5] =	wrdreg $0x77000  }
0xb8: {  	[dreg:$0x6] =	wrdreg $0x9  }
0xb9: {  	_ =	task.clear_ibuf [dreg:s8], $0x7FFFF;
	_ =	strace $0x9000004C  }
0xba: {  	s29 =	simm.s32 $0x9;
	_ =	strace $0x8000004E  }
0xbb: {  	_ =	swait.ge [sflag:s29], $0x1  }
0xbc: {  	[sflag:s29] =	ssyncadd.s32 $0xFFFFFFFF  }
0xbd: {  	_ =	strace $0x9000004E  }
0xbe: {  	_ =	sfence  }
0xbf: {  	s30 =	sld [smem:$0x0];
	_ =	sdelay $0x2  }
0xc0: {  	s31 =	sshll.u32 s1, $0xD;
	s1 =	sshrl.u32 s1, $0x2  }
0xc1: {  	s3 =	sand.u32 $0x4000, s31;
	s1 =	sadd.s32 s1, s30  }
0xc2: {  	s0 =	sor.u32 s3, s0;
	s1 =	sshll.u32 s1, $0x11  }
0xc3: {  	s0 =	sor.u32 s1, s0  }
0xc4: {  	s0 =	sadd.s32 $0x8F2B, s0  }
0xc5: {  	[sflag:s0] =	ssyncadd.remote.s32 $0x1  }
0xc6: {  	_ =	sfence.sel $0xFFFF  }
0xc7: {  	[dreg:$0x0] =	wrdreg $0xFFFFFFFF;
	(pc) =	sbr.abs _section_cstart, $3  }
0xc8: {  	[dreg:$0x1] =	wrdreg $0xFFFFFFFF  }
0xc9: {  	_ =	task.clear_ibuf [dreg:s8], $0x2FFFF;
	_ =	strace $0x9FFFFFFF  }
0xca: {  	(tm) =	ssettm $0x7FFFFFFF  }
0xcb: {  	_ =	shalt  }
tec
execute0_lowered:
.L_overlay_start_1:
0x0: {  	(tag) =	ssettag $0x1  }
0x1: {  	s0 =	rddreg [dreg:$0x0]  }
0x2: {  	s1 =	rddreg [dreg:$0x1]  }
0x3: {  	s11 =	stileid.u32;
	s2 =	srdreg.scid  }
0x4: {  	s3 =	rddreg [dreg:$0x3];
	s4 =	simm.s32 $0x0;
	s12 =	simm.s32 $0x380  }
0x5: {  	s13 =	simm.s32 $0x80;
	s14 =	simm.s32 $0x700;
	s15 =	simm.s32 $0x1700  }
0x6: {  	s16 =	simm.s32 $0x100;
	s17 =	simm.s32 $0x2700;
	s18 =	simm.s32 $0x180  }
0x7: {  	s19 =	simm.s32 $0x3700;
	s20 =	simm.s32 $0x200;
	s21 =	simm.s32 $0x4700  }
0x8: {  	s28 =	simm.s32 $0x400;
	s29 =	simm.s32 $0x480;
	s30 =	simm.s32 $0x500  }
0x9: {  	s31 =	simm.s32 $0x580;
	s2 =	sand.u32 $0x1, s2;
	s6 =	smul.u32 $0x186C0, s11  }
0xa: {  	[smem:$0x7FF] =	sst s4;
	s8 =	smul.u32 $0x1880, s11;
	s5 =	sadd.s32 $0x3000, s0  }
0xb: {  	s11 =	sshll.u32 s11, $0x6;
	s7 =	smul.u32 $0x186C00, s2;
	_ =	strace $0x8000004D  }
0xc: {  	s10 =	ssub.s32 $0x2, s2;
	s24 =	sor.u32 $0x1C03, s11;
	s11 =	simm.s32 $0x3  }
0xd: {  	v0 =	vmov s2;
	s2 =	simm.s32 $0x2;
	s9 =	sadd.s32 s8, s0;
	s22 =	sshrl.u32 s10, $0x1  }
0xe: {  	s23 =	sadd.s32 s6, s3;
	s7 =	sadd.s32 s6, s7;
	s26 =	sadd.s32 $0x64C00, s9  }
0xf: {  	s9 =	sadd.s32 s8, s1;
	s8 =	smov.u32 s24;
	s24 =	simm.s32 $0x300  }
0x10: {  	s1 =	simm.s32 $0x600;
	s7 =	sshrl.u32 s7, $0x3;
	[dreg:$0x5] =	wrdreg s26  }
0x11: {  	s26 =	simm.s32 $0x1;
	[dreg:$0x8] =	wrdreg s8;
	s0 =	sadd.s32 s7, s0  }
0x12: {  	s7 =	ssub.s32 s10, s22;
	s10 =	sshrl.u32 s23, $0x3;
	s22 =	simm.s32 $0x280  }
0x13: {  	s23 =	simm.s32 $0x5700;
	s0 =	sadd.s32 $0x7D400, s0;
	[dreg:$0x9] =	wrdreg s10  }
0x14: {  	s25 =	smax.u32 s7, $0x1;
	s7 =	simm.s32 $0x0;
	[dreg:$0x6] =	wrdreg s0  }
0x15: {  	[dreg:$0x7] =	wrdreg s25;
	s25 =	simm.s32 $0x6700;
	s0 =	simm.s32 $0x680  }
.LBB2_1:
0x16: {  	s6 =	rddreg [dreg:$0x2]  }
0x17: {  	[spmem:s10], [sflag:s8] =	dma.local [hbm:s6], $0x30D8  }
0x18: {  	_ =	swait.ge [sflag:s11], $0x30D8  }
0x19: {  	[sflag:s11] =	ssyncset.done $0x0  }
0x1a: {  	[sflag:s11] =	ssyncadd.s32 $0xFFFFCF28  }
0x1b: {  	s8 =	simm.s32 $0x0;
	[bflag:$0x0] =	sbarrier.arrive $0xFFFF  }
.LBB2_2:
0x1c: {  	s6 =	sadd.s32 s8, s9  }
0x1d: {  	[tilespmem:s4], [sflag:$0x3] =	stream.linear.gather [hbm4b:s6+s4], $0x380, $0x38;
	[tilespmem:$0x1FDC0] =	vst v63  }
0x1e: {  	_ =	swait.ge [sflag:s11], $0x380  }
0x1f: {  	s10 =	rddreg [dreg:$0x5];
	[sflag:s11] =	ssyncset.done $0x0  }
0x20: {  	[sflag:s11] =	ssyncadd.s32 $0xFFFFFC80;
	s6 =	sadd.s32 s8, s10  }
0x21: {  	[tilespmem:s12], [sflag:$0x3] =	stream.linear.gather [hbm4b:s6+s4], $0x380, $0x38;
	[tilespmem:$0x1FDC0] =	vst v63  }
0x22: {  	_ =	swait.ge [sflag:s11], $0x380  }
0x23: {  	[sflag:s11] =	ssyncset.done $0x0  }
0x24: {  	[sflag:s11] =	ssyncadd.s32 $0xFFFFFC80  }
0x25: {  	v1 =	vld [tilespmem:$0x0]  }
0x26: {  	v2 =	vld [tilespmem:$0x10]  }
0x27: {  	v3 =	vld [tilespmem:$0x20]  }
0x28: {  	v4 =	vld [tilespmem:$0x30]  }
0x29: {  	v5 =	vld [tilespmem:$0x40]  }
0x2a: {  	v6 =	vld [tilespmem:$0x50];
	v1 =	vshll.u32 v1, $0x1  }
0x2b: {  	v7 =	vld [tilespmem:$0x60];
	v2 =	vshll.u32 v2, $0x1;
	v1 =	vor.u32 v0, v1  }
0x2c: {  	[tilespmem:$0x0] =	vst v1;
	v1 =	vor.u32 v0, v2;
	v2 =	vshll.u32 v3, $0x1;
	v3 =	vld [tilespmem:$0x70]  }
0x2d: {  	v25 =	vld [tilespmem:$0x80];
	[tilespmem:$0x10] =	vst v1;
	v1 =	vor.u32 v0, v2;
	v2 =	vshll.u32 v4, $0x1  }
0x2e: {  	v26 =	vld [tilespmem:$0x90];
	[tilespmem:$0x20] =	vst v1;
	v1 =	vor.u32 v0, v2;
	v2 =	vshll.u32 v5, $0x1  }
0x2f: {  	v27 =	vld [tilespmem:$0xA0];
	[tilespmem:$0x30] =	vst v1;
	v1 =	vor.u32 v0, v2;
	v2 =	vshll.u32 v6, $0x1  }
0x30: {  	v28 =	vld [tilespmem:$0xB0];
	[tilespmem:$0x40] =	vst v1;
	v1 =	vor.u32 v0, v2;
	v2 =	vshll.u32 v7, $0x1  }
0x31: {  	[tilespmem:$0x50] =	vst v1;
	v1 =	vor.u32 v0, v2;
	v2 =	vshll.u32 v3, $0x1;
	v3 =	vld [tilespmem:$0xC0]  }
0x32: {  	v29 =	vld [tilespmem:$0xD0];
	[tilespmem:$0x60] =	vst v1;
	v1 =	vor.u32 v0, v2;
	v2 =	vshll.u32 v25, $0x1  }
0x33: {  	v30 =	vld [tilespmem:$0xE0];
	[tilespmem:$0x70] =	vst v1;
	v1 =	vor.u32 v0, v2;
	v2 =	vshll.u32 v26, $0x1  }
0x34: {  	v31 =	vld [tilespmem:$0xF0];
	[tilespmem:$0x80] =	vst v1;
	v1 =	vor.u32 v0, v2;
	v2 =	vshll.u32 v27, $0x1  }
0x35: {  	v32 =	vld [tilespmem:$0x100];
	[tilespmem:$0x90] =	vst v1;
	v1 =	vor.u32 v0, v2;
	v2 =	vshll.u32 v28, $0x1  }
0x36: {  	[tilespmem:$0xA0] =	vst v1;
	v1 =	vor.u32 v0, v2;
	v2 =	vshll.u32 v3, $0x1;
	v3 =	vld [tilespmem:$0x110]  }
0x37: {  	v33 =	vld [tilespmem:$0x120];
	[tilespmem:$0xB0] =	vst v1;
	v1 =	vor.u32 v0, v2;
	v2 =	vshll.u32 v29, $0x1  }
0x38: {  	v34 =	vld [tilespmem:$0x130];
	[tilespmem:$0xC0] =	vst v1;
	v1 =	vor.u32 v0, v2;
	v2 =	vshll.u32 v30, $0x1  }
0x39: {  	v35 =	vld [tilespmem:$0x140];
	[tilespmem:$0xD0] =	vst v1;
	v1 =	vor.u32 v0, v2;
	v2 =	vshll.u32 v31, $0x1  }
0x3a: {  	v36 =	vld [tilespmem:$0x150];
	[tilespmem:$0xE0] =	vst v1;
	v1 =	vor.u32 v0, v2;
	v2 =	vshll.u32 v32, $0x1  }
0x3b: {  	[tilespmem:$0xF0] =	vst v1;
	v1 =	vor.u32 v0, v2;
	v2 =	vshll.u32 v3, $0x1;
	v3 =	vld [tilespmem:$0x160]  }
0x3c: {  	v37 =	vld [tilespmem:$0x170];
	[tilespmem:$0x100] =	vst v1;
	v1 =	vor.u32 v0, v2;
	v2 =	vshll.u32 v33, $0x1  }
0x3d: {  	v38 =	vld [tilespmem:$0x180];
	[tilespmem:$0x110] =	vst v1;
	v1 =	vor.u32 v0, v2;
	v2 =	vshll.u32 v34, $0x1  }
0x3e: {  	v39 =	vld [tilespmem:$0x190];
	[tilespmem:$0x120] =	vst v1;
	v1 =	vor.u32 v0, v2;
	v2 =	vshll.u32 v35, $0x1  }
0x3f: {  	v40 =	vld [tilespmem:$0x1A0];
	[tilespmem:$0x130] =	vst v1;
	v1 =	vor.u32 v0, v2;
	v2 =	vshll.u32 v36, $0x1  }
0x40: {  	[tilespmem:$0x140] =	vst v1;
	v1 =	vor.u32 v0, v2;
	v2 =	vshll.u32 v3, $0x1;
	v3 =	vld [tilespmem:$0x1B0]  }
0x41: {  	v41 =	vld [tilespmem:$0x1C0];
	[tilespmem:$0x150] =	vst v1;
	v1 =	vor.u32 v0, v2;
	v2 =	vshll.u32 v37, $0x1  }
0x42: {  	v42 =	vld [tilespmem:$0x1D0];
	[tilespmem:$0x160] =	vst v1;
	v1 =	vor.u32 v0, v2;
	v2 =	vshll.u32 v38, $0x1  }
0x43: {  	v43 =	vld [tilespmem:$0x1E0];
	[tilespmem:$0x170] =	vst v1;
	v1 =	vor.u32 v0, v2;
	v2 =	vshll.u32 v39, $0x1  }
0x44: {  	v44 =	vld [tilespmem:$0x1F0];
	[tilespmem:$0x180] =	vst v1;
	v1 =	vor.u32 v0, v2;
	v2 =	vshll.u32 v40, $0x1  }
0x45: {  	[tilespmem:$0x190] =	vst v1;
	v1 =	vor.u32 v0, v2;
	v2 =	vshll.u32 v3, $0x1;
	v3 =	vld [tilespmem:$0x200]  }
0x46: {  	v45 =	vld [tilespmem:$0x210];
	[tilespmem:$0x1A0] =	vst v1;
	v1 =	vor.u32 v0, v2;
	v2 =	vshll.u32 v41, $0x1  }
0x47: {  	v46 =	vld [tilespmem:$0x220];
	[tilespmem:$0x1B0] =	vst v1;
	v1 =	vor.u32 v0, v2;
	v2 =	vshll.u32 v42, $0x1  }
0x48: {  	v47 =	vld [tilespmem:$0x230];
	[tilespmem:$0x1C0] =	vst v1;
	v1 =	vor.u32 v0, v2;
	v2 =	vshll.u32 v43, $0x1  }
0x49: {  	v48 =	vld [tilespmem:$0x240];
	[tilespmem:$0x1D0] =	vst v1;
	v1 =	vor.u32 v0, v2;
	v2 =	vshll.u32 v44, $0x1  }
0x4a: {  	[tilespmem:$0x1E0] =	vst v1;
	v1 =	vor.u32 v0, v2;
	v2 =	vshll.u32 v3, $0x1;
	v3 =	vld [tilespmem:$0x250]  }
0x4b: {  	v49 =	vld [tilespmem:$0x260];
	[tilespmem:$0x1F0] =	vst v1;
	v1 =	vor.u32 v0, v2;
	v2 =	vshll.u32 v45, $0x1  }
0x4c: {  	v50 =	vld [tilespmem:$0x270];
	[tilespmem:$0x200] =	vst v1;
	v1 =	vor.u32 v0, v2;
	v2 =	vshll.u32 v46, $0x1  }
0x4d: {  	v51 =	vld [tilespmem:$0x280];
	[tilespmem:$0x210] =	vst v1;
	v1 =	vor.u32 v0, v2;
	v2 =	vshll.u32 v47, $0x1  }
0x4e: {  	v52 =	vld [tilespmem:$0x290];
	[tilespmem:$0x220] =	vst v1;
	v1 =	vor.u32 v0, v2;
	v2 =	vshll.u32 v48, $0x1  }
0x4f: {  	[tilespmem:$0x230] =	vst v1;
	v1 =	vor.u32 v0, v2;
	v2 =	vshll.u32 v3, $0x1;
	v3 =	vld [tilespmem:$0x2A0]  }
0x50: {  	v53 =	vld [tilespmem:$0x2B0];
	[tilespmem:$0x240] =	vst v1;
	v1 =	vor.u32 v0, v2;
	v2 =	vshll.u32 v49, $0x1  }
0x51: {  	v54 =	vld [tilespmem:$0x2C0];
	[tilespmem:$0x250] =	vst v1;
	v1 =	vor.u32 v0, v2;
	v2 =	vshll.u32 v50, $0x1  }
0x52: {  	v55 =	vld [tilespmem:$0x2D0];
	[tilespmem:$0x260] =	vst v1;
	v1 =	vor.u32 v0, v2;
	v2 =	vshll.u32 v51, $0x1  }
0x53: {  	v56 =	vld [tilespmem:$0x2E0];
	[tilespmem:$0x270] =	vst v1;
	v1 =	vor.u32 v0, v2;
	v2 =	vshll.u32 v52, $0x1  }
0x54: {  	[tilespmem:$0x280] =	vst v1;
	v1 =	vor.u32 v0, v2;
	v2 =	vshll.u32 v3, $0x1;
	v3 =	vld [tilespmem:$0x2F0]  }
0x55: {  	v57 =	vld [tilespmem:$0x300];
	[tilespmem:$0x290] =	vst v1;
	v1 =	vor.u32 v0, v2;
	v2 =	vshll.u32 v53, $0x1  }
0x56: {  	v58 =	vld [tilespmem:$0x310];
	[tilespmem:$0x2A0] =	vst v1;
	v1 =	vor.u32 v0, v2;
	v2 =	vshll.u32 v54, $0x1  }
0x57: {  	v59 =	vld [tilespmem:$0x320];
	[tilespmem:$0x2B0] =	vst v1;
	v1 =	vor.u32 v0, v2;
	v2 =	vshll.u32 v55, $0x1  }
0x58: {  	v60 =	vld [tilespmem:$0x330];
	[tilespmem:$0x2C0] =	vst v1;
	v1 =	vor.u32 v0, v2;
	v2 =	vshll.u32 v56, $0x1  }
0x59: {  	[tilespmem:$0x2D0] =	vst v1;
	v1 =	vor.u32 v0, v2;
	v2 =	vshll.u32 v3, $0x1;
	v3 =	vld [tilespmem:$0x340]  }
0x5a: {  	v61 =	vld [tilespmem:$0x350];
	[tilespmem:$0x2E0] =	vst v1;
	v1 =	vor.u32 v0, v2;
	v2 =	vshll.u32 v57, $0x1  }
0x5b: {  	v62 =	vld [tilespmem:$0x360];
	[tilespmem:$0x2F0] =	vst v1;
	v1 =	vor.u32 v0, v2;
	v2 =	vshll.u32 v58, $0x1  }
0x5c: {  	v63 =	vld [tilespmem:$0x370];
	[tilespmem:$0x300] =	vst v1;
	v1 =	vor.u32 v0, v2;
	v2 =	vshll.u32 v59, $0x1  }
0x5d: {  	[tilespmem:$0x310] =	vst v1;
	v1 =	vor.u32 v0, v2;
	v2 =	vshll.u32 v60, $0x1  }
0x5e: {  	[tilespmem:$0x320] =	vst v1;
	v1 =	vor.u32 v0, v2;
	v2 =	vshll.u32 v3, $0x1  }
0x5f: {  	[tilespmem:$0x330] =	vst v1;
	v1 =	vor.u32 v0, v2;
	v2 =	vshll.u32 v61, $0x1  }
0x60: {  	[tilespmem:$0x340] =	vst v1;
	v1 =	vor.u32 v0, v2;
	v2 =	vshll.u32 v62, $0x1  }
0x61: {  	[tilespmem:$0x350] =	vst v1;
	v1 =	vor.u32 v0, v2;
	v2 =	vshll.u32 v63, $0x1  }
0x62: {  	[tilespmem:$0x360] =	vst v1;
	v1 =	vor.u32 v0, v2  }
0x63: {  	[tilespmem:$0x370] =	vst v1  }
0x64: {  	[tilespmem:s14], [sflag:$0x1] =	stream.indirect.gather [hbm4b:s5+s13], $0x20, s4, s13, $0xb8;
	[tilespmem:$0x1FDC0] =	vst v63  }
0x65: {  	_ = 	snop  }
0x66: {  	[tilespmem:s15], [sflag:$0x1] =	stream.indirect.gather [hbm4b:s5+s13], $0x20, s13, s13, $0xb8;
	[tilespmem:$0x1FDC0] =	vst v63  }
0x67: {  	_ = 	snop  }
0x68: {  	[tilespmem:s17], [sflag:$0x1] =	stream.indirect.gather [hbm4b:s5+s13], $0x20, s16, s13, $0xb8;
	[tilespmem:$0x1FDC0] =	vst v63  }
0x69: {  	_ = 	snop  }
0x6a: {  	[tilespmem:s19], [sflag:$0x1] =	stream.indirect.gather [hbm4b:s5+s13], $0x20, s18, s13, $0xb8;
	[tilespmem:$0x1FDC0] =	vst v63  }
0x6b: {  	_ = 	snop  }
0x6c: {  	[tilespmem:s21], [sflag:$0x1] =	stream.indirect.gather [hbm4b:s5+s13], $0x20, s20, s13, $0xb8;
	[tilespmem:$0x1FDC0] =	vst v63  }
0x6d: {  	_ = 	snop  }
0x6e: {  	[tilespmem:s23], [sflag:$0x1] =	stream.indirect.gather [hbm4b:s5+s13], $0x20, s22, s13, $0xb8;
	[tilespmem:$0x1FDC0] =	vst v63  }
0x6f: {  	_ = 	snop  }
0x70: {  	[tilespmem:s25], [sflag:$0x1] =	stream.indirect.gather [hbm4b:s5+s13], $0x20, s24, s13, $0xb8;
	[tilespmem:$0x1FDC0] =	vst v63  }
0x71: {  	_ =	swait.ge [sflag:s26], $0x1000  }
0x72: {  	[sflag:s26] =	ssyncset.done $0x0  }
0x73: {  	[sflag:s26] =	ssyncadd.s32 $0xFFFFF000  }
0x74: {  	_ =	swait.ge [sflag:s26], $0x1000  }
0x75: {  	[sflag:s26] =	ssyncset.done $0x0  }
0x76: {  	[sflag:s26] =	ssyncadd.s32 $0xFFFFF000  }
0x77: {  	_ =	swait.ge [sflag:s26], $0x1000  }
0x78: {  	[sflag:s26] =	ssyncset.done $0x0  }
0x79: {  	[sflag:s26] =	ssyncadd.s32 $0xFFFFF000  }
0x7a: {  	_ =	swait.ge [sflag:s26], $0x1000  }
0x7b: {  	[sflag:s26] =	ssyncset.done $0x0  }
0x7c: {  	[sflag:s26] =	ssyncadd.s32 $0xFFFFF000  }
0x7d: {  	_ =	swait.ge [sflag:s26], $0x1000  }
0x7e: {  	[sflag:s26] =	ssyncset.done $0x0  }
0x7f: {  	[sflag:s26] =	ssyncadd.s32 $0xFFFFF000  }
0x80: {  	_ =	swait.ge [sflag:s26], $0x1000  }
0x81: {  	[sflag:s26] =	ssyncset.done $0x0  }
0x82: {  	[sflag:s26] =	ssyncadd.s32 $0xFFFFF000  }
0x83: {  	_ =	swait.ge [sflag:s26], $0x1000  }
0x84: {  	[sflag:s26] =	ssyncset.done $0x0  }
0x85: {  	[sflag:s26] =	ssyncadd.s32 $0xFFFFF000  }
0x86: {  	[spmem:s3] =	stream.indirect.scatter.add.f32 [tilespmem:s14], [sflag:$0x2], $0x20, s12, s13, $0xb8;
	[tilespmem:$0x1FDC0] =	vst v63  }
0x87: {  	_ = 	snop  }
0x88: {  	[spmem:s3] =	stream.indirect.scatter.add.f32 [tilespmem:s15], [sflag:$0x2], $0x20, s28, s13, $0xb8;
	[tilespmem:$0x1FDC0] =	vst v63  }
0x89: {  	_ = 	snop  }
0x8a: {  	[spmem:s3] =	stream.indirect.scatter.add.f32 [tilespmem:s17], [sflag:$0x2], $0x20, s29, s13, $0xb8;
	[tilespmem:$0x1FDC0] =	vst v63  }
0x8b: {  	_ = 	snop  }
0x8c: {  	[spmem:s3] =	stream.indirect.scatter.add.f32 [tilespmem:s19], [sflag:$0x2], $0x20, s30, s13, $0xb8;
	[tilespmem:$0x1FDC0] =	vst v63  }
0x8d: {  	_ = 	snop  }
0x8e: {  	[spmem:s3] =	stream.indirect.scatter.add.f32 [tilespmem:s21], [sflag:$0x2], $0x20, s31, s13, $0xb8;
	[tilespmem:$0x1FDC0] =	vst v63  }
0x8f: {  	_ = 	snop  }
0x90: {  	[spmem:s3] =	stream.indirect.scatter.add.f32 [tilespmem:s23], [sflag:$0x2], $0x20, s1, s13, $0xb8;
	[tilespmem:$0x1FDC0] =	vst v63  }
0x91: {  	_ = 	snop  }
0x92: {  	[spmem:s3] =	stream.indirect.scatter.add.f32 [tilespmem:s25], [sflag:$0x2], $0x20, s0, s13, $0xb8;
	[tilespmem:$0x1FDC0] =	vst v63  }
0x93: {  	_ =	swait.ge [sflag:s2], $0x1000  }
0x94: {  	[sflag:s2] =	ssyncset.done $0x0  }
0x95: {  	[sflag:s2] =	ssyncadd.s32 $0xFFFFF000  }
0x96: {  	_ =	swait.ge [sflag:s2], $0x1000  }
0x97: {  	[sflag:s2] =	ssyncset.done $0x0  }
0x98: {  	[sflag:s2] =	ssyncadd.s32 $0xFFFFF000  }
0x99: {  	_ =	swait.ge [sflag:s2], $0x1000  }
0x9a: {  	[sflag:s2] =	ssyncset.done $0x0  }
0x9b: {  	[sflag:s2] =	ssyncadd.s32 $0xFFFFF000  }
0x9c: {  	_ =	swait.ge [sflag:s2], $0x1000  }
0x9d: {  	[sflag:s2] =	ssyncset.done $0x0  }
0x9e: {  	[sflag:s2] =	ssyncadd.s32 $0xFFFFF000  }
0x9f: {  	_ =	swait.ge [sflag:s2], $0x1000  }
0xa0: {  	[sflag:s2] =	ssyncset.done $0x0  }
0xa1: {  	[sflag:s2] =	ssyncadd.s32 $0xFFFFF000  }
0xa2: {  	p0 =	sne.s32 s8, $0x1810;
	_ =	swait.ge [sflag:s2], $0x1000  }
.Ltmp0:
0xa3: {  	[sflag:s2] =	ssyncset.done $0x0;
	(pc) =	sbr.rel @p0 .LBB2_2-.Ltmp0, $4  }
0xa4: {  	[sflag:s2] =	ssyncadd.s32 $0xFFFFF000  }
0xa5: {  	_ =	swait.ge [sflag:s2], $0x1000  }
0xa6: {  	[sflag:s2] =	ssyncset.done $0x0  }
0xa7: {  	s8 =	sadd.s32 $0x70, s8;
	[sflag:s2] =	ssyncadd.s32 $0xFFFFF000  }
0xa8: {  	[bflag:$0x0] =	sbarrier.arrive $0xFFFF  }
0xa9: {  	s8 =	rddreg [dreg:$0x8]  }
0xaa: {  	s6 =	rddreg [dreg:$0x6]  }
0xab: {  	s10 =	rddreg [dreg:$0x9]  }
0xac: {  	[hbm:s6], [sflag:s8] =	dma.local [spmem:s10], $0x30D8  }
0xad: {  	_ =	swait.ge [sflag:s11], $0x30D8  }
0xae: {  	s7 =	sadd.s32 $0x1, s7;
	s6 =	rddreg [dreg:$0x7]  }
0xaf: {  	p0 =	sne.s32 s7, s6  }
.Ltmp1:
0xb0: {  	_ = 	snop;
	(pc) =	sbr.rel @p0 .LBB2_1-.Ltmp1, $3  }
0xb1: {  	_ =	sdelay $0x1  }
0xb2: {  	[sflag:s11] =	ssyncset.done $0x0  }
0xb3: {  	[sflag:s11] =	ssyncadd.s32 $0xFFFFCF28  }
0xb4: {  	_ =	sfence.sel $0x180000  }
0xb5: {  	[bflag:$0x0] =	sbarrier.arrive $0xFFFF  }
0xb6: {  	_ =	strace $0x9000004D  }
0xb7: {  	s0 =	stileid.u32;
	[bflag:$0x2] =	sbarrier.arrive $0xFFFF  }
0xb8: {  	p0 =	sne.s32 s0, $0x0;
	s0 =	rddreg [dreg:$0x4]  }
0xb9: {  	s0 =	sadd.s32 @!p0 $0x100000, s0  }
0xba: {  	[sflag:s0] =	ssyncadd.tile.s32 @!p0 $0x1;
	_ =	shalt  }
.Lfunc_end2:
_tile_overlayer_lowered:
.L_overlay_start_2:
0xbb: {  	(tag) =	ssettag $0x2  }
0xbc: {  	s0 =	rddreg [dreg:$0x0];
	s2 =	stileid.u32  }
0xbd: {  	s1 =	rddreg [dreg:$0x1];
	p0 =	sne.s32 s2, $0x0  }
0xbe: {  	s3 =	rddreg [dreg:$0x2];
	[bflag:$0x3] =	sbarrier.arrive $0xFFFF;
	s2 =	simm.s32 @!p0 $0x1C03  }
0xbf: {  	[timem:s3], [sflag:s2] =	dma.local @!p0 [hbm:s0], s1  }
0xc0: {  	s0 =	simm.s32 @!p0 $0x3  }
0xc1: {  	_ =	swait.ge @!p0 [sflag:s0], s1  }
0xc2: {  	s1 =	ssub.s32 @!p0 $0x0, s1;
	[sflag:s0] =	ssyncset.done @!p0 $0x0  }
0xc3: {  	[sflag:s0] =	ssyncadd.s32 @!p0 s1  }
0xc4: {  	[bflag:$0x3] =	sbarrier.arrive $0xFFFF  }
0xc5: {  	_ =	shalt  }

// kernel: kernel.8.cloned.1.call-start
scs
__scs_entry_jumppad:
0x0: {  	(pc) =	sbr.rel $0x88, $3  }
0x1: {  	(tag) =	ssettag $0x0;
	lr =	simm.s32 $0x1  }
0x2: {  	[smem:$0x3F8E] =	sst lr;
	_ =	strace $0xD0000000  }
0x3: {  	_ = 	snop  }
0x4: {  	_ = 	snop  }
0x5: {  	_ = 	snop  }
0x6: {  	_ = 	snop  }
0x7: {  	_ = 	snop  }
__scs_overlays_trampoline_lowered:
0x8: {  	[smem:$0x3F9D] =	sst s0  }
0x9: {  	[smem:$0x3F9E] =	sst s1  }
0xa: {  	[smem:$0x3F9F] =	sst s2  }
0xb: {  	[smem:$0x3FA0] =	sst s3  }
0xc: {  	[smem:$0x3FA1] =	sst s4  }
0xd: {  	[smem:$0x3FA2] =	sst s5  }
0xe: {  	[smem:$0x3FA3] =	sst s6  }
0xf: {  	[smem:$0x3FA4] =	sst s7  }
0x10: {  	[smem:$0x3FA5] =	sst s8  }
0x11: {  	[smem:$0x3FA6] =	sst s9;
	s0 =	simm.s32 @!p0 $0x0  }
0x12: {  	s1 =	sld [smem:$0x3F8C];
	s0 =	simm.s32 @p0 $0x1  }
0x13: {  	[smem:$0x3FA7] =	sst s0;
	s0 =	simm.s32 @!p1 $0x0  }
0x14: {  	s2 =	sld [smem:$0x3F8B];
	s0 =	simm.s32 @p1 $0x1  }
0x15: {  	[smem:$0x3FA8] =	sst s0;
	s0 =	simm.s32 @!p2 $0x0  }
0x16: {  	s3 =	sld [smem:$0x3FDB];
	s0 =	simm.s32 @p2 $0x1  }
0x17: {  	s4 =	simm.s32 $0x1BF5;
	[smem:$0x3FAA] =	sst s0  }
0x18: {  	s0 =	sld [smem:$0x3F8D];
	_ =	swait.ge [sflag:s4], $0x0  }
0x19: {  	s7 =	sld [smem:$0x3F8E]  }
0x1a: {  	s8 =	sadd.s32 $0xFFFFE003, lr  }
0x1b: {  	s9 =	sadd.s32 $0xFFFFFEF7, lr;
	s5 =	simm.s32 $0xFFFFFFFF;
	p2 =	slt.u32 s8, $0xFFFFF086  }
0x1c: {  	p1 =	slt.u32 s9, $0xF7A;
	s5 =	simm.s32 @!p2 $0x0  }
0x1d: {  	s5 =	simm.s32 @p1 $0x1;
	p0 =	seq.s32 s7, s2  }
0x1e: {  	s7 =	smul.u32 @!p0 $0xF7A, s2;
	p2 =	seq.s32 @!p0 s5, $0x0  }
0x1f: {  	s9 =	smul.u32 $0xF7A, s1;
	s8 =	simm.s32 @!p0 $0x1BF5;
	p2 =	por !p2, p0  }
0x20: {  	[sflag:s8] =	ssyncset.s32 @!p0 $0xFFFFF086;
	s6 =	sadd.s32 @!p0 s3, s7;
	s7 =	simm.s32 @!p0 $0x108  }
0x21: {  	s3 =	sadd.s32 s3, s9;
	s6 =	sadd.s32 @!p0 $0x88, s6;
	s7 =	simm.s32 @p2 $0x1082  }
0x22: {  	[simem:s7], [sflag:s8] =	dma.local @!p0 [hbm:s6], $0xF7A  }
0x23: {  	s9 =	sor.u32 $0xD0000000, s2;
	s6 =	simm.s32 $0x108;
	_ =	swait.ge @!p0 [sflag:s8], $0x0  }
0x24: {  	s3 =	sadd.s32 $0x88, s3;
	s6 =	simm.s32 @!p1 $0x1082;
	[sflag:s4] =	ssyncset.s32 $0xFFFFF086  }
0x25: {  	[simem:s6], [sflag:s4] =	dma.local [hbm:s3], $0xF7A  }
0x26: {  	[smem:$0x3F8E] =	sst s1;
	(tag) =	ssettag s2;
	_ =	strace s9  }
0x27: {  	s1 =	sld [smem:$0x3F9E]  }
0x28: {  	s2 =	sld [smem:$0x3F9F]  }
0x29: {  	s4 =	sld [smem:$0x3FA1]  }
0x2a: {  	p0 =	seq.s32 s5, $0x0;
	s5 =	sld [smem:$0x3FA2]  }
0x2b: {  	s6 =	sld [smem:$0x3FA3]  }
0x2c: {  	s7 =	sld [smem:$0x3FA4]  }
0x2d: {  	s3 =	simm.s32 $0x108;
	s8 =	sld [smem:$0x3FA5]  }
0x2e: {  	s3 =	simm.s32 @!p0 $0x1082;
	s9 =	sld [smem:$0x3FA6]  }
0x2f: {  	lr =	sadd.s32 s0, s3;
	s0 =	sld [smem:$0x3F9D]  }
0x30: {  	s3 =	sld [smem:$0x3FA0]  }
0x31: {  	[smem:$0x3FA9] =	sst s10  }
0x32: {  	s10 =	sld [smem:$0x3FA7];
	_ =	sdelay $0x3  }
0x33: {  	p0 =	seq.s32 s10, $0x1;
	s10 =	sld [smem:$0x3FA9];
	_ =	sdelay $0x3  }
0x34: {  	[smem:$0x3FA9] =	sst s10  }
0x35: {  	s10 =	sld [smem:$0x3FA8];
	_ =	sdelay $0x3  }
0x36: {  	p1 =	seq.s32 s10, $0x1;
	s10 =	sld [smem:$0x3FA9];
	_ =	sdelay $0x3  }
0x37: {  	[smem:$0x3FA9] =	sst s10  }
0x38: {  	s10 =	sld [smem:$0x3FAA]  }
0x39: {  	_ = 	snop;
	(pc) =	sbr.ind lr, $3  }
0x3a: {  	_ = 	snop  }
0x3b: {  	_ = 	snop  }
0x3c: {  	p2 =	seq.s32 s10, $0x1;
	s10 =	sld [smem:$0x3FA9]  }
0x3d: {  	_ =	shalt  }
0x3e: {  	_ =	shalt  }
0x3f: {  	_ =	shalt  }
0x40: {  	_ =	shalt  }
0x41: {  	_ =	shalt  }
0x42: {  	_ =	shalt  }
0x43: {  	_ =	shalt  }
0x44: {  	_ =	shalt  }
0x45: {  	_ =	shalt  }
0x46: {  	_ =	shalt  }
0x47: {  	_ =	shalt  }
0x48: {  	_ =	shalt  }
0x49: {  	_ =	shalt  }
0x4a: {  	_ =	shalt  }
0x4b: {  	_ =	shalt  }
0x4c: {  	_ =	shalt  }
0x4d: {  	_ =	shalt  }
0x4e: {  	_ =	shalt  }
0x4f: {  	_ =	shalt  }
0x50: {  	_ =	shalt  }
0x51: {  	_ =	shalt  }
0x52: {  	_ =	shalt  }
0x53: {  	_ =	shalt  }
0x54: {  	_ =	shalt  }
0x55: {  	_ =	shalt  }
0x56: {  	_ =	shalt  }
0x57: {  	_ =	shalt  }
0x58: {  	_ =	shalt  }
0x59: {  	_ =	shalt  }
0x5a: {  	_ =	shalt  }
0x5b: {  	_ =	shalt  }
0x5c: {  	_ =	shalt  }
0x5d: {  	_ =	shalt  }
0x5e: {  	_ =	shalt  }
0x5f: {  	_ =	shalt  }
0x60: {  	_ =	shalt  }
0x61: {  	_ =	shalt  }
0x62: {  	_ =	shalt  }
0x63: {  	_ =	shalt  }
0x64: {  	_ =	shalt  }
0x65: {  	_ =	shalt  }
0x66: {  	_ =	shalt  }
0x67: {  	_ =	shalt  }
0x68: {  	_ =	shalt  }
0x69: {  	_ =	shalt  }
0x6a: {  	_ =	shalt  }
0x6b: {  	_ =	shalt  }
0x6c: {  	_ =	shalt  }
0x6d: {  	_ =	shalt  }
0x6e: {  	_ =	shalt  }
0x6f: {  	_ =	shalt  }
0x70: {  	_ =	shalt  }
0x71: {  	_ =	shalt  }
0x72: {  	_ =	shalt  }
0x73: {  	_ =	shalt  }
0x74: {  	_ =	shalt  }
0x75: {  	_ =	shalt  }
0x76: {  	_ =	shalt  }
0x77: {  	_ =	shalt  }
0x78: {  	_ =	shalt  }
0x79: {  	_ =	shalt  }
0x7a: {  	_ =	shalt  }
0x7b: {  	_ =	shalt  }
0x7c: {  	_ =	shalt  }
0x7d: {  	_ =	shalt  }
0x7e: {  	_ =	shalt  }
0x7f: {  	_ =	shalt  }
0x80: {  	_ =	shalt  }
0x81: {  	_ =	shalt  }
0x82: {  	_ =	shalt  }
0x83: {  	_ =	shalt  }
0x84: {  	_ =	shalt  }
0x85: {  	_ =	shalt  }
0x86: {  	_ =	shalt  }
0x87: {  	_ =	shalt  }
.Lfunc_end0:
.L_simem_size_0:
called_computation_lowered:
.L_overlay_start_0:
0x88: {  	s2 =	sld [smem:$0x3FD9]  }
0x89: {  	s3 =	sld [smem:$0x3FFE];
	_ =	sdelay $0x1  }
0x8a: {  	s1 =	srdreg.scid  }
0x8b: {  	s0 =	sand.u32 $0x1, s1  }
0x8c: {  	s17 =	sshll.u32 s0, $0xA;
	s2 =	sadd.s32 s3, s2  }
0x8d: {  	s2 =	sadd.s32 s2, s17  }
0x8e: {  	[smem:$0x3FB5] =	sst s2  }
0x8f: {  	_ = 	snop  }
0x90: {  	(tm) =	ssettm $0x1  }
0x91: {  	s18 =	sld [smem:$0x3FFB];
	_ =	sdelay $0x3  }
0x92: {  	_ =	strace s18  }
0x93: {  	s2 =	sld [smem:$0x3FFC];
	_ =	sdelay $0x3  }
0x94: {  	_ =	strace s2  }
0x95: {  	s2 =	sld [smem:$0x3FFD];
	_ =	sdelay $0x3  }
0x96: {  	_ =	strace s2  }
0x97: {  	_ =	strace $0x8FFFFFFF  }
0x98: {  	s19 =	sld [smem:$0x3FDB];
	_ =	sdelay $0x1  }
0x99: {  	s20 =	simm.s32 $_scs_section_size  }
0x9a: {  	s4 =	simm.s32 $_size__tile_overlayer_lowered;
	s5 =	simm.s32 $_tile_overlayer_lowered  }
0x9b: {  	s6 =	simm.s32 $0x1BFF;
	s21 =	sshll.u32 s5, $0x1;
	s3 =	sadd.s32 s20, s19  }
0x9c: {  	s22 =	simm.s32 $0x0;
	s4 =	sshll.u32 s4, $0x1;
	s5 =	sadd.s32 s21, s3  }
0x9d: {  	[timem:s22], [sflag:s6] =	dma.local [hbm:s5], s4  }
0x9e: {  	_ =	swait.ge [sflag:s6], s4  }
0x9f: {  	s4 =	ssub.s32 $0x0, s4;
	[sflag:s6] =	ssyncset.done $0x0  }
0xa0: {  	[sflag:s6] =	ssyncadd.s32 s4;
	_ =	sdelay $0x1  }
0xa1: {  	s23 =	simm.s32 $0x1B8B  }
0xa2: {  	_ =	swait.ge [sflag:s23], $0x1  }
0xa3: {  	[sflag:s23] =	ssyncset.done $0x0  }
0xa4: {  	[sflag:s23] =	ssyncadd.s32 $0xFFFFFFFF  }
0xa5: {  	s4 =	sld [smem:$0x0]  }
0xa6: {  	s5 =	sand.u32 $0xFFFFFFFE, s1  }
0xa7: {  	p0 =	sne.s32 s1, s5  }
0xa8: {  	s5 =	sshll.u32 @p0 s5, $0xE  }
0xa9: {  	s5 =	sadd.s32 @p0 $0x11B8D, s5;
	s6 =	sshll.u32 @p0 s4, $0x11  }
0xaa: {  	s5 =	sor.u32 @p0 s6, s5  }
0xab: {  	[sflag:s5] =	ssyncadd.remote.s32 @p0 $0x1;
	_ =	sdelay $0x1  }
0xac: {  	s5 =	simm.s32 @p0 $0x1B8D  }
0xad: {  	_ =	swait.eq @p0 [sflag:s5], $0x1  }
0xae: {  	[sflag:s5] =	ssyncadd.s32 @p0 $0xFFFFFFFF  }
0xaf: {  	s6 =	sshll.u32 @!p0 s1, $0xE  }
0xb0: {  	s6 =	sor.u32 @!p0 $0x4000, s6;
	s5 =	simm.s32 @!p0 $0x1B8D  }
0xb1: {  	s4 =	sshll.u32 @!p0 s4, $0x11;
	s6 =	sadd.s32 @!p0 $0x11B8D, s6;
	_ =	swait.eq @!p0 [sflag:s5], $0x1  }
0xb2: {  	s4 =	sor.u32 @!p0 s4, s6;
	[sflag:s5] =	ssyncadd.s32 @!p0 $0xFFFFFFFF  }
0xb3: {  	s25 =	simm.s32 $0x1B8E;
	s24 =	sld [smem:$0x3FFE];
	[sflag:s4] =	ssyncadd.remote.s32 @!p0 $0x1  }
0xb4: {  	s26 =	simm.s32 $execute0_lowered;
	[smem:$0x3FD2] =	sst s25  }
0xb5: {  	s5 =	sshll.u32 s26, $0x1;
	_ =	strace $0x80000049;
	[dreg:$0x1] =	wrdreg $0xFFFFFFFF  }
0xb6: {  	s28 =	simm.s32 $_size_execute0_lowered;
	s3 =	sadd.s32 s3, s5;
	[dreg:$0x0] =	wrdreg $0x0  }
0xb7: {  	s5 =	sshll.u32 s28, $0x1;
	[dreg:$0x2] =	wrdreg s3  }
0xb8: {  	[dreg:$0x3] =	wrdreg s5  }
0xb9: {  	[dreg:$0x4] =	wrdreg $0xC0  }
0xba: {  	_ =	task [dreg:s22], $0x5FFFF  }
0xbb: {  	[dreg:$0x1] =	wrdreg $0xFFFFFFFF  }
0xbc: {  	[dreg:$0x0] =	wrdreg $0x60  }
0xbd: {  	[dreg:$0x2] =	wrdreg s24  }
0xbe: {  	[dreg:$0x3] =	wrdreg $0x1F800  }
0xbf: {  	[dreg:$0x4] =	wrdreg $0x9  }
0xc0: {  	_ =	task.clear_ibuf [dreg:s22], $0x5FFFF;
	_ =	strace $0x90000049  }
0xc1: {  	s29 =	simm.s32 $0x9;
	_ =	strace $0x8000004B  }
0xc2: {  	_ =	swait.ge [sflag:s29], $0x1  }
0xc3: {  	[sflag:s29] =	ssyncadd.s32 $0xFFFFFFFF  }
0xc4: {  	_ =	strace $0x9000004B  }
0xc5: {  	_ =	sfence  }
0xc6: {  	s30 =	sld [smem:$0x0];
	_ =	sdelay $0x2  }
0xc7: {  	s31 =	sshll.u32 s1, $0xD;
	s1 =	sshrl.u32 s1, $0x2  }
0xc8: {  	s4 =	sand.u32 $0x4000, s31;
	s1 =	sadd.s32 s1, s30  }
0xc9: {  	s0 =	sor.u32 s4, s0;
	s1 =	sshll.u32 s1, $0x11  }
0xca: {  	s0 =	sor.u32 s1, s0  }
0xcb: {  	s0 =	sadd.s32 $0x8F2B, s0  }
0xcc: {  	[sflag:s0] =	ssyncadd.remote.s32 $0x1  }
0xcd: {  	_ =	sfence.sel $0xFFFF  }
0xce: {  	[dreg:$0x0] =	wrdreg $0xFFFFFFFF;
	(pc) =	sbr.abs _section_cstart, $3  }
0xcf: {  	[dreg:$0x1] =	wrdreg $0xFFFFFFFF  }
0xd0: {  	_ =	task.clear_ibuf [dreg:s22], $0x2FFFF;
	_ =	strace $0x9FFFFFFF  }
0xd1: {  	(tm) =	ssettm $0x7FFFFFFF  }
tec
execute0_lowered:
.L_overlay_start_1:
0x0: {  	(tag) =	ssettag $0x1  }
0x1: {  	s6 =	rddreg [dreg:$0x0]  }
0x2: {  	s2 =	rddreg [dreg:$0x1]  }
0x3: {  	s0 =	rddreg [dreg:$0x2];
	s1 =	stileid.u32  }
0x4: {  	s5 =	srdreg.scid;
	s4 =	smul.u32 $0x1880, s1  }
0x5: {  	s3 =	simm.s32 $0x0;
	s7 =	sand.u32 $0x1, s5;
	s8 =	smul.u32 $0x61B0, s1  }
0x6: {  	[smem:$0x7FF] =	sst s3;
	s31 =	sshll.u32 s1, $0x6;
	s5 =	smul.u32 $0x61B00, s7  }
0x7: {  	_ =	strace $0x8000004A;
	s11 =	ssub.s32 $0x2, s7;
	s12 =	smul.u32 $0xC40, s7  }
0x8: {  	s9 =	sadd.s32 s4, s6;
	s4 =	sadd.s32 $0x7D400, s6;
	s30 =	sshrl.u32 s11, $0x1  }
0x9: {  	s13 =	sadd.s32 s8, s2;
	s10 =	sadd.s32 s8, s5;
	s5 =	sadd.s32 $0x7E200, s6  }
0xa: {  	s11 =	ssub.s32 s11, s30;
	s9 =	sadd.s32 s12, s9;
	s12 =	simm.s32 $0x380  }
0xb: {  	s10 =	sshrl.u32 s10, $0x3;
	s8 =	smax.u32 s11, $0x1;
	s9 =	sadd.s32 $0x64C00, s9  }
0xc: {  	s11 =	simm.s32 $0x1;
	s10 =	sadd.s32 s10, s6;
	s6 =	sor.u32 $0x1C01, s31  }
0xd: {  	s7 =	sadd.s32 $0x7E600, s10;
	s10 =	sshrl.u32 s13, $0x3;
	s13 =	simm.s32 $0x0  }
.LBB2_1:
0xe: {  	[spmem:s10], [sflag:s6] =	dma.local [hbm:s4], $0xC36  }
0xf: {  	_ =	swait.ge [sflag:s11], $0xC36  }
0x10: {  	[sflag:s11] =	ssyncset.done $0x0  }
0x11: {  	[sflag:s11] =	ssyncadd.s32 $0xFFFFF3CA  }
0x12: {  	[tilespmem:s12], [sflag:$0x1] =	stream.linear.gather [hbm4b:s5+s3], $0x1C00, $0x38;
	[tilespmem:$0x8130] =	vst v63  }
0x13: {  	_ =	swait.ge [sflag:s11], $0x1C00  }
0x14: {  	[sflag:s11] =	ssyncset.done $0x0  }
0x15: {  	[sflag:s11] =	ssyncadd.s32 $0xFFFFE400  }
0x16: {  	s14 =	sadd.s32 $0x0, s9;
	[bflag:$0x0] =	sbarrier.arrive $0xFFFF  }
0x17: {  	[tilespmem:s3], [sflag:$0x1] =	stream.linear.gather [hbm4b:s14+s3], $0x380, $0x38;
	[tilespmem:$0x8130] =	vst v63  }
0x18: {  	_ =	swait.ge [sflag:s11], $0x380  }
0x19: {  	[sflag:s11] =	ssyncset.done $0x0  }
0x1a: {  	[sflag:s11] =	ssyncadd.s32 $0xFFFFFC80  }
0x1b: {  	[spmem:s2] =	stream.indirect.scatter.add.f32 [tilespmem:s12], [sflag:$0x1], $0x8, s3, s12, $0xb8;
	[tilespmem:$0x8130] =	vst v63  }
0x1c: {  	_ =	swait.ge [sflag:s11], $0x1C00  }
0x1d: {  	s15 =	simm.s32 $0xE0;
	s14 =	simm.s32 $0x70;
	[sflag:s11] =	ssyncset.done $0x0  }
.LBB2_2:
0x1e: {  	s16 =	sadd.s32 s14, s9  }
0x1f: {  	[sflag:s11] =	ssyncadd.s32 $0xFFFFE400;
	s14 =	smov.u32 s15;
	s17 =	sadd.s32 $0x70, s15  }
0x20: {  	[tilespmem:s3], [sflag:$0x1] =	stream.linear.gather [hbm4b:s16+s3], $0x380, $0x38;
	[tilespmem:$0x8130] =	vst v63  }
0x21: {  	p0 =	sne.s32 s15, $0xBD0;
	_ =	swait.ge [sflag:s11], $0x380  }
.Ltmp0:
0x22: {  	[sflag:s11] =	ssyncset.done $0x0;
	(pc) =	sbr.rel @p0 .LBB2_2-.Ltmp0, $4  }
0x23: {  	[sflag:s11] =	ssyncadd.s32 $0xFFFFFC80  }
0x24: {  	[spmem:s2] =	stream.indirect.scatter.add.f32 [tilespmem:s12], [sflag:$0x1], $0x8, s3, s12, $0xb8;
	[tilespmem:$0x8130] =	vst v63  }
0x25: {  	_ =	swait.ge [sflag:s11], $0x1C00  }
0x26: {  	s15 =	smov.u32 s17;
	[sflag:s11] =	ssyncset.done $0x0  }
0x27: {  	s14 =	sadd.s32 s14, s9;
	[sflag:s11] =	ssyncadd.s32 $0xFFFFE400  }
0x28: {  	[tilespmem:s3], [sflag:$0x1] =	stream.linear.gather [hbm4b:s14+s3], $0x380, $0x38;
	[tilespmem:$0x8130] =	vst v63  }
0x29: {  	_ =	swait.ge [sflag:s11], $0x380  }
0x2a: {  	[sflag:s11] =	ssyncset.done $0x0  }
0x2b: {  	[sflag:s11] =	ssyncadd.s32 $0xFFFFFC80  }
0x2c: {  	[spmem:s2] =	stream.indirect.scatter.add.f32 [tilespmem:s12], [sflag:$0x1], $0x8, s3, s12, $0xb8;
	[tilespmem:$0x8130] =	vst v63  }
0x2d: {  	_ =	swait.ge [sflag:s11], $0x1C00  }
0x2e: {  	s13 =	sadd.s32 $0x1, s13;
	[sflag:s11] =	ssyncset.done $0x0  }
0x2f: {  	p0 =	sne.s32 s13, s8;
	[sflag:s11] =	ssyncadd.s32 $0xFFFFE400  }
.Ltmp1:
0x30: {  	[bflag:$0x0] =	sbarrier.arrive $0xFFFF;
	(pc) =	sbr.rel @p0 .LBB2_1-.Ltmp1, $4  }
0x31: {  	[hbm:s7], [sflag:s6] =	dma.local [spmem:s10], $0xC36  }
0x32: {  	_ =	swait.ge [sflag:s11], $0xC36  }
0x33: {  	[sflag:s11] =	ssyncset.done $0x0  }
0x34: {  	[sflag:s11] =	ssyncadd.s32 $0xFFFFF3CA  }
0x35: {  	_ =	sfence.sel $0x180000  }
0x36: {  	[bflag:$0x0] =	sbarrier.arrive $0xFFFF  }
0x37: {  	p0 =	sne.s32 s1, $0x0;
	_ =	strace $0x9000004A  }
0x38: {  	s0 =	sadd.s32 @!p0 $0x100000, s0;
	[bflag:$0x2] =	sbarrier.arrive $0xFFFF  }
0x39: {  	[sflag:s0] =	ssyncadd.tile.s32 @!p0 $0x1;
	_ =	shalt  }
.Lfunc_end2:
_tile_overlayer_lowered:
.L_overlay_start_2:
0x3a: {  	(tag) =	ssettag $0x2  }
0x3b: {  	s0 =	rddreg [dreg:$0x0];
	s2 =	stileid.u32  }
0x3c: {  	s1 =	rddreg [dreg:$0x1];
	p0 =	sne.s32 s2, $0x0  }
0x3d: {  	s3 =	rddreg [dreg:$0x2];
	[bflag:$0x3] =	sbarrier.arrive $0xFFFF;
	s2 =	simm.s32 @!p0 $0x1C01  }
0x3e: {  	[timem:s3], [sflag:s2] =	dma.local @!p0 [hbm:s0], s1  }
0x3f: {  	s0 =	simm.s32 @!p0 $0x1  }
0x40: {  	_ =	swait.ge @!p0 [sflag:s0], s1  }
0x41: {  	s1 =	ssub.s32 @!p0 $0x0, s1;
	[sflag:s0] =	ssyncset.done @!p0 $0x0  }
0x42: {  	[sflag:s0] =	ssyncadd.s32 @!p0 s1  }
0x43: {  	[bflag:$0x3] =	sbarrier.arrive $0xFFFF  }
0x44: {  	_ =	shalt  }

</sc_bundles>
